<compile_context>
chip_gen: v7x
topology: tpu7x:2x2x1
jax: 0.10.2.dev20260603
libtpu: 0.0.44.dev20260713+nightly
codegen_flags: <defaults>
</compile_context>

<pallas_src>
import functools

import jax
import jax.numpy as jnp
from jax import lax
from jax.experimental import pallas as pl
from jax.experimental.pallas import tpu as pltpu
from jax.experimental.pallas import tpu_sc as plsc

VOCAB = 100000
HID = 128
B = 1024
S = 200
EPS = 1e-12

NW = 32
NSLAB = 2
SB = B // NSLAB
STOK = SB * S
TOK_PER_W = STOK // NW
CHUNK = 128
NCHUNK = TOK_PER_W // CHUNK
BB = 32
SLAB_STEPS = SB // BB


def _gather_kernel(ids_hbm, table_hbm, out_hbm, idx_v, buf0, buf1, sem0, sem1):
    wid = lax.axis_index("s") * 2 + lax.axis_index("c")
    base = wid * TOK_PER_W
    pltpu.sync_copy(ids_hbm.at[wid], idx_v)
    bufs = (buf0, buf1)
    sems = (sem0, sem1)

    def start(c):
        return pltpu.async_copy(
            table_hbm.at[idx_v.at[pl.ds(c * CHUNK, CHUNK)]],
            bufs[c % 2], sems[c % 2])

    handles = [None] * NCHUNK
    handles[0] = start(0)
    for c in range(NCHUNK):
        if c + 1 < NCHUNK:
            handles[c + 1] = start(c + 1)
        handles[c].wait()
        pltpu.sync_copy(bufs[c % 2], out_hbm.at[pl.ds(base + c * CHUNK, CHUNK)])


def _sc_gather(ids, word_emb):
    mesh = plsc.VectorSubcoreMesh(core_axis_name="c", subcore_axis_name="s")
    k = functools.partial(
        pl.kernel,
        mesh=mesh,
        out_type=jax.ShapeDtypeStruct((STOK, HID), jnp.float32),
        scratch_types=[
            pltpu.VMEM((TOK_PER_W,), jnp.int32),
            pltpu.VMEM((CHUNK, HID), jnp.float32),
            pltpu.VMEM((CHUNK, HID), jnp.float32),
            pltpu.SemaphoreType.DMA,
            pltpu.SemaphoreType.DMA,
        ],
    )(_gather_kernel)
    return k(ids, word_emb)


def _ln_kernel(words_ref, tt_ref, pt0_ref, ptd_ref, gamma_ref, beta_ref,
               prev_ref, out_ref):
    del prev_ref
    words = words_ref[...]
    tt = tt_ref[:, 0, :].astype(jnp.float32)
    emb = (words + pt0_ref[...][None, :, :]
           + tt[:, :, None] * ptd_ref[0][None, None, :])
    mu = jnp.mean(emb, axis=-1, keepdims=True)
    xc = emb - mu
    var = jnp.mean(xc * xc, axis=-1, keepdims=True)
    y = xc * lax.rsqrt(var + EPS)
    out_ref[...] = y * gamma_ref[0][None, None, :] + beta_ref[0][None, None, :]


def _tc_add_ln(slab, words, token_type_ids, pt0, ptd, gamma, beta, prev):
    in_specs = [
        pl.BlockSpec((BB, S, HID), lambda i: (i, 0, 0)),
        pl.BlockSpec((BB, 1, S), lambda i: (i, 0, 0)),
        pl.BlockSpec((S, HID), lambda i: (0, 0)),
        pl.BlockSpec((1, HID), lambda i: (0, 0)),
        pl.BlockSpec((1, HID), lambda i: (0, 0)),
        pl.BlockSpec((1, HID), lambda i: (0, 0)),
    ]
    args = [words, token_type_ids, pt0, ptd, gamma, beta]
    aliases = {}
    body = _ln_kernel
    if prev is not None:
        in_specs.append(pl.BlockSpec(memory_space=pl.ANY))
        args.append(prev)
        aliases = {6: 0}
    else:
        body = functools.partial(
            lambda *refs: _ln_kernel(*refs[:6], None, refs[6]))
    return pl.pallas_call(
        body,
        grid=(SLAB_STEPS,),
        in_specs=in_specs,
        out_specs=pl.BlockSpec(
            (BB, S, HID), lambda i, _s=slab: (_s * SLAB_STEPS + i, 0, 0)),
        out_shape=jax.ShapeDtypeStruct((B, S, HID), jnp.float32),
        input_output_aliases=aliases,
    )(*args)


def kernel(input_ids, token_type_ids, word_emb, pos_emb, type_emb, gamma, beta):
    ids = input_ids.astype(jnp.int32).reshape(NSLAB, NW, TOK_PER_W)
    tt = token_type_ids.astype(jnp.int32).reshape(NSLAB, SB, 1, S)
    pt0 = pos_emb[:S] + type_emb[0][None, :]
    ptd = (type_emb[1] - type_emb[0]).reshape(1, HID)
    g2 = gamma.reshape(1, HID)
    b2 = beta.reshape(1, HID)
    slab_words = [
        _sc_gather(ids[s], word_emb).reshape(SB, S, HID) for s in range(NSLAB)
    ]
    out = None
    for s in range(NSLAB):
        out = _tc_add_ln(s, slab_words[s], tt[s], pt0, ptd, g2, b2, out)
    return out.reshape(B, S, HID)

# --- scband reference (transcript-rebuilt; emitter-appended) ---
"""Pipeline reference for scband-super-bert-embeddings-18743237279939 (READ-ONLY COPY).

The authoritative reference and input builder live on the scoring server;
editing this copy changes nothing except your own understanding.
"""

import jax, jax.numpy as jnp
import numpy as np

VOCAB = 100000
HID = 128
MAX_POS = 512
TYPE_VOCAB = 2
B = 1024
S = 200
EPS = 1e-12

def setup_inputs(seed: int = 0) -> dict:
    key = jax.random.key(seed)
    k1, k2, k3, k4, k5 = jax.random.split(key, 5)
    input_ids = jax.random.randint(k1, (B, S), 0, VOCAB, dtype=jnp.int64) if jax.config.jax_enable_x64 else jax.random.randint(k1, (B, S), 0, VOCAB).astype(jnp.int32)
    token_type_ids = jax.random.randint(k2, (B, S), 0, TYPE_VOCAB).astype(input_ids.dtype)
    word_emb = jax.random.normal(k3, (VOCAB, HID), dtype=jnp.float32) * 0.02
    word_emb = word_emb.at[0].set(0.0)  # padding_idx=0 initialized to zero
    pos_emb = jax.random.normal(k4, (MAX_POS, HID), dtype=jnp.float32) * 0.02
    type_emb = jax.random.normal(k5, (TYPE_VOCAB, HID), dtype=jnp.float32) * 0.02
    gamma = jnp.ones((HID,), dtype=jnp.float32)
    beta = jnp.zeros((HID,), dtype=jnp.float32)
    return {"input_ids": input_ids, "token_type_ids": token_type_ids,
            "word_emb": word_emb, "pos_emb": pos_emb, "type_emb": type_emb,
            "gamma": gamma, "beta": beta}

def _layer_norm(x, gamma, beta):
    mu = jnp.mean(x, axis=-1, keepdims=True)
    var = jnp.mean((x - mu) ** 2, axis=-1, keepdims=True)
    return (x - mu) / jnp.sqrt(var + EPS) * gamma + beta

def reference(input_ids, token_type_ids, word_emb, pos_emb, type_emb, gamma, beta):
    seq_length = input_ids.shape[1]
    position_ids = jnp.arange(seq_length, dtype=input_ids.dtype)
    position_ids = jnp.broadcast_to(position_ids[None, :], input_ids.shape)
    words = jnp.take(word_emb, input_ids, axis=0)
    pos = jnp.take(pos_emb, position_ids, axis=0)
    typ = jnp.take(type_emb, token_type_ids, axis=0)
    emb = words + pos + typ
    emb = _layer_norm(emb, gamma, beta)
    # dropout is identity in eval mode
    return emb

if __name__ == "__main__":
    import jax
    _d = setup_inputs()
    print(jax.jit(kernel)(*tuple(_d.values())))

</pallas_src>

<mosaic_0001>
#map = affine_map<(d0, d1) -> (0, 0)>
module attributes {stable_mosaic.version = 14 : i64} {
  func.func @_gather_kernel(%arg0: i32, %arg1: i32, %arg2: memref<32x3200xi32, #tpu.memory_space<hbm>>, %arg3: memref<100000x128xf32, #tpu.memory_space<hbm>>, %arg4: memref<102400x128xf32, #tpu.memory_space<hbm>>, %arg5: memref<3200xi32, #tpu.memory_space<vmem>>, %arg6: memref<128x128xf32, #tpu.memory_space<vmem>>, %arg7: memref<128x128xf32, #tpu.memory_space<vmem>>, %arg8: memref<!tpu.dma_semaphore, #tpu.memory_space<semaphore_mem>>, %arg9: memref<!tpu.dma_semaphore, #tpu.memory_space<semaphore_mem>>) attributes {dimension_semantics = [#tpu.dimension_semantics<core_parallel>, #tpu.dimension_semantics<subcore_parallel>], iteration_bounds = array<i64: 2, 16>, scalar_prefetch = 0 : i64, scratch_operands = 5 : i64, tpu.core_type = #tpu.core_type<sc_vector_subcore>, window_params = [{transform_indices = #map}, {transform_indices = #map}, {transform_indices = #map}]} {
    %mul3A = arith.constant 2 : i32
    %mul3A_0 = arith.muli %arg1, %mul3A : i32
    %add3A = arith.addi %mul3A_0, %arg0 : i32
    %mul3A_1 = arith.constant 3200 : i32
    %mul3A_2 = arith.muli %add3A, %mul3A_1 : i32
    "tpu.region"() ({
      %run_scoped3A = tpu.sem_alloc : memref<!tpu.dma_semaphore, #tpu.memory_space<semaphore_mem>>
      %dma_start3A_301 = arith.constant 0 : i32
      %dma_start3A_302 = tpu.memref_slice %arg2[%add3A, %dma_start3A_301] : memref<32x3200xi32, #tpu.memory_space<hbm>> -> memref<1x3200xi32, #tpu.memory_space<hbm>>
      %dma_start3A_303 = tpu.memref_squeeze %dma_start3A_302 : memref<1x3200xi32, #tpu.memory_space<hbm>> -> memref<3200xi32, #tpu.memory_space<hbm>>
      %dma_start3A_304 = arith.constant 0 : i32
      %dma_start3A_305 = tpu.memref_slice %arg2[%add3A, %dma_start3A_304] : memref<32x3200xi32, #tpu.memory_space<hbm>> -> memref<1x3200xi32, #tpu.memory_space<hbm>>
      %dma_start3A_306 = tpu.memref_squeeze %dma_start3A_305 : memref<1x3200xi32, #tpu.memory_space<hbm>> -> memref<3200xi32, #tpu.memory_space<hbm>>
      tpu.enqueue_dma source(%dma_start3A_306 : memref<3200xi32, #tpu.memory_space<hbm>>) target(%arg5 : memref<3200xi32, #tpu.memory_space<vmem>>) target_semaphore(%run_scoped3A : memref<!tpu.dma_semaphore, #tpu.memory_space<semaphore_mem>>)
      %dma_wait3A_307 = arith.constant 0 : i32
      %dma_wait3A_308 = tpu.memref_slice %arg2[%add3A, %dma_wait3A_307] : memref<32x3200xi32, #tpu.memory_space<hbm>> -> memref<1x3200xi32, #tpu.memory_space<hbm>>
      %dma_wait3A_309 = tpu.memref_squeeze %dma_wait3A_308 : memref<1x3200xi32, #tpu.memory_space<hbm>> -> memref<3200xi32, #tpu.memory_space<hbm>>
      %dma_wait3A_310 = arith.constant 0 : i32
      %dma_wait3A_311 = tpu.memref_slice %arg2[%add3A, %dma_wait3A_310] : memref<32x3200xi32, #tpu.memory_space<hbm>> -> memref<1x3200xi32, #tpu.memory_space<hbm>>
      %dma_wait3A_312 = tpu.memref_squeeze %dma_wait3A_311 : memref<1x3200xi32, #tpu.memory_space<hbm>> -> memref<3200xi32, #tpu.memory_space<hbm>>
      tpu.wait_dma2 semaphore(%run_scoped3A : memref<!tpu.dma_semaphore, #tpu.memory_space<semaphore_mem>>) src(%dma_wait3A_312 : memref<3200xi32, #tpu.memory_space<hbm>>) dst(%arg5 : memref<3200xi32, #tpu.memory_space<vmem>>)
      tpu.yield
    }) : () -> ()
    %dma_start3A = arith.constant 0 : i32
    %dma_start3A_3 = tpu.memref_slice %arg5[%dma_start3A] : memref<3200xi32, #tpu.memory_space<vmem>> -> memref<128xi32, #tpu.memory_space<vmem>>
    %dma_start3A_4 = arith.constant 0 : i32
    %dma_start3A_5 = arith.constant 0 : i32
    %dma_start3A_6 = tpu.memref_slice %arg3[%dma_start3A_4, %dma_start3A_5] : memref<100000x128xf32, #tpu.memory_space<hbm>> -> memref<100000x128xf32, #tpu.memory_space<hbm>>
    tpu.enqueue_indirect_dma source(%dma_start3A_6 : memref<100000x128xf32, #tpu.memory_space<hbm>>) target(%arg6 : memref<128x128xf32, #tpu.memory_space<vmem>>) offsets(%dma_start3A_3 : memref<128xi32, #tpu.memory_space<vmem>>) semaphore(%arg8 : memref<!tpu.dma_semaphore, #tpu.memory_space<semaphore_mem>>)
    %dma_start3A_7 = arith.constant 128 : i32
    %dma_start3A_8 = tpu.memref_slice %arg5[%dma_start3A_7] : memref<3200xi32, #tpu.memory_space<vmem>> -> memref<128xi32, #tpu.memory_space<vmem>>
    %dma_start3A_9 = arith.constant 0 : i32
    %dma_start3A_10 = arith.constant 0 : i32
    %dma_start3A_11 = tpu.memref_slice %arg3[%dma_start3A_9, %dma_start3A_10] : memref<100000x128xf32, #tpu.memory_space<hbm>> -> memref<100000x128xf32, #tpu.memory_space<hbm>>
    tpu.enqueue_indirect_dma source(%dma_start3A_11 : memref<100000x128xf32, #tpu.memory_space<hbm>>) target(%arg7 : memref<128x128xf32, #tpu.memory_space<vmem>>) offsets(%dma_start3A_8 : memref<128xi32, #tpu.memory_space<vmem>>) semaphore(%arg9 : memref<!tpu.dma_semaphore, #tpu.memory_space<semaphore_mem>>)
    %dma_wait3A = arith.constant 0 : i32
    %dma_wait3A_12 = tpu.memref_slice %arg5[%dma_wait3A] : memref<3200xi32, #tpu.memory_space<vmem>> -> memref<128xi32, #tpu.memory_space<vmem>>
    %dma_wait3A_13 = arith.constant 0 : i32
    %dma_wait3A_14 = arith.constant 0 : i32
    %dma_wait3A_15 = tpu.memref_slice %arg3[%dma_wait3A_13, %dma_wait3A_14] : memref<100000x128xf32, #tpu.memory_space<hbm>> -> memref<100000x128xf32, #tpu.memory_space<hbm>>
    tpu.wait_indirect_dma semaphore(%arg8 : memref<!tpu.dma_semaphore, #tpu.memory_space<semaphore_mem>>) src(%dma_wait3A_15 : memref<100000x128xf32, #tpu.memory_space<hbm>>) dst(%arg6 : memref<128x128xf32, #tpu.memory_space<vmem>>)
    %add3A_16 = arith.constant 0 : i32
    %add3A_17 = arith.addi %mul3A_2, %add3A_16 : i32
    "tpu.region"() ({
      %run_scoped3A = tpu.sem_alloc : memref<!tpu.dma_semaphore, #tpu.memory_space<semaphore_mem>>
      %dma_start3A_301 = arith.constant 0 : i32
      %dma_start3A_302 = tpu.memref_slice %arg4[%add3A_17, %dma_start3A_301] : memref<102400x128xf32, #tpu.memory_space<hbm>> -> memref<128x128xf32, #tpu.memory_space<hbm>>
      %dma_start3A_303 = arith.constant 0 : i32
      %dma_start3A_304 = tpu.memref_slice %arg4[%add3A_17, %dma_start3A_303] : memref<102400x128xf32, #tpu.memory_space<hbm>> -> memref<128x128xf32, #tpu.memory_space<hbm>>
      tpu.enqueue_dma source(%arg6 : memref<128x128xf32, #tpu.memory_space<vmem>>) target(%dma_start3A_304 : memref<128x128xf32, #tpu.memory_space<hbm>>) target_semaphore(%run_scoped3A : memref<!tpu.dma_semaphore, #tpu.memory_space<semaphore_mem>>)
      %dma_wait3A_305 = arith.constant 0 : i32
      %dma_wait3A_306 = tpu.memref_slice %arg4[%add3A_17, %dma_wait3A_305] : memref<102400x128xf32, #tpu.memory_space<hbm>> -> memref<128x128xf32, #tpu.memory_space<hbm>>
      %dma_wait3A_307 = arith.constant 0 : i32
      %dma_wait3A_308 = tpu.memref_slice %arg4[%add3A_17, %dma_wait3A_307] : memref<102400x128xf32, #tpu.memory_space<hbm>> -> memref<128x128xf32, #tpu.memory_space<hbm>>
      tpu.wait_dma2 semaphore(%run_scoped3A : memref<!tpu.dma_semaphore, #tpu.memory_space<semaphore_mem>>) src(%arg6 : memref<128x128xf32, #tpu.memory_space<vmem>>) dst(%dma_wait3A_308 : memref<128x128xf32, #tpu.memory_space<hbm>>)
      tpu.yield
    }) : () -> ()
    %dma_start3A_18 = arith.constant 256 : i32
    %dma_start3A_19 = tpu.memref_slice %arg5[%dma_start3A_18] : memref<3200xi32, #tpu.memory_space<vmem>> -> memref<128xi32, #tpu.memory_space<vmem>>
    %dma_start3A_20 = arith.constant 0 : i32
    %dma_start3A_21 = arith.constant 0 : i32
    %dma_start3A_22 = tpu.memref_slice %arg3[%dma_start3A_20, %dma_start3A_21] : memref<100000x128xf32, #tpu.memory_space<hbm>> -> memref<100000x128xf32, #tpu.memory_space<hbm>>
    tpu.enqueue_indirect_dma source(%dma_start3A_22 : memref<100000x128xf32, #tpu.memory_space<hbm>>) target(%arg6 : memref<128x128xf32, #tpu.memory_space<vmem>>) offsets(%dma_start3A_19 : memref<128xi32, #tpu.memory_space<vmem>>) semaphore(%arg8 : memref<!tpu.dma_semaphore, #tpu.memory_space<semaphore_mem>>)
    %dma_wait3A_23 = arith.constant 128 : i32
    %dma_wait3A_24 = tpu.memref_slice %arg5[%dma_wait3A_23] : memref<3200xi32, #tpu.memory_space<vmem>> -> memref<128xi32, #tpu.memory_space<vmem>>
    %dma_wait3A_25 = arith.constant 0 : i32
    %dma_wait3A_26 = arith.constant 0 : i32
    %dma_wait3A_27 = tpu.memref_slice %arg3[%dma_wait3A_25, %dma_wait3A_26] : memref<100000x128xf32, #tpu.memory_space<hbm>> -> memref<100000x128xf32, #tpu.memory_space<hbm>>
    tpu.wait_indirect_dma semaphore(%arg9 : memref<!tpu.dma_semaphore, #tpu.memory_space<semaphore_mem>>) src(%dma_wait3A_27 : memref<100000x128xf32, #tpu.memory_space<hbm>>) dst(%arg7 : memref<128x128xf32, #tpu.memory_space<vmem>>)
    %add3A_28 = arith.constant 128 : i32
    %add3A_29 = arith.addi %mul3A_2, %add3A_28 : i32
    "tpu.region"() ({
      %run_scoped3A = tpu.sem_alloc : memref<!tpu.dma_semaphore, #tpu.memory_space<semaphore_mem>>
      %dma_start3A_301 = arith.constant 0 : i32
      %dma_start3A_302 = tpu.memref_slice %arg4[%add3A_29, %dma_start3A_301] : memref<102400x128xf32, #tpu.memory_space<hbm>> -> memref<128x128xf32, #tpu.memory_space<hbm>>
      %dma_start3A_303 = arith.constant 0 : i32
      %dma_start3A_304 = tpu.memref_slice %arg4[%add3A_29, %dma_start3A_303] : memref<102400x128xf32, #tpu.memory_space<hbm>> -> memref<128x128xf32, #tpu.memory_space<hbm>>
      tpu.enqueue_dma source(%arg7 : memref<128x128xf32, #tpu.memory_space<vmem>>) target(%dma_start3A_304 : memref<128x128xf32, #tpu.memory_space<hbm>>) target_semaphore(%run_scoped3A : memref<!tpu.dma_semaphore, #tpu.memory_space<semaphore_mem>>)
      %dma_wait3A_305 = arith.constant 0 : i32
      %dma_wait3A_306 = tpu.memref_slice %arg4[%add3A_29, %dma_wait3A_305] : memref<102400x128xf32, #tpu.memory_space<hbm>> -> memref<128x128xf32, #tpu.memory_space<hbm>>
      %dma_wait3A_307 = arith.constant 0 : i32
      %dma_wait3A_308 = tpu.memref_slice %arg4[%add3A_29, %dma_wait3A_307] : memref<102400x128xf32, #tpu.memory_space<hbm>> -> memref<128x128xf32, #tpu.memory_space<hbm>>
      tpu.wait_dma2 semaphore(%run_scoped3A : memref<!tpu.dma_semaphore, #tpu.memory_space<semaphore_mem>>) src(%arg7 : memref<128x128xf32, #tpu.memory_space<vmem>>) dst(%dma_wait3A_308 : memref<128x128xf32, #tpu.memory_space<hbm>>)
      tpu.yield
    }) : () -> ()
    %dma_start3A_30 = arith.constant 384 : i32
    %dma_start3A_31 = tpu.memref_slice %arg5[%dma_start3A_30] : memref<3200xi32, #tpu.memory_space<vmem>> -> memref<128xi32, #tpu.memory_space<vmem>>
    %dma_start3A_32 = arith.constant 0 : i32
    %dma_start3A_33 = arith.constant 0 : i32
    %dma_start3A_34 = tpu.memref_slice %arg3[%dma_start3A_32, %dma_start3A_33] : memref<100000x128xf32, #tpu.memory_space<hbm>> -> memref<100000x128xf32, #tpu.memory_space<hbm>>
    tpu.enqueue_indirect_dma source(%dma_start3A_34 : memref<100000x128xf32, #tpu.memory_space<hbm>>) target(%arg7 : memref<128x128xf32, #tpu.memory_space<vmem>>) offsets(%dma_start3A_31 : memref<128xi32, #tpu.memory_space<vmem>>) semaphore(%arg9 : memref<!tpu.dma_semaphore, #tpu.memory_space<semaphore_mem>>)
    %dma_wait3A_35 = arith.constant 256 : i32
    %dma_wait3A_36 = tpu.memref_slice %arg5[%dma_wait3A_35] : memref<3200xi32, #tpu.memory_space<vmem>> -> memref<128xi32, #tpu.memory_space<vmem>>
    %dma_wait3A_37 = arith.constant 0 : i32
    %dma_wait3A_38 = arith.constant 0 : i32
    %dma_wait3A_39 = tpu.memref_slice %arg3[%dma_wait3A_37, %dma_wait3A_38] : memref<100000x128xf32, #tpu.memory_space<hbm>> -> memref<100000x128xf32, #tpu.memory_space<hbm>>
    tpu.wait_indirect_dma semaphore(%arg8 : memref<!tpu.dma_semaphore, #tpu.memory_space<semaphore_mem>>) src(%dma_wait3A_39 : memref<100000x128xf32, #tpu.memory_space<hbm>>) dst(%arg6 : memref<128x128xf32, #tpu.memory_space<vmem>>)
    %add3A_40 = arith.constant 256 : i32
    %add3A_41 = arith.addi %mul3A_2, %add3A_40 : i32
    "tpu.region"() ({
      %run_scoped3A = tpu.sem_alloc : memref<!tpu.dma_semaphore, #tpu.memory_space<semaphore_mem>>
      %dma_start3A_301 = arith.constant 0 : i32
      %dma_start3A_302 = tpu.memref_slice %arg4[%add3A_41, %dma_start3A_301] : memref<102400x128xf32, #tpu.memory_space<hbm>> -> memref<128x128xf32, #tpu.memory_space<hbm>>
      %dma_start3A_303 = arith.constant 0 : i32
      %dma_start3A_304 = tpu.memref_slice %arg4[%add3A_41, %dma_start3A_303] : memref<102400x128xf32, #tpu.memory_space<hbm>> -> memref<128x128xf32, #tpu.memory_space<hbm>>
      tpu.enqueue_dma source(%arg6 : memref<128x128xf32, #tpu.memory_space<vmem>>) target(%dma_start3A_304 : memref<128x128xf32, #tpu.memory_space<hbm>>) target_semaphore(%run_scoped3A : memref<!tpu.dma_semaphore, #tpu.memory_space<semaphore_mem>>)
      %dma_wait3A_305 = arith.constant 0 : i32
      %dma_wait3A_306 = tpu.memref_slice %arg4[%add3A_41, %dma_wait3A_305] : memref<102400x128xf32, #tpu.memory_space<hbm>> -> memref<128x128xf32, #tpu.memory_space<hbm>>
      %dma_wait3A_307 = arith.constant 0 : i32
      %dma_wait3A_308 = tpu.memref_slice %arg4[%add3A_41, %dma_wait3A_307] : memref<102400x128xf32, #tpu.memory_space<hbm>> -> memref<128x128xf32, #tpu.memory_space<hbm>>
      tpu.wait_dma2 semaphore(%run_scoped3A : memref<!tpu.dma_semaphore, #tpu.memory_space<semaphore_mem>>) src(%arg6 : memref<128x128xf32, #tpu.memory_space<vmem>>) dst(%dma_wait3A_308 : memref<128x128xf32, #tpu.memory_space<hbm>>)
      tpu.yield
    }) : () -> ()
    %dma_start3A_42 = arith.constant 512 : i32
    %dma_start3A_43 = tpu.memref_slice %arg5[%dma_start3A_42] : memref<3200xi32, #tpu.memory_space<vmem>> -> memref<128xi32, #tpu.memory_space<vmem>>
    %dma_start3A_44 = arith.constant 0 : i32
    %dma_start3A_45 = arith.constant 0 : i32
    %dma_start3A_46 = tpu.memref_slice %arg3[%dma_start3A_44, %dma_start3A_45] : memref<100000x128xf32, #tpu.memory_space<hbm>> -> memref<100000x128xf32, #tpu.memory_space<hbm>>
    tpu.enqueue_indirect_dma source(%dma_start3A_46 : memref<100000x128xf32, #tpu.memory_space<hbm>>) target(%arg6 : memref<128x128xf32, #tpu.memory_space<vmem>>) offsets(%dma_start3A_43 : memref<128xi32, #tpu.memory_space<vmem>>) semaphore(%arg8 : memref<!tpu.dma_semaphore, #tpu.memory_space<semaphore_mem>>)
    %dma_wait3A_47 = arith.constant 384 : i32
    %dma_wait3A_48 = tpu.memref_slice %arg5[%dma_wait3A_47] : memref<3200xi32, #tpu.memory_space<vmem>> -> memref<128xi32, #tpu.memory_space<vmem>>
    %dma_wait3A_49 = arith.constant 0 : i32
    %dma_wait3A_50 = arith.constant 0 : i32
    %dma_wait3A_51 = tpu.memref_slice %arg3[%dma_wait3A_49, %dma_wait3A_50] : memref<100000x128xf32, #tpu.memory_space<hbm>> -> memref<100000x128xf32, #tpu.memory_space<hbm>>
    tpu.wait_indirect_dma semaphore(%arg9 : memref<!tpu.dma_semaphore, #tpu.memory_space<semaphore_mem>>) src(%dma_wait3A_51 : memref<100000x128xf32, #tpu.memory_space<hbm>>) dst(%arg7 : memref<128x128xf32, #tpu.memory_space<vmem>>)
    %add3A_52 = arith.constant 384 : i32
    %add3A_53 = arith.addi %mul3A_2, %add3A_52 : i32
    "tpu.region"() ({
      %run_scoped3A = tpu.sem_alloc : memref<!tpu.dma_semaphore, #tpu.memory_space<semaphore_mem>>
      %dma_start3A_301 = arith.constant 0 : i32
      %dma_start3A_302 = tpu.memref_slice %arg4[%add3A_53, %dma_start3A_301] : memref<102400x128xf32, #tpu.memory_space<hbm>> -> memref<128x128xf32, #tpu.memory_space<hbm>>
      %dma_start3A_303 = arith.constant 0 : i32
      %dma_start3A_304 = tpu.memref_slice %arg4[%add3A_53, %dma_start3A_303] : memref<102400x128xf32, #tpu.memory_space<hbm>> -> memref<128x128xf32, #tpu.memory_space<hbm>>
      tpu.enqueue_dma source(%arg7 : memref<128x128xf32, #tpu.memory_space<vmem>>) target(%dma_start3A_304 : memref<128x128xf32, #tpu.memory_space<hbm>>) target_semaphore(%run_scoped3A : memref<!tpu.dma_semaphore, #tpu.memory_space<semaphore_mem>>)
      %dma_wait3A_305 = arith.constant 0 : i32
      %dma_wait3A_306 = tpu.memref_slice %arg4[%add3A_53, %dma_wait3A_305] : memref<102400x128xf32, #tpu.memory_space<hbm>> -> memref<128x128xf32, #tpu.memory_space<hbm>>
      %dma_wait3A_307 = arith.constant 0 : i32
      %dma_wait3A_308 = tpu.memref_slice %arg4[%add3A_53, %dma_wait3A_307] : memref<102400x128xf32, #tpu.memory_space<hbm>> -> memref<128x128xf32, #tpu.memory_space<hbm>>
      tpu.wait_dma2 semaphore(%run_scoped3A : memref<!tpu.dma_semaphore, #tpu.memory_space<semaphore_mem>>) src(%arg7 : memref<128x128xf32, #tpu.memory_space<vmem>>) dst(%dma_wait3A_308 : memref<128x128xf32, #tpu.memory_space<hbm>>)
      tpu.yield
    }) : () -> ()
    %dma_start3A_54 = arith.constant 640 : i32
    %dma_start3A_55 = tpu.memref_slice %arg5[%dma_start3A_54] : memref<3200xi32, #tpu.memory_space<vmem>> -> memref<128xi32, #tpu.memory_space<vmem>>
    %dma_start3A_56 = arith.constant 0 : i32
    %dma_start3A_57 = arith.constant 0 : i32
    %dma_start3A_58 = tpu.memref_slice %arg3[%dma_start3A_56, %dma_start3A_57] : memref<100000x128xf32, #tpu.memory_space<hbm>> -> memref<100000x128xf32, #tpu.memory_space<hbm>>
    tpu.enqueue_indirect_dma source(%dma_start3A_58 : memref<100000x128xf32, #tpu.memory_space<hbm>>) target(%arg7 : memref<128x128xf32, #tpu.memory_space<vmem>>) offsets(%dma_start3A_55 : memref<128xi32, #tpu.memory_space<vmem>>) semaphore(%arg9 : memref<!tpu.dma_semaphore, #tpu.memory_space<semaphore_mem>>)
    %dma_wait3A_59 = arith.constant 512 : i32
    %dma_wait3A_60 = tpu.memref_slice %arg5[%dma_wait3A_59] : memref<3200xi32, #tpu.memory_space<vmem>> -> memref<128xi32, #tpu.memory_space<vmem>>
    %dma_wait3A_61 = arith.constant 0 : i32
    %dma_wait3A_62 = arith.constant 0 : i32
    %dma_wait3A_63 = tpu.memref_slice %arg3[%dma_wait3A_61, %dma_wait3A_62] : memref<100000x128xf32, #tpu.memory_space<hbm>> -> memref<100000x128xf32, #tpu.memory_space<hbm>>
    tpu.wait_indirect_dma semaphore(%arg8 : memref<!tpu.dma_semaphore, #tpu.memory_space<semaphore_mem>>) src(%dma_wait3A_63 : memref<100000x128xf32, #tpu.memory_space<hbm>>) dst(%arg6 : memref<128x128xf32, #tpu.memory_space<vmem>>)
    %add3A_64 = arith.constant 512 : i32
    %add3A_65 = arith.addi %mul3A_2, %add3A_64 : i32
    "tpu.region"() ({
      %run_scoped3A = tpu.sem_alloc : memref<!tpu.dma_semaphore, #tpu.memory_space<semaphore_mem>>
      %dma_start3A_301 = arith.constant 0 : i32
      %dma_start3A_302 = tpu.memref_slice %arg4[%add3A_65, %dma_start3A_301] : memref<102400x128xf32, #tpu.memory_space<hbm>> -> memref<128x128xf32, #tpu.memory_space<hbm>>
      %dma_start3A_303 = arith.constant 0 : i32
      %dma_start3A_304 = tpu.memref_slice %arg4[%add3A_65, %dma_start3A_303] : memref<102400x128xf32, #tpu.memory_space<hbm>> -> memref<128x128xf32, #tpu.memory_space<hbm>>
      tpu.enqueue_dma source(%arg6 : memref<128x128xf32, #tpu.memory_space<vmem>>) target(%dma_start3A_304 : memref<128x128xf32, #tpu.memory_space<hbm>>) target_semaphore(%run_scoped3A : memref<!tpu.dma_semaphore, #tpu.memory_space<semaphore_mem>>)
      %dma_wait3A_305 = arith.constant 0 : i32
      %dma_wait3A_306 = tpu.memref_slice %arg4[%add3A_65, %dma_wait3A_305] : memref<102400x128xf32, #tpu.memory_space<hbm>> -> memref<128x128xf32, #tpu.memory_space<hbm>>
      %dma_wait3A_307 = arith.constant 0 : i32
      %dma_wait3A_308 = tpu.memref_slice %arg4[%add3A_65, %dma_wait3A_307] : memref<102400x128xf32, #tpu.memory_space<hbm>> -> memref<128x128xf32, #tpu.memory_space<hbm>>
      tpu.wait_dma2 semaphore(%run_scoped3A : memref<!tpu.dma_semaphore, #tpu.memory_space<semaphore_mem>>) src(%arg6 : memref<128x128xf32, #tpu.memory_space<vmem>>) dst(%dma_wait3A_308 : memref<128x128xf32, #tpu.memory_space<hbm>>)
      tpu.yield
    }) : () -> ()
    %dma_start3A_66 = arith.constant 768 : i32
    %dma_start3A_67 = tpu.memref_slice %arg5[%dma_start3A_66] : memref<3200xi32, #tpu.memory_space<vmem>> -> memref<128xi32, #tpu.memory_space<vmem>>
    %dma_start3A_68 = arith.constant 0 : i32
    %dma_start3A_69 = arith.constant 0 : i32
    %dma_start3A_70 = tpu.memref_slice %arg3[%dma_start3A_68, %dma_start3A_69] : memref<100000x128xf32, #tpu.memory_space<hbm>> -> memref<100000x128xf32, #tpu.memory_space<hbm>>
    tpu.enqueue_indirect_dma source(%dma_start3A_70 : memref<100000x128xf32, #tpu.memory_space<hbm>>) target(%arg6 : memref<128x128xf32, #tpu.memory_space<vmem>>) offsets(%dma_start3A_67 : memref<128xi32, #tpu.memory_space<vmem>>) semaphore(%arg8 : memref<!tpu.dma_semaphore, #tpu.memory_space<semaphore_mem>>)
    %dma_wait3A_71 = arith.constant 640 : i32
    %dma_wait3A_72 = tpu.memref_slice %arg5[%dma_wait3A_71] : memref<3200xi32, #tpu.memory_space<vmem>> -> memref<128xi32, #tpu.memory_space<vmem>>
    %dma_wait3A_73 = arith.constant 0 : i32
    %dma_wait3A_74 = arith.constant 0 : i32
    %dma_wait3A_75 = tpu.memref_slice %arg3[%dma_wait3A_73, %dma_wait3A_74] : memref<100000x128xf32, #tpu.memory_space<hbm>> -> memref<100000x128xf32, #tpu.memory_space<hbm>>
    tpu.wait_indirect_dma semaphore(%arg9 : memref<!tpu.dma_semaphore, #tpu.memory_space<semaphore_mem>>) src(%dma_wait3A_75 : memref<100000x128xf32, #tpu.memory_space<hbm>>) dst(%arg7 : memref<128x128xf32, #tpu.memory_space<vmem>>)
    %add3A_76 = arith.constant 640 : i32
    %add3A_77 = arith.addi %mul3A_2, %add3A_76 : i32
    "tpu.region"() ({
      %run_scoped3A = tpu.sem_alloc : memref<!tpu.dma_semaphore, #tpu.memory_space<semaphore_mem>>
      %dma_start3A_301 = arith.constant 0 : i32
      %dma_start3A_302 = tpu.memref_slice %arg4[%add3A_77, %dma_start3A_301] : memref<102400x128xf32, #tpu.memory_space<hbm>> -> memref<128x128xf32, #tpu.memory_space<hbm>>
      %dma_start3A_303 = arith.constant 0 : i32
      %dma_start3A_304 = tpu.memref_slice %arg4[%add3A_77, %dma_start3A_303] : memref<102400x128xf32, #tpu.memory_space<hbm>> -> memref<128x128xf32, #tpu.memory_space<hbm>>
      tpu.enqueue_dma source(%arg7 : memref<128x128xf32, #tpu.memory_space<vmem>>) target(%dma_start3A_304 : memref<128x128xf32, #tpu.memory_space<hbm>>) target_semaphore(%run_scoped3A : memref<!tpu.dma_semaphore, #tpu.memory_space<semaphore_mem>>)
      %dma_wait3A_305 = arith.constant 0 : i32
      %dma_wait3A_306 = tpu.memref_slice %arg4[%add3A_77, %dma_wait3A_305] : memref<102400x128xf32, #tpu.memory_space<hbm>> -> memref<128x128xf32, #tpu.memory_space<hbm>>
      %dma_wait3A_307 = arith.constant 0 : i32
      %dma_wait3A_308 = tpu.memref_slice %arg4[%add3A_77, %dma_wait3A_307] : memref<102400x128xf32, #tpu.memory_space<hbm>> -> memref<128x128xf32, #tpu.memory_space<hbm>>
      tpu.wait_dma2 semaphore(%run_scoped3A : memref<!tpu.dma_semaphore, #tpu.memory_space<semaphore_mem>>) src(%arg7 : memref<128x128xf32, #tpu.memory_space<vmem>>) dst(%dma_wait3A_308 : memref<128x128xf32, #tpu.memory_space<hbm>>)
      tpu.yield
    }) : () -> ()
    %dma_start3A_78 = arith.constant 896 : i32
    %dma_start3A_79 = tpu.memref_slice %arg5[%dma_start3A_78] : memref<3200xi32, #tpu.memory_space<vmem>> -> memref<128xi32, #tpu.memory_space<vmem>>
    %dma_start3A_80 = arith.constant 0 : i32
    %dma_start3A_81 = arith.constant 0 : i32
    %dma_start3A_82 = tpu.memref_slice %arg3[%dma_start3A_80, %dma_start3A_81] : memref<100000x128xf32, #tpu.memory_space<hbm>> -> memref<100000x128xf32, #tpu.memory_space<hbm>>
    tpu.enqueue_indirect_dma source(%dma_start3A_82 : memref<100000x128xf32, #tpu.memory_space<hbm>>) target(%arg7 : memref<128x128xf32, #tpu.memory_space<vmem>>) offsets(%dma_start3A_79 : memref<128xi32, #tpu.memory_space<vmem>>) semaphore(%arg9 : memref<!tpu.dma_semaphore, #tpu.memory_space<semaphore_mem>>)
    %dma_wait3A_83 = arith.constant 768 : i32
    %dma_wait3A_84 = tpu.memref_slice %arg5[%dma_wait3A_83] : memref<3200xi32, #tpu.memory_space<vmem>> -> memref<128xi32, #tpu.memory_space<vmem>>
    %dma_wait3A_85 = arith.constant 0 : i32
    %dma_wait3A_86 = arith.constant 0 : i32
    %dma_wait3A_87 = tpu.memref_slice %arg3[%dma_wait3A_85, %dma_wait3A_86] : memref<100000x128xf32, #tpu.memory_space<hbm>> -> memref<100000x128xf32, #tpu.memory_space<hbm>>
    tpu.wait_indirect_dma semaphore(%arg8 : memref<!tpu.dma_semaphore, #tpu.memory_space<semaphore_mem>>) src(%dma_wait3A_87 : memref<100000x128xf32, #tpu.memory_space<hbm>>) dst(%arg6 : memref<128x128xf32, #tpu.memory_space<vmem>>)
    %add3A_88 = arith.constant 768 : i32
    %add3A_89 = arith.addi %mul3A_2, %add3A_88 : i32
    "tpu.region"() ({
      %run_scoped3A = tpu.sem_alloc : memref<!tpu.dma_semaphore, #tpu.memory_space<semaphore_mem>>
      %dma_start3A_301 = arith.constant 0 : i32
      %dma_start3A_302 = tpu.memref_slice %arg4[%add3A_89, %dma_start3A_301] : memref<102400x128xf32, #tpu.memory_space<hbm>> -> memref<128x128xf32, #tpu.memory_space<hbm>>
      %dma_start3A_303 = arith.constant 0 : i32
      %dma_start3A_304 = tpu.memref_slice %arg4[%add3A_89, %dma_start3A_303] : memref<102400x128xf32, #tpu.memory_space<hbm>> -> memref<128x128xf32, #tpu.memory_space<hbm>>
      tpu.enqueue_dma source(%arg6 : memref<128x128xf32, #tpu.memory_space<vmem>>) target(%dma_start3A_304 : memref<128x128xf32, #tpu.memory_space<hbm>>) target_semaphore(%run_scoped3A : memref<!tpu.dma_semaphore, #tpu.memory_space<semaphore_mem>>)
      %dma_wait3A_305 = arith.constant 0 : i32
      %dma_wait3A_306 = tpu.memref_slice %arg4[%add3A_89, %dma_wait3A_305] : memref<102400x128xf32, #tpu.memory_space<hbm>> -> memref<128x128xf32, #tpu.memory_space<hbm>>
      %dma_wait3A_307 = arith.constant 0 : i32
      %dma_wait3A_308 = tpu.memref_slice %arg4[%add3A_89, %dma_wait3A_307] : memref<102400x128xf32, #tpu.memory_space<hbm>> -> memref<128x128xf32, #tpu.memory_space<hbm>>
      tpu.wait_dma2 semaphore(%run_scoped3A : memref<!tpu.dma_semaphore, #tpu.memory_space<semaphore_mem>>) src(%arg6 : memref<128x128xf32, #tpu.memory_space<vmem>>) dst(%dma_wait3A_308 : memref<128x128xf32, #tpu.memory_space<hbm>>)
      tpu.yield
    }) : () -> ()
    %dma_start3A_90 = arith.constant 1024 : i32
    %dma_start3A_91 = tpu.memref_slice %arg5[%dma_start3A_90] : memref<3200xi32, #tpu.memory_space<vmem>> -> memref<128xi32, #tpu.memory_space<vmem>>
    %dma_start3A_92 = arith.constant 0 : i32
    %dma_start3A_93 = arith.constant 0 : i32
    %dma_start3A_94 = tpu.memref_slice %arg3[%dma_start3A_92, %dma_start3A_93] : memref<100000x128xf32, #tpu.memory_space<hbm>> -> memref<100000x128xf32, #tpu.memory_space<hbm>>
    tpu.enqueue_indirect_dma source(%dma_start3A_94 : memref<100000x128xf32, #tpu.memory_space<hbm>>) target(%arg6 : memref<128x128xf32, #tpu.memory_space<vmem>>) offsets(%dma_start3A_91 : memref<128xi32, #tpu.memory_space<vmem>>) semaphore(%arg8 : memref<!tpu.dma_semaphore, #tpu.memory_space<semaphore_mem>>)
    %dma_wait3A_95 = arith.constant 896 : i32
    %dma_wait3A_96 = tpu.memref_slice %arg5[%dma_wait3A_95] : memref<3200xi32, #tpu.memory_space<vmem>> -> memref<128xi32, #tpu.memory_space<vmem>>
    %dma_wait3A_97 = arith.constant 0 : i32
    %dma_wait3A_98 = arith.constant 0 : i32
    %dma_wait3A_99 = tpu.memref_slice %arg3[%dma_wait3A_97, %dma_wait3A_98] : memref<100000x128xf32, #tpu.memory_space<hbm>> -> memref<100000x128xf32, #tpu.memory_space<hbm>>
    tpu.wait_indirect_dma semaphore(%arg9 : memref<!tpu.dma_semaphore, #tpu.memory_space<semaphore_mem>>) src(%dma_wait3A_99 : memref<100000x128xf32, #tpu.memory_space<hbm>>) dst(%arg7 : memref<128x128xf32, #tpu.memory_space<vmem>>)
    %add3A_100 = arith.constant 896 : i32
    %add3A_101 = arith.addi %mul3A_2, %add3A_100 : i32
    "tpu.region"() ({
      %run_scoped3A = tpu.sem_alloc : memref<!tpu.dma_semaphore, #tpu.memory_space<semaphore_mem>>
      %dma_start3A_301 = arith.constant 0 : i32
      %dma_start3A_302 = tpu.memref_slice %arg4[%add3A_101, %dma_start3A_301] : memref<102400x128xf32, #tpu.memory_space<hbm>> -> memref<128x128xf32, #tpu.memory_space<hbm>>
      %dma_start3A_303 = arith.constant 0 : i32
      %dma_start3A_304 = tpu.memref_slice %arg4[%add3A_101, %dma_start3A_303] : memref<102400x128xf32, #tpu.memory_space<hbm>> -> memref<128x128xf32, #tpu.memory_space<hbm>>
      tpu.enqueue_dma source(%arg7 : memref<128x128xf32, #tpu.memory_space<vmem>>) target(%dma_start3A_304 : memref<128x128xf32, #tpu.memory_space<hbm>>) target_semaphore(%run_scoped3A : memref<!tpu.dma_semaphore, #tpu.memory_space<semaphore_mem>>)
      %dma_wait3A_305 = arith.constant 0 : i32
      %dma_wait3A_306 = tpu.memref_slice %arg4[%add3A_101, %dma_wait3A_305] : memref<102400x128xf32, #tpu.memory_space<hbm>> -> memref<128x128xf32, #tpu.memory_space<hbm>>
      %dma_wait3A_307 = arith.constant 0 : i32
      %dma_wait3A_308 = tpu.memref_slice %arg4[%add3A_101, %dma_wait3A_307] : memref<102400x128xf32, #tpu.memory_space<hbm>> -> memref<128x128xf32, #tpu.memory_space<hbm>>
      tpu.wait_dma2 semaphore(%run_scoped3A : memref<!tpu.dma_semaphore, #tpu.memory_space<semaphore_mem>>) src(%arg7 : memref<128x128xf32, #tpu.memory_space<vmem>>) dst(%dma_wait3A_308 : memref<128x128xf32, #tpu.memory_space<hbm>>)
      tpu.yield
    }) : () -> ()
    %dma_start3A_102 = arith.constant 1152 : i32
    %dma_start3A_103 = tpu.memref_slice %arg5[%dma_start3A_102] : memref<3200xi32, #tpu.memory_space<vmem>> -> memref<128xi32, #tpu.memory_space<vmem>>
    %dma_start3A_104 = arith.constant 0 : i32
    %dma_start3A_105 = arith.constant 0 : i32
    %dma_start3A_106 = tpu.memref_slice %arg3[%dma_start3A_104, %dma_start3A_105] : memref<100000x128xf32, #tpu.memory_space<hbm>> -> memref<100000x128xf32, #tpu.memory_space<hbm>>
    tpu.enqueue_indirect_dma source(%dma_start3A_106 : memref<100000x128xf32, #tpu.memory_space<hbm>>) target(%arg7 : memref<128x128xf32, #tpu.memory_space<vmem>>) offsets(%dma_start3A_103 : memref<128xi32, #tpu.memory_space<vmem>>) semaphore(%arg9 : memref<!tpu.dma_semaphore, #tpu.memory_space<semaphore_mem>>)
    %dma_wait3A_107 = arith.constant 1024 : i32
    %dma_wait3A_108 = tpu.memref_slice %arg5[%dma_wait3A_107] : memref<3200xi32, #tpu.memory_space<vmem>> -> memref<128xi32, #tpu.memory_space<vmem>>
    %dma_wait3A_109 = arith.constant 0 : i32
    %dma_wait3A_110 = arith.constant 0 : i32
    %dma_wait3A_111 = tpu.memref_slice %arg3[%dma_wait3A_109, %dma_wait3A_110] : memref<100000x128xf32, #tpu.memory_space<hbm>> -> memref<100000x128xf32, #tpu.memory_space<hbm>>
    tpu.wait_indirect_dma semaphore(%arg8 : memref<!tpu.dma_semaphore, #tpu.memory_space<semaphore_mem>>) src(%dma_wait3A_111 : memref<100000x128xf32, #tpu.memory_space<hbm>>) dst(%arg6 : memref<128x128xf32, #tpu.memory_space<vmem>>)
    %add3A_112 = arith.constant 1024 : i32
    %add3A_113 = arith.addi %mul3A_2, %add3A_112 : i32
    "tpu.region"() ({
      %run_scoped3A = tpu.sem_alloc : memref<!tpu.dma_semaphore, #tpu.memory_space<semaphore_mem>>
      %dma_start3A_301 = arith.constant 0 : i32
      %dma_start3A_302 = tpu.memref_slice %arg4[%add3A_113, %dma_start3A_301] : memref<102400x128xf32, #tpu.memory_space<hbm>> -> memref<128x128xf32, #tpu.memory_space<hbm>>
      %dma_start3A_303 = arith.constant 0 : i32
      %dma_start3A_304 = tpu.memref_slice %arg4[%add3A_113, %dma_start3A_303] : memref<102400x128xf32, #tpu.memory_space<hbm>> -> memref<128x128xf32, #tpu.memory_space<hbm>>
      tpu.enqueue_dma source(%arg6 : memref<128x128xf32, #tpu.memory_space<vmem>>) target(%dma_start3A_304 : memref<128x128xf32, #tpu.memory_space<hbm>>) target_semaphore(%run_scoped3A : memref<!tpu.dma_semaphore, #tpu.memory_space<semaphore_mem>>)
      %dma_wait3A_305 = arith.constant 0 : i32
      %dma_wait3A_306 = tpu.memref_slice %arg4[%add3A_113, %dma_wait3A_305] : memref<102400x128xf32, #tpu.memory_space<hbm>> -> memref<128x128xf32, #tpu.memory_space<hbm>>
      %dma_wait3A_307 = arith.constant 0 : i32
      %dma_wait3A_308 = tpu.memref_slice %arg4[%add3A_113, %dma_wait3A_307] : memref<102400x128xf32, #tpu.memory_space<hbm>> -> memref<128x128xf32, #tpu.memory_space<hbm>>
      tpu.wait_dma2 semaphore(%run_scoped3A : memref<!tpu.dma_semaphore, #tpu.memory_space<semaphore_mem>>) src(%arg6 : memref<128x128xf32, #tpu.memory_space<vmem>>) dst(%dma_wait3A_308 : memref<128x128xf32, #tpu.memory_space<hbm>>)
      tpu.yield
    }) : () -> ()
    %dma_start3A_114 = arith.constant 1280 : i32
    %dma_start3A_115 = tpu.memref_slice %arg5[%dma_start3A_114] : memref<3200xi32, #tpu.memory_space<vmem>> -> memref<128xi32, #tpu.memory_space<vmem>>
    %dma_start3A_116 = arith.constant 0 : i32
    %dma_start3A_117 = arith.constant 0 : i32
    %dma_start3A_118 = tpu.memref_slice %arg3[%dma_start3A_116, %dma_start3A_117] : memref<100000x128xf32, #tpu.memory_space<hbm>> -> memref<100000x128xf32, #tpu.memory_space<hbm>>
    tpu.enqueue_indirect_dma source(%dma_start3A_118 : memref<100000x128xf32, #tpu.memory_space<hbm>>) target(%arg6 : memref<128x128xf32, #tpu.memory_space<vmem>>) offsets(%dma_start3A_115 : memref<128xi32, #tpu.memory_space<vmem>>) semaphore(%arg8 : memref<!tpu.dma_semaphore, #tpu.memory_space<semaphore_mem>>)
    %dma_wait3A_119 = arith.constant 1152 : i32
    %dma_wait3A_120 = tpu.memref_slice %arg5[%dma_wait3A_119] : memref<3200xi32, #tpu.memory_space<vmem>> -> memref<128xi32, #tpu.memory_space<vmem>>
    %dma_wait3A_121 = arith.constant 0 : i32
    %dma_wait3A_122 = arith.constant 0 : i32
    %dma_wait3A_123 = tpu.memref_slice %arg3[%dma_wait3A_121, %dma_wait3A_122] : memref<100000x128xf32, #tpu.memory_space<hbm>> -> memref<100000x128xf32, #tpu.memory_space<hbm>>
    tpu.wait_indirect_dma semaphore(%arg9 : memref<!tpu.dma_semaphore, #tpu.memory_space<semaphore_mem>>) src(%dma_wait3A_123 : memref<100000x128xf32, #tpu.memory_space<hbm>>) dst(%arg7 : memref<128x128xf32, #tpu.memory_space<vmem>>)
    %add3A_124 = arith.constant 1152 : i32
    %add3A_125 = arith.addi %mul3A_2, %add3A_124 : i32
    "tpu.region"() ({
      %run_scoped3A = tpu.sem_alloc : memref<!tpu.dma_semaphore, #tpu.memory_space<semaphore_mem>>
      %dma_start3A_301 = arith.constant 0 : i32
      %dma_start3A_302 = tpu.memref_slice %arg4[%add3A_125, %dma_start3A_301] : memref<102400x128xf32, #tpu.memory_space<hbm>> -> memref<128x128xf32, #tpu.memory_space<hbm>>
      %dma_start3A_303 = arith.constant 0 : i32
      %dma_start3A_304 = tpu.memref_slice %arg4[%add3A_125, %dma_start3A_303] : memref<102400x128xf32, #tpu.memory_space<hbm>> -> memref<128x128xf32, #tpu.memory_space<hbm>>
      tpu.enqueue_dma source(%arg7 : memref<128x128xf32, #tpu.memory_space<vmem>>) target(%dma_start3A_304 : memref<128x128xf32, #tpu.memory_space<hbm>>) target_semaphore(%run_scoped3A : memref<!tpu.dma_semaphore, #tpu.memory_space<semaphore_mem>>)
      %dma_wait3A_305 = arith.constant 0 : i32
      %dma_wait3A_306 = tpu.memref_slice %arg4[%add3A_125, %dma_wait3A_305] : memref<102400x128xf32, #tpu.memory_space<hbm>> -> memref<128x128xf32, #tpu.memory_space<hbm>>
      %dma_wait3A_307 = arith.constant 0 : i32
      %dma_wait3A_308 = tpu.memref_slice %arg4[%add3A_125, %dma_wait3A_307] : memref<102400x128xf32, #tpu.memory_space<hbm>> -> memref<128x128xf32, #tpu.memory_space<hbm>>
      tpu.wait_dma2 semaphore(%run_scoped3A : memref<!tpu.dma_semaphore, #tpu.memory_space<semaphore_mem>>) src(%arg7 : memref<128x128xf32, #tpu.memory_space<vmem>>) dst(%dma_wait3A_308 : memref<128x128xf32, #tpu.memory_space<hbm>>)
      tpu.yield
    }) : () -> ()
    %dma_start3A_126 = arith.constant 1408 : i32
    %dma_start3A_127 = tpu.memref_slice %arg5[%dma_start3A_126] : memref<3200xi32, #tpu.memory_space<vmem>> -> memref<128xi32, #tpu.memory_space<vmem>>
    %dma_start3A_128 = arith.constant 0 : i32
    %dma_start3A_129 = arith.constant 0 : i32
    %dma_start3A_130 = tpu.memref_slice %arg3[%dma_start3A_128, %dma_start3A_129] : memref<100000x128xf32, #tpu.memory_space<hbm>> -> memref<100000x128xf32, #tpu.memory_space<hbm>>
    tpu.enqueue_indirect_dma source(%dma_start3A_130 : memref<100000x128xf32, #tpu.memory_space<hbm>>) target(%arg7 : memref<128x128xf32, #tpu.memory_space<vmem>>) offsets(%dma_start3A_127 : memref<128xi32, #tpu.memory_space<vmem>>) semaphore(%arg9 : memref<!tpu.dma_semaphore, #tpu.memory_space<semaphore_mem>>)
    %dma_wait3A_131 = arith.constant 1280 : i32
    %dma_wait3A_132 = tpu.memref_slice %arg5[%dma_wait3A_131] : memref<3200xi32, #tpu.memory_space<vmem>> -> memref<128xi32, #tpu.memory_space<vmem>>
    %dma_wait3A_133 = arith.constant 0 : i32
    %dma_wait3A_134 = arith.constant 0 : i32
    %dma_wait3A_135 = tpu.memref_slice %arg3[%dma_wait3A_133, %dma_wait3A_134] : memref<100000x128xf32, #tpu.memory_space<hbm>> -> memref<100000x128xf32, #tpu.memory_space<hbm>>
    tpu.wait_indirect_dma semaphore(%arg8 : memref<!tpu.dma_semaphore, #tpu.memory_space<semaphore_mem>>) src(%dma_wait3A_135 : memref<100000x128xf32, #tpu.memory_space<hbm>>) dst(%arg6 : memref<128x128xf32, #tpu.memory_space<vmem>>)
    %add3A_136 = arith.constant 1280 : i32
    %add3A_137 = arith.addi %mul3A_2, %add3A_136 : i32
    "tpu.region"() ({
      %run_scoped3A = tpu.sem_alloc : memref<!tpu.dma_semaphore, #tpu.memory_space<semaphore_mem>>
      %dma_start3A_301 = arith.constant 0 : i32
      %dma_start3A_302 = tpu.memref_slice %arg4[%add3A_137, %dma_start3A_301] : memref<102400x128xf32, #tpu.memory_space<hbm>> -> memref<128x128xf32, #tpu.memory_space<hbm>>
      %dma_start3A_303 = arith.constant 0 : i32
      %dma_start3A_304 = tpu.memref_slice %arg4[%add3A_137, %dma_start3A_303] : memref<102400x128xf32, #tpu.memory_space<hbm>> -> memref<128x128xf32, #tpu.memory_space<hbm>>
      tpu.enqueue_dma source(%arg6 : memref<128x128xf32, #tpu.memory_space<vmem>>) target(%dma_start3A_304 : memref<128x128xf32, #tpu.memory_space<hbm>>) target_semaphore(%run_scoped3A : memref<!tpu.dma_semaphore, #tpu.memory_space<semaphore_mem>>)
      %dma_wait3A_305 = arith.constant 0 : i32
      %dma_wait3A_306 = tpu.memref_slice %arg4[%add3A_137, %dma_wait3A_305] : memref<102400x128xf32, #tpu.memory_space<hbm>> -> memref<128x128xf32, #tpu.memory_space<hbm>>
      %dma_wait3A_307 = arith.constant 0 : i32
      %dma_wait3A_308 = tpu.memref_slice %arg4[%add3A_137, %dma_wait3A_307] : memref<102400x128xf32, #tpu.memory_space<hbm>> -> memref<128x128xf32, #tpu.memory_space<hbm>>
      tpu.wait_dma2 semaphore(%run_scoped3A : memref<!tpu.dma_semaphore, #tpu.memory_space<semaphore_mem>>) src(%arg6 : memref<128x128xf32, #tpu.memory_space<vmem>>) dst(%dma_wait3A_308 : memref<128x128xf32, #tpu.memory_space<hbm>>)
      tpu.yield
    }) : () -> ()
    %dma_start3A_138 = arith.constant 1536 : i32
    %dma_start3A_139 = tpu.memref_slice %arg5[%dma_start3A_138] : memref<3200xi32, #tpu.memory_space<vmem>> -> memref<128xi32, #tpu.memory_space<vmem>>
    %dma_start3A_140 = arith.constant 0 : i32
    %dma_start3A_141 = arith.constant 0 : i32
    %dma_start3A_142 = tpu.memref_slice %arg3[%dma_start3A_140, %dma_start3A_141] : memref<100000x128xf32, #tpu.memory_space<hbm>> -> memref<100000x128xf32, #tpu.memory_space<hbm>>
    tpu.enqueue_indirect_dma source(%dma_start3A_142 : memref<100000x128xf32, #tpu.memory_space<hbm>>) target(%arg6 : memref<128x128xf32, #tpu.memory_space<vmem>>) offsets(%dma_start3A_139 : memref<128xi32, #tpu.memory_space<vmem>>) semaphore(%arg8 : memref<!tpu.dma_semaphore, #tpu.memory_space<semaphore_mem>>)
    %dma_wait3A_143 = arith.constant 1408 : i32
    %dma_wait3A_144 = tpu.memref_slice %arg5[%dma_wait3A_143] : memref<3200xi32, #tpu.memory_space<vmem>> -> memref<128xi32, #tpu.memory_space<vmem>>
    %dma_wait3A_145 = arith.constant 0 : i32
    %dma_wait3A_146 = arith.constant 0 : i32
    %dma_wait3A_147 = tpu.memref_slice %arg3[%dma_wait3A_145, %dma_wait3A_146] : memref<100000x128xf32, #tpu.memory_space<hbm>> -> memref<100000x128xf32, #tpu.memory_space<hbm>>
    tpu.wait_indirect_dma semaphore(%arg9 : memref<!tpu.dma_semaphore, #tpu.memory_space<semaphore_mem>>) src(%dma_wait3A_147 : memref<100000x128xf32, #tpu.memory_space<hbm>>) dst(%arg7 : memref<128x128xf32, #tpu.memory_space<vmem>>)
    %add3A_148 = arith.constant 1408 : i32
    %add3A_149 = arith.addi %mul3A_2, %add3A_148 : i32
    "tpu.region"() ({
      %run_scoped3A = tpu.sem_alloc : memref<!tpu.dma_semaphore, #tpu.memory_space<semaphore_mem>>
      %dma_start3A_301 = arith.constant 0 : i32
      %dma_start3A_302 = tpu.memref_slice %arg4[%add3A_149, %dma_start3A_301] : memref<102400x128xf32, #tpu.memory_space<hbm>> -> memref<128x128xf32, #tpu.memory_space<hbm>>
      %dma_start3A_303 = arith.constant 0 : i32
      %dma_start3A_304 = tpu.memref_slice %arg4[%add3A_149, %dma_start3A_303] : memref<102400x128xf32, #tpu.memory_space<hbm>> -> memref<128x128xf32, #tpu.memory_space<hbm>>
      tpu.enqueue_dma source(%arg7 : memref<128x128xf32, #tpu.memory_space<vmem>>) target(%dma_start3A_304 : memref<128x128xf32, #tpu.memory_space<hbm>>) target_semaphore(%run_scoped3A : memref<!tpu.dma_semaphore, #tpu.memory_space<semaphore_mem>>)
      %dma_wait3A_305 = arith.constant 0 : i32
      %dma_wait3A_306 = tpu.memref_slice %arg4[%add3A_149, %dma_wait3A_305] : memref<102400x128xf32, #tpu.memory_space<hbm>> -> memref<128x128xf32, #tpu.memory_space<hbm>>
      %dma_wait3A_307 = arith.constant 0 : i32
      %dma_wait3A_308 = tpu.memref_slice %arg4[%add3A_149, %dma_wait3A_307] : memref<102400x128xf32, #tpu.memory_space<hbm>> -> memref<128x128xf32, #tpu.memory_space<hbm>>
      tpu.wait_dma2 semaphore(%run_scoped3A : memref<!tpu.dma_semaphore, #tpu.memory_space<semaphore_mem>>) src(%arg7 : memref<128x128xf32, #tpu.memory_space<vmem>>) dst(%dma_wait3A_308 : memref<128x128xf32, #tpu.memory_space<hbm>>)
      tpu.yield
    }) : () -> ()
    %dma_start3A_150 = arith.constant 1664 : i32
    %dma_start3A_151 = tpu.memref_slice %arg5[%dma_start3A_150] : memref<3200xi32, #tpu.memory_space<vmem>> -> memref<128xi32, #tpu.memory_space<vmem>>
    %dma_start3A_152 = arith.constant 0 : i32
    %dma_start3A_153 = arith.constant 0 : i32
    %dma_start3A_154 = tpu.memref_slice %arg3[%dma_start3A_152, %dma_start3A_153] : memref<100000x128xf32, #tpu.memory_space<hbm>> -> memref<100000x128xf32, #tpu.memory_space<hbm>>
    tpu.enqueue_indirect_dma source(%dma_start3A_154 : memref<100000x128xf32, #tpu.memory_space<hbm>>) target(%arg7 : memref<128x128xf32, #tpu.memory_space<vmem>>) offsets(%dma_start3A_151 : memref<128xi32, #tpu.memory_space<vmem>>) semaphore(%arg9 : memref<!tpu.dma_semaphore, #tpu.memory_space<semaphore_mem>>)
    %dma_wait3A_155 = arith.constant 1536 : i32
    %dma_wait3A_156 = tpu.memref_slice %arg5[%dma_wait3A_155] : memref<3200xi32, #tpu.memory_space<vmem>> -> memref<128xi32, #tpu.memory_space<vmem>>
    %dma_wait3A_157 = arith.constant 0 : i32
    %dma_wait3A_158 = arith.constant 0 : i32
    %dma_wait3A_159 = tpu.memref_slice %arg3[%dma_wait3A_157, %dma_wait3A_158] : memref<100000x128xf32, #tpu.memory_space<hbm>> -> memref<100000x128xf32, #tpu.memory_space<hbm>>
    tpu.wait_indirect_dma semaphore(%arg8 : memref<!tpu.dma_semaphore, #tpu.memory_space<semaphore_mem>>) src(%dma_wait3A_159 : memref<100000x128xf32, #tpu.memory_space<hbm>>) dst(%arg6 : memref<128x128xf32, #tpu.memory_space<vmem>>)
    %add3A_160 = arith.constant 1536 : i32
    %add3A_161 = arith.addi %mul3A_2, %add3A_160 : i32
    "tpu.region"() ({
      %run_scoped3A = tpu.sem_alloc : memref<!tpu.dma_semaphore, #tpu.memory_space<semaphore_mem>>
      %dma_start3A_301 = arith.constant 0 : i32
      %dma_start3A_302 = tpu.memref_slice %arg4[%add3A_161, %dma_start3A_301] : memref<102400x128xf32, #tpu.memory_space<hbm>> -> memref<128x128xf32, #tpu.memory_space<hbm>>
      %dma_start3A_303 = arith.constant 0 : i32
      %dma_start3A_304 = tpu.memref_slice %arg4[%add3A_161, %dma_start3A_303] : memref<102400x128xf32, #tpu.memory_space<hbm>> -> memref<128x128xf32, #tpu.memory_space<hbm>>
      tpu.enqueue_dma source(%arg6 : memref<128x128xf32, #tpu.memory_space<vmem>>) target(%dma_start3A_304 : memref<128x128xf32, #tpu.memory_space<hbm>>) target_semaphore(%run_scoped3A : memref<!tpu.dma_semaphore, #tpu.memory_space<semaphore_mem>>)
      %dma_wait3A_305 = arith.constant 0 : i32
      %dma_wait3A_306 = tpu.memref_slice %arg4[%add3A_161, %dma_wait3A_305] : memref<102400x128xf32, #tpu.memory_space<hbm>> -> memref<128x128xf32, #tpu.memory_space<hbm>>
      %dma_wait3A_307 = arith.constant 0 : i32
      %dma_wait3A_308 = tpu.memref_slice %arg4[%add3A_161, %dma_wait3A_307] : memref<102400x128xf32, #tpu.memory_space<hbm>> -> memref<128x128xf32, #tpu.memory_space<hbm>>
      tpu.wait_dma2 semaphore(%run_scoped3A : memref<!tpu.dma_semaphore, #tpu.memory_space<semaphore_mem>>) src(%arg6 : memref<128x128xf32, #tpu.memory_space<vmem>>) dst(%dma_wait3A_308 : memref<128x128xf32, #tpu.memory_space<hbm>>)
      tpu.yield
    }) : () -> ()
    %dma_start3A_162 = arith.constant 1792 : i32
    %dma_start3A_163 = tpu.memref_slice %arg5[%dma_start3A_162] : memref<3200xi32, #tpu.memory_space<vmem>> -> memref<128xi32, #tpu.memory_space<vmem>>
    %dma_start3A_164 = arith.constant 0 : i32
    %dma_start3A_165 = arith.constant 0 : i32
    %dma_start3A_166 = tpu.memref_slice %arg3[%dma_start3A_164, %dma_start3A_165] : memref<100000x128xf32, #tpu.memory_space<hbm>> -> memref<100000x128xf32, #tpu.memory_space<hbm>>
    tpu.enqueue_indirect_dma source(%dma_start3A_166 : memref<100000x128xf32, #tpu.memory_space<hbm>>) target(%arg6 : memref<128x128xf32, #tpu.memory_space<vmem>>) offsets(%dma_start3A_163 : memref<128xi32, #tpu.memory_space<vmem>>) semaphore(%arg8 : memref<!tpu.dma_semaphore, #tpu.memory_space<semaphore_mem>>)
    %dma_wait3A_167 = arith.constant 1664 : i32
    %dma_wait3A_168 = tpu.memref_slice %arg5[%dma_wait3A_167] : memref<3200xi32, #tpu.memory_space<vmem>> -> memref<128xi32, #tpu.memory_space<vmem>>
    %dma_wait3A_169 = arith.constant 0 : i32
    %dma_wait3A_170 = arith.constant 0 : i32
    %dma_wait3A_171 = tpu.memref_slice %arg3[%dma_wait3A_169, %dma_wait3A_170] : memref<100000x128xf32, #tpu.memory_space<hbm>> -> memref<100000x128xf32, #tpu.memory_space<hbm>>
    tpu.wait_indirect_dma semaphore(%arg9 : memref<!tpu.dma_semaphore, #tpu.memory_space<semaphore_mem>>) src(%dma_wait3A_171 : memref<100000x128xf32, #tpu.memory_space<hbm>>) dst(%arg7 : memref<128x128xf32, #tpu.memory_space<vmem>>)
    %add3A_172 = arith.constant 1664 : i32
    %add3A_173 = arith.addi %mul3A_2, %add3A_172 : i32
    "tpu.region"() ({
      %run_scoped3A = tpu.sem_alloc : memref<!tpu.dma_semaphore, #tpu.memory_space<semaphore_mem>>
      %dma_start3A_301 = arith.constant 0 : i32
      %dma_start3A_302 = tpu.memref_slice %arg4[%add3A_173, %dma_start3A_301] : memref<102400x128xf32, #tpu.memory_space<hbm>> -> memref<128x128xf32, #tpu.memory_space<hbm>>
      %dma_start3A_303 = arith.constant 0 : i32
      %dma_start3A_304 = tpu.memref_slice %arg4[%add3A_173, %dma_start3A_303] : memref<102400x128xf32, #tpu.memory_space<hbm>> -> memref<128x128xf32, #tpu.memory_space<hbm>>
      tpu.enqueue_dma source(%arg7 : memref<128x128xf32, #tpu.memory_space<vmem>>) target(%dma_start3A_304 : memref<128x128xf32, #tpu.memory_space<hbm>>) target_semaphore(%run_scoped3A : memref<!tpu.dma_semaphore, #tpu.memory_space<semaphore_mem>>)
      %dma_wait3A_305 = arith.constant 0 : i32
      %dma_wait3A_306 = tpu.memref_slice %arg4[%add3A_173, %dma_wait3A_305] : memref<102400x128xf32, #tpu.memory_space<hbm>> -> memref<128x128xf32, #tpu.memory_space<hbm>>
      %dma_wait3A_307 = arith.constant 0 : i32
      %dma_wait3A_308 = tpu.memref_slice %arg4[%add3A_173, %dma_wait3A_307] : memref<102400x128xf32, #tpu.memory_space<hbm>> -> memref<128x128xf32, #tpu.memory_space<hbm>>
      tpu.wait_dma2 semaphore(%run_scoped3A : memref<!tpu.dma_semaphore, #tpu.memory_space<semaphore_mem>>) src(%arg7 : memref<128x128xf32, #tpu.memory_space<vmem>>) dst(%dma_wait3A_308 : memref<128x128xf32, #tpu.memory_space<hbm>>)
      tpu.yield
    }) : () -> ()
    %dma_start3A_174 = arith.constant 1920 : i32
    %dma_start3A_175 = tpu.memref_slice %arg5[%dma_start3A_174] : memref<3200xi32, #tpu.memory_space<vmem>> -> memref<128xi32, #tpu.memory_space<vmem>>
    %dma_start3A_176 = arith.constant 0 : i32
    %dma_start3A_177 = arith.constant 0 : i32
    %dma_start3A_178 = tpu.memref_slice %arg3[%dma_start3A_176, %dma_start3A_177] : memref<100000x128xf32, #tpu.memory_space<hbm>> -> memref<100000x128xf32, #tpu.memory_space<hbm>>
    tpu.enqueue_indirect_dma source(%dma_start3A_178 : memref<100000x128xf32, #tpu.memory_space<hbm>>) target(%arg7 : memref<128x128xf32, #tpu.memory_space<vmem>>) offsets(%dma_start3A_175 : memref<128xi32, #tpu.memory_space<vmem>>) semaphore(%arg9 : memref<!tpu.dma_semaphore, #tpu.memory_space<semaphore_mem>>)
    %dma_wait3A_179 = arith.constant 1792 : i32
    %dma_wait3A_180 = tpu.memref_slice %arg5[%dma_wait3A_179] : memref<3200xi32, #tpu.memory_space<vmem>> -> memref<128xi32, #tpu.memory_space<vmem>>
    %dma_wait3A_181 = arith.constant 0 : i32
    %dma_wait3A_182 = arith.constant 0 : i32
    %dma_wait3A_183 = tpu.memref_slice %arg3[%dma_wait3A_181, %dma_wait3A_182] : memref<100000x128xf32, #tpu.memory_space<hbm>> -> memref<100000x128xf32, #tpu.memory_space<hbm>>
    tpu.wait_indirect_dma semaphore(%arg8 : memref<!tpu.dma_semaphore, #tpu.memory_space<semaphore_mem>>) src(%dma_wait3A_183 : memref<100000x128xf32, #tpu.memory_space<hbm>>) dst(%arg6 : memref<128x128xf32, #tpu.memory_space<vmem>>)
    %add3A_184 = arith.constant 1792 : i32
    %add3A_185 = arith.addi %mul3A_2, %add3A_184 : i32
    "tpu.region"() ({
      %run_scoped3A = tpu.sem_alloc : memref<!tpu.dma_semaphore, #tpu.memory_space<semaphore_mem>>
      %dma_start3A_301 = arith.constant 0 : i32
      %dma_start3A_302 = tpu.memref_slice %arg4[%add3A_185, %dma_start3A_301] : memref<102400x128xf32, #tpu.memory_space<hbm>> -> memref<128x128xf32, #tpu.memory_space<hbm>>
      %dma_start3A_303 = arith.constant 0 : i32
      %dma_start3A_304 = tpu.memref_slice %arg4[%add3A_185, %dma_start3A_303] : memref<102400x128xf32, #tpu.memory_space<hbm>> -> memref<128x128xf32, #tpu.memory_space<hbm>>
      tpu.enqueue_dma source(%arg6 : memref<128x128xf32, #tpu.memory_space<vmem>>) target(%dma_start3A_304 : memref<128x128xf32, #tpu.memory_space<hbm>>) target_semaphore(%run_scoped3A : memref<!tpu.dma_semaphore, #tpu.memory_space<semaphore_mem>>)
      %dma_wait3A_305 = arith.constant 0 : i32
      %dma_wait3A_306 = tpu.memref_slice %arg4[%add3A_185, %dma_wait3A_305] : memref<102400x128xf32, #tpu.memory_space<hbm>> -> memref<128x128xf32, #tpu.memory_space<hbm>>
      %dma_wait3A_307 = arith.constant 0 : i32
      %dma_wait3A_308 = tpu.memref_slice %arg4[%add3A_185, %dma_wait3A_307] : memref<102400x128xf32, #tpu.memory_space<hbm>> -> memref<128x128xf32, #tpu.memory_space<hbm>>
      tpu.wait_dma2 semaphore(%run_scoped3A : memref<!tpu.dma_semaphore, #tpu.memory_space<semaphore_mem>>) src(%arg6 : memref<128x128xf32, #tpu.memory_space<vmem>>) dst(%dma_wait3A_308 : memref<128x128xf32, #tpu.memory_space<hbm>>)
      tpu.yield
    }) : () -> ()
    %dma_start3A_186 = arith.constant 2048 : i32
    %dma_start3A_187 = tpu.memref_slice %arg5[%dma_start3A_186] : memref<3200xi32, #tpu.memory_space<vmem>> -> memref<128xi32, #tpu.memory_space<vmem>>
    %dma_start3A_188 = arith.constant 0 : i32
    %dma_start3A_189 = arith.constant 0 : i32
    %dma_start3A_190 = tpu.memref_slice %arg3[%dma_start3A_188, %dma_start3A_189] : memref<100000x128xf32, #tpu.memory_space<hbm>> -> memref<100000x128xf32, #tpu.memory_space<hbm>>
    tpu.enqueue_indirect_dma source(%dma_start3A_190 : memref<100000x128xf32, #tpu.memory_space<hbm>>) target(%arg6 : memref<128x128xf32, #tpu.memory_space<vmem>>) offsets(%dma_start3A_187 : memref<128xi32, #tpu.memory_space<vmem>>) semaphore(%arg8 : memref<!tpu.dma_semaphore, #tpu.memory_space<semaphore_mem>>)
    %dma_wait3A_191 = arith.constant 1920 : i32
    %dma_wait3A_192 = tpu.memref_slice %arg5[%dma_wait3A_191] : memref<3200xi32, #tpu.memory_space<vmem>> -> memref<128xi32, #tpu.memory_space<vmem>>
    %dma_wait3A_193 = arith.constant 0 : i32
    %dma_wait3A_194 = arith.constant 0 : i32
    %dma_wait3A_195 = tpu.memref_slice %arg3[%dma_wait3A_193, %dma_wait3A_194] : memref<100000x128xf32, #tpu.memory_space<hbm>> -> memref<100000x128xf32, #tpu.memory_space<hbm>>
    tpu.wait_indirect_dma semaphore(%arg9 : memref<!tpu.dma_semaphore, #tpu.memory_space<semaphore_mem>>) src(%dma_wait3A_195 : memref<100000x128xf32, #tpu.memory_space<hbm>>) dst(%arg7 : memref<128x128xf32, #tpu.memory_space<vmem>>)
    %add3A_196 = arith.constant 1920 : i32
    %add3A_197 = arith.addi %mul3A_2, %add3A_196 : i32
    "tpu.region"() ({
      %run_scoped3A = tpu.sem_alloc : memref<!tpu.dma_semaphore, #tpu.memory_space<semaphore_mem>>
      %dma_start3A_301 = arith.constant 0 : i32
      %dma_start3A_302 = tpu.memref_slice %arg4[%add3A_197, %dma_start3A_301] : memref<102400x128xf32, #tpu.memory_space<hbm>> -> memref<128x128xf32, #tpu.memory_space<hbm>>
      %dma_start3A_303 = arith.constant 0 : i32
      %dma_start3A_304 = tpu.memref_slice %arg4[%add3A_197, %dma_start3A_303] : memref<102400x128xf32, #tpu.memory_space<hbm>> -> memref<128x128xf32, #tpu.memory_space<hbm>>
      tpu.enqueue_dma source(%arg7 : memref<128x128xf32, #tpu.memory_space<vmem>>) target(%dma_start3A_304 : memref<128x128xf32, #tpu.memory_space<hbm>>) target_semaphore(%run_scoped3A : memref<!tpu.dma_semaphore, #tpu.memory_space<semaphore_mem>>)
      %dma_wait3A_305 = arith.constant 0 : i32
      %dma_wait3A_306 = tpu.memref_slice %arg4[%add3A_197, %dma_wait3A_305] : memref<102400x128xf32, #tpu.memory_space<hbm>> -> memref<128x128xf32, #tpu.memory_space<hbm>>
      %dma_wait3A_307 = arith.constant 0 : i32
      %dma_wait3A_308 = tpu.memref_slice %arg4[%add3A_197, %dma_wait3A_307] : memref<102400x128xf32, #tpu.memory_space<hbm>> -> memref<128x128xf32, #tpu.memory_space<hbm>>
      tpu.wait_dma2 semaphore(%run_scoped3A : memref<!tpu.dma_semaphore, #tpu.memory_space<semaphore_mem>>) src(%arg7 : memref<128x128xf32, #tpu.memory_space<vmem>>) dst(%dma_wait3A_308 : memref<128x128xf32, #tpu.memory_space<hbm>>)
      tpu.yield
    }) : () -> ()
    %dma_start3A_198 = arith.constant 2176 : i32
    %dma_start3A_199 = tpu.memref_slice %arg5[%dma_start3A_198] : memref<3200xi32, #tpu.memory_space<vmem>> -> memref<128xi32, #tpu.memory_space<vmem>>
    %dma_start3A_200 = arith.constant 0 : i32
    %dma_start3A_201 = arith.constant 0 : i32
    %dma_start3A_202 = tpu.memref_slice %arg3[%dma_start3A_200, %dma_start3A_201] : memref<100000x128xf32, #tpu.memory_space<hbm>> -> memref<100000x128xf32, #tpu.memory_space<hbm>>
    tpu.enqueue_indirect_dma source(%dma_start3A_202 : memref<100000x128xf32, #tpu.memory_space<hbm>>) target(%arg7 : memref<128x128xf32, #tpu.memory_space<vmem>>) offsets(%dma_start3A_199 : memref<128xi32, #tpu.memory_space<vmem>>) semaphore(%arg9 : memref<!tpu.dma_semaphore, #tpu.memory_space<semaphore_mem>>)
    %dma_wait3A_203 = arith.constant 2048 : i32
    %dma_wait3A_204 = tpu.memref_slice %arg5[%dma_wait3A_203] : memref<3200xi32, #tpu.memory_space<vmem>> -> memref<128xi32, #tpu.memory_space<vmem>>
    %dma_wait3A_205 = arith.constant 0 : i32
    %dma_wait3A_206 = arith.constant 0 : i32
    %dma_wait3A_207 = tpu.memref_slice %arg3[%dma_wait3A_205, %dma_wait3A_206] : memref<100000x128xf32, #tpu.memory_space<hbm>> -> memref<100000x128xf32, #tpu.memory_space<hbm>>
    tpu.wait_indirect_dma semaphore(%arg8 : memref<!tpu.dma_semaphore, #tpu.memory_space<semaphore_mem>>) src(%dma_wait3A_207 : memref<100000x128xf32, #tpu.memory_space<hbm>>) dst(%arg6 : memref<128x128xf32, #tpu.memory_space<vmem>>)
    %add3A_208 = arith.constant 2048 : i32
    %add3A_209 = arith.addi %mul3A_2, %add3A_208 : i32
    "tpu.region"() ({
      %run_scoped3A = tpu.sem_alloc : memref<!tpu.dma_semaphore, #tpu.memory_space<semaphore_mem>>
      %dma_start3A_301 = arith.constant 0 : i32
      %dma_start3A_302 = tpu.memref_slice %arg4[%add3A_209, %dma_start3A_301] : memref<102400x128xf32, #tpu.memory_space<hbm>> -> memref<128x128xf32, #tpu.memory_space<hbm>>
      %dma_start3A_303 = arith.constant 0 : i32
      %dma_start3A_304 = tpu.memref_slice %arg4[%add3A_209, %dma_start3A_303] : memref<102400x128xf32, #tpu.memory_space<hbm>> -> memref<128x128xf32, #tpu.memory_space<hbm>>
      tpu.enqueue_dma source(%arg6 : memref<128x128xf32, #tpu.memory_space<vmem>>) target(%dma_start3A_304 : memref<128x128xf32, #tpu.memory_space<hbm>>) target_semaphore(%run_scoped3A : memref<!tpu.dma_semaphore, #tpu.memory_space<semaphore_mem>>)
      %dma_wait3A_305 = arith.constant 0 : i32
      %dma_wait3A_306 = tpu.memref_slice %arg4[%add3A_209, %dma_wait3A_305] : memref<102400x128xf32, #tpu.memory_space<hbm>> -> memref<128x128xf32, #tpu.memory_space<hbm>>
      %dma_wait3A_307 = arith.constant 0 : i32
      %dma_wait3A_308 = tpu.memref_slice %arg4[%add3A_209, %dma_wait3A_307] : memref<102400x128xf32, #tpu.memory_space<hbm>> -> memref<128x128xf32, #tpu.memory_space<hbm>>
      tpu.wait_dma2 semaphore(%run_scoped3A : memref<!tpu.dma_semaphore, #tpu.memory_space<semaphore_mem>>) src(%arg6 : memref<128x128xf32, #tpu.memory_space<vmem>>) dst(%dma_wait3A_308 : memref<128x128xf32, #tpu.memory_space<hbm>>)
      tpu.yield
    }) : () -> ()
    %dma_start3A_210 = arith.constant 2304 : i32
    %dma_start3A_211 = tpu.memref_slice %arg5[%dma_start3A_210] : memref<3200xi32, #tpu.memory_space<vmem>> -> memref<128xi32, #tpu.memory_space<vmem>>
    %dma_start3A_212 = arith.constant 0 : i32
    %dma_start3A_213 = arith.constant 0 : i32
    %dma_start3A_214 = tpu.memref_slice %arg3[%dma_start3A_212, %dma_start3A_213] : memref<100000x128xf32, #tpu.memory_space<hbm>> -> memref<100000x128xf32, #tpu.memory_space<hbm>>
    tpu.enqueue_indirect_dma source(%dma_start3A_214 : memref<100000x128xf32, #tpu.memory_space<hbm>>) target(%arg6 : memref<128x128xf32, #tpu.memory_space<vmem>>) offsets(%dma_start3A_211 : memref<128xi32, #tpu.memory_space<vmem>>) semaphore(%arg8 : memref<!tpu.dma_semaphore, #tpu.memory_space<semaphore_mem>>)
    %dma_wait3A_215 = arith.constant 2176 : i32
    %dma_wait3A_216 = tpu.memref_slice %arg5[%dma_wait3A_215] : memref<3200xi32, #tpu.memory_space<vmem>> -> memref<128xi32, #tpu.memory_space<vmem>>
    %dma_wait3A_217 = arith.constant 0 : i32
    %dma_wait3A_218 = arith.constant 0 : i32
    %dma_wait3A_219 = tpu.memref_slice %arg3[%dma_wait3A_217, %dma_wait3A_218] : memref<100000x128xf32, #tpu.memory_space<hbm>> -> memref<100000x128xf32, #tpu.memory_space<hbm>>
    tpu.wait_indirect_dma semaphore(%arg9 : memref<!tpu.dma_semaphore, #tpu.memory_space<semaphore_mem>>) src(%dma_wait3A_219 : memref<100000x128xf32, #tpu.memory_space<hbm>>) dst(%arg7 : memref<128x128xf32, #tpu.memory_space<vmem>>)
    %add3A_220 = arith.constant 2176 : i32
    %add3A_221 = arith.addi %mul3A_2, %add3A_220 : i32
    "tpu.region"() ({
      %run_scoped3A = tpu.sem_alloc : memref<!tpu.dma_semaphore, #tpu.memory_space<semaphore_mem>>
      %dma_start3A_301 = arith.constant 0 : i32
      %dma_start3A_302 = tpu.memref_slice %arg4[%add3A_221, %dma_start3A_301] : memref<102400x128xf32, #tpu.memory_space<hbm>> -> memref<128x128xf32, #tpu.memory_space<hbm>>
      %dma_start3A_303 = arith.constant 0 : i32
      %dma_start3A_304 = tpu.memref_slice %arg4[%add3A_221, %dma_start3A_303] : memref<102400x128xf32, #tpu.memory_space<hbm>> -> memref<128x128xf32, #tpu.memory_space<hbm>>
      tpu.enqueue_dma source(%arg7 : memref<128x128xf32, #tpu.memory_space<vmem>>) target(%dma_start3A_304 : memref<128x128xf32, #tpu.memory_space<hbm>>) target_semaphore(%run_scoped3A : memref<!tpu.dma_semaphore, #tpu.memory_space<semaphore_mem>>)
      %dma_wait3A_305 = arith.constant 0 : i32
      %dma_wait3A_306 = tpu.memref_slice %arg4[%add3A_221, %dma_wait3A_305] : memref<102400x128xf32, #tpu.memory_space<hbm>> -> memref<128x128xf32, #tpu.memory_space<hbm>>
      %dma_wait3A_307 = arith.constant 0 : i32
      %dma_wait3A_308 = tpu.memref_slice %arg4[%add3A_221, %dma_wait3A_307] : memref<102400x128xf32, #tpu.memory_space<hbm>> -> memref<128x128xf32, #tpu.memory_space<hbm>>
      tpu.wait_dma2 semaphore(%run_scoped3A : memref<!tpu.dma_semaphore, #tpu.memory_space<semaphore_mem>>) src(%arg7 : memref<128x128xf32, #tpu.memory_space<vmem>>) dst(%dma_wait3A_308 : memref<128x128xf32, #tpu.memory_space<hbm>>)
      tpu.yield
    }) : () -> ()
    %dma_start3A_222 = arith.constant 2432 : i32
    %dma_start3A_223 = tpu.memref_slice %arg5[%dma_start3A_222] : memref<3200xi32, #tpu.memory_space<vmem>> -> memref<128xi32, #tpu.memory_space<vmem>>
    %dma_start3A_224 = arith.constant 0 : i32
    %dma_start3A_225 = arith.constant 0 : i32
    %dma_start3A_226 = tpu.memref_slice %arg3[%dma_start3A_224, %dma_start3A_225] : memref<100000x128xf32, #tpu.memory_space<hbm>> -> memref<100000x128xf32, #tpu.memory_space<hbm>>
    tpu.enqueue_indirect_dma source(%dma_start3A_226 : memref<100000x128xf32, #tpu.memory_space<hbm>>) target(%arg7 : memref<128x128xf32, #tpu.memory_space<vmem>>) offsets(%dma_start3A_223 : memref<128xi32, #tpu.memory_space<vmem>>) semaphore(%arg9 : memref<!tpu.dma_semaphore, #tpu.memory_space<semaphore_mem>>)
    %dma_wait3A_227 = arith.constant 2304 : i32
    %dma_wait3A_228 = tpu.memref_slice %arg5[%dma_wait3A_227] : memref<3200xi32, #tpu.memory_space<vmem>> -> memref<128xi32, #tpu.memory_space<vmem>>
    %dma_wait3A_229 = arith.constant 0 : i32
    %dma_wait3A_230 = arith.constant 0 : i32
    %dma_wait3A_231 = tpu.memref_slice %arg3[%dma_wait3A_229, %dma_wait3A_230] : memref<100000x128xf32, #tpu.memory_space<hbm>> -> memref<100000x128xf32, #tpu.memory_space<hbm>>
    tpu.wait_indirect_dma semaphore(%arg8 : memref<!tpu.dma_semaphore, #tpu.memory_space<semaphore_mem>>) src(%dma_wait3A_231 : memref<100000x128xf32, #tpu.memory_space<hbm>>) dst(%arg6 : memref<128x128xf32, #tpu.memory_space<vmem>>)
    %add3A_232 = arith.constant 2304 : i32
    %add3A_233 = arith.addi %mul3A_2, %add3A_232 : i32
    "tpu.region"() ({
      %run_scoped3A = tpu.sem_alloc : memref<!tpu.dma_semaphore, #tpu.memory_space<semaphore_mem>>
      %dma_start3A_301 = arith.constant 0 : i32
      %dma_start3A_302 = tpu.memref_slice %arg4[%add3A_233, %dma_start3A_301] : memref<102400x128xf32, #tpu.memory_space<hbm>> -> memref<128x128xf32, #tpu.memory_space<hbm>>
      %dma_start3A_303 = arith.constant 0 : i32
      %dma_start3A_304 = tpu.memref_slice %arg4[%add3A_233, %dma_start3A_303] : memref<102400x128xf32, #tpu.memory_space<hbm>> -> memref<128x128xf32, #tpu.memory_space<hbm>>
      tpu.enqueue_dma source(%arg6 : memref<128x128xf32, #tpu.memory_space<vmem>>) target(%dma_start3A_304 : memref<128x128xf32, #tpu.memory_space<hbm>>) target_semaphore(%run_scoped3A : memref<!tpu.dma_semaphore, #tpu.memory_space<semaphore_mem>>)
      %dma_wait3A_305 = arith.constant 0 : i32
      %dma_wait3A_306 = tpu.memref_slice %arg4[%add3A_233, %dma_wait3A_305] : memref<102400x128xf32, #tpu.memory_space<hbm>> -> memref<128x128xf32, #tpu.memory_space<hbm>>
      %dma_wait3A_307 = arith.constant 0 : i32
      %dma_wait3A_308 = tpu.memref_slice %arg4[%add3A_233, %dma_wait3A_307] : memref<102400x128xf32, #tpu.memory_space<hbm>> -> memref<128x128xf32, #tpu.memory_space<hbm>>
      tpu.wait_dma2 semaphore(%run_scoped3A : memref<!tpu.dma_semaphore, #tpu.memory_space<semaphore_mem>>) src(%arg6 : memref<128x128xf32, #tpu.memory_space<vmem>>) dst(%dma_wait3A_308 : memref<128x128xf32, #tpu.memory_space<hbm>>)
      tpu.yield
    }) : () -> ()
    %dma_start3A_234 = arith.constant 2560 : i32
    %dma_start3A_235 = tpu.memref_slice %arg5[%dma_start3A_234] : memref<3200xi32, #tpu.memory_space<vmem>> -> memref<128xi32, #tpu.memory_space<vmem>>
    %dma_start3A_236 = arith.constant 0 : i32
    %dma_start3A_237 = arith.constant 0 : i32
    %dma_start3A_238 = tpu.memref_slice %arg3[%dma_start3A_236, %dma_start3A_237] : memref<100000x128xf32, #tpu.memory_space<hbm>> -> memref<100000x128xf32, #tpu.memory_space<hbm>>
    tpu.enqueue_indirect_dma source(%dma_start3A_238 : memref<100000x128xf32, #tpu.memory_space<hbm>>) target(%arg6 : memref<128x128xf32, #tpu.memory_space<vmem>>) offsets(%dma_start3A_235 : memref<128xi32, #tpu.memory_space<vmem>>) semaphore(%arg8 : memref<!tpu.dma_semaphore, #tpu.memory_space<semaphore_mem>>)
    %dma_wait3A_239 = arith.constant 2432 : i32
    %dma_wait3A_240 = tpu.memref_slice %arg5[%dma_wait3A_239] : memref<3200xi32, #tpu.memory_space<vmem>> -> memref<128xi32, #tpu.memory_space<vmem>>
    %dma_wait3A_241 = arith.constant 0 : i32
    %dma_wait3A_242 = arith.constant 0 : i32
    %dma_wait3A_243 = tpu.memref_slice %arg3[%dma_wait3A_241, %dma_wait3A_242] : memref<100000x128xf32, #tpu.memory_space<hbm>> -> memref<100000x128xf32, #tpu.memory_space<hbm>>
    tpu.wait_indirect_dma semaphore(%arg9 : memref<!tpu.dma_semaphore, #tpu.memory_space<semaphore_mem>>) src(%dma_wait3A_243 : memref<100000x128xf32, #tpu.memory_space<hbm>>) dst(%arg7 : memref<128x128xf32, #tpu.memory_space<vmem>>)
    %add3A_244 = arith.constant 2432 : i32
    %add3A_245 = arith.addi %mul3A_2, %add3A_244 : i32
    "tpu.region"() ({
      %run_scoped3A = tpu.sem_alloc : memref<!tpu.dma_semaphore, #tpu.memory_space<semaphore_mem>>
      %dma_start3A_301 = arith.constant 0 : i32
      %dma_start3A_302 = tpu.memref_slice %arg4[%add3A_245, %dma_start3A_301] : memref<102400x128xf32, #tpu.memory_space<hbm>> -> memref<128x128xf32, #tpu.memory_space<hbm>>
      %dma_start3A_303 = arith.constant 0 : i32
      %dma_start3A_304 = tpu.memref_slice %arg4[%add3A_245, %dma_start3A_303] : memref<102400x128xf32, #tpu.memory_space<hbm>> -> memref<128x128xf32, #tpu.memory_space<hbm>>
      tpu.enqueue_dma source(%arg7 : memref<128x128xf32, #tpu.memory_space<vmem>>) target(%dma_start3A_304 : memref<128x128xf32, #tpu.memory_space<hbm>>) target_semaphore(%run_scoped3A : memref<!tpu.dma_semaphore, #tpu.memory_space<semaphore_mem>>)
      %dma_wait3A_305 = arith.constant 0 : i32
      %dma_wait3A_306 = tpu.memref_slice %arg4[%add3A_245, %dma_wait3A_305] : memref<102400x128xf32, #tpu.memory_space<hbm>> -> memref<128x128xf32, #tpu.memory_space<hbm>>
      %dma_wait3A_307 = arith.constant 0 : i32
      %dma_wait3A_308 = tpu.memref_slice %arg4[%add3A_245, %dma_wait3A_307] : memref<102400x128xf32, #tpu.memory_space<hbm>> -> memref<128x128xf32, #tpu.memory_space<hbm>>
      tpu.wait_dma2 semaphore(%run_scoped3A : memref<!tpu.dma_semaphore, #tpu.memory_space<semaphore_mem>>) src(%arg7 : memref<128x128xf32, #tpu.memory_space<vmem>>) dst(%dma_wait3A_308 : memref<128x128xf32, #tpu.memory_space<hbm>>)
      tpu.yield
    }) : () -> ()
    %dma_start3A_246 = arith.constant 2688 : i32
    %dma_start3A_247 = tpu.memref_slice %arg5[%dma_start3A_246] : memref<3200xi32, #tpu.memory_space<vmem>> -> memref<128xi32, #tpu.memory_space<vmem>>
    %dma_start3A_248 = arith.constant 0 : i32
    %dma_start3A_249 = arith.constant 0 : i32
    %dma_start3A_250 = tpu.memref_slice %arg3[%dma_start3A_248, %dma_start3A_249] : memref<100000x128xf32, #tpu.memory_space<hbm>> -> memref<100000x128xf32, #tpu.memory_space<hbm>>
    tpu.enqueue_indirect_dma source(%dma_start3A_250 : memref<100000x128xf32, #tpu.memory_space<hbm>>) target(%arg7 : memref<128x128xf32, #tpu.memory_space<vmem>>) offsets(%dma_start3A_247 : memref<128xi32, #tpu.memory_space<vmem>>) semaphore(%arg9 : memref<!tpu.dma_semaphore, #tpu.memory_space<semaphore_mem>>)
    %dma_wait3A_251 = arith.constant 2560 : i32
    %dma_wait3A_252 = tpu.memref_slice %arg5[%dma_wait3A_251] : memref<3200xi32, #tpu.memory_space<vmem>> -> memref<128xi32, #tpu.memory_space<vmem>>
    %dma_wait3A_253 = arith.constant 0 : i32
    %dma_wait3A_254 = arith.constant 0 : i32
    %dma_wait3A_255 = tpu.memref_slice %arg3[%dma_wait3A_253, %dma_wait3A_254] : memref<100000x128xf32, #tpu.memory_space<hbm>> -> memref<100000x128xf32, #tpu.memory_space<hbm>>
    tpu.wait_indirect_dma semaphore(%arg8 : memref<!tpu.dma_semaphore, #tpu.memory_space<semaphore_mem>>) src(%dma_wait3A_255 : memref<100000x128xf32, #tpu.memory_space<hbm>>) dst(%arg6 : memref<128x128xf32, #tpu.memory_space<vmem>>)
    %add3A_256 = arith.constant 2560 : i32
    %add3A_257 = arith.addi %mul3A_2, %add3A_256 : i32
    "tpu.region"() ({
      %run_scoped3A = tpu.sem_alloc : memref<!tpu.dma_semaphore, #tpu.memory_space<semaphore_mem>>
      %dma_start3A_301 = arith.constant 0 : i32
      %dma_start3A_302 = tpu.memref_slice %arg4[%add3A_257, %dma_start3A_301] : memref<102400x128xf32, #tpu.memory_space<hbm>> -> memref<128x128xf32, #tpu.memory_space<hbm>>
      %dma_start3A_303 = arith.constant 0 : i32
      %dma_start3A_304 = tpu.memref_slice %arg4[%add3A_257, %dma_start3A_303] : memref<102400x128xf32, #tpu.memory_space<hbm>> -> memref<128x128xf32, #tpu.memory_space<hbm>>
      tpu.enqueue_dma source(%arg6 : memref<128x128xf32, #tpu.memory_space<vmem>>) target(%dma_start3A_304 : memref<128x128xf32, #tpu.memory_space<hbm>>) target_semaphore(%run_scoped3A : memref<!tpu.dma_semaphore, #tpu.memory_space<semaphore_mem>>)
      %dma_wait3A_305 = arith.constant 0 : i32
      %dma_wait3A_306 = tpu.memref_slice %arg4[%add3A_257, %dma_wait3A_305] : memref<102400x128xf32, #tpu.memory_space<hbm>> -> memref<128x128xf32, #tpu.memory_space<hbm>>
      %dma_wait3A_307 = arith.constant 0 : i32
      %dma_wait3A_308 = tpu.memref_slice %arg4[%add3A_257, %dma_wait3A_307] : memref<102400x128xf32, #tpu.memory_space<hbm>> -> memref<128x128xf32, #tpu.memory_space<hbm>>
      tpu.wait_dma2 semaphore(%run_scoped3A : memref<!tpu.dma_semaphore, #tpu.memory_space<semaphore_mem>>) src(%arg6 : memref<128x128xf32, #tpu.memory_space<vmem>>) dst(%dma_wait3A_308 : memref<128x128xf32, #tpu.memory_space<hbm>>)
      tpu.yield
    }) : () -> ()
    %dma_start3A_258 = arith.constant 2816 : i32
    %dma_start3A_259 = tpu.memref_slice %arg5[%dma_start3A_258] : memref<3200xi32, #tpu.memory_space<vmem>> -> memref<128xi32, #tpu.memory_space<vmem>>
    %dma_start3A_260 = arith.constant 0 : i32
    %dma_start3A_261 = arith.constant 0 : i32
    %dma_start3A_262 = tpu.memref_slice %arg3[%dma_start3A_260, %dma_start3A_261] : memref<100000x128xf32, #tpu.memory_space<hbm>> -> memref<100000x128xf32, #tpu.memory_space<hbm>>
    tpu.enqueue_indirect_dma source(%dma_start3A_262 : memref<100000x128xf32, #tpu.memory_space<hbm>>) target(%arg6 : memref<128x128xf32, #tpu.memory_space<vmem>>) offsets(%dma_start3A_259 : memref<128xi32, #tpu.memory_space<vmem>>) semaphore(%arg8 : memref<!tpu.dma_semaphore, #tpu.memory_space<semaphore_mem>>)
    %dma_wait3A_263 = arith.constant 2688 : i32
    %dma_wait3A_264 = tpu.memref_slice %arg5[%dma_wait3A_263] : memref<3200xi32, #tpu.memory_space<vmem>> -> memref<128xi32, #tpu.memory_space<vmem>>
    %dma_wait3A_265 = arith.constant 0 : i32
    %dma_wait3A_266 = arith.constant 0 : i32
    %dma_wait3A_267 = tpu.memref_slice %arg3[%dma_wait3A_265, %dma_wait3A_266] : memref<100000x128xf32, #tpu.memory_space<hbm>> -> memref<100000x128xf32, #tpu.memory_space<hbm>>
    tpu.wait_indirect_dma semaphore(%arg9 : memref<!tpu.dma_semaphore, #tpu.memory_space<semaphore_mem>>) src(%dma_wait3A_267 : memref<100000x128xf32, #tpu.memory_space<hbm>>) dst(%arg7 : memref<128x128xf32, #tpu.memory_space<vmem>>)
    %add3A_268 = arith.constant 2688 : i32
    %add3A_269 = arith.addi %mul3A_2, %add3A_268 : i32
    "tpu.region"() ({
      %run_scoped3A = tpu.sem_alloc : memref<!tpu.dma_semaphore, #tpu.memory_space<semaphore_mem>>
      %dma_start3A_301 = arith.constant 0 : i32
      %dma_start3A_302 = tpu.memref_slice %arg4[%add3A_269, %dma_start3A_301] : memref<102400x128xf32, #tpu.memory_space<hbm>> -> memref<128x128xf32, #tpu.memory_space<hbm>>
      %dma_start3A_303 = arith.constant 0 : i32
      %dma_start3A_304 = tpu.memref_slice %arg4[%add3A_269, %dma_start3A_303] : memref<102400x128xf32, #tpu.memory_space<hbm>> -> memref<128x128xf32, #tpu.memory_space<hbm>>
      tpu.enqueue_dma source(%arg7 : memref<128x128xf32, #tpu.memory_space<vmem>>) target(%dma_start3A_304 : memref<128x128xf32, #tpu.memory_space<hbm>>) target_semaphore(%run_scoped3A : memref<!tpu.dma_semaphore, #tpu.memory_space<semaphore_mem>>)
      %dma_wait3A_305 = arith.constant 0 : i32
      %dma_wait3A_306 = tpu.memref_slice %arg4[%add3A_269, %dma_wait3A_305] : memref<102400x128xf32, #tpu.memory_space<hbm>> -> memref<128x128xf32, #tpu.memory_space<hbm>>
      %dma_wait3A_307 = arith.constant 0 : i32
      %dma_wait3A_308 = tpu.memref_slice %arg4[%add3A_269, %dma_wait3A_307] : memref<102400x128xf32, #tpu.memory_space<hbm>> -> memref<128x128xf32, #tpu.memory_space<hbm>>
      tpu.wait_dma2 semaphore(%run_scoped3A : memref<!tpu.dma_semaphore, #tpu.memory_space<semaphore_mem>>) src(%arg7 : memref<128x128xf32, #tpu.memory_space<vmem>>) dst(%dma_wait3A_308 : memref<128x128xf32, #tpu.memory_space<hbm>>)
      tpu.yield
    }) : () -> ()
    %dma_start3A_270 = arith.constant 2944 : i32
    %dma_start3A_271 = tpu.memref_slice %arg5[%dma_start3A_270] : memref<3200xi32, #tpu.memory_space<vmem>> -> memref<128xi32, #tpu.memory_space<vmem>>
    %dma_start3A_272 = arith.constant 0 : i32
    %dma_start3A_273 = arith.constant 0 : i32
    %dma_start3A_274 = tpu.memref_slice %arg3[%dma_start3A_272, %dma_start3A_273] : memref<100000x128xf32, #tpu.memory_space<hbm>> -> memref<100000x128xf32, #tpu.memory_space<hbm>>
    tpu.enqueue_indirect_dma source(%dma_start3A_274 : memref<100000x128xf32, #tpu.memory_space<hbm>>) target(%arg7 : memref<128x128xf32, #tpu.memory_space<vmem>>) offsets(%dma_start3A_271 : memref<128xi32, #tpu.memory_space<vmem>>) semaphore(%arg9 : memref<!tpu.dma_semaphore, #tpu.memory_space<semaphore_mem>>)
    %dma_wait3A_275 = arith.constant 2816 : i32
    %dma_wait3A_276 = tpu.memref_slice %arg5[%dma_wait3A_275] : memref<3200xi32, #tpu.memory_space<vmem>> -> memref<128xi32, #tpu.memory_space<vmem>>
    %dma_wait3A_277 = arith.constant 0 : i32
    %dma_wait3A_278 = arith.constant 0 : i32
    %dma_wait3A_279 = tpu.memref_slice %arg3[%dma_wait3A_277, %dma_wait3A_278] : memref<100000x128xf32, #tpu.memory_space<hbm>> -> memref<100000x128xf32, #tpu.memory_space<hbm>>
    tpu.wait_indirect_dma semaphore(%arg8 : memref<!tpu.dma_semaphore, #tpu.memory_space<semaphore_mem>>) src(%dma_wait3A_279 : memref<100000x128xf32, #tpu.memory_space<hbm>>) dst(%arg6 : memref<128x128xf32, #tpu.memory_space<vmem>>)
    %add3A_280 = arith.constant 2816 : i32
    %add3A_281 = arith.addi %mul3A_2, %add3A_280 : i32
    "tpu.region"() ({
      %run_scoped3A = tpu.sem_alloc : memref<!tpu.dma_semaphore, #tpu.memory_space<semaphore_mem>>
      %dma_start3A_301 = arith.constant 0 : i32
      %dma_start3A_302 = tpu.memref_slice %arg4[%add3A_281, %dma_start3A_301] : memref<102400x128xf32, #tpu.memory_space<hbm>> -> memref<128x128xf32, #tpu.memory_space<hbm>>
      %dma_start3A_303 = arith.constant 0 : i32
      %dma_start3A_304 = tpu.memref_slice %arg4[%add3A_281, %dma_start3A_303] : memref<102400x128xf32, #tpu.memory_space<hbm>> -> memref<128x128xf32, #tpu.memory_space<hbm>>
      tpu.enqueue_dma source(%arg6 : memref<128x128xf32, #tpu.memory_space<vmem>>) target(%dma_start3A_304 : memref<128x128xf32, #tpu.memory_space<hbm>>) target_semaphore(%run_scoped3A : memref<!tpu.dma_semaphore, #tpu.memory_space<semaphore_mem>>)
      %dma_wait3A_305 = arith.constant 0 : i32
      %dma_wait3A_306 = tpu.memref_slice %arg4[%add3A_281, %dma_wait3A_305] : memref<102400x128xf32, #tpu.memory_space<hbm>> -> memref<128x128xf32, #tpu.memory_space<hbm>>
      %dma_wait3A_307 = arith.constant 0 : i32
      %dma_wait3A_308 = tpu.memref_slice %arg4[%add3A_281, %dma_wait3A_307] : memref<102400x128xf32, #tpu.memory_space<hbm>> -> memref<128x128xf32, #tpu.memory_space<hbm>>
      tpu.wait_dma2 semaphore(%run_scoped3A : memref<!tpu.dma_semaphore, #tpu.memory_space<semaphore_mem>>) src(%arg6 : memref<128x128xf32, #tpu.memory_space<vmem>>) dst(%dma_wait3A_308 : memref<128x128xf32, #tpu.memory_space<hbm>>)
      tpu.yield
    }) : () -> ()
    %dma_start3A_282 = arith.constant 3072 : i32
    %dma_start3A_283 = tpu.memref_slice %arg5[%dma_start3A_282] : memref<3200xi32, #tpu.memory_space<vmem>> -> memref<128xi32, #tpu.memory_space<vmem>>
    %dma_start3A_284 = arith.constant 0 : i32
    %dma_start3A_285 = arith.constant 0 : i32
    %dma_start3A_286 = tpu.memref_slice %arg3[%dma_start3A_284, %dma_start3A_285] : memref<100000x128xf32, #tpu.memory_space<hbm>> -> memref<100000x128xf32, #tpu.memory_space<hbm>>
    tpu.enqueue_indirect_dma source(%dma_start3A_286 : memref<100000x128xf32, #tpu.memory_space<hbm>>) target(%arg6 : memref<128x128xf32, #tpu.memory_space<vmem>>) offsets(%dma_start3A_283 : memref<128xi32, #tpu.memory_space<vmem>>) semaphore(%arg8 : memref<!tpu.dma_semaphore, #tpu.memory_space<semaphore_mem>>)
    %dma_wait3A_287 = arith.constant 2944 : i32
    %dma_wait3A_288 = tpu.memref_slice %arg5[%dma_wait3A_287] : memref<3200xi32, #tpu.memory_space<vmem>> -> memref<128xi32, #tpu.memory_space<vmem>>
    %dma_wait3A_289 = arith.constant 0 : i32
    %dma_wait3A_290 = arith.constant 0 : i32
    %dma_wait3A_291 = tpu.memref_slice %arg3[%dma_wait3A_289, %dma_wait3A_290] : memref<100000x128xf32, #tpu.memory_space<hbm>> -> memref<100000x128xf32, #tpu.memory_space<hbm>>
    tpu.wait_indirect_dma semaphore(%arg9 : memref<!tpu.dma_semaphore, #tpu.memory_space<semaphore_mem>>) src(%dma_wait3A_291 : memref<100000x128xf32, #tpu.memory_space<hbm>>) dst(%arg7 : memref<128x128xf32, #tpu.memory_space<vmem>>)
    %add3A_292 = arith.constant 2944 : i32
    %add3A_293 = arith.addi %mul3A_2, %add3A_292 : i32
    "tpu.region"() ({
      %run_scoped3A = tpu.sem_alloc : memref<!tpu.dma_semaphore, #tpu.memory_space<semaphore_mem>>
      %dma_start3A_301 = arith.constant 0 : i32
      %dma_start3A_302 = tpu.memref_slice %arg4[%add3A_293, %dma_start3A_301] : memref<102400x128xf32, #tpu.memory_space<hbm>> -> memref<128x128xf32, #tpu.memory_space<hbm>>
      %dma_start3A_303 = arith.constant 0 : i32
      %dma_start3A_304 = tpu.memref_slice %arg4[%add3A_293, %dma_start3A_303] : memref<102400x128xf32, #tpu.memory_space<hbm>> -> memref<128x128xf32, #tpu.memory_space<hbm>>
      tpu.enqueue_dma source(%arg7 : memref<128x128xf32, #tpu.memory_space<vmem>>) target(%dma_start3A_304 : memref<128x128xf32, #tpu.memory_space<hbm>>) target_semaphore(%run_scoped3A : memref<!tpu.dma_semaphore, #tpu.memory_space<semaphore_mem>>)
      %dma_wait3A_305 = arith.constant 0 : i32
      %dma_wait3A_306 = tpu.memref_slice %arg4[%add3A_293, %dma_wait3A_305] : memref<102400x128xf32, #tpu.memory_space<hbm>> -> memref<128x128xf32, #tpu.memory_space<hbm>>
      %dma_wait3A_307 = arith.constant 0 : i32
      %dma_wait3A_308 = tpu.memref_slice %arg4[%add3A_293, %dma_wait3A_307] : memref<102400x128xf32, #tpu.memory_space<hbm>> -> memref<128x128xf32, #tpu.memory_space<hbm>>
      tpu.wait_dma2 semaphore(%run_scoped3A : memref<!tpu.dma_semaphore, #tpu.memory_space<semaphore_mem>>) src(%arg7 : memref<128x128xf32, #tpu.memory_space<vmem>>) dst(%dma_wait3A_308 : memref<128x128xf32, #tpu.memory_space<hbm>>)
      tpu.yield
    }) : () -> ()
    %dma_wait3A_294 = arith.constant 3072 : i32
    %dma_wait3A_295 = tpu.memref_slice %arg5[%dma_wait3A_294] : memref<3200xi32, #tpu.memory_space<vmem>> -> memref<128xi32, #tpu.memory_space<vmem>>
    %dma_wait3A_296 = arith.constant 0 : i32
    %dma_wait3A_297 = arith.constant 0 : i32
    %dma_wait3A_298 = tpu.memref_slice %arg3[%dma_wait3A_296, %dma_wait3A_297] : memref<100000x128xf32, #tpu.memory_space<hbm>> -> memref<100000x128xf32, #tpu.memory_space<hbm>>
    tpu.wait_indirect_dma semaphore(%arg8 : memref<!tpu.dma_semaphore, #tpu.memory_space<semaphore_mem>>) src(%dma_wait3A_298 : memref<100000x128xf32, #tpu.memory_space<hbm>>) dst(%arg6 : memref<128x128xf32, #tpu.memory_space<vmem>>)
    %add3A_299 = arith.constant 3072 : i32
    %add3A_300 = arith.addi %mul3A_2, %add3A_299 : i32
    "tpu.region"() ({
      %run_scoped3A = tpu.sem_alloc : memref<!tpu.dma_semaphore, #tpu.memory_space<semaphore_mem>>
      %dma_start3A_301 = arith.constant 0 : i32
      %dma_start3A_302 = tpu.memref_slice %arg4[%add3A_300, %dma_start3A_301] : memref<102400x128xf32, #tpu.memory_space<hbm>> -> memref<128x128xf32, #tpu.memory_space<hbm>>
      %dma_start3A_303 = arith.constant 0 : i32
      %dma_start3A_304 = tpu.memref_slice %arg4[%add3A_300, %dma_start3A_303] : memref<102400x128xf32, #tpu.memory_space<hbm>> -> memref<128x128xf32, #tpu.memory_space<hbm>>
      tpu.enqueue_dma source(%arg6 : memref<128x128xf32, #tpu.memory_space<vmem>>) target(%dma_start3A_304 : memref<128x128xf32, #tpu.memory_space<hbm>>) target_semaphore(%run_scoped3A : memref<!tpu.dma_semaphore, #tpu.memory_space<semaphore_mem>>)
      %dma_wait3A_305 = arith.constant 0 : i32
      %dma_wait3A_306 = tpu.memref_slice %arg4[%add3A_300, %dma_wait3A_305] : memref<102400x128xf32, #tpu.memory_space<hbm>> -> memref<128x128xf32, #tpu.memory_space<hbm>>
      %dma_wait3A_307 = arith.constant 0 : i32
      %dma_wait3A_308 = tpu.memref_slice %arg4[%add3A_300, %dma_wait3A_307] : memref<102400x128xf32, #tpu.memory_space<hbm>> -> memref<128x128xf32, #tpu.memory_space<hbm>>
      tpu.wait_dma2 semaphore(%run_scoped3A : memref<!tpu.dma_semaphore, #tpu.memory_space<semaphore_mem>>) src(%arg6 : memref<128x128xf32, #tpu.memory_space<vmem>>) dst(%dma_wait3A_308 : memref<128x128xf32, #tpu.memory_space<hbm>>)
      tpu.yield
    }) : () -> ()
    return
  }
}

#map = affine_map<(d0, d1) -> (0, 0)>
module attributes {stable_mosaic.version = 14 : i64} {
  func.func @_gather_kernel(%arg0: i32, %arg1: i32, %arg2: memref<32x3200xi32, #tpu.memory_space<hbm>>, %arg3: memref<100000x128xf32, #tpu.memory_space<hbm>>, %arg4: memref<102400x128xf32, #tpu.memory_space<hbm>>, %arg5: memref<3200xi32, #tpu.memory_space<vmem>>, %arg6: memref<128x128xf32, #tpu.memory_space<vmem>>, %arg7: memref<128x128xf32, #tpu.memory_space<vmem>>, %arg8: memref<!tpu.dma_semaphore, #tpu.memory_space<semaphore_mem>>, %arg9: memref<!tpu.dma_semaphore, #tpu.memory_space<semaphore_mem>>) attributes {dimension_semantics = [#tpu.dimension_semantics<core_parallel>, #tpu.dimension_semantics<subcore_parallel>], iteration_bounds = array<i64: 2, 16>, scalar_prefetch = 0 : i64, scratch_operands = 5 : i64, tpu.core_type = #tpu.core_type<sc_vector_subcore>, window_params = [{transform_indices = #map}, {transform_indices = #map}, {transform_indices = #map}]} {
    %mul3A = arith.constant 2 : i32
    %mul3A_0 = arith.muli %arg1, %mul3A : i32
    %add3A = arith.addi %mul3A_0, %arg0 : i32
    %mul3A_1 = arith.constant 3200 : i32
    %mul3A_2 = arith.muli %add3A, %mul3A_1 : i32
    "tpu.region"() ({
      %run_scoped3A = tpu.sem_alloc : memref<!tpu.dma_semaphore, #tpu.memory_space<semaphore_mem>>
      %dma_start3A_301 = arith.constant 0 : i32
      %dma_start3A_302 = tpu.memref_slice %arg2[%add3A, %dma_start3A_301] : memref<32x3200xi32, #tpu.memory_space<hbm>> -> memref<1x3200xi32, #tpu.memory_space<hbm>>
      %dma_start3A_303 = tpu.memref_squeeze %dma_start3A_302 : memref<1x3200xi32, #tpu.memory_space<hbm>> -> memref<3200xi32, #tpu.memory_space<hbm>>
      %dma_start3A_304 = arith.constant 0 : i32
      %dma_start3A_305 = tpu.memref_slice %arg2[%add3A, %dma_start3A_304] : memref<32x3200xi32, #tpu.memory_space<hbm>> -> memref<1x3200xi32, #tpu.memory_space<hbm>>
      %dma_start3A_306 = tpu.memref_squeeze %dma_start3A_305 : memref<1x3200xi32, #tpu.memory_space<hbm>> -> memref<3200xi32, #tpu.memory_space<hbm>>
      tpu.enqueue_dma source(%dma_start3A_306 : memref<3200xi32, #tpu.memory_space<hbm>>) target(%arg5 : memref<3200xi32, #tpu.memory_space<vmem>>) target_semaphore(%run_scoped3A : memref<!tpu.dma_semaphore, #tpu.memory_space<semaphore_mem>>)
      %dma_wait3A_307 = arith.constant 0 : i32
      %dma_wait3A_308 = tpu.memref_slice %arg2[%add3A, %dma_wait3A_307] : memref<32x3200xi32, #tpu.memory_space<hbm>> -> memref<1x3200xi32, #tpu.memory_space<hbm>>
      %dma_wait3A_309 = tpu.memref_squeeze %dma_wait3A_308 : memref<1x3200xi32, #tpu.memory_space<hbm>> -> memref<3200xi32, #tpu.memory_space<hbm>>
      %dma_wait3A_310 = arith.constant 0 : i32
      %dma_wait3A_311 = tpu.memref_slice %arg2[%add3A, %dma_wait3A_310] : memref<32x3200xi32, #tpu.memory_space<hbm>> -> memref<1x3200xi32, #tpu.memory_space<hbm>>
      %dma_wait3A_312 = tpu.memref_squeeze %dma_wait3A_311 : memref<1x3200xi32, #tpu.memory_space<hbm>> -> memref<3200xi32, #tpu.memory_space<hbm>>
      tpu.wait_dma2 semaphore(%run_scoped3A : memref<!tpu.dma_semaphore, #tpu.memory_space<semaphore_mem>>) src(%dma_wait3A_312 : memref<3200xi32, #tpu.memory_space<hbm>>) dst(%arg5 : memref<3200xi32, #tpu.memory_space<vmem>>)
      tpu.yield
    }) : () -> ()
    %dma_start3A = arith.constant 0 : i32
    %dma_start3A_3 = tpu.memref_slice %arg5[%dma_start3A] : memref<3200xi32, #tpu.memory_space<vmem>> -> memref<128xi32, #tpu.memory_space<vmem>>
    %dma_start3A_4 = arith.constant 0 : i32
    %dma_start3A_5 = arith.constant 0 : i32
    %dma_start3A_6 = tpu.memref_slice %arg3[%dma_start3A_4, %dma_start3A_5] : memref<100000x128xf32, #tpu.memory_space<hbm>> -> memref<100000x128xf32, #tpu.memory_space<hbm>>
    tpu.enqueue_indirect_dma source(%dma_start3A_6 : memref<100000x128xf32, #tpu.memory_space<hbm>>) target(%arg6 : memref<128x128xf32, #tpu.memory_space<vmem>>) offsets(%dma_start3A_3 : memref<128xi32, #tpu.memory_space<vmem>>) semaphore(%arg8 : memref<!tpu.dma_semaphore, #tpu.memory_space<semaphore_mem>>)
    %dma_start3A_7 = arith.constant 128 : i32
    %dma_start3A_8 = tpu.memref_slice %arg5[%dma_start3A_7] : memref<3200xi32, #tpu.memory_space<vmem>> -> memref<128xi32, #tpu.memory_space<vmem>>
    %dma_start3A_9 = arith.constant 0 : i32
    %dma_start3A_10 = arith.constant 0 : i32
    %dma_start3A_11 = tpu.memref_slice %arg3[%dma_start3A_9, %dma_start3A_10] : memref<100000x128xf32, #tpu.memory_space<hbm>> -> memref<100000x128xf32, #tpu.memory_space<hbm>>
    tpu.enqueue_indirect_dma source(%dma_start3A_11 : memref<100000x128xf32, #tpu.memory_space<hbm>>) target(%arg7 : memref<128x128xf32, #tpu.memory_space<vmem>>) offsets(%dma_start3A_8 : memref<128xi32, #tpu.memory_space<vmem>>) semaphore(%arg9 : memref<!tpu.dma_semaphore, #tpu.memory_space<semaphore_mem>>)
    %dma_wait3A = arith.constant 0 : i32
    %dma_wait3A_12 = tpu.memref_slice %arg5[%dma_wait3A] : memref<3200xi32, #tpu.memory_space<vmem>> -> memref<128xi32, #tpu.memory_space<vmem>>
    %dma_wait3A_13 = arith.constant 0 : i32
    %dma_wait3A_14 = arith.constant 0 : i32
    %dma_wait3A_15 = tpu.memref_slice %arg3[%dma_wait3A_13, %dma_wait3A_14] : memref<100000x128xf32, #tpu.memory_space<hbm>> -> memref<100000x128xf32, #tpu.memory_space<hbm>>
    tpu.wait_indirect_dma semaphore(%arg8 : memref<!tpu.dma_semaphore, #tpu.memory_space<semaphore_mem>>) src(%dma_wait3A_15 : memref<100000x128xf32, #tpu.memory_space<hbm>>) dst(%arg6 : memref<128x128xf32, #tpu.memory_space<vmem>>)
    %add3A_16 = arith.constant 0 : i32
    %add3A_17 = arith.addi %mul3A_2, %add3A_16 : i32
    "tpu.region"() ({
      %run_scoped3A = tpu.sem_alloc : memref<!tpu.dma_semaphore, #tpu.memory_space<semaphore_mem>>
      %dma_start3A_301 = arith.constant 0 : i32
      %dma_start3A_302 = tpu.memref_slice %arg4[%add3A_17, %dma_start3A_301] : memref<102400x128xf32, #tpu.memory_space<hbm>> -> memref<128x128xf32, #tpu.memory_space<hbm>>
      %dma_start3A_303 = arith.constant 0 : i32
      %dma_start3A_304 = tpu.memref_slice %arg4[%add3A_17, %dma_start3A_303] : memref<102400x128xf32, #tpu.memory_space<hbm>> -> memref<128x128xf32, #tpu.memory_space<hbm>>
      tpu.enqueue_dma source(%arg6 : memref<128x128xf32, #tpu.memory_space<vmem>>) target(%dma_start3A_304 : memref<128x128xf32, #tpu.memory_space<hbm>>) target_semaphore(%run_scoped3A : memref<!tpu.dma_semaphore, #tpu.memory_space<semaphore_mem>>)
      %dma_wait3A_305 = arith.constant 0 : i32
      %dma_wait3A_306 = tpu.memref_slice %arg4[%add3A_17, %dma_wait3A_305] : memref<102400x128xf32, #tpu.memory_space<hbm>> -> memref<128x128xf32, #tpu.memory_space<hbm>>
      %dma_wait3A_307 = arith.constant 0 : i32
      %dma_wait3A_308 = tpu.memref_slice %arg4[%add3A_17, %dma_wait3A_307] : memref<102400x128xf32, #tpu.memory_space<hbm>> -> memref<128x128xf32, #tpu.memory_space<hbm>>
      tpu.wait_dma2 semaphore(%run_scoped3A : memref<!tpu.dma_semaphore, #tpu.memory_space<semaphore_mem>>) src(%arg6 : memref<128x128xf32, #tpu.memory_space<vmem>>) dst(%dma_wait3A_308 : memref<128x128xf32, #tpu.memory_space<hbm>>)
      tpu.yield
    }) : () -> ()
    %dma_start3A_18 = arith.constant 256 : i32
    %dma_start3A_19 = tpu.memref_slice %arg5[%dma_start3A_18] : memref<3200xi32, #tpu.memory_space<vmem>> -> memref<128xi32, #tpu.memory_space<vmem>>
    %dma_start3A_20 = arith.constant 0 : i32
    %dma_start3A_21 = arith.constant 0 : i32
    %dma_start3A_22 = tpu.memref_slice %arg3[%dma_start3A_20, %dma_start3A_21] : memref<100000x128xf32, #tpu.memory_space<hbm>> -> memref<100000x128xf32, #tpu.memory_space<hbm>>
    tpu.enqueue_indirect_dma source(%dma_start3A_22 : memref<100000x128xf32, #tpu.memory_space<hbm>>) target(%arg6 : memref<128x128xf32, #tpu.memory_space<vmem>>) offsets(%dma_start3A_19 : memref<128xi32, #tpu.memory_space<vmem>>) semaphore(%arg8 : memref<!tpu.dma_semaphore, #tpu.memory_space<semaphore_mem>>)
    %dma_wait3A_23 = arith.constant 128 : i32
    %dma_wait3A_24 = tpu.memref_slice %arg5[%dma_wait3A_23] : memref<3200xi32, #tpu.memory_space<vmem>> -> memref<128xi32, #tpu.memory_space<vmem>>
    %dma_wait3A_25 = arith.constant 0 : i32
    %dma_wait3A_26 = arith.constant 0 : i32
    %dma_wait3A_27 = tpu.memref_slice %arg3[%dma_wait3A_25, %dma_wait3A_26] : memref<100000x128xf32, #tpu.memory_space<hbm>> -> memref<100000x128xf32, #tpu.memory_space<hbm>>
    tpu.wait_indirect_dma semaphore(%arg9 : memref<!tpu.dma_semaphore, #tpu.memory_space<semaphore_mem>>) src(%dma_wait3A_27 : memref<100000x128xf32, #tpu.memory_space<hbm>>) dst(%arg7 : memref<128x128xf32, #tpu.memory_space<vmem>>)
    %add3A_28 = arith.constant 128 : i32
    %add3A_29 = arith.addi %mul3A_2, %add3A_28 : i32
    "tpu.region"() ({
      %run_scoped3A = tpu.sem_alloc : memref<!tpu.dma_semaphore, #tpu.memory_space<semaphore_mem>>
      %dma_start3A_301 = arith.constant 0 : i32
      %dma_start3A_302 = tpu.memref_slice %arg4[%add3A_29, %dma_start3A_301] : memref<102400x128xf32, #tpu.memory_space<hbm>> -> memref<128x128xf32, #tpu.memory_space<hbm>>
      %dma_start3A_303 = arith.constant 0 : i32
      %dma_start3A_304 = tpu.memref_slice %arg4[%add3A_29, %dma_start3A_303] : memref<102400x128xf32, #tpu.memory_space<hbm>> -> memref<128x128xf32, #tpu.memory_space<hbm>>
      tpu.enqueue_dma source(%arg7 : memref<128x128xf32, #tpu.memory_space<vmem>>) target(%dma_start3A_304 : memref<128x128xf32, #tpu.memory_space<hbm>>) target_semaphore(%run_scoped3A : memref<!tpu.dma_semaphore, #tpu.memory_space<semaphore_mem>>)
      %dma_wait3A_305 = arith.constant 0 : i32
      %dma_wait3A_306 = tpu.memref_slice %arg4[%add3A_29, %dma_wait3A_305] : memref<102400x128xf32, #tpu.memory_space<hbm>> -> memref<128x128xf32, #tpu.memory_space<hbm>>
      %dma_wait3A_307 = arith.constant 0 : i32
      %dma_wait3A_308 = tpu.memref_slice %arg4[%add3A_29, %dma_wait3A_307] : memref<102400x128xf32, #tpu.memory_space<hbm>> -> memref<128x128xf32, #tpu.memory_space<hbm>>
      tpu.wait_dma2 semaphore(%run_scoped3A : memref<!tpu.dma_semaphore, #tpu.memory_space<semaphore_mem>>) src(%arg7 : memref<128x128xf32, #tpu.memory_space<vmem>>) dst(%dma_wait3A_308 : memref<128x128xf32, #tpu.memory_space<hbm>>)
      tpu.yield
    }) : () -> ()
    %dma_start3A_30 = arith.constant 384 : i32
    %dma_start3A_31 = tpu.memref_slice %arg5[%dma_start3A_30] : memref<3200xi32, #tpu.memory_space<vmem>> -> memref<128xi32, #tpu.memory_space<vmem>>
    %dma_start3A_32 = arith.constant 0 : i32
    %dma_start3A_33 = arith.constant 0 : i32
    %dma_start3A_34 = tpu.memref_slice %arg3[%dma_start3A_32, %dma_start3A_33] : memref<100000x128xf32, #tpu.memory_space<hbm>> -> memref<100000x128xf32, #tpu.memory_space<hbm>>
    tpu.enqueue_indirect_dma source(%dma_start3A_34 : memref<100000x128xf32, #tpu.memory_space<hbm>>) target(%arg7 : memref<128x128xf32, #tpu.memory_space<vmem>>) offsets(%dma_start3A_31 : memref<128xi32, #tpu.memory_space<vmem>>) semaphore(%arg9 : memref<!tpu.dma_semaphore, #tpu.memory_space<semaphore_mem>>)
    %dma_wait3A_35 = arith.constant 256 : i32
    %dma_wait3A_36 = tpu.memref_slice %arg5[%dma_wait3A_35] : memref<3200xi32, #tpu.memory_space<vmem>> -> memref<128xi32, #tpu.memory_space<vmem>>
    %dma_wait3A_37 = arith.constant 0 : i32
    %dma_wait3A_38 = arith.constant 0 : i32
    %dma_wait3A_39 = tpu.memref_slice %arg3[%dma_wait3A_37, %dma_wait3A_38] : memref<100000x128xf32, #tpu.memory_space<hbm>> -> memref<100000x128xf32, #tpu.memory_space<hbm>>
    tpu.wait_indirect_dma semaphore(%arg8 : memref<!tpu.dma_semaphore, #tpu.memory_space<semaphore_mem>>) src(%dma_wait3A_39 : memref<100000x128xf32, #tpu.memory_space<hbm>>) dst(%arg6 : memref<128x128xf32, #tpu.memory_space<vmem>>)
    %add3A_40 = arith.constant 256 : i32
    %add3A_41 = arith.addi %mul3A_2, %add3A_40 : i32
    "tpu.region"() ({
      %run_scoped3A = tpu.sem_alloc : memref<!tpu.dma_semaphore, #tpu.memory_space<semaphore_mem>>
      %dma_start3A_301 = arith.constant 0 : i32
      %dma_start3A_302 = tpu.memref_slice %arg4[%add3A_41, %dma_start3A_301] : memref<102400x128xf32, #tpu.memory_space<hbm>> -> memref<128x128xf32, #tpu.memory_space<hbm>>
      %dma_start3A_303 = arith.constant 0 : i32
      %dma_start3A_304 = tpu.memref_slice %arg4[%add3A_41, %dma_start3A_303] : memref<102400x128xf32, #tpu.memory_space<hbm>> -> memref<128x128xf32, #tpu.memory_space<hbm>>
      tpu.enqueue_dma source(%arg6 : memref<128x128xf32, #tpu.memory_space<vmem>>) target(%dma_start3A_304 : memref<128x128xf32, #tpu.memory_space<hbm>>) target_semaphore(%run_scoped3A : memref<!tpu.dma_semaphore, #tpu.memory_space<semaphore_mem>>)
      %dma_wait3A_305 = arith.constant 0 : i32
      %dma_wait3A_306 = tpu.memref_slice %arg4[%add3A_41, %dma_wait3A_305] : memref<102400x128xf32, #tpu.memory_space<hbm>> -> memref<128x128xf32, #tpu.memory_space<hbm>>
      %dma_wait3A_307 = arith.constant 0 : i32
      %dma_wait3A_308 = tpu.memref_slice %arg4[%add3A_41, %dma_wait3A_307] : memref<102400x128xf32, #tpu.memory_space<hbm>> -> memref<128x128xf32, #tpu.memory_space<hbm>>
      tpu.wait_dma2 semaphore(%run_scoped3A : memref<!tpu.dma_semaphore, #tpu.memory_space<semaphore_mem>>) src(%arg6 : memref<128x128xf32, #tpu.memory_space<vmem>>) dst(%dma_wait3A_308 : memref<128x128xf32, #tpu.memory_space<hbm>>)
      tpu.yield
    }) : () -> ()
    %dma_start3A_42 = arith.constant 512 : i32
    %dma_start3A_43 = tpu.memref_slice %arg5[%dma_start3A_42] : memref<3200xi32, #tpu.memory_space<vmem>> -> memref<128xi32, #tpu.memory_space<vmem>>
    %dma_start3A_44 = arith.constant 0 : i32
    %dma_start3A_45 = arith.constant 0 : i32
    %dma_start3A_46 = tpu.memref_slice %arg3[%dma_start3A_44, %dma_start3A_45] : memref<100000x128xf32, #tpu.memory_space<hbm>> -> memref<100000x128xf32, #tpu.memory_space<hbm>>
    tpu.enqueue_indirect_dma source(%dma_start3A_46 : memref<100000x128xf32, #tpu.memory_space<hbm>>) target(%arg6 : memref<128x128xf32, #tpu.memory_space<vmem>>) offsets(%dma_start3A_43 : memref<128xi32, #tpu.memory_space<vmem>>) semaphore(%arg8 : memref<!tpu.dma_semaphore, #tpu.memory_space<semaphore_mem>>)
    %dma_wait3A_47 = arith.constant 384 : i32
    %dma_wait3A_48 = tpu.memref_slice %arg5[%dma_wait3A_47] : memref<3200xi32, #tpu.memory_space<vmem>> -> memref<128xi32, #tpu.memory_space<vmem>>
    %dma_wait3A_49 = arith.constant 0 : i32
    %dma_wait3A_50 = arith.constant 0 : i32
    %dma_wait3A_51 = tpu.memref_slice %arg3[%dma_wait3A_49, %dma_wait3A_50] : memref<100000x128xf32, #tpu.memory_space<hbm>> -> memref<100000x128xf32, #tpu.memory_space<hbm>>
    tpu.wait_indirect_dma semaphore(%arg9 : memref<!tpu.dma_semaphore, #tpu.memory_space<semaphore_mem>>) src(%dma_wait3A_51 : memref<100000x128xf32, #tpu.memory_space<hbm>>) dst(%arg7 : memref<128x128xf32, #tpu.memory_space<vmem>>)
    %add3A_52 = arith.constant 384 : i32
    %add3A_53 = arith.addi %mul3A_2, %add3A_52 : i32
    "tpu.region"() ({
      %run_scoped3A = tpu.sem_alloc : memref<!tpu.dma_semaphore, #tpu.memory_space<semaphore_mem>>
      %dma_start3A_301 = arith.constant 0 : i32
      %dma_start3A_302 = tpu.memref_slice %arg4[%add3A_53, %dma_start3A_301] : memref<102400x128xf32, #tpu.memory_space<hbm>> -> memref<128x128xf32, #tpu.memory_space<hbm>>
      %dma_start3A_303 = arith.constant 0 : i32
      %dma_start3A_304 = tpu.memref_slice %arg4[%add3A_53, %dma_start3A_303] : memref<102400x128xf32, #tpu.memory_space<hbm>> -> memref<128x128xf32, #tpu.memory_space<hbm>>
      tpu.enqueue_dma source(%arg7 : memref<128x128xf32, #tpu.memory_space<vmem>>) target(%dma_start3A_304 : memref<128x128xf32, #tpu.memory_space<hbm>>) target_semaphore(%run_scoped3A : memref<!tpu.dma_semaphore, #tpu.memory_space<semaphore_mem>>)
      %dma_wait3A_305 = arith.constant 0 : i32
      %dma_wait3A_306 = tpu.memref_slice %arg4[%add3A_53, %dma_wait3A_305] : memref<102400x128xf32, #tpu.memory_space<hbm>> -> memref<128x128xf32, #tpu.memory_space<hbm>>
      %dma_wait3A_307 = arith.constant 0 : i32
      %dma_wait3A_308 = tpu.memref_slice %arg4[%add3A_53, %dma_wait3A_307] : memref<102400x128xf32, #tpu.memory_space<hbm>> -> memref<128x128xf32, #tpu.memory_space<hbm>>
      tpu.wait_dma2 semaphore(%run_scoped3A : memref<!tpu.dma_semaphore, #tpu.memory_space<semaphore_mem>>) src(%arg7 : memref<128x128xf32, #tpu.memory_space<vmem>>) dst(%dma_wait3A_308 : memref<128x128xf32, #tpu.memory_space<hbm>>)
      tpu.yield
    }) : () -> ()
    %dma_start3A_54 = arith.constant 640 : i32
    %dma_start3A_55 = tpu.memref_slice %arg5[%dma_start3A_54] : memref<3200xi32, #tpu.memory_space<vmem>> -> memref<128xi32, #tpu.memory_space<vmem>>
    %dma_start3A_56 = arith.constant 0 : i32
    %dma_start3A_57 = arith.constant 0 : i32
    %dma_start3A_58 = tpu.memref_slice %arg3[%dma_start3A_56, %dma_start3A_57] : memref<100000x128xf32, #tpu.memory_space<hbm>> -> memref<100000x128xf32, #tpu.memory_space<hbm>>
    tpu.enqueue_indirect_dma source(%dma_start3A_58 : memref<100000x128xf32, #tpu.memory_space<hbm>>) target(%arg7 : memref<128x128xf32, #tpu.memory_space<vmem>>) offsets(%dma_start3A_55 : memref<128xi32, #tpu.memory_space<vmem>>) semaphore(%arg9 : memref<!tpu.dma_semaphore, #tpu.memory_space<semaphore_mem>>)
    %dma_wait3A_59 = arith.constant 512 : i32
    %dma_wait3A_60 = tpu.memref_slice %arg5[%dma_wait3A_59] : memref<3200xi32, #tpu.memory_space<vmem>> -> memref<128xi32, #tpu.memory_space<vmem>>
    %dma_wait3A_61 = arith.constant 0 : i32
    %dma_wait3A_62 = arith.constant 0 : i32
    %dma_wait3A_63 = tpu.memref_slice %arg3[%dma_wait3A_61, %dma_wait3A_62] : memref<100000x128xf32, #tpu.memory_space<hbm>> -> memref<100000x128xf32, #tpu.memory_space<hbm>>
    tpu.wait_indirect_dma semaphore(%arg8 : memref<!tpu.dma_semaphore, #tpu.memory_space<semaphore_mem>>) src(%dma_wait3A_63 : memref<100000x128xf32, #tpu.memory_space<hbm>>) dst(%arg6 : memref<128x128xf32, #tpu.memory_space<vmem>>)
    %add3A_64 = arith.constant 512 : i32
    %add3A_65 = arith.addi %mul3A_2, %add3A_64 : i32
    "tpu.region"() ({
      %run_scoped3A = tpu.sem_alloc : memref<!tpu.dma_semaphore, #tpu.memory_space<semaphore_mem>>
      %dma_start3A_301 = arith.constant 0 : i32
      %dma_start3A_302 = tpu.memref_slice %arg4[%add3A_65, %dma_start3A_301] : memref<102400x128xf32, #tpu.memory_space<hbm>> -> memref<128x128xf32, #tpu.memory_space<hbm>>
      %dma_start3A_303 = arith.constant 0 : i32
      %dma_start3A_304 = tpu.memref_slice %arg4[%add3A_65, %dma_start3A_303] : memref<102400x128xf32, #tpu.memory_space<hbm>> -> memref<128x128xf32, #tpu.memory_space<hbm>>
      tpu.enqueue_dma source(%arg6 : memref<128x128xf32, #tpu.memory_space<vmem>>) target(%dma_start3A_304 : memref<128x128xf32, #tpu.memory_space<hbm>>) target_semaphore(%run_scoped3A : memref<!tpu.dma_semaphore, #tpu.memory_space<semaphore_mem>>)
      %dma_wait3A_305 = arith.constant 0 : i32
      %dma_wait3A_306 = tpu.memref_slice %arg4[%add3A_65, %dma_wait3A_305] : memref<102400x128xf32, #tpu.memory_space<hbm>> -> memref<128x128xf32, #tpu.memory_space<hbm>>
      %dma_wait3A_307 = arith.constant 0 : i32
      %dma_wait3A_308 = tpu.memref_slice %arg4[%add3A_65, %dma_wait3A_307] : memref<102400x128xf32, #tpu.memory_space<hbm>> -> memref<128x128xf32, #tpu.memory_space<hbm>>
      tpu.wait_dma2 semaphore(%run_scoped3A : memref<!tpu.dma_semaphore, #tpu.memory_space<semaphore_mem>>) src(%arg6 : memref<128x128xf32, #tpu.memory_space<vmem>>) dst(%dma_wait3A_308 : memref<128x128xf32, #tpu.memory_space<hbm>>)
      tpu.yield
    }) : () -> ()
    %dma_start3A_66 = arith.constant 768 : i32
    %dma_start3A_67 = tpu.memref_slice %arg5[%dma_start3A_66] : memref<3200xi32, #tpu.memory_space<vmem>> -> memref<128xi32, #tpu.memory_space<vmem>>
    %dma_start3A_68 = arith.constant 0 : i32
    %dma_start3A_69 = arith.constant 0 : i32
    %dma_start3A_70 = tpu.memref_slice %arg3[%dma_start3A_68, %dma_start3A_69] : memref<100000x128xf32, #tpu.memory_space<hbm>> -> memref<100000x128xf32, #tpu.memory_space<hbm>>
    tpu.enqueue_indirect_dma source(%dma_start3A_70 : memref<100000x128xf32, #tpu.memory_space<hbm>>) target(%arg6 : memref<128x128xf32, #tpu.memory_space<vmem>>) offsets(%dma_start3A_67 : memref<128xi32, #tpu.memory_space<vmem>>) semaphore(%arg8 : memref<!tpu.dma_semaphore, #tpu.memory_space<semaphore_mem>>)
    %dma_wait3A_71 = arith.constant 640 : i32
    %dma_wait3A_72 = tpu.memref_slice %arg5[%dma_wait3A_71] : memref<3200xi32, #tpu.memory_space<vmem>> -> memref<128xi32, #tpu.memory_space<vmem>>
    %dma_wait3A_73 = arith.constant 0 : i32
    %dma_wait3A_74 = arith.constant 0 : i32
    %dma_wait3A_75 = tpu.memref_slice %arg3[%dma_wait3A_73, %dma_wait3A_74] : memref<100000x128xf32, #tpu.memory_space<hbm>> -> memref<100000x128xf32, #tpu.memory_space<hbm>>
    tpu.wait_indirect_dma semaphore(%arg9 : memref<!tpu.dma_semaphore, #tpu.memory_space<semaphore_mem>>) src(%dma_wait3A_75 : memref<100000x128xf32, #tpu.memory_space<hbm>>) dst(%arg7 : memref<128x128xf32, #tpu.memory_space<vmem>>)
    %add3A_76 = arith.constant 640 : i32
    %add3A_77 = arith.addi %mul3A_2, %add3A_76 : i32
    "tpu.region"() ({
      %run_scoped3A = tpu.sem_alloc : memref<!tpu.dma_semaphore, #tpu.memory_space<semaphore_mem>>
      %dma_start3A_301 = arith.constant 0 : i32
      %dma_start3A_302 = tpu.memref_slice %arg4[%add3A_77, %dma_start3A_301] : memref<102400x128xf32, #tpu.memory_space<hbm>> -> memref<128x128xf32, #tpu.memory_space<hbm>>
      %dma_start3A_303 = arith.constant 0 : i32
      %dma_start3A_304 = tpu.memref_slice %arg4[%add3A_77, %dma_start3A_303] : memref<102400x128xf32, #tpu.memory_space<hbm>> -> memref<128x128xf32, #tpu.memory_space<hbm>>
      tpu.enqueue_dma source(%arg7 : memref<128x128xf32, #tpu.memory_space<vmem>>) target(%dma_start3A_304 : memref<128x128xf32, #tpu.memory_space<hbm>>) target_semaphore(%run_scoped3A : memref<!tpu.dma_semaphore, #tpu.memory_space<semaphore_mem>>)
      %dma_wait3A_305 = arith.constant 0 : i32
      %dma_wait3A_306 = tpu.memref_slice %arg4[%add3A_77, %dma_wait3A_305] : memref<102400x128xf32, #tpu.memory_space<hbm>> -> memref<128x128xf32, #tpu.memory_space<hbm>>
      %dma_wait3A_307 = arith.constant 0 : i32
      %dma_wait3A_308 = tpu.memref_slice %arg4[%add3A_77, %dma_wait3A_307] : memref<102400x128xf32, #tpu.memory_space<hbm>> -> memref<128x128xf32, #tpu.memory_space<hbm>>
      tpu.wait_dma2 semaphore(%run_scoped3A : memref<!tpu.dma_semaphore, #tpu.memory_space<semaphore_mem>>) src(%arg7 : memref<128x128xf32, #tpu.memory_space<vmem>>) dst(%dma_wait3A_308 : memref<128x128xf32, #tpu.memory_space<hbm>>)
      tpu.yield
    }) : () -> ()
    %dma_start3A_78 = arith.constant 896 : i32
    %dma_start3A_79 = tpu.memref_slice %arg5[%dma_start3A_78] : memref<3200xi32, #tpu.memory_space<vmem>> -> memref<128xi32, #tpu.memory_space<vmem>>
    %dma_start3A_80 = arith.constant 0 : i32
    %dma_start3A_81 = arith.constant 0 : i32
    %dma_start3A_82 = tpu.memref_slice %arg3[%dma_start3A_80, %dma_start3A_81] : memref<100000x128xf32, #tpu.memory_space<hbm>> -> memref<100000x128xf32, #tpu.memory_space<hbm>>
    tpu.enqueue_indirect_dma source(%dma_start3A_82 : memref<100000x128xf32, #tpu.memory_space<hbm>>) target(%arg7 : memref<128x128xf32, #tpu.memory_space<vmem>>) offsets(%dma_start3A_79 : memref<128xi32, #tpu.memory_space<vmem>>) semaphore(%arg9 : memref<!tpu.dma_semaphore, #tpu.memory_space<semaphore_mem>>)
    %dma_wait3A_83 = arith.constant 768 : i32
    %dma_wait3A_84 = tpu.memref_slice %arg5[%dma_wait3A_83] : memref<3200xi32, #tpu.memory_space<vmem>> -> memref<128xi32, #tpu.memory_space<vmem>>
    %dma_wait3A_85 = arith.constant 0 : i32
    %dma_wait3A_86 = arith.constant 0 : i32
    %dma_wait3A_87 = tpu.memref_slice %arg3[%dma_wait3A_85, %dma_wait3A_86] : memref<100000x128xf32, #tpu.memory_space<hbm>> -> memref<100000x128xf32, #tpu.memory_space<hbm>>
    tpu.wait_indirect_dma semaphore(%arg8 : memref<!tpu.dma_semaphore, #tpu.memory_space<semaphore_mem>>) src(%dma_wait3A_87 : memref<100000x128xf32, #tpu.memory_space<hbm>>) dst(%arg6 : memref<128x128xf32, #tpu.memory_space<vmem>>)
    %add3A_88 = arith.constant 768 : i32
    %add3A_89 = arith.addi %mul3A_2, %add3A_88 : i32
    "tpu.region"() ({
      %run_scoped3A = tpu.sem_alloc : memref<!tpu.dma_semaphore, #tpu.memory_space<semaphore_mem>>
      %dma_start3A_301 = arith.constant 0 : i32
      %dma_start3A_302 = tpu.memref_slice %arg4[%add3A_89, %dma_start3A_301] : memref<102400x128xf32, #tpu.memory_space<hbm>> -> memref<128x128xf32, #tpu.memory_space<hbm>>
      %dma_start3A_303 = arith.constant 0 : i32
      %dma_start3A_304 = tpu.memref_slice %arg4[%add3A_89, %dma_start3A_303] : memref<102400x128xf32, #tpu.memory_space<hbm>> -> memref<128x128xf32, #tpu.memory_space<hbm>>
      tpu.enqueue_dma source(%arg6 : memref<128x128xf32, #tpu.memory_space<vmem>>) target(%dma_start3A_304 : memref<128x128xf32, #tpu.memory_space<hbm>>) target_semaphore(%run_scoped3A : memref<!tpu.dma_semaphore, #tpu.memory_space<semaphore_mem>>)
      %dma_wait3A_305 = arith.constant 0 : i32
      %dma_wait3A_306 = tpu.memref_slice %arg4[%add3A_89, %dma_wait3A_305] : memref<102400x128xf32, #tpu.memory_space<hbm>> -> memref<128x128xf32, #tpu.memory_space<hbm>>
      %dma_wait3A_307 = arith.constant 0 : i32
      %dma_wait3A_308 = tpu.memref_slice %arg4[%add3A_89, %dma_wait3A_307] : memref<102400x128xf32, #tpu.memory_space<hbm>> -> memref<128x128xf32, #tpu.memory_space<hbm>>
      tpu.wait_dma2 semaphore(%run_scoped3A : memref<!tpu.dma_semaphore, #tpu.memory_space<semaphore_mem>>) src(%arg6 : memref<128x128xf32, #tpu.memory_space<vmem>>) dst(%dma_wait3A_308 : memref<128x128xf32, #tpu.memory_space<hbm>>)
      tpu.yield
    }) : () -> ()
    %dma_start3A_90 = arith.constant 1024 : i32
    %dma_start3A_91 = tpu.memref_slice %arg5[%dma_start3A_90] : memref<3200xi32, #tpu.memory_space<vmem>> -> memref<128xi32, #tpu.memory_space<vmem>>
    %dma_start3A_92 = arith.constant 0 : i32
    %dma_start3A_93 = arith.constant 0 : i32
    %dma_start3A_94 = tpu.memref_slice %arg3[%dma_start3A_92, %dma_start3A_93] : memref<100000x128xf32, #tpu.memory_space<hbm>> -> memref<100000x128xf32, #tpu.memory_space<hbm>>
    tpu.enqueue_indirect_dma source(%dma_start3A_94 : memref<100000x128xf32, #tpu.memory_space<hbm>>) target(%arg6 : memref<128x128xf32, #tpu.memory_space<vmem>>) offsets(%dma_start3A_91 : memref<128xi32, #tpu.memory_space<vmem>>) semaphore(%arg8 : memref<!tpu.dma_semaphore, #tpu.memory_space<semaphore_mem>>)
    %dma_wait3A_95 = arith.constant 896 : i32
    %dma_wait3A_96 = tpu.memref_slice %arg5[%dma_wait3A_95] : memref<3200xi32, #tpu.memory_space<vmem>> -> memref<128xi32, #tpu.memory_space<vmem>>
    %dma_wait3A_97 = arith.constant 0 : i32
    %dma_wait3A_98 = arith.constant 0 : i32
    %dma_wait3A_99 = tpu.memref_slice %arg3[%dma_wait3A_97, %dma_wait3A_98] : memref<100000x128xf32, #tpu.memory_space<hbm>> -> memref<100000x128xf32, #tpu.memory_space<hbm>>
    tpu.wait_indirect_dma semaphore(%arg9 : memref<!tpu.dma_semaphore, #tpu.memory_space<semaphore_mem>>) src(%dma_wait3A_99 : memref<100000x128xf32, #tpu.memory_space<hbm>>) dst(%arg7 : memref<128x128xf32, #tpu.memory_space<vmem>>)
    %add3A_100 = arith.constant 896 : i32
    %add3A_101 = arith.addi %mul3A_2, %add3A_100 : i32
    "tpu.region"() ({
      %run_scoped3A = tpu.sem_alloc : memref<!tpu.dma_semaphore, #tpu.memory_space<semaphore_mem>>
      %dma_start3A_301 = arith.constant 0 : i32
      %dma_start3A_302 = tpu.memref_slice %arg4[%add3A_101, %dma_start3A_301] : memref<102400x128xf32, #tpu.memory_space<hbm>> -> memref<128x128xf32, #tpu.memory_space<hbm>>
      %dma_start3A_303 = arith.constant 0 : i32
      %dma_start3A_304 = tpu.memref_slice %arg4[%add3A_101, %dma_start3A_303] : memref<102400x128xf32, #tpu.memory_space<hbm>> -> memref<128x128xf32, #tpu.memory_space<hbm>>
      tpu.enqueue_dma source(%arg7 : memref<128x128xf32, #tpu.memory_space<vmem>>) target(%dma_start3A_304 : memref<128x128xf32, #tpu.memory_space<hbm>>) target_semaphore(%run_scoped3A : memref<!tpu.dma_semaphore, #tpu.memory_space<semaphore_mem>>)
      %dma_wait3A_305 = arith.constant 0 : i32
      %dma_wait3A_306 = tpu.memref_slice %arg4[%add3A_101, %dma_wait3A_305] : memref<102400x128xf32, #tpu.memory_space<hbm>> -> memref<128x128xf32, #tpu.memory_space<hbm>>
      %dma_wait3A_307 = arith.constant 0 : i32
      %dma_wait3A_308 = tpu.memref_slice %arg4[%add3A_101, %dma_wait3A_307] : memref<102400x128xf32, #tpu.memory_space<hbm>> -> memref<128x128xf32, #tpu.memory_space<hbm>>
      tpu.wait_dma2 semaphore(%run_scoped3A : memref<!tpu.dma_semaphore, #tpu.memory_space<semaphore_mem>>) src(%arg7 : memref<128x128xf32, #tpu.memory_space<vmem>>) dst(%dma_wait3A_308 : memref<128x128xf32, #tpu.memory_space<hbm>>)
      tpu.yield
    }) : () -> ()
    %dma_start3A_102 = arith.constant 1152 : i32
    %dma_start3A_103 = tpu.memref_slice %arg5[%dma_start3A_102] : memref<3200xi32, #tpu.memory_space<vmem>> -> memref<128xi32, #tpu.memory_space<vmem>>
    %dma_start3A_104 = arith.constant 0 : i32
    %dma_start3A_105 = arith.constant 0 : i32
    %dma_start3A_106 = tpu.memref_slice %arg3[%dma_start3A_104, %dma_start3A_105] : memref<100000x128xf32, #tpu.memory_space<hbm>> -> memref<100000x128xf32, #tpu.memory_space<hbm>>
    tpu.enqueue_indirect_dma source(%dma_start3A_106 : memref<100000x128xf32, #tpu.memory_space<hbm>>) target(%arg7 : memref<128x128xf32, #tpu.memory_space<vmem>>) offsets(%dma_start3A_103 : memref<128xi32, #tpu.memory_space<vmem>>) semaphore(%arg9 : memref<!tpu.dma_semaphore, #tpu.memory_space<semaphore_mem>>)
    %dma_wait3A_107 = arith.constant 1024 : i32
    %dma_wait3A_108 = tpu.memref_slice %arg5[%dma_wait3A_107] : memref<3200xi32, #tpu.memory_space<vmem>> -> memref<128xi32, #tpu.memory_space<vmem>>
    %dma_wait3A_109 = arith.constant 0 : i32
    %dma_wait3A_110 = arith.constant 0 : i32
    %dma_wait3A_111 = tpu.memref_slice %arg3[%dma_wait3A_109, %dma_wait3A_110] : memref<100000x128xf32, #tpu.memory_space<hbm>> -> memref<100000x128xf32, #tpu.memory_space<hbm>>
    tpu.wait_indirect_dma semaphore(%arg8 : memref<!tpu.dma_semaphore, #tpu.memory_space<semaphore_mem>>) src(%dma_wait3A_111 : memref<100000x128xf32, #tpu.memory_space<hbm>>) dst(%arg6 : memref<128x128xf32, #tpu.memory_space<vmem>>)
    %add3A_112 = arith.constant 1024 : i32
    %add3A_113 = arith.addi %mul3A_2, %add3A_112 : i32
    "tpu.region"() ({
      %run_scoped3A = tpu.sem_alloc : memref<!tpu.dma_semaphore, #tpu.memory_space<semaphore_mem>>
      %dma_start3A_301 = arith.constant 0 : i32
      %dma_start3A_302 = tpu.memref_slice %arg4[%add3A_113, %dma_start3A_301] : memref<102400x128xf32, #tpu.memory_space<hbm>> -> memref<128x128xf32, #tpu.memory_space<hbm>>
      %dma_start3A_303 = arith.constant 0 : i32
      %dma_start3A_304 = tpu.memref_slice %arg4[%add3A_113, %dma_start3A_303] : memref<102400x128xf32, #tpu.memory_space<hbm>> -> memref<128x128xf32, #tpu.memory_space<hbm>>
      tpu.enqueue_dma source(%arg6 : memref<128x128xf32, #tpu.memory_space<vmem>>) target(%dma_start3A_304 : memref<128x128xf32, #tpu.memory_space<hbm>>) target_semaphore(%run_scoped3A : memref<!tpu.dma_semaphore, #tpu.memory_space<semaphore_mem>>)
      %dma_wait3A_305 = arith.constant 0 : i32
      %dma_wait3A_306 = tpu.memref_slice %arg4[%add3A_113, %dma_wait3A_305] : memref<102400x128xf32, #tpu.memory_space<hbm>> -> memref<128x128xf32, #tpu.memory_space<hbm>>
      %dma_wait3A_307 = arith.constant 0 : i32
      %dma_wait3A_308 = tpu.memref_slice %arg4[%add3A_113, %dma_wait3A_307] : memref<102400x128xf32, #tpu.memory_space<hbm>> -> memref<128x128xf32, #tpu.memory_space<hbm>>
      tpu.wait_dma2 semaphore(%run_scoped3A : memref<!tpu.dma_semaphore, #tpu.memory_space<semaphore_mem>>) src(%arg6 : memref<128x128xf32, #tpu.memory_space<vmem>>) dst(%dma_wait3A_308 : memref<128x128xf32, #tpu.memory_space<hbm>>)
      tpu.yield
    }) : () -> ()
    %dma_start3A_114 = arith.constant 1280 : i32
    %dma_start3A_115 = tpu.memref_slice %arg5[%dma_start3A_114] : memref<3200xi32, #tpu.memory_space<vmem>> -> memref<128xi32, #tpu.memory_space<vmem>>
    %dma_start3A_116 = arith.constant 0 : i32
    %dma_start3A_117 = arith.constant 0 : i32
    %dma_start3A_118 = tpu.memref_slice %arg3[%dma_start3A_116, %dma_start3A_117] : memref<100000x128xf32, #tpu.memory_space<hbm>> -> memref<100000x128xf32, #tpu.memory_space<hbm>>
    tpu.enqueue_indirect_dma source(%dma_start3A_118 : memref<100000x128xf32, #tpu.memory_space<hbm>>) target(%arg6 : memref<128x128xf32, #tpu.memory_space<vmem>>) offsets(%dma_start3A_115 : memref<128xi32, #tpu.memory_space<vmem>>) semaphore(%arg8 : memref<!tpu.dma_semaphore, #tpu.memory_space<semaphore_mem>>)
    %dma_wait3A_119 = arith.constant 1152 : i32
    %dma_wait3A_120 = tpu.memref_slice %arg5[%dma_wait3A_119] : memref<3200xi32, #tpu.memory_space<vmem>> -> memref<128xi32, #tpu.memory_space<vmem>>
    %dma_wait3A_121 = arith.constant 0 : i32
    %dma_wait3A_122 = arith.constant 0 : i32
    %dma_wait3A_123 = tpu.memref_slice %arg3[%dma_wait3A_121, %dma_wait3A_122] : memref<100000x128xf32, #tpu.memory_space<hbm>> -> memref<100000x128xf32, #tpu.memory_space<hbm>>
    tpu.wait_indirect_dma semaphore(%arg9 : memref<!tpu.dma_semaphore, #tpu.memory_space<semaphore_mem>>) src(%dma_wait3A_123 : memref<100000x128xf32, #tpu.memory_space<hbm>>) dst(%arg7 : memref<128x128xf32, #tpu.memory_space<vmem>>)
    %add3A_124 = arith.constant 1152 : i32
    %add3A_125 = arith.addi %mul3A_2, %add3A_124 : i32
    "tpu.region"() ({
      %run_scoped3A = tpu.sem_alloc : memref<!tpu.dma_semaphore, #tpu.memory_space<semaphore_mem>>
      %dma_start3A_301 = arith.constant 0 : i32
      %dma_start3A_302 = tpu.memref_slice %arg4[%add3A_125, %dma_start3A_301] : memref<102400x128xf32, #tpu.memory_space<hbm>> -> memref<128x128xf32, #tpu.memory_space<hbm>>
      %dma_start3A_303 = arith.constant 0 : i32
      %dma_start3A_304 = tpu.memref_slice %arg4[%add3A_125, %dma_start3A_303] : memref<102400x128xf32, #tpu.memory_space<hbm>> -> memref<128x128xf32, #tpu.memory_space<hbm>>
      tpu.enqueue_dma source(%arg7 : memref<128x128xf32, #tpu.memory_space<vmem>>) target(%dma_start3A_304 : memref<128x128xf32, #tpu.memory_space<hbm>>) target_semaphore(%run_scoped3A : memref<!tpu.dma_semaphore, #tpu.memory_space<semaphore_mem>>)
      %dma_wait3A_305 = arith.constant 0 : i32
      %dma_wait3A_306 = tpu.memref_slice %arg4[%add3A_125, %dma_wait3A_305] : memref<102400x128xf32, #tpu.memory_space<hbm>> -> memref<128x128xf32, #tpu.memory_space<hbm>>
      %dma_wait3A_307 = arith.constant 0 : i32
      %dma_wait3A_308 = tpu.memref_slice %arg4[%add3A_125, %dma_wait3A_307] : memref<102400x128xf32, #tpu.memory_space<hbm>> -> memref<128x128xf32, #tpu.memory_space<hbm>>
      tpu.wait_dma2 semaphore(%run_scoped3A : memref<!tpu.dma_semaphore, #tpu.memory_space<semaphore_mem>>) src(%arg7 : memref<128x128xf32, #tpu.memory_space<vmem>>) dst(%dma_wait3A_308 : memref<128x128xf32, #tpu.memory_space<hbm>>)
      tpu.yield
    }) : () -> ()
    %dma_start3A_126 = arith.constant 1408 : i32
    %dma_start3A_127 = tpu.memref_slice %arg5[%dma_start3A_126] : memref<3200xi32, #tpu.memory_space<vmem>> -> memref<128xi32, #tpu.memory_space<vmem>>
    %dma_start3A_128 = arith.constant 0 : i32
    %dma_start3A_129 = arith.constant 0 : i32
    %dma_start3A_130 = tpu.memref_slice %arg3[%dma_start3A_128, %dma_start3A_129] : memref<100000x128xf32, #tpu.memory_space<hbm>> -> memref<100000x128xf32, #tpu.memory_space<hbm>>
    tpu.enqueue_indirect_dma source(%dma_start3A_130 : memref<100000x128xf32, #tpu.memory_space<hbm>>) target(%arg7 : memref<128x128xf32, #tpu.memory_space<vmem>>) offsets(%dma_start3A_127 : memref<128xi32, #tpu.memory_space<vmem>>) semaphore(%arg9 : memref<!tpu.dma_semaphore, #tpu.memory_space<semaphore_mem>>)
    %dma_wait3A_131 = arith.constant 1280 : i32
    %dma_wait3A_132 = tpu.memref_slice %arg5[%dma_wait3A_131] : memref<3200xi32, #tpu.memory_space<vmem>> -> memref<128xi32, #tpu.memory_space<vmem>>
    %dma_wait3A_133 = arith.constant 0 : i32
    %dma_wait3A_134 = arith.constant 0 : i32
    %dma_wait3A_135 = tpu.memref_slice %arg3[%dma_wait3A_133, %dma_wait3A_134] : memref<100000x128xf32, #tpu.memory_space<hbm>> -> memref<100000x128xf32, #tpu.memory_space<hbm>>
    tpu.wait_indirect_dma semaphore(%arg8 : memref<!tpu.dma_semaphore, #tpu.memory_space<semaphore_mem>>) src(%dma_wait3A_135 : memref<100000x128xf32, #tpu.memory_space<hbm>>) dst(%arg6 : memref<128x128xf32, #tpu.memory_space<vmem>>)
    %add3A_136 = arith.constant 1280 : i32
    %add3A_137 = arith.addi %mul3A_2, %add3A_136 : i32
    "tpu.region"() ({
      %run_scoped3A = tpu.sem_alloc : memref<!tpu.dma_semaphore, #tpu.memory_space<semaphore_mem>>
      %dma_start3A_301 = arith.constant 0 : i32
      %dma_start3A_302 = tpu.memref_slice %arg4[%add3A_137, %dma_start3A_301] : memref<102400x128xf32, #tpu.memory_space<hbm>> -> memref<128x128xf32, #tpu.memory_space<hbm>>
      %dma_start3A_303 = arith.constant 0 : i32
      %dma_start3A_304 = tpu.memref_slice %arg4[%add3A_137, %dma_start3A_303] : memref<102400x128xf32, #tpu.memory_space<hbm>> -> memref<128x128xf32, #tpu.memory_space<hbm>>
      tpu.enqueue_dma source(%arg6 : memref<128x128xf32, #tpu.memory_space<vmem>>) target(%dma_start3A_304 : memref<128x128xf32, #tpu.memory_space<hbm>>) target_semaphore(%run_scoped3A : memref<!tpu.dma_semaphore, #tpu.memory_space<semaphore_mem>>)
      %dma_wait3A_305 = arith.constant 0 : i32
      %dma_wait3A_306 = tpu.memref_slice %arg4[%add3A_137, %dma_wait3A_305] : memref<102400x128xf32, #tpu.memory_space<hbm>> -> memref<128x128xf32, #tpu.memory_space<hbm>>
      %dma_wait3A_307 = arith.constant 0 : i32
      %dma_wait3A_308 = tpu.memref_slice %arg4[%add3A_137, %dma_wait3A_307] : memref<102400x128xf32, #tpu.memory_space<hbm>> -> memref<128x128xf32, #tpu.memory_space<hbm>>
      tpu.wait_dma2 semaphore(%run_scoped3A : memref<!tpu.dma_semaphore, #tpu.memory_space<semaphore_mem>>) src(%arg6 : memref<128x128xf32, #tpu.memory_space<vmem>>) dst(%dma_wait3A_308 : memref<128x128xf32, #tpu.memory_space<hbm>>)
      tpu.yield
    }) : () -> ()
    %dma_start3A_138 = arith.constant 1536 : i32
    %dma_start3A_139 = tpu.memref_slice %arg5[%dma_start3A_138] : memref<3200xi32, #tpu.memory_space<vmem>> -> memref<128xi32, #tpu.memory_space<vmem>>
    %dma_start3A_140 = arith.constant 0 : i32
    %dma_start3A_141 = arith.constant 0 : i32
    %dma_start3A_142 = tpu.memref_slice %arg3[%dma_start3A_140, %dma_start3A_141] : memref<100000x128xf32, #tpu.memory_space<hbm>> -> memref<100000x128xf32, #tpu.memory_space<hbm>>
    tpu.enqueue_indirect_dma source(%dma_start3A_142 : memref<100000x128xf32, #tpu.memory_space<hbm>>) target(%arg6 : memref<128x128xf32, #tpu.memory_space<vmem>>) offsets(%dma_start3A_139 : memref<128xi32, #tpu.memory_space<vmem>>) semaphore(%arg8 : memref<!tpu.dma_semaphore, #tpu.memory_space<semaphore_mem>>)
    %dma_wait3A_143 = arith.constant 1408 : i32
    %dma_wait3A_144 = tpu.memref_slice %arg5[%dma_wait3A_143] : memref<3200xi32, #tpu.memory_space<vmem>> -> memref<128xi32, #tpu.memory_space<vmem>>
    %dma_wait3A_145 = arith.constant 0 : i32
    %dma_wait3A_146 = arith.constant 0 : i32
    %dma_wait3A_147 = tpu.memref_slice %arg3[%dma_wait3A_145, %dma_wait3A_146] : memref<100000x128xf32, #tpu.memory_space<hbm>> -> memref<100000x128xf32, #tpu.memory_space<hbm>>
    tpu.wait_indirect_dma semaphore(%arg9 : memref<!tpu.dma_semaphore, #tpu.memory_space<semaphore_mem>>) src(%dma_wait3A_147 : memref<100000x128xf32, #tpu.memory_space<hbm>>) dst(%arg7 : memref<128x128xf32, #tpu.memory_space<vmem>>)
    %add3A_148 = arith.constant 1408 : i32
    %add3A_149 = arith.addi %mul3A_2, %add3A_148 : i32
    "tpu.region"() ({
      %run_scoped3A = tpu.sem_alloc : memref<!tpu.dma_semaphore, #tpu.memory_space<semaphore_mem>>
      %dma_start3A_301 = arith.constant 0 : i32
      %dma_start3A_302 = tpu.memref_slice %arg4[%add3A_149, %dma_start3A_301] : memref<102400x128xf32, #tpu.memory_space<hbm>> -> memref<128x128xf32, #tpu.memory_space<hbm>>
      %dma_start3A_303 = arith.constant 0 : i32
      %dma_start3A_304 = tpu.memref_slice %arg4[%add3A_149, %dma_start3A_303] : memref<102400x128xf32, #tpu.memory_space<hbm>> -> memref<128x128xf32, #tpu.memory_space<hbm>>
      tpu.enqueue_dma source(%arg7 : memref<128x128xf32, #tpu.memory_space<vmem>>) target(%dma_start3A_304 : memref<128x128xf32, #tpu.memory_space<hbm>>) target_semaphore(%run_scoped3A : memref<!tpu.dma_semaphore, #tpu.memory_space<semaphore_mem>>)
      %dma_wait3A_305 = arith.constant 0 : i32
      %dma_wait3A_306 = tpu.memref_slice %arg4[%add3A_149, %dma_wait3A_305] : memref<102400x128xf32, #tpu.memory_space<hbm>> -> memref<128x128xf32, #tpu.memory_space<hbm>>
      %dma_wait3A_307 = arith.constant 0 : i32
      %dma_wait3A_308 = tpu.memref_slice %arg4[%add3A_149, %dma_wait3A_307] : memref<102400x128xf32, #tpu.memory_space<hbm>> -> memref<128x128xf32, #tpu.memory_space<hbm>>
      tpu.wait_dma2 semaphore(%run_scoped3A : memref<!tpu.dma_semaphore, #tpu.memory_space<semaphore_mem>>) src(%arg7 : memref<128x128xf32, #tpu.memory_space<vmem>>) dst(%dma_wait3A_308 : memref<128x128xf32, #tpu.memory_space<hbm>>)
      tpu.yield
    }) : () -> ()
    %dma_start3A_150 = arith.constant 1664 : i32
    %dma_start3A_151 = tpu.memref_slice %arg5[%dma_start3A_150] : memref<3200xi32, #tpu.memory_space<vmem>> -> memref<128xi32, #tpu.memory_space<vmem>>
    %dma_start3A_152 = arith.constant 0 : i32
    %dma_start3A_153 = arith.constant 0 : i32
    %dma_start3A_154 = tpu.memref_slice %arg3[%dma_start3A_152, %dma_start3A_153] : memref<100000x128xf32, #tpu.memory_space<hbm>> -> memref<100000x128xf32, #tpu.memory_space<hbm>>
    tpu.enqueue_indirect_dma source(%dma_start3A_154 : memref<100000x128xf32, #tpu.memory_space<hbm>>) target(%arg7 : memref<128x128xf32, #tpu.memory_space<vmem>>) offsets(%dma_start3A_151 : memref<128xi32, #tpu.memory_space<vmem>>) semaphore(%arg9 : memref<!tpu.dma_semaphore, #tpu.memory_space<semaphore_mem>>)
    %dma_wait3A_155 = arith.constant 1536 : i32
    %dma_wait3A_156 = tpu.memref_slice %arg5[%dma_wait3A_155] : memref<3200xi32, #tpu.memory_space<vmem>> -> memref<128xi32, #tpu.memory_space<vmem>>
    %dma_wait3A_157 = arith.constant 0 : i32
    %dma_wait3A_158 = arith.constant 0 : i32
    %dma_wait3A_159 = tpu.memref_slice %arg3[%dma_wait3A_157, %dma_wait3A_158] : memref<100000x128xf32, #tpu.memory_space<hbm>> -> memref<100000x128xf32, #tpu.memory_space<hbm>>
    tpu.wait_indirect_dma semaphore(%arg8 : memref<!tpu.dma_semaphore, #tpu.memory_space<semaphore_mem>>) src(%dma_wait3A_159 : memref<100000x128xf32, #tpu.memory_space<hbm>>) dst(%arg6 : memref<128x128xf32, #tpu.memory_space<vmem>>)
    %add3A_160 = arith.constant 1536 : i32
    %add3A_161 = arith.addi %mul3A_2, %add3A_160 : i32
    "tpu.region"() ({
      %run_scoped3A = tpu.sem_alloc : memref<!tpu.dma_semaphore, #tpu.memory_space<semaphore_mem>>
      %dma_start3A_301 = arith.constant 0 : i32
      %dma_start3A_302 = tpu.memref_slice %arg4[%add3A_161, %dma_start3A_301] : memref<102400x128xf32, #tpu.memory_space<hbm>> -> memref<128x128xf32, #tpu.memory_space<hbm>>
      %dma_start3A_303 = arith.constant 0 : i32
      %dma_start3A_304 = tpu.memref_slice %arg4[%add3A_161, %dma_start3A_303] : memref<102400x128xf32, #tpu.memory_space<hbm>> -> memref<128x128xf32, #tpu.memory_space<hbm>>
      tpu.enqueue_dma source(%arg6 : memref<128x128xf32, #tpu.memory_space<vmem>>) target(%dma_start3A_304 : memref<128x128xf32, #tpu.memory_space<hbm>>) target_semaphore(%run_scoped3A : memref<!tpu.dma_semaphore, #tpu.memory_space<semaphore_mem>>)
      %dma_wait3A_305 = arith.constant 0 : i32
      %dma_wait3A_306 = tpu.memref_slice %arg4[%add3A_161, %dma_wait3A_305] : memref<102400x128xf32, #tpu.memory_space<hbm>> -> memref<128x128xf32, #tpu.memory_space<hbm>>
      %dma_wait3A_307 = arith.constant 0 : i32
      %dma_wait3A_308 = tpu.memref_slice %arg4[%add3A_161, %dma_wait3A_307] : memref<102400x128xf32, #tpu.memory_space<hbm>> -> memref<128x128xf32, #tpu.memory_space<hbm>>
      tpu.wait_dma2 semaphore(%run_scoped3A : memref<!tpu.dma_semaphore, #tpu.memory_space<semaphore_mem>>) src(%arg6 : memref<128x128xf32, #tpu.memory_space<vmem>>) dst(%dma_wait3A_308 : memref<128x128xf32, #tpu.memory_space<hbm>>)
      tpu.yield
    }) : () -> ()
    %dma_start3A_162 = arith.constant 1792 : i32
    %dma_start3A_163 = tpu.memref_slice %arg5[%dma_start3A_162] : memref<3200xi32, #tpu.memory_space<vmem>> -> memref<128xi32, #tpu.memory_space<vmem>>
    %dma_start3A_164 = arith.constant 0 : i32
    %dma_start3A_165 = arith.constant 0 : i32
    %dma_start3A_166 = tpu.memref_slice %arg3[%dma_start3A_164, %dma_start3A_165] : memref<100000x128xf32, #tpu.memory_space<hbm>> -> memref<100000x128xf32, #tpu.memory_space<hbm>>
    tpu.enqueue_indirect_dma source(%dma_start3A_166 : memref<100000x128xf32, #tpu.memory_space<hbm>>) target(%arg6 : memref<128x128xf32, #tpu.memory_space<vmem>>) offsets(%dma_start3A_163 : memref<128xi32, #tpu.memory_space<vmem>>) semaphore(%arg8 : memref<!tpu.dma_semaphore, #tpu.memory_space<semaphore_mem>>)
    %dma_wait3A_167 = arith.constant 1664 : i32
    %dma_wait3A_168 = tpu.memref_slice %arg5[%dma_wait3A_167] : memref<3200xi32, #tpu.memory_space<vmem>> -> memref<128xi32, #tpu.memory_space<vmem>>
    %dma_wait3A_169 = arith.constant 0 : i32
    %dma_wait3A_170 = arith.constant 0 : i32
    %dma_wait3A_171 = tpu.memref_slice %arg3[%dma_wait3A_169, %dma_wait3A_170] : memref<100000x128xf32, #tpu.memory_space<hbm>> -> memref<100000x128xf32, #tpu.memory_space<hbm>>
    tpu.wait_indirect_dma semaphore(%arg9 : memref<!tpu.dma_semaphore, #tpu.memory_space<semaphore_mem>>) src(%dma_wait3A_171 : memref<100000x128xf32, #tpu.memory_space<hbm>>) dst(%arg7 : memref<128x128xf32, #tpu.memory_space<vmem>>)
    %add3A_172 = arith.constant 1664 : i32
    %add3A_173 = arith.addi %mul3A_2, %add3A_172 : i32
    "tpu.region"() ({
      %run_scoped3A = tpu.sem_alloc : memref<!tpu.dma_semaphore, #tpu.memory_space<semaphore_mem>>
      %dma_start3A_301 = arith.constant 0 : i32
      %dma_start3A_302 = tpu.memref_slice %arg4[%add3A_173, %dma_start3A_301] : memref<102400x128xf32, #tpu.memory_space<hbm>> -> memref<128x128xf32, #tpu.memory_space<hbm>>
      %dma_start3A_303 = arith.constant 0 : i32
      %dma_start3A_304 = tpu.memref_slice %arg4[%add3A_173, %dma_start3A_303] : memref<102400x128xf32, #tpu.memory_space<hbm>> -> memref<128x128xf32, #tpu.memory_space<hbm>>
      tpu.enqueue_dma source(%arg7 : memref<128x128xf32, #tpu.memory_space<vmem>>) target(%dma_start3A_304 : memref<128x128xf32, #tpu.memory_space<hbm>>) target_semaphore(%run_scoped3A : memref<!tpu.dma_semaphore, #tpu.memory_space<semaphore_mem>>)
      %dma_wait3A_305 = arith.constant 0 : i32
      %dma_wait3A_306 = tpu.memref_slice %arg4[%add3A_173, %dma_wait3A_305] : memref<102400x128xf32, #tpu.memory_space<hbm>> -> memref<128x128xf32, #tpu.memory_space<hbm>>
      %dma_wait3A_307 = arith.constant 0 : i32
      %dma_wait3A_308 = tpu.memref_slice %arg4[%add3A_173, %dma_wait3A_307] : memref<102400x128xf32, #tpu.memory_space<hbm>> -> memref<128x128xf32, #tpu.memory_space<hbm>>
      tpu.wait_dma2 semaphore(%run_scoped3A : memref<!tpu.dma_semaphore, #tpu.memory_space<semaphore_mem>>) src(%arg7 : memref<128x128xf32, #tpu.memory_space<vmem>>) dst(%dma_wait3A_308 : memref<128x128xf32, #tpu.memory_space<hbm>>)
      tpu.yield
    }) : () -> ()
    %dma_start3A_174 = arith.constant 1920 : i32
    %dma_start3A_175 = tpu.memref_slice %arg5[%dma_start3A_174] : memref<3200xi32, #tpu.memory_space<vmem>> -> memref<128xi32, #tpu.memory_space<vmem>>
    %dma_start3A_176 = arith.constant 0 : i32
    %dma_start3A_177 = arith.constant 0 : i32
    %dma_start3A_178 = tpu.memref_slice %arg3[%dma_start3A_176, %dma_start3A_177] : memref<100000x128xf32, #tpu.memory_space<hbm>> -> memref<100000x128xf32, #tpu.memory_space<hbm>>
    tpu.enqueue_indirect_dma source(%dma_start3A_178 : memref<100000x128xf32, #tpu.memory_space<hbm>>) target(%arg7 : memref<128x128xf32, #tpu.memory_space<vmem>>) offsets(%dma_start3A_175 : memref<128xi32, #tpu.memory_space<vmem>>) semaphore(%arg9 : memref<!tpu.dma_semaphore, #tpu.memory_space<semaphore_mem>>)
    %dma_wait3A_179 = arith.constant 1792 : i32
    %dma_wait3A_180 = tpu.memref_slice %arg5[%dma_wait3A_179] : memref<3200xi32, #tpu.memory_space<vmem>> -> memref<128xi32, #tpu.memory_space<vmem>>
    %dma_wait3A_181 = arith.constant 0 : i32
    %dma_wait3A_182 = arith.constant 0 : i32
    %dma_wait3A_183 = tpu.memref_slice %arg3[%dma_wait3A_181, %dma_wait3A_182] : memref<100000x128xf32, #tpu.memory_space<hbm>> -> memref<100000x128xf32, #tpu.memory_space<hbm>>
    tpu.wait_indirect_dma semaphore(%arg8 : memref<!tpu.dma_semaphore, #tpu.memory_space<semaphore_mem>>) src(%dma_wait3A_183 : memref<100000x128xf32, #tpu.memory_space<hbm>>) dst(%arg6 : memref<128x128xf32, #tpu.memory_space<vmem>>)
    %add3A_184 = arith.constant 1792 : i32
    %add3A_185 = arith.addi %mul3A_2, %add3A_184 : i32
    "tpu.region"() ({
      %run_scoped3A = tpu.sem_alloc : memref<!tpu.dma_semaphore, #tpu.memory_space<semaphore_mem>>
      %dma_start3A_301 = arith.constant 0 : i32
      %dma_start3A_302 = tpu.memref_slice %arg4[%add3A_185, %dma_start3A_301] : memref<102400x128xf32, #tpu.memory_space<hbm>> -> memref<128x128xf32, #tpu.memory_space<hbm>>
      %dma_start3A_303 = arith.constant 0 : i32
      %dma_start3A_304 = tpu.memref_slice %arg4[%add3A_185, %dma_start3A_303] : memref<102400x128xf32, #tpu.memory_space<hbm>> -> memref<128x128xf32, #tpu.memory_space<hbm>>
      tpu.enqueue_dma source(%arg6 : memref<128x128xf32, #tpu.memory_space<vmem>>) target(%dma_start3A_304 : memref<128x128xf32, #tpu.memory_space<hbm>>) target_semaphore(%run_scoped3A : memref<!tpu.dma_semaphore, #tpu.memory_space<semaphore_mem>>)
      %dma_wait3A_305 = arith.constant 0 : i32
      %dma_wait3A_306 = tpu.memref_slice %arg4[%add3A_185, %dma_wait3A_305] : memref<102400x128xf32, #tpu.memory_space<hbm>> -> memref<128x128xf32, #tpu.memory_space<hbm>>
      %dma_wait3A_307 = arith.constant 0 : i32
      %dma_wait3A_308 = tpu.memref_slice %arg4[%add3A_185, %dma_wait3A_307] : memref<102400x128xf32, #tpu.memory_space<hbm>> -> memref<128x128xf32, #tpu.memory_space<hbm>>
      tpu.wait_dma2 semaphore(%run_scoped3A : memref<!tpu.dma_semaphore, #tpu.memory_space<semaphore_mem>>) src(%arg6 : memref<128x128xf32, #tpu.memory_space<vmem>>) dst(%dma_wait3A_308 : memref<128x128xf32, #tpu.memory_space<hbm>>)
      tpu.yield
    }) : () -> ()
    %dma_start3A_186 = arith.constant 2048 : i32
    %dma_start3A_187 = tpu.memref_slice %arg5[%dma_start3A_186] : memref<3200xi32, #tpu.memory_space<vmem>> -> memref<128xi32, #tpu.memory_space<vmem>>
    %dma_start3A_188 = arith.constant 0 : i32
    %dma_start3A_189 = arith.constant 0 : i32
    %dma_start3A_190 = tpu.memref_slice %arg3[%dma_start3A_188, %dma_start3A_189] : memref<100000x128xf32, #tpu.memory_space<hbm>> -> memref<100000x128xf32, #tpu.memory_space<hbm>>
    tpu.enqueue_indirect_dma source(%dma_start3A_190 : memref<100000x128xf32, #tpu.memory_space<hbm>>) target(%arg6 : memref<128x128xf32, #tpu.memory_space<vmem>>) offsets(%dma_start3A_187 : memref<128xi32, #tpu.memory_space<vmem>>) semaphore(%arg8 : memref<!tpu.dma_semaphore, #tpu.memory_space<semaphore_mem>>)
    %dma_wait3A_191 = arith.constant 1920 : i32
    %dma_wait3A_192 = tpu.memref_slice %arg5[%dma_wait3A_191] : memref<3200xi32, #tpu.memory_space<vmem>> -> memref<128xi32, #tpu.memory_space<vmem>>
    %dma_wait3A_193 = arith.constant 0 : i32
    %dma_wait3A_194 = arith.constant 0 : i32
    %dma_wait3A_195 = tpu.memref_slice %arg3[%dma_wait3A_193, %dma_wait3A_194] : memref<100000x128xf32, #tpu.memory_space<hbm>> -> memref<100000x128xf32, #tpu.memory_space<hbm>>
    tpu.wait_indirect_dma semaphore(%arg9 : memref<!tpu.dma_semaphore, #tpu.memory_space<semaphore_mem>>) src(%dma_wait3A_195 : memref<100000x128xf32, #tpu.memory_space<hbm>>) dst(%arg7 : memref<128x128xf32, #tpu.memory_space<vmem>>)
    %add3A_196 = arith.constant 1920 : i32
    %add3A_197 = arith.addi %mul3A_2, %add3A_196 : i32
    "tpu.region"() ({
      %run_scoped3A = tpu.sem_alloc : memref<!tpu.dma_semaphore, #tpu.memory_space<semaphore_mem>>
      %dma_start3A_301 = arith.constant 0 : i32
      %dma_start3A_302 = tpu.memref_slice %arg4[%add3A_197, %dma_start3A_301] : memref<102400x128xf32, #tpu.memory_space<hbm>> -> memref<128x128xf32, #tpu.memory_space<hbm>>
      %dma_start3A_303 = arith.constant 0 : i32
      %dma_start3A_304 = tpu.memref_slice %arg4[%add3A_197, %dma_start3A_303] : memref<102400x128xf32, #tpu.memory_space<hbm>> -> memref<128x128xf32, #tpu.memory_space<hbm>>
      tpu.enqueue_dma source(%arg7 : memref<128x128xf32, #tpu.memory_space<vmem>>) target(%dma_start3A_304 : memref<128x128xf32, #tpu.memory_space<hbm>>) target_semaphore(%run_scoped3A : memref<!tpu.dma_semaphore, #tpu.memory_space<semaphore_mem>>)
      %dma_wait3A_305 = arith.constant 0 : i32
      %dma_wait3A_306 = tpu.memref_slice %arg4[%add3A_197, %dma_wait3A_305] : memref<102400x128xf32, #tpu.memory_space<hbm>> -> memref<128x128xf32, #tpu.memory_space<hbm>>
      %dma_wait3A_307 = arith.constant 0 : i32
      %dma_wait3A_308 = tpu.memref_slice %arg4[%add3A_197, %dma_wait3A_307] : memref<102400x128xf32, #tpu.memory_space<hbm>> -> memref<128x128xf32, #tpu.memory_space<hbm>>
      tpu.wait_dma2 semaphore(%run_scoped3A : memref<!tpu.dma_semaphore, #tpu.memory_space<semaphore_mem>>) src(%arg7 : memref<128x128xf32, #tpu.memory_space<vmem>>) dst(%dma_wait3A_308 : memref<128x128xf32, #tpu.memory_space<hbm>>)
      tpu.yield
    }) : () -> ()
    %dma_start3A_198 = arith.constant 2176 : i32
    %dma_start3A_199 = tpu.memref_slice %arg5[%dma_start3A_198] : memref<3200xi32, #tpu.memory_space<vmem>> -> memref<128xi32, #tpu.memory_space<vmem>>
    %dma_start3A_200 = arith.constant 0 : i32
    %dma_start3A_201 = arith.constant 0 : i32
    %dma_start3A_202 = tpu.memref_slice %arg3[%dma_start3A_200, %dma_start3A_201] : memref<100000x128xf32, #tpu.memory_space<hbm>> -> memref<100000x128xf32, #tpu.memory_space<hbm>>
    tpu.enqueue_indirect_dma source(%dma_start3A_202 : memref<100000x128xf32, #tpu.memory_space<hbm>>) target(%arg7 : memref<128x128xf32, #tpu.memory_space<vmem>>) offsets(%dma_start3A_199 : memref<128xi32, #tpu.memory_space<vmem>>) semaphore(%arg9 : memref<!tpu.dma_semaphore, #tpu.memory_space<semaphore_mem>>)
    %dma_wait3A_203 = arith.constant 2048 : i32
    %dma_wait3A_204 = tpu.memref_slice %arg5[%dma_wait3A_203] : memref<3200xi32, #tpu.memory_space<vmem>> -> memref<128xi32, #tpu.memory_space<vmem>>
    %dma_wait3A_205 = arith.constant 0 : i32
    %dma_wait3A_206 = arith.constant 0 : i32
    %dma_wait3A_207 = tpu.memref_slice %arg3[%dma_wait3A_205, %dma_wait3A_206] : memref<100000x128xf32, #tpu.memory_space<hbm>> -> memref<100000x128xf32, #tpu.memory_space<hbm>>
    tpu.wait_indirect_dma semaphore(%arg8 : memref<!tpu.dma_semaphore, #tpu.memory_space<semaphore_mem>>) src(%dma_wait3A_207 : memref<100000x128xf32, #tpu.memory_space<hbm>>) dst(%arg6 : memref<128x128xf32, #tpu.memory_space<vmem>>)
    %add3A_208 = arith.constant 2048 : i32
    %add3A_209 = arith.addi %mul3A_2, %add3A_208 : i32
    "tpu.region"() ({
      %run_scoped3A = tpu.sem_alloc : memref<!tpu.dma_semaphore, #tpu.memory_space<semaphore_mem>>
      %dma_start3A_301 = arith.constant 0 : i32
      %dma_start3A_302 = tpu.memref_slice %arg4[%add3A_209, %dma_start3A_301] : memref<102400x128xf32, #tpu.memory_space<hbm>> -> memref<128x128xf32, #tpu.memory_space<hbm>>
      %dma_start3A_303 = arith.constant 0 : i32
      %dma_start3A_304 = tpu.memref_slice %arg4[%add3A_209, %dma_start3A_303] : memref<102400x128xf32, #tpu.memory_space<hbm>> -> memref<128x128xf32, #tpu.memory_space<hbm>>
      tpu.enqueue_dma source(%arg6 : memref<128x128xf32, #tpu.memory_space<vmem>>) target(%dma_start3A_304 : memref<128x128xf32, #tpu.memory_space<hbm>>) target_semaphore(%run_scoped3A : memref<!tpu.dma_semaphore, #tpu.memory_space<semaphore_mem>>)
      %dma_wait3A_305 = arith.constant 0 : i32
      %dma_wait3A_306 = tpu.memref_slice %arg4[%add3A_209, %dma_wait3A_305] : memref<102400x128xf32, #tpu.memory_space<hbm>> -> memref<128x128xf32, #tpu.memory_space<hbm>>
      %dma_wait3A_307 = arith.constant 0 : i32
      %dma_wait3A_308 = tpu.memref_slice %arg4[%add3A_209, %dma_wait3A_307] : memref<102400x128xf32, #tpu.memory_space<hbm>> -> memref<128x128xf32, #tpu.memory_space<hbm>>
      tpu.wait_dma2 semaphore(%run_scoped3A : memref<!tpu.dma_semaphore, #tpu.memory_space<semaphore_mem>>) src(%arg6 : memref<128x128xf32, #tpu.memory_space<vmem>>) dst(%dma_wait3A_308 : memref<128x128xf32, #tpu.memory_space<hbm>>)
      tpu.yield
    }) : () -> ()
    %dma_start3A_210 = arith.constant 2304 : i32
    %dma_start3A_211 = tpu.memref_slice %arg5[%dma_start3A_210] : memref<3200xi32, #tpu.memory_space<vmem>> -> memref<128xi32, #tpu.memory_space<vmem>>
    %dma_start3A_212 = arith.constant 0 : i32
    %dma_start3A_213 = arith.constant 0 : i32
    %dma_start3A_214 = tpu.memref_slice %arg3[%dma_start3A_212, %dma_start3A_213] : memref<100000x128xf32, #tpu.memory_space<hbm>> -> memref<100000x128xf32, #tpu.memory_space<hbm>>
    tpu.enqueue_indirect_dma source(%dma_start3A_214 : memref<100000x128xf32, #tpu.memory_space<hbm>>) target(%arg6 : memref<128x128xf32, #tpu.memory_space<vmem>>) offsets(%dma_start3A_211 : memref<128xi32, #tpu.memory_space<vmem>>) semaphore(%arg8 : memref<!tpu.dma_semaphore, #tpu.memory_space<semaphore_mem>>)
    %dma_wait3A_215 = arith.constant 2176 : i32
    %dma_wait3A_216 = tpu.memref_slice %arg5[%dma_wait3A_215] : memref<3200xi32, #tpu.memory_space<vmem>> -> memref<128xi32, #tpu.memory_space<vmem>>
    %dma_wait3A_217 = arith.constant 0 : i32
    %dma_wait3A_218 = arith.constant 0 : i32
    %dma_wait3A_219 = tpu.memref_slice %arg3[%dma_wait3A_217, %dma_wait3A_218] : memref<100000x128xf32, #tpu.memory_space<hbm>> -> memref<100000x128xf32, #tpu.memory_space<hbm>>
    tpu.wait_indirect_dma semaphore(%arg9 : memref<!tpu.dma_semaphore, #tpu.memory_space<semaphore_mem>>) src(%dma_wait3A_219 : memref<100000x128xf32, #tpu.memory_space<hbm>>) dst(%arg7 : memref<128x128xf32, #tpu.memory_space<vmem>>)
    %add3A_220 = arith.constant 2176 : i32
    %add3A_221 = arith.addi %mul3A_2, %add3A_220 : i32
    "tpu.region"() ({
      %run_scoped3A = tpu.sem_alloc : memref<!tpu.dma_semaphore, #tpu.memory_space<semaphore_mem>>
      %dma_start3A_301 = arith.constant 0 : i32
      %dma_start3A_302 = tpu.memref_slice %arg4[%add3A_221, %dma_start3A_301] : memref<102400x128xf32, #tpu.memory_space<hbm>> -> memref<128x128xf32, #tpu.memory_space<hbm>>
      %dma_start3A_303 = arith.constant 0 : i32
      %dma_start3A_304 = tpu.memref_slice %arg4[%add3A_221, %dma_start3A_303] : memref<102400x128xf32, #tpu.memory_space<hbm>> -> memref<128x128xf32, #tpu.memory_space<hbm>>
      tpu.enqueue_dma source(%arg7 : memref<128x128xf32, #tpu.memory_space<vmem>>) target(%dma_start3A_304 : memref<128x128xf32, #tpu.memory_space<hbm>>) target_semaphore(%run_scoped3A : memref<!tpu.dma_semaphore, #tpu.memory_space<semaphore_mem>>)
      %dma_wait3A_305 = arith.constant 0 : i32
      %dma_wait3A_306 = tpu.memref_slice %arg4[%add3A_221, %dma_wait3A_305] : memref<102400x128xf32, #tpu.memory_space<hbm>> -> memref<128x128xf32, #tpu.memory_space<hbm>>
      %dma_wait3A_307 = arith.constant 0 : i32
      %dma_wait3A_308 = tpu.memref_slice %arg4[%add3A_221, %dma_wait3A_307] : memref<102400x128xf32, #tpu.memory_space<hbm>> -> memref<128x128xf32, #tpu.memory_space<hbm>>
      tpu.wait_dma2 semaphore(%run_scoped3A : memref<!tpu.dma_semaphore, #tpu.memory_space<semaphore_mem>>) src(%arg7 : memref<128x128xf32, #tpu.memory_space<vmem>>) dst(%dma_wait3A_308 : memref<128x128xf32, #tpu.memory_space<hbm>>)
      tpu.yield
    }) : () -> ()
    %dma_start3A_222 = arith.constant 2432 : i32
    %dma_start3A_223 = tpu.memref_slice %arg5[%dma_start3A_222] : memref<3200xi32, #tpu.memory_space<vmem>> -> memref<128xi32, #tpu.memory_space<vmem>>
    %dma_start3A_224 = arith.constant 0 : i32
    %dma_start3A_225 = arith.constant 0 : i32
    %dma_start3A_226 = tpu.memref_slice %arg3[%dma_start3A_224, %dma_start3A_225] : memref<100000x128xf32, #tpu.memory_space<hbm>> -> memref<100000x128xf32, #tpu.memory_space<hbm>>
    tpu.enqueue_indirect_dma source(%dma_start3A_226 : memref<100000x128xf32, #tpu.memory_space<hbm>>) target(%arg7 : memref<128x128xf32, #tpu.memory_space<vmem>>) offsets(%dma_start3A_223 : memref<128xi32, #tpu.memory_space<vmem>>) semaphore(%arg9 : memref<!tpu.dma_semaphore, #tpu.memory_space<semaphore_mem>>)
    %dma_wait3A_227 = arith.constant 2304 : i32
    %dma_wait3A_228 = tpu.memref_slice %arg5[%dma_wait3A_227] : memref<3200xi32, #tpu.memory_space<vmem>> -> memref<128xi32, #tpu.memory_space<vmem>>
    %dma_wait3A_229 = arith.constant 0 : i32
    %dma_wait3A_230 = arith.constant 0 : i32
    %dma_wait3A_231 = tpu.memref_slice %arg3[%dma_wait3A_229, %dma_wait3A_230] : memref<100000x128xf32, #tpu.memory_space<hbm>> -> memref<100000x128xf32, #tpu.memory_space<hbm>>
    tpu.wait_indirect_dma semaphore(%arg8 : memref<!tpu.dma_semaphore, #tpu.memory_space<semaphore_mem>>) src(%dma_wait3A_231 : memref<100000x128xf32, #tpu.memory_space<hbm>>) dst(%arg6 : memref<128x128xf32, #tpu.memory_space<vmem>>)
    %add3A_232 = arith.constant 2304 : i32
    %add3A_233 = arith.addi %mul3A_2, %add3A_232 : i32
    "tpu.region"() ({
      %run_scoped3A = tpu.sem_alloc : memref<!tpu.dma_semaphore, #tpu.memory_space<semaphore_mem>>
      %dma_start3A_301 = arith.constant 0 : i32
      %dma_start3A_302 = tpu.memref_slice %arg4[%add3A_233, %dma_start3A_301] : memref<102400x128xf32, #tpu.memory_space<hbm>> -> memref<128x128xf32, #tpu.memory_space<hbm>>
      %dma_start3A_303 = arith.constant 0 : i32
      %dma_start3A_304 = tpu.memref_slice %arg4[%add3A_233, %dma_start3A_303] : memref<102400x128xf32, #tpu.memory_space<hbm>> -> memref<128x128xf32, #tpu.memory_space<hbm>>
      tpu.enqueue_dma source(%arg6 : memref<128x128xf32, #tpu.memory_space<vmem>>) target(%dma_start3A_304 : memref<128x128xf32, #tpu.memory_space<hbm>>) target_semaphore(%run_scoped3A : memref<!tpu.dma_semaphore, #tpu.memory_space<semaphore_mem>>)
      %dma_wait3A_305 = arith.constant 0 : i32
      %dma_wait3A_306 = tpu.memref_slice %arg4[%add3A_233, %dma_wait3A_305] : memref<102400x128xf32, #tpu.memory_space<hbm>> -> memref<128x128xf32, #tpu.memory_space<hbm>>
      %dma_wait3A_307 = arith.constant 0 : i32
      %dma_wait3A_308 = tpu.memref_slice %arg4[%add3A_233, %dma_wait3A_307] : memref<102400x128xf32, #tpu.memory_space<hbm>> -> memref<128x128xf32, #tpu.memory_space<hbm>>
      tpu.wait_dma2 semaphore(%run_scoped3A : memref<!tpu.dma_semaphore, #tpu.memory_space<semaphore_mem>>) src(%arg6 : memref<128x128xf32, #tpu.memory_space<vmem>>) dst(%dma_wait3A_308 : memref<128x128xf32, #tpu.memory_space<hbm>>)
      tpu.yield
    }) : () -> ()
    %dma_start3A_234 = arith.constant 2560 : i32
    %dma_start3A_235 = tpu.memref_slice %arg5[%dma_start3A_234] : memref<3200xi32, #tpu.memory_space<vmem>> -> memref<128xi32, #tpu.memory_space<vmem>>
    %dma_start3A_236 = arith.constant 0 : i32
    %dma_start3A_237 = arith.constant 0 : i32
    %dma_start3A_238 = tpu.memref_slice %arg3[%dma_start3A_236, %dma_start3A_237] : memref<100000x128xf32, #tpu.memory_space<hbm>> -> memref<100000x128xf32, #tpu.memory_space<hbm>>
    tpu.enqueue_indirect_dma source(%dma_start3A_238 : memref<100000x128xf32, #tpu.memory_space<hbm>>) target(%arg6 : memref<128x128xf32, #tpu.memory_space<vmem>>) offsets(%dma_start3A_235 : memref<128xi32, #tpu.memory_space<vmem>>) semaphore(%arg8 : memref<!tpu.dma_semaphore, #tpu.memory_space<semaphore_mem>>)
    %dma_wait3A_239 = arith.constant 2432 : i32
    %dma_wait3A_240 = tpu.memref_slice %arg5[%dma_wait3A_239] : memref<3200xi32, #tpu.memory_space<vmem>> -> memref<128xi32, #tpu.memory_space<vmem>>
    %dma_wait3A_241 = arith.constant 0 : i32
    %dma_wait3A_242 = arith.constant 0 : i32
    %dma_wait3A_243 = tpu.memref_slice %arg3[%dma_wait3A_241, %dma_wait3A_242] : memref<100000x128xf32, #tpu.memory_space<hbm>> -> memref<100000x128xf32, #tpu.memory_space<hbm>>
    tpu.wait_indirect_dma semaphore(%arg9 : memref<!tpu.dma_semaphore, #tpu.memory_space<semaphore_mem>>) src(%dma_wait3A_243 : memref<100000x128xf32, #tpu.memory_space<hbm>>) dst(%arg7 : memref<128x128xf32, #tpu.memory_space<vmem>>)
    %add3A_244 = arith.constant 2432 : i32
    %add3A_245 = arith.addi %mul3A_2, %add3A_244 : i32
    "tpu.region"() ({
      %run_scoped3A = tpu.sem_alloc : memref<!tpu.dma_semaphore, #tpu.memory_space<semaphore_mem>>
      %dma_start3A_301 = arith.constant 0 : i32
      %dma_start3A_302 = tpu.memref_slice %arg4[%add3A_245, %dma_start3A_301] : memref<102400x128xf32, #tpu.memory_space<hbm>> -> memref<128x128xf32, #tpu.memory_space<hbm>>
      %dma_start3A_303 = arith.constant 0 : i32
      %dma_start3A_304 = tpu.memref_slice %arg4[%add3A_245, %dma_start3A_303] : memref<102400x128xf32, #tpu.memory_space<hbm>> -> memref<128x128xf32, #tpu.memory_space<hbm>>
      tpu.enqueue_dma source(%arg7 : memref<128x128xf32, #tpu.memory_space<vmem>>) target(%dma_start3A_304 : memref<128x128xf32, #tpu.memory_space<hbm>>) target_semaphore(%run_scoped3A : memref<!tpu.dma_semaphore, #tpu.memory_space<semaphore_mem>>)
      %dma_wait3A_305 = arith.constant 0 : i32
      %dma_wait3A_306 = tpu.memref_slice %arg4[%add3A_245, %dma_wait3A_305] : memref<102400x128xf32, #tpu.memory_space<hbm>> -> memref<128x128xf32, #tpu.memory_space<hbm>>
      %dma_wait3A_307 = arith.constant 0 : i32
      %dma_wait3A_308 = tpu.memref_slice %arg4[%add3A_245, %dma_wait3A_307] : memref<102400x128xf32, #tpu.memory_space<hbm>> -> memref<128x128xf32, #tpu.memory_space<hbm>>
      tpu.wait_dma2 semaphore(%run_scoped3A : memref<!tpu.dma_semaphore, #tpu.memory_space<semaphore_mem>>) src(%arg7 : memref<128x128xf32, #tpu.memory_space<vmem>>) dst(%dma_wait3A_308 : memref<128x128xf32, #tpu.memory_space<hbm>>)
      tpu.yield
    }) : () -> ()
    %dma_start3A_246 = arith.constant 2688 : i32
    %dma_start3A_247 = tpu.memref_slice %arg5[%dma_start3A_246] : memref<3200xi32, #tpu.memory_space<vmem>> -> memref<128xi32, #tpu.memory_space<vmem>>
    %dma_start3A_248 = arith.constant 0 : i32
    %dma_start3A_249 = arith.constant 0 : i32
    %dma_start3A_250 = tpu.memref_slice %arg3[%dma_start3A_248, %dma_start3A_249] : memref<100000x128xf32, #tpu.memory_space<hbm>> -> memref<100000x128xf32, #tpu.memory_space<hbm>>
    tpu.enqueue_indirect_dma source(%dma_start3A_250 : memref<100000x128xf32, #tpu.memory_space<hbm>>) target(%arg7 : memref<128x128xf32, #tpu.memory_space<vmem>>) offsets(%dma_start3A_247 : memref<128xi32, #tpu.memory_space<vmem>>) semaphore(%arg9 : memref<!tpu.dma_semaphore, #tpu.memory_space<semaphore_mem>>)
    %dma_wait3A_251 = arith.constant 2560 : i32
    %dma_wait3A_252 = tpu.memref_slice %arg5[%dma_wait3A_251] : memref<3200xi32, #tpu.memory_space<vmem>> -> memref<128xi32, #tpu.memory_space<vmem>>
    %dma_wait3A_253 = arith.constant 0 : i32
    %dma_wait3A_254 = arith.constant 0 : i32
    %dma_wait3A_255 = tpu.memref_slice %arg3[%dma_wait3A_253, %dma_wait3A_254] : memref<100000x128xf32, #tpu.memory_space<hbm>> -> memref<100000x128xf32, #tpu.memory_space<hbm>>
    tpu.wait_indirect_dma semaphore(%arg8 : memref<!tpu.dma_semaphore, #tpu.memory_space<semaphore_mem>>) src(%dma_wait3A_255 : memref<100000x128xf32, #tpu.memory_space<hbm>>) dst(%arg6 : memref<128x128xf32, #tpu.memory_space<vmem>>)
    %add3A_256 = arith.constant 2560 : i32
    %add3A_257 = arith.addi %mul3A_2, %add3A_256 : i32
    "tpu.region"() ({
      %run_scoped3A = tpu.sem_alloc : memref<!tpu.dma_semaphore, #tpu.memory_space<semaphore_mem>>
      %dma_start3A_301 = arith.constant 0 : i32
      %dma_start3A_302 = tpu.memref_slice %arg4[%add3A_257, %dma_start3A_301] : memref<102400x128xf32, #tpu.memory_space<hbm>> -> memref<128x128xf32, #tpu.memory_space<hbm>>
      %dma_start3A_303 = arith.constant 0 : i32
      %dma_start3A_304 = tpu.memref_slice %arg4[%add3A_257, %dma_start3A_303] : memref<102400x128xf32, #tpu.memory_space<hbm>> -> memref<128x128xf32, #tpu.memory_space<hbm>>
      tpu.enqueue_dma source(%arg6 : memref<128x128xf32, #tpu.memory_space<vmem>>) target(%dma_start3A_304 : memref<128x128xf32, #tpu.memory_space<hbm>>) target_semaphore(%run_scoped3A : memref<!tpu.dma_semaphore, #tpu.memory_space<semaphore_mem>>)
      %dma_wait3A_305 = arith.constant 0 : i32
      %dma_wait3A_306 = tpu.memref_slice %arg4[%add3A_257, %dma_wait3A_305] : memref<102400x128xf32, #tpu.memory_space<hbm>> -> memref<128x128xf32, #tpu.memory_space<hbm>>
      %dma_wait3A_307 = arith.constant 0 : i32
      %dma_wait3A_308 = tpu.memref_slice %arg4[%add3A_257, %dma_wait3A_307] : memref<102400x128xf32, #tpu.memory_space<hbm>> -> memref<128x128xf32, #tpu.memory_space<hbm>>
      tpu.wait_dma2 semaphore(%run_scoped3A : memref<!tpu.dma_semaphore, #tpu.memory_space<semaphore_mem>>) src(%arg6 : memref<128x128xf32, #tpu.memory_space<vmem>>) dst(%dma_wait3A_308 : memref<128x128xf32, #tpu.memory_space<hbm>>)
      tpu.yield
    }) : () -> ()
    %dma_start3A_258 = arith.constant 2816 : i32
    %dma_start3A_259 = tpu.memref_slice %arg5[%dma_start3A_258] : memref<3200xi32, #tpu.memory_space<vmem>> -> memref<128xi32, #tpu.memory_space<vmem>>
    %dma_start3A_260 = arith.constant 0 : i32
    %dma_start3A_261 = arith.constant 0 : i32
    %dma_start3A_262 = tpu.memref_slice %arg3[%dma_start3A_260, %dma_start3A_261] : memref<100000x128xf32, #tpu.memory_space<hbm>> -> memref<100000x128xf32, #tpu.memory_space<hbm>>
    tpu.enqueue_indirect_dma source(%dma_start3A_262 : memref<100000x128xf32, #tpu.memory_space<hbm>>) target(%arg6 : memref<128x128xf32, #tpu.memory_space<vmem>>) offsets(%dma_start3A_259 : memref<128xi32, #tpu.memory_space<vmem>>) semaphore(%arg8 : memref<!tpu.dma_semaphore, #tpu.memory_space<semaphore_mem>>)
    %dma_wait3A_263 = arith.constant 2688 : i32
    %dma_wait3A_264 = tpu.memref_slice %arg5[%dma_wait3A_263] : memref<3200xi32, #tpu.memory_space<vmem>> -> memref<128xi32, #tpu.memory_space<vmem>>
    %dma_wait3A_265 = arith.constant 0 : i32
    %dma_wait3A_266 = arith.constant 0 : i32
    %dma_wait3A_267 = tpu.memref_slice %arg3[%dma_wait3A_265, %dma_wait3A_266] : memref<100000x128xf32, #tpu.memory_space<hbm>> -> memref<100000x128xf32, #tpu.memory_space<hbm>>
    tpu.wait_indirect_dma semaphore(%arg9 : memref<!tpu.dma_semaphore, #tpu.memory_space<semaphore_mem>>) src(%dma_wait3A_267 : memref<100000x128xf32, #tpu.memory_space<hbm>>) dst(%arg7 : memref<128x128xf32, #tpu.memory_space<vmem>>)
    %add3A_268 = arith.constant 2688 : i32
    %add3A_269 = arith.addi %mul3A_2, %add3A_268 : i32
    "tpu.region"() ({
      %run_scoped3A = tpu.sem_alloc : memref<!tpu.dma_semaphore, #tpu.memory_space<semaphore_mem>>
      %dma_start3A_301 = arith.constant 0 : i32
      %dma_start3A_302 = tpu.memref_slice %arg4[%add3A_269, %dma_start3A_301] : memref<102400x128xf32, #tpu.memory_space<hbm>> -> memref<128x128xf32, #tpu.memory_space<hbm>>
      %dma_start3A_303 = arith.constant 0 : i32
      %dma_start3A_304 = tpu.memref_slice %arg4[%add3A_269, %dma_start3A_303] : memref<102400x128xf32, #tpu.memory_space<hbm>> -> memref<128x128xf32, #tpu.memory_space<hbm>>
      tpu.enqueue_dma source(%arg7 : memref<128x128xf32, #tpu.memory_space<vmem>>) target(%dma_start3A_304 : memref<128x128xf32, #tpu.memory_space<hbm>>) target_semaphore(%run_scoped3A : memref<!tpu.dma_semaphore, #tpu.memory_space<semaphore_mem>>)
      %dma_wait3A_305 = arith.constant 0 : i32
      %dma_wait3A_306 = tpu.memref_slice %arg4[%add3A_269, %dma_wait3A_305] : memref<102400x128xf32, #tpu.memory_space<hbm>> -> memref<128x128xf32, #tpu.memory_space<hbm>>
      %dma_wait3A_307 = arith.constant 0 : i32
      %dma_wait3A_308 = tpu.memref_slice %arg4[%add3A_269, %dma_wait3A_307] : memref<102400x128xf32, #tpu.memory_space<hbm>> -> memref<128x128xf32, #tpu.memory_space<hbm>>
      tpu.wait_dma2 semaphore(%run_scoped3A : memref<!tpu.dma_semaphore, #tpu.memory_space<semaphore_mem>>) src(%arg7 : memref<128x128xf32, #tpu.memory_space<vmem>>) dst(%dma_wait3A_308 : memref<128x128xf32, #tpu.memory_space<hbm>>)
      tpu.yield
    }) : () -> ()
    %dma_start3A_270 = arith.constant 2944 : i32
    %dma_start3A_271 = tpu.memref_slice %arg5[%dma_start3A_270] : memref<3200xi32, #tpu.memory_space<vmem>> -> memref<128xi32, #tpu.memory_space<vmem>>
    %dma_start3A_272 = arith.constant 0 : i32
    %dma_start3A_273 = arith.constant 0 : i32
    %dma_start3A_274 = tpu.memref_slice %arg3[%dma_start3A_272, %dma_start3A_273] : memref<100000x128xf32, #tpu.memory_space<hbm>> -> memref<100000x128xf32, #tpu.memory_space<hbm>>
    tpu.enqueue_indirect_dma source(%dma_start3A_274 : memref<100000x128xf32, #tpu.memory_space<hbm>>) target(%arg7 : memref<128x128xf32, #tpu.memory_space<vmem>>) offsets(%dma_start3A_271 : memref<128xi32, #tpu.memory_space<vmem>>) semaphore(%arg9 : memref<!tpu.dma_semaphore, #tpu.memory_space<semaphore_mem>>)
    %dma_wait3A_275 = arith.constant 2816 : i32
    %dma_wait3A_276 = tpu.memref_slice %arg5[%dma_wait3A_275] : memref<3200xi32, #tpu.memory_space<vmem>> -> memref<128xi32, #tpu.memory_space<vmem>>
    %dma_wait3A_277 = arith.constant 0 : i32
    %dma_wait3A_278 = arith.constant 0 : i32
    %dma_wait3A_279 = tpu.memref_slice %arg3[%dma_wait3A_277, %dma_wait3A_278] : memref<100000x128xf32, #tpu.memory_space<hbm>> -> memref<100000x128xf32, #tpu.memory_space<hbm>>
    tpu.wait_indirect_dma semaphore(%arg8 : memref<!tpu.dma_semaphore, #tpu.memory_space<semaphore_mem>>) src(%dma_wait3A_279 : memref<100000x128xf32, #tpu.memory_space<hbm>>) dst(%arg6 : memref<128x128xf32, #tpu.memory_space<vmem>>)
    %add3A_280 = arith.constant 2816 : i32
    %add3A_281 = arith.addi %mul3A_2, %add3A_280 : i32
    "tpu.region"() ({
      %run_scoped3A = tpu.sem_alloc : memref<!tpu.dma_semaphore, #tpu.memory_space<semaphore_mem>>
      %dma_start3A_301 = arith.constant 0 : i32
      %dma_start3A_302 = tpu.memref_slice %arg4[%add3A_281, %dma_start3A_301] : memref<102400x128xf32, #tpu.memory_space<hbm>> -> memref<128x128xf32, #tpu.memory_space<hbm>>
      %dma_start3A_303 = arith.constant 0 : i32
      %dma_start3A_304 = tpu.memref_slice %arg4[%add3A_281, %dma_start3A_303] : memref<102400x128xf32, #tpu.memory_space<hbm>> -> memref<128x128xf32, #tpu.memory_space<hbm>>
      tpu.enqueue_dma source(%arg6 : memref<128x128xf32, #tpu.memory_space<vmem>>) target(%dma_start3A_304 : memref<128x128xf32, #tpu.memory_space<hbm>>) target_semaphore(%run_scoped3A : memref<!tpu.dma_semaphore, #tpu.memory_space<semaphore_mem>>)
      %dma_wait3A_305 = arith.constant 0 : i32
      %dma_wait3A_306 = tpu.memref_slice %arg4[%add3A_281, %dma_wait3A_305] : memref<102400x128xf32, #tpu.memory_space<hbm>> -> memref<128x128xf32, #tpu.memory_space<hbm>>
      %dma_wait3A_307 = arith.constant 0 : i32
      %dma_wait3A_308 = tpu.memref_slice %arg4[%add3A_281, %dma_wait3A_307] : memref<102400x128xf32, #tpu.memory_space<hbm>> -> memref<128x128xf32, #tpu.memory_space<hbm>>
      tpu.wait_dma2 semaphore(%run_scoped3A : memref<!tpu.dma_semaphore, #tpu.memory_space<semaphore_mem>>) src(%arg6 : memref<128x128xf32, #tpu.memory_space<vmem>>) dst(%dma_wait3A_308 : memref<128x128xf32, #tpu.memory_space<hbm>>)
      tpu.yield
    }) : () -> ()
    %dma_start3A_282 = arith.constant 3072 : i32
    %dma_start3A_283 = tpu.memref_slice %arg5[%dma_start3A_282] : memref<3200xi32, #tpu.memory_space<vmem>> -> memref<128xi32, #tpu.memory_space<vmem>>
    %dma_start3A_284 = arith.constant 0 : i32
    %dma_start3A_285 = arith.constant 0 : i32
    %dma_start3A_286 = tpu.memref_slice %arg3[%dma_start3A_284, %dma_start3A_285] : memref<100000x128xf32, #tpu.memory_space<hbm>> -> memref<100000x128xf32, #tpu.memory_space<hbm>>
    tpu.enqueue_indirect_dma source(%dma_start3A_286 : memref<100000x128xf32, #tpu.memory_space<hbm>>) target(%arg6 : memref<128x128xf32, #tpu.memory_space<vmem>>) offsets(%dma_start3A_283 : memref<128xi32, #tpu.memory_space<vmem>>) semaphore(%arg8 : memref<!tpu.dma_semaphore, #tpu.memory_space<semaphore_mem>>)
    %dma_wait3A_287 = arith.constant 2944 : i32
    %dma_wait3A_288 = tpu.memref_slice %arg5[%dma_wait3A_287] : memref<3200xi32, #tpu.memory_space<vmem>> -> memref<128xi32, #tpu.memory_space<vmem>>
    %dma_wait3A_289 = arith.constant 0 : i32
    %dma_wait3A_290 = arith.constant 0 : i32
    %dma_wait3A_291 = tpu.memref_slice %arg3[%dma_wait3A_289, %dma_wait3A_290] : memref<100000x128xf32, #tpu.memory_space<hbm>> -> memref<100000x128xf32, #tpu.memory_space<hbm>>
    tpu.wait_indirect_dma semaphore(%arg9 : memref<!tpu.dma_semaphore, #tpu.memory_space<semaphore_mem>>) src(%dma_wait3A_291 : memref<100000x128xf32, #tpu.memory_space<hbm>>) dst(%arg7 : memref<128x128xf32, #tpu.memory_space<vmem>>)
    %add3A_292 = arith.constant 2944 : i32
    %add3A_293 = arith.addi %mul3A_2, %add3A_292 : i32
    "tpu.region"() ({
      %run_scoped3A = tpu.sem_alloc : memref<!tpu.dma_semaphore, #tpu.memory_space<semaphore_mem>>
      %dma_start3A_301 = arith.constant 0 : i32
      %dma_start3A_302 = tpu.memref_slice %arg4[%add3A_293, %dma_start3A_301] : memref<102400x128xf32, #tpu.memory_space<hbm>> -> memref<128x128xf32, #tpu.memory_space<hbm>>
      %dma_start3A_303 = arith.constant 0 : i32
      %dma_start3A_304 = tpu.memref_slice %arg4[%add3A_293, %dma_start3A_303] : memref<102400x128xf32, #tpu.memory_space<hbm>> -> memref<128x128xf32, #tpu.memory_space<hbm>>
      tpu.enqueue_dma source(%arg7 : memref<128x128xf32, #tpu.memory_space<vmem>>) target(%dma_start3A_304 : memref<128x128xf32, #tpu.memory_space<hbm>>) target_semaphore(%run_scoped3A : memref<!tpu.dma_semaphore, #tpu.memory_space<semaphore_mem>>)
      %dma_wait3A_305 = arith.constant 0 : i32
      %dma_wait3A_306 = tpu.memref_slice %arg4[%add3A_293, %dma_wait3A_305] : memref<102400x128xf32, #tpu.memory_space<hbm>> -> memref<128x128xf32, #tpu.memory_space<hbm>>
      %dma_wait3A_307 = arith.constant 0 : i32
      %dma_wait3A_308 = tpu.memref_slice %arg4[%add3A_293, %dma_wait3A_307] : memref<102400x128xf32, #tpu.memory_space<hbm>> -> memref<128x128xf32, #tpu.memory_space<hbm>>
      tpu.wait_dma2 semaphore(%run_scoped3A : memref<!tpu.dma_semaphore, #tpu.memory_space<semaphore_mem>>) src(%arg7 : memref<128x128xf32, #tpu.memory_space<vmem>>) dst(%dma_wait3A_308 : memref<128x128xf32, #tpu.memory_space<hbm>>)
      tpu.yield
    }) : () -> ()
    %dma_wait3A_294 = arith.constant 3072 : i32
    %dma_wait3A_295 = tpu.memref_slice %arg5[%dma_wait3A_294] : memref<3200xi32, #tpu.memory_space<vmem>> -> memref<128xi32, #tpu.memory_space<vmem>>
    %dma_wait3A_296 = arith.constant 0 : i32
    %dma_wait3A_297 = arith.constant 0 : i32
    %dma_wait3A_298 = tpu.memref_slice %arg3[%dma_wait3A_296, %dma_wait3A_297] : memref<100000x128xf32, #tpu.memory_space<hbm>> -> memref<100000x128xf32, #tpu.memory_space<hbm>>
    tpu.wait_indirect_dma semaphore(%arg8 : memref<!tpu.dma_semaphore, #tpu.memory_space<semaphore_mem>>) src(%dma_wait3A_298 : memref<100000x128xf32, #tpu.memory_space<hbm>>) dst(%arg6 : memref<128x128xf32, #tpu.memory_space<vmem>>)
    %add3A_299 = arith.constant 3072 : i32
    %add3A_300 = arith.addi %mul3A_2, %add3A_299 : i32
    "tpu.region"() ({
      %run_scoped3A = tpu.sem_alloc : memref<!tpu.dma_semaphore, #tpu.memory_space<semaphore_mem>>
      %dma_start3A_301 = arith.constant 0 : i32
      %dma_start3A_302 = tpu.memref_slice %arg4[%add3A_300, %dma_start3A_301] : memref<102400x128xf32, #tpu.memory_space<hbm>> -> memref<128x128xf32, #tpu.memory_space<hbm>>
      %dma_start3A_303 = arith.constant 0 : i32
      %dma_start3A_304 = tpu.memref_slice %arg4[%add3A_300, %dma_start3A_303] : memref<102400x128xf32, #tpu.memory_space<hbm>> -> memref<128x128xf32, #tpu.memory_space<hbm>>
      tpu.enqueue_dma source(%arg6 : memref<128x128xf32, #tpu.memory_space<vmem>>) target(%dma_start3A_304 : memref<128x128xf32, #tpu.memory_space<hbm>>) target_semaphore(%run_scoped3A : memref<!tpu.dma_semaphore, #tpu.memory_space<semaphore_mem>>)
      %dma_wait3A_305 = arith.constant 0 : i32
      %dma_wait3A_306 = tpu.memref_slice %arg4[%add3A_300, %dma_wait3A_305] : memref<102400x128xf32, #tpu.memory_space<hbm>> -> memref<128x128xf32, #tpu.memory_space<hbm>>
      %dma_wait3A_307 = arith.constant 0 : i32
      %dma_wait3A_308 = tpu.memref_slice %arg4[%add3A_300, %dma_wait3A_307] : memref<102400x128xf32, #tpu.memory_space<hbm>> -> memref<128x128xf32, #tpu.memory_space<hbm>>
      tpu.wait_dma2 semaphore(%run_scoped3A : memref<!tpu.dma_semaphore, #tpu.memory_space<semaphore_mem>>) src(%arg6 : memref<128x128xf32, #tpu.memory_space<vmem>>) dst(%dma_wait3A_308 : memref<128x128xf32, #tpu.memory_space<hbm>>)
      tpu.yield
    }) : () -> ()
    return
  }
}

module attributes {stable_mosaic.version = 14 : i64} {
  func.func @_lambda_(%arg0: i32, %arg1: memref<32x200x128xf32, #tpu.memory_space<vmem>>, %arg2: memref<32x1x200xi32, #tpu.memory_space<vmem>>, %arg3: memref<200x128xf32, #tpu.memory_space<vmem>>, %arg4: memref<1x128xf32, #tpu.memory_space<vmem>>, %arg5: memref<1x128xf32, #tpu.memory_space<vmem>>, %arg6: memref<1x128xf32, #tpu.memory_space<vmem>>, %arg7: memref<32x200x128xf32, #tpu.memory_space<vmem>>) attributes {dimension_semantics = [#tpu.dimension_semantics<arbitrary>], iteration_bounds = array<i64: 16>, scalar_prefetch = 0 : i64, scratch_operands = 0 : i64, tpu.core_type = #tpu.core_type<tc>, window_params = [{transform_indices = @transform_0, window_bounds = array<i64: 32, 200, 128>}, {transform_indices = @transform_1, window_bounds = array<i64: 32, 1, 200>}, {pipeline_mode = #tpu.pipeline_mode<synchronous>, transform_indices = @transform_2, window_bounds = array<i64: 200, 128>}, {pipeline_mode = #tpu.pipeline_mode<synchronous>, transform_indices = @transform_3, window_bounds = array<i64: 1, 128>}, {pipeline_mode = #tpu.pipeline_mode<synchronous>, transform_indices = @transform_4, window_bounds = array<i64: 1, 128>}, {pipeline_mode = #tpu.pipeline_mode<synchronous>, transform_indices = @transform_5, window_bounds = array<i64: 1, 128>}, {transform_indices = @transform_6, window_bounds = array<i64: 32, 200, 128>}]} {
    %get3A = arith.constant 0 : index
    %get3A_0 = arith.constant 0 : index
    %get3A_1 = arith.constant 0 : index
    %get3A_2 = vector.load %arg1[%get3A, %get3A_0, %get3A_1] : memref<32x200x128xf32, #tpu.memory_space<vmem>>, vector<32x200x128xf32>
    %get3A_3 = arith.constant 0 : index
    %get3A_4 = arith.constant 0 : index
    %get3A_5 = arith.constant 0 : index
    %get3A_6 = vector.load %arg2[%get3A_3, %get3A_4, %get3A_5] : memref<32x1x200xi32, #tpu.memory_space<vmem>>, vector<32x1x200xi32>
    %get3A_7 = vector.shape_cast %get3A_6 : vector<32x1x200xi32> to vector<32x200xi32>
    %convert_element_type3A = arith.sitofp %get3A_7 : vector<32x200xi32> to vector<32x200xf32>
    %get3A_8 = arith.constant 0 : index
    %get3A_9 = arith.constant 0 : index
    %get3A_10 = vector.load %arg3[%get3A_8, %get3A_9] : memref<200x128xf32, #tpu.memory_space<vmem>>, vector<200x128xf32>
    %broadcast_in_dim3A = vector.shape_cast %get3A_10 : vector<200x128xf32> to vector<1x200x128xf32>
    %add3A = vector.broadcast %broadcast_in_dim3A : vector<1x200x128xf32> to vector<32x200x128xf32>
    %add3A_11 = arith.addf %get3A_2, %add3A : vector<32x200x128xf32>
    %broadcast_in_dim3A_12 = vector.shape_cast %convert_element_type3A : vector<32x200xf32> to vector<32x200x1xf32>
    %get3A_13 = arith.constant 0 : index
    %get3A_14 = arith.constant 0 : index
    %get3A_15 = vector.load %arg4[%get3A_13, %get3A_14] : memref<1x128xf32, #tpu.memory_space<vmem>>, vector<1x128xf32>
    %get3A_16 = vector.shape_cast %get3A_15 : vector<1x128xf32> to vector<128xf32>
    %broadcast_in_dim3A_17 = vector.shape_cast %get3A_16 : vector<128xf32> to vector<1x1x128xf32>
    %mul3A = vector.broadcast %broadcast_in_dim3A_12 : vector<32x200x1xf32> to vector<32x200x128xf32>
    %mul3A_18 = vector.broadcast %broadcast_in_dim3A_17 : vector<1x1x128xf32> to vector<32x200x128xf32>
    %mul3A_19 = arith.mulf %mul3A, %mul3A_18 : vector<32x200x128xf32>
    %add3A_20 = arith.addf %add3A_11, %mul3A_19 : vector<32x200x128xf32>
    %reduce_sum3A = arith.constant dense<0.000000e+00> : vector<32x200xf32>
    %reduce_sum3A_21 = vector.multi_reduction <add>, %add3A_20, %reduce_sum3A [2] : vector<32x200x128xf32> to vector<32x200xf32>
    %broadcast_in_dim3A_22 = vector.shape_cast %reduce_sum3A_21 : vector<32x200xf32> to vector<32x200x1xf32>
    %div3A = arith.constant 1.280000e+02 : f32
    %div3A_23 = vector.broadcast %div3A : f32 to vector<32x200x1xf32>
    %div3A_24 = arith.divf %broadcast_in_dim3A_22, %div3A_23 : vector<32x200x1xf32>
    %sub3A = vector.broadcast %div3A_24 : vector<32x200x1xf32> to vector<32x200x128xf32>
    %sub3A_25 = arith.subf %add3A_20, %sub3A : vector<32x200x128xf32>
    %mul3A_26 = arith.mulf %sub3A_25, %sub3A_25 : vector<32x200x128xf32>
    %reduce_sum3A_27 = arith.constant dense<0.000000e+00> : vector<32x200xf32>
    %reduce_sum3A_28 = vector.multi_reduction <add>, %mul3A_26, %reduce_sum3A_27 [2] : vector<32x200x128xf32> to vector<32x200xf32>
    %broadcast_in_dim3A_29 = vector.shape_cast %reduce_sum3A_28 : vector<32x200xf32> to vector<32x200x1xf32>
    %div3A_30 = arith.constant 1.280000e+02 : f32
    %div3A_31 = vector.broadcast %div3A_30 : f32 to vector<32x200x1xf32>
    %div3A_32 = arith.divf %broadcast_in_dim3A_29, %div3A_31 : vector<32x200x1xf32>
    %add3A_33 = arith.constant 9.99999996E-13 : f32
    %add3A_34 = vector.broadcast %add3A_33 : f32 to vector<32x200x1xf32>
    %add3A_35 = arith.addf %div3A_32, %add3A_34 : vector<32x200x1xf32>
    %rsqrt3A = math.rsqrt %add3A_35 : vector<32x200x1xf32>
    %mul3A_36 = vector.broadcast %rsqrt3A : vector<32x200x1xf32> to vector<32x200x128xf32>
    %mul3A_37 = arith.mulf %sub3A_25, %mul3A_36 : vector<32x200x128xf32>
    %get3A_38 = arith.constant 0 : index
    %get3A_39 = arith.constant 0 : index
    %get3A_40 = vector.load %arg5[%get3A_38, %get3A_39] : memref<1x128xf32, #tpu.memory_space<vmem>>, vector<1x128xf32>
    %get3A_41 = vector.shape_cast %get3A_40 : vector<1x128xf32> to vector<128xf32>
    %broadcast_in_dim3A_42 = vector.shape_cast %get3A_41 : vector<128xf32> to vector<1x1x128xf32>
    %mul3A_43 = vector.broadcast %broadcast_in_dim3A_42 : vector<1x1x128xf32> to vector<32x200x128xf32>
    %mul3A_44 = arith.mulf %mul3A_37, %mul3A_43 : vector<32x200x128xf32>
    %get3A_45 = arith.constant 0 : index
    %get3A_46 = arith.constant 0 : index
    %get3A_47 = vector.load %arg6[%get3A_45, %get3A_46] : memref<1x128xf32, #tpu.memory_space<vmem>>, vector<1x128xf32>
    %get3A_48 = vector.shape_cast %get3A_47 : vector<1x128xf32> to vector<128xf32>
    %broadcast_in_dim3A_49 = vector.shape_cast %get3A_48 : vector<128xf32> to vector<1x1x128xf32>
    %add3A_50 = vector.broadcast %broadcast_in_dim3A_49 : vector<1x1x128xf32> to vector<32x200x128xf32>
    %add3A_51 = arith.addf %mul3A_44, %add3A_50 : vector<32x200x128xf32>
    %swap3A = arith.constant 0 : index
    %swap3A_52 = arith.constant 0 : index
    %swap3A_53 = arith.constant 0 : index
    %swap3A_54 = vector.load %arg7[%swap3A, %swap3A_52, %swap3A_53] : memref<32x200x128xf32, #tpu.memory_space<vmem>>, vector<32x200x128xf32>
    tpu.vector_store %arg7[%swap3A, %swap3A_52, %swap3A_53], %add3A_51 {strides = array<i32>} : memref<32x200x128xf32, #tpu.memory_space<vmem>>, vector<32x200x128xf32>,
    return
  }
  func.func @transform_0(%arg0: i32) -> (i32, i32, i32) {
    %c0_i32 = arith.constant 0 : i32
    %c0_i32_0 = arith.constant 0 : i32
    %c0_i32_1 = arith.constant 0 : i32
    return %arg0, %c0_i32, %c0_i32_0 : i32, i32, i32
  }
  func.func @transform_1(%arg0: i32) -> (i32, i32, i32) {
    %c0_i32 = arith.constant 0 : i32
    %c0_i32_0 = arith.constant 0 : i32
    %c0_i32_1 = arith.constant 0 : i32
    return %arg0, %c0_i32, %c0_i32_0 : i32, i32, i32
  }
  func.func @transform_2(%arg0: i32) -> (i32, i32) {
    %c0_i32 = arith.constant 0 : i32
    %c0_i32_0 = arith.constant 0 : i32
    %c0_i32_1 = arith.constant 0 : i32
    return %c0_i32, %c0_i32_0 : i32, i32
  }
  func.func @transform_3(%arg0: i32) -> (i32, i32) {
    %c0_i32 = arith.constant 0 : i32
    %c0_i32_0 = arith.constant 0 : i32
    %c0_i32_1 = arith.constant 0 : i32
    return %c0_i32, %c0_i32_0 : i32, i32
  }
  func.func @transform_4(%arg0: i32) -> (i32, i32) {
    %c0_i32 = arith.constant 0 : i32
    %c0_i32_0 = arith.constant 0 : i32
    %c0_i32_1 = arith.constant 0 : i32
    return %c0_i32, %c0_i32_0 : i32, i32
  }
  func.func @transform_5(%arg0: i32) -> (i32, i32) {
    %c0_i32 = arith.constant 0 : i32
    %c0_i32_0 = arith.constant 0 : i32
    %c0_i32_1 = arith.constant 0 : i32
    return %c0_i32, %c0_i32_0 : i32, i32
  }
  func.func @transform_6(%arg0: i32) -> (i32, i32, i32) {
    %add3A = arith.constant 0 : i32
    %add3A_0 = arith.addi %add3A, %arg0 : i32
    %c0_i32 = arith.constant 0 : i32
    %c0_i32_1 = arith.constant 0 : i32
    %c0_i32_2 = arith.constant 0 : i32
    return %add3A_0, %c0_i32, %c0_i32_1 : i32, i32, i32
  }
}

module attributes {stable_mosaic.version = 14 : i64} {
  func.func @_ln_kernel(%arg0: i32, %arg1: memref<32x200x128xf32, #tpu.memory_space<vmem>>, %arg2: memref<32x1x200xi32, #tpu.memory_space<vmem>>, %arg3: memref<200x128xf32, #tpu.memory_space<vmem>>, %arg4: memref<1x128xf32, #tpu.memory_space<vmem>>, %arg5: memref<1x128xf32, #tpu.memory_space<vmem>>, %arg6: memref<1x128xf32, #tpu.memory_space<vmem>>, %arg7: memref<1024x200x128xf32, #tpu.memory_space<any>>, %arg8: memref<32x200x128xf32, #tpu.memory_space<vmem>>) attributes {dimension_semantics = [#tpu.dimension_semantics<arbitrary>], iteration_bounds = array<i64: 16>, scalar_prefetch = 0 : i64, scratch_operands = 0 : i64, tpu.core_type = #tpu.core_type<tc>, window_params = [{transform_indices = @transform_0, window_bounds = array<i64: 32, 200, 128>}, {transform_indices = @transform_1, window_bounds = array<i64: 32, 1, 200>}, {pipeline_mode = #tpu.pipeline_mode<synchronous>, transform_indices = @transform_2, window_bounds = array<i64: 200, 128>}, {pipeline_mode = #tpu.pipeline_mode<synchronous>, transform_indices = @transform_3, window_bounds = array<i64: 1, 128>}, {pipeline_mode = #tpu.pipeline_mode<synchronous>, transform_indices = @transform_4, window_bounds = array<i64: 1, 128>}, {pipeline_mode = #tpu.pipeline_mode<synchronous>, transform_indices = @transform_5, window_bounds = array<i64: 1, 128>}, {}, {transform_indices = @transform_7, window_bounds = array<i64: 32, 200, 128>}]} {
    %get3A = arith.constant 0 : index
    %get3A_0 = arith.constant 0 : index
    %get3A_1 = arith.constant 0 : index
    %get3A_2 = vector.load %arg1[%get3A, %get3A_0, %get3A_1] : memref<32x200x128xf32, #tpu.memory_space<vmem>>, vector<32x200x128xf32>
    %get3A_3 = arith.constant 0 : index
    %get3A_4 = arith.constant 0 : index
    %get3A_5 = arith.constant 0 : index
    %get3A_6 = vector.load %arg2[%get3A_3, %get3A_4, %get3A_5] : memref<32x1x200xi32, #tpu.memory_space<vmem>>, vector<32x1x200xi32>
    %get3A_7 = vector.shape_cast %get3A_6 : vector<32x1x200xi32> to vector<32x200xi32>
    %convert_element_type3A = arith.sitofp %get3A_7 : vector<32x200xi32> to vector<32x200xf32>
    %get3A_8 = arith.constant 0 : index
    %get3A_9 = arith.constant 0 : index
    %get3A_10 = vector.load %arg3[%get3A_8, %get3A_9] : memref<200x128xf32, #tpu.memory_space<vmem>>, vector<200x128xf32>
    %broadcast_in_dim3A = vector.shape_cast %get3A_10 : vector<200x128xf32> to vector<1x200x128xf32>
    %add3A = vector.broadcast %broadcast_in_dim3A : vector<1x200x128xf32> to vector<32x200x128xf32>
    %add3A_11 = arith.addf %get3A_2, %add3A : vector<32x200x128xf32>
    %broadcast_in_dim3A_12 = vector.shape_cast %convert_element_type3A : vector<32x200xf32> to vector<32x200x1xf32>
    %get3A_13 = arith.constant 0 : index
    %get3A_14 = arith.constant 0 : index
    %get3A_15 = vector.load %arg4[%get3A_13, %get3A_14] : memref<1x128xf32, #tpu.memory_space<vmem>>, vector<1x128xf32>
    %get3A_16 = vector.shape_cast %get3A_15 : vector<1x128xf32> to vector<128xf32>
    %broadcast_in_dim3A_17 = vector.shape_cast %get3A_16 : vector<128xf32> to vector<1x1x128xf32>
    %mul3A = vector.broadcast %broadcast_in_dim3A_12 : vector<32x200x1xf32> to vector<32x200x128xf32>
    %mul3A_18 = vector.broadcast %broadcast_in_dim3A_17 : vector<1x1x128xf32> to vector<32x200x128xf32>
    %mul3A_19 = arith.mulf %mul3A, %mul3A_18 : vector<32x200x128xf32>
    %add3A_20 = arith.addf %add3A_11, %mul3A_19 : vector<32x200x128xf32>
    %reduce_sum3A = arith.constant dense<0.000000e+00> : vector<32x200xf32>
    %reduce_sum3A_21 = vector.multi_reduction <add>, %add3A_20, %reduce_sum3A [2] : vector<32x200x128xf32> to vector<32x200xf32>
    %broadcast_in_dim3A_22 = vector.shape_cast %reduce_sum3A_21 : vector<32x200xf32> to vector<32x200x1xf32>
    %div3A = arith.constant 1.280000e+02 : f32
    %div3A_23 = vector.broadcast %div3A : f32 to vector<32x200x1xf32>
    %div3A_24 = arith.divf %broadcast_in_dim3A_22, %div3A_23 : vector<32x200x1xf32>
    %sub3A = vector.broadcast %div3A_24 : vector<32x200x1xf32> to vector<32x200x128xf32>
    %sub3A_25 = arith.subf %add3A_20, %sub3A : vector<32x200x128xf32>
    %mul3A_26 = arith.mulf %sub3A_25, %sub3A_25 : vector<32x200x128xf32>
    %reduce_sum3A_27 = arith.constant dense<0.000000e+00> : vector<32x200xf32>
    %reduce_sum3A_28 = vector.multi_reduction <add>, %mul3A_26, %reduce_sum3A_27 [2] : vector<32x200x128xf32> to vector<32x200xf32>
    %broadcast_in_dim3A_29 = vector.shape_cast %reduce_sum3A_28 : vector<32x200xf32> to vector<32x200x1xf32>
    %div3A_30 = arith.constant 1.280000e+02 : f32
    %div3A_31 = vector.broadcast %div3A_30 : f32 to vector<32x200x1xf32>
    %div3A_32 = arith.divf %broadcast_in_dim3A_29, %div3A_31 : vector<32x200x1xf32>
    %add3A_33 = arith.constant 9.99999996E-13 : f32
    %add3A_34 = vector.broadcast %add3A_33 : f32 to vector<32x200x1xf32>
    %add3A_35 = arith.addf %div3A_32, %add3A_34 : vector<32x200x1xf32>
    %rsqrt3A = math.rsqrt %add3A_35 : vector<32x200x1xf32>
    %mul3A_36 = vector.broadcast %rsqrt3A : vector<32x200x1xf32> to vector<32x200x128xf32>
    %mul3A_37 = arith.mulf %sub3A_25, %mul3A_36 : vector<32x200x128xf32>
    %get3A_38 = arith.constant 0 : index
    %get3A_39 = arith.constant 0 : index
    %get3A_40 = vector.load %arg5[%get3A_38, %get3A_39] : memref<1x128xf32, #tpu.memory_space<vmem>>, vector<1x128xf32>
    %get3A_41 = vector.shape_cast %get3A_40 : vector<1x128xf32> to vector<128xf32>
    %broadcast_in_dim3A_42 = vector.shape_cast %get3A_41 : vector<128xf32> to vector<1x1x128xf32>
    %mul3A_43 = vector.broadcast %broadcast_in_dim3A_42 : vector<1x1x128xf32> to vector<32x200x128xf32>
    %mul3A_44 = arith.mulf %mul3A_37, %mul3A_43 : vector<32x200x128xf32>
    %get3A_45 = arith.constant 0 : index
    %get3A_46 = arith.constant 0 : index
    %get3A_47 = vector.load %arg6[%get3A_45, %get3A_46] : memref<1x128xf32, #tpu.memory_space<vmem>>, vector<1x128xf32>
    %get3A_48 = vector.shape_cast %get3A_47 : vector<1x128xf32> to vector<128xf32>
    %broadcast_in_dim3A_49 = vector.shape_cast %get3A_48 : vector<128xf32> to vector<1x1x128xf32>
    %add3A_50 = vector.broadcast %broadcast_in_dim3A_49 : vector<1x1x128xf32> to vector<32x200x128xf32>
    %add3A_51 = arith.addf %mul3A_44, %add3A_50 : vector<32x200x128xf32>
    %swap3A = arith.constant 0 : index
    %swap3A_52 = arith.constant 0 : index
    %swap3A_53 = arith.constant 0 : index
    %swap3A_54 = vector.load %arg8[%swap3A, %swap3A_52, %swap3A_53] : memref<32x200x128xf32, #tpu.memory_space<vmem>>, vector<32x200x128xf32>
    tpu.vector_store %arg8[%swap3A, %swap3A_52, %swap3A_53], %add3A_51 {strides = array<i32>} : memref<32x200x128xf32, #tpu.memory_space<vmem>>, vector<32x200x128xf32>,
    return
  }
  func.func @transform_0(%arg0: i32) -> (i32, i32, i32) {
    %c0_i32 = arith.constant 0 : i32
    %c0_i32_0 = arith.constant 0 : i32
    %c0_i32_1 = arith.constant 0 : i32
    return %arg0, %c0_i32, %c0_i32_0 : i32, i32, i32
  }
  func.func @transform_1(%arg0: i32) -> (i32, i32, i32) {
    %c0_i32 = arith.constant 0 : i32
    %c0_i32_0 = arith.constant 0 : i32
    %c0_i32_1 = arith.constant 0 : i32
    return %arg0, %c0_i32, %c0_i32_0 : i32, i32, i32
  }
  func.func @transform_2(%arg0: i32) -> (i32, i32) {
    %c0_i32 = arith.constant 0 : i32
    %c0_i32_0 = arith.constant 0 : i32
    %c0_i32_1 = arith.constant 0 : i32
    return %c0_i32, %c0_i32_0 : i32, i32
  }
  func.func @transform_3(%arg0: i32) -> (i32, i32) {
    %c0_i32 = arith.constant 0 : i32
    %c0_i32_0 = arith.constant 0 : i32
    %c0_i32_1 = arith.constant 0 : i32
    return %c0_i32, %c0_i32_0 : i32, i32
  }
  func.func @transform_4(%arg0: i32) -> (i32, i32) {
    %c0_i32 = arith.constant 0 : i32
    %c0_i32_0 = arith.constant 0 : i32
    %c0_i32_1 = arith.constant 0 : i32
    return %c0_i32, %c0_i32_0 : i32, i32
  }
  func.func @transform_5(%arg0: i32) -> (i32, i32) {
    %c0_i32 = arith.constant 0 : i32
    %c0_i32_0 = arith.constant 0 : i32
    %c0_i32_1 = arith.constant 0 : i32
    return %c0_i32, %c0_i32_0 : i32, i32
  }
  func.func @transform_7(%arg0: i32) -> (i32, i32, i32) {
    %add3A = arith.constant 16 : i32
    %add3A_0 = arith.addi %add3A, %arg0 : i32
    %c0_i32 = arith.constant 0 : i32
    %c0_i32_1 = arith.constant 0 : i32
    %c0_i32_2 = arith.constant 0 : i32
    return %add3A_0, %c0_i32, %c0_i32_1 : i32, i32, i32
  }
}

</mosaic_0001>

<sc_bundles>
// kernel: kernel.6.cloned.1.call-start
scs
__scs_entry_jumppad:
0x0: {  	(pc) =	sbr.rel $0x88, $3  }
0x1: {  	(tag) =	ssettag $0x0;
	lr =	simm.s32 $0x1  }
0x2: {  	[smem:$0x3F9A] =	sst lr;
	_ =	strace $0xD0000000  }
0x3: {  	_ = 	snop  }
0x4: {  	_ = 	snop  }
0x5: {  	_ = 	snop  }
0x6: {  	_ = 	snop  }
0x7: {  	_ = 	snop  }
__scs_overlays_trampoline_lowered:
0x8: {  	[smem:$0x3FA9] =	sst s0  }
0x9: {  	[smem:$0x3FAA] =	sst s1  }
0xa: {  	[smem:$0x3FAB] =	sst s2  }
0xb: {  	[smem:$0x3FAC] =	sst s3  }
0xc: {  	[smem:$0x3FAD] =	sst s4  }
0xd: {  	[smem:$0x3FAE] =	sst s5  }
0xe: {  	[smem:$0x3FAF] =	sst s6  }
0xf: {  	[smem:$0x3FB0] =	sst s7  }
0x10: {  	[smem:$0x3FB1] =	sst s8  }
0x11: {  	[smem:$0x3FB2] =	sst s9;
	s0 =	simm.s32 @!p0 $0x0  }
0x12: {  	s1 =	sld [smem:$0x3F98];
	s0 =	simm.s32 @p0 $0x1  }
0x13: {  	[smem:$0x3FB3] =	sst s0;
	s0 =	simm.s32 @!p1 $0x0  }
0x14: {  	s2 =	sld [smem:$0x3F97];
	s0 =	simm.s32 @p1 $0x1  }
0x15: {  	[smem:$0x3FB4] =	sst s0;
	s0 =	simm.s32 @!p2 $0x0  }
0x16: {  	s3 =	sld [smem:$0x3FDB];
	s0 =	simm.s32 @p2 $0x1  }
0x17: {  	s4 =	simm.s32 $0x1BF5;
	[smem:$0x3FB6] =	sst s0  }
0x18: {  	s0 =	sld [smem:$0x3F99];
	_ =	swait.ge [sflag:s4], $0x0  }
0x19: {  	s7 =	sld [smem:$0x3F9A]  }
0x1a: {  	s8 =	sadd.s32 $0xFFFFE003, lr  }
0x1b: {  	s9 =	sadd.s32 $0xFFFFFEF7, lr;
	s5 =	simm.s32 $0xFFFFFFFF;
	p2 =	slt.u32 s8, $0xFFFFF086  }
0x1c: {  	p1 =	slt.u32 s9, $0xF7A;
	s5 =	simm.s32 @!p2 $0x0  }
0x1d: {  	s5 =	simm.s32 @p1 $0x1;
	p0 =	seq.s32 s7, s2  }
0x1e: {  	s7 =	smul.u32 @!p0 $0xF7A, s2;
	p2 =	seq.s32 @!p0 s5, $0x0  }
0x1f: {  	s9 =	smul.u32 $0xF7A, s1;
	s8 =	simm.s32 @!p0 $0x1BF5;
	p2 =	por !p2, p0  }
0x20: {  	[sflag:s8] =	ssyncset.s32 @!p0 $0xFFFFF086;
	s6 =	sadd.s32 @!p0 s3, s7;
	s7 =	simm.s32 @!p0 $0x108  }
0x21: {  	s3 =	sadd.s32 s3, s9;
	s6 =	sadd.s32 @!p0 $0x88, s6;
	s7 =	simm.s32 @p2 $0x1082  }
0x22: {  	[simem:s7], [sflag:s8] =	dma.local @!p0 [hbm:s6], $0xF7A  }
0x23: {  	s9 =	sor.u32 $0xD0000000, s2;
	s6 =	simm.s32 $0x108;
	_ =	swait.ge @!p0 [sflag:s8], $0x0  }
0x24: {  	s3 =	sadd.s32 $0x88, s3;
	s6 =	simm.s32 @!p1 $0x1082;
	[sflag:s4] =	ssyncset.s32 $0xFFFFF086  }
0x25: {  	[simem:s6], [sflag:s4] =	dma.local [hbm:s3], $0xF7A  }
0x26: {  	[smem:$0x3F9A] =	sst s1;
	(tag) =	ssettag s2;
	_ =	strace s9  }
0x27: {  	s1 =	sld [smem:$0x3FAA]  }
0x28: {  	s2 =	sld [smem:$0x3FAB]  }
0x29: {  	s4 =	sld [smem:$0x3FAD]  }
0x2a: {  	p0 =	seq.s32 s5, $0x0;
	s5 =	sld [smem:$0x3FAE]  }
0x2b: {  	s6 =	sld [smem:$0x3FAF]  }
0x2c: {  	s7 =	sld [smem:$0x3FB0]  }
0x2d: {  	s3 =	simm.s32 $0x108;
	s8 =	sld [smem:$0x3FB1]  }
0x2e: {  	s3 =	simm.s32 @!p0 $0x1082;
	s9 =	sld [smem:$0x3FB2]  }
0x2f: {  	lr =	sadd.s32 s0, s3;
	s0 =	sld [smem:$0x3FA9]  }
0x30: {  	s3 =	sld [smem:$0x3FAC]  }
0x31: {  	[smem:$0x3FB5] =	sst s10  }
0x32: {  	s10 =	sld [smem:$0x3FB3];
	_ =	sdelay $0x3  }
0x33: {  	p0 =	seq.s32 s10, $0x1;
	s10 =	sld [smem:$0x3FB5];
	_ =	sdelay $0x3  }
0x34: {  	[smem:$0x3FB5] =	sst s10  }
0x35: {  	s10 =	sld [smem:$0x3FB4];
	_ =	sdelay $0x3  }
0x36: {  	p1 =	seq.s32 s10, $0x1;
	s10 =	sld [smem:$0x3FB5];
	_ =	sdelay $0x3  }
0x37: {  	[smem:$0x3FB5] =	sst s10  }
0x38: {  	s10 =	sld [smem:$0x3FB6]  }
0x39: {  	_ = 	snop;
	(pc) =	sbr.ind lr, $3  }
0x3a: {  	_ = 	snop  }
0x3b: {  	_ = 	snop  }
0x3c: {  	p2 =	seq.s32 s10, $0x1;
	s10 =	sld [smem:$0x3FB5]  }
0x3d: {  	_ =	shalt  }
0x3e: {  	_ =	shalt  }
0x3f: {  	_ =	shalt  }
0x40: {  	_ =	shalt  }
0x41: {  	_ =	shalt  }
0x42: {  	_ =	shalt  }
0x43: {  	_ =	shalt  }
0x44: {  	_ =	shalt  }
0x45: {  	_ =	shalt  }
0x46: {  	_ =	shalt  }
0x47: {  	_ =	shalt  }
0x48: {  	_ =	shalt  }
0x49: {  	_ =	shalt  }
0x4a: {  	_ =	shalt  }
0x4b: {  	_ =	shalt  }
0x4c: {  	_ =	shalt  }
0x4d: {  	_ =	shalt  }
0x4e: {  	_ =	shalt  }
0x4f: {  	_ =	shalt  }
0x50: {  	_ =	shalt  }
0x51: {  	_ =	shalt  }
0x52: {  	_ =	shalt  }
0x53: {  	_ =	shalt  }
0x54: {  	_ =	shalt  }
0x55: {  	_ =	shalt  }
0x56: {  	_ =	shalt  }
0x57: {  	_ =	shalt  }
0x58: {  	_ =	shalt  }
0x59: {  	_ =	shalt  }
0x5a: {  	_ =	shalt  }
0x5b: {  	_ =	shalt  }
0x5c: {  	_ =	shalt  }
0x5d: {  	_ =	shalt  }
0x5e: {  	_ =	shalt  }
0x5f: {  	_ =	shalt  }
0x60: {  	_ =	shalt  }
0x61: {  	_ =	shalt  }
0x62: {  	_ =	shalt  }
0x63: {  	_ =	shalt  }
0x64: {  	_ =	shalt  }
0x65: {  	_ =	shalt  }
0x66: {  	_ =	shalt  }
0x67: {  	_ =	shalt  }
0x68: {  	_ =	shalt  }
0x69: {  	_ =	shalt  }
0x6a: {  	_ =	shalt  }
0x6b: {  	_ =	shalt  }
0x6c: {  	_ =	shalt  }
0x6d: {  	_ =	shalt  }
0x6e: {  	_ =	shalt  }
0x6f: {  	_ =	shalt  }
0x70: {  	_ =	shalt  }
0x71: {  	_ =	shalt  }
0x72: {  	_ =	shalt  }
0x73: {  	_ =	shalt  }
0x74: {  	_ =	shalt  }
0x75: {  	_ =	shalt  }
0x76: {  	_ =	shalt  }
0x77: {  	_ =	shalt  }
0x78: {  	_ =	shalt  }
0x79: {  	_ =	shalt  }
0x7a: {  	_ =	shalt  }
0x7b: {  	_ =	shalt  }
0x7c: {  	_ =	shalt  }
0x7d: {  	_ =	shalt  }
0x7e: {  	_ =	shalt  }
0x7f: {  	_ =	shalt  }
0x80: {  	_ =	shalt  }
0x81: {  	_ =	shalt  }
0x82: {  	_ =	shalt  }
0x83: {  	_ =	shalt  }
0x84: {  	_ =	shalt  }
0x85: {  	_ =	shalt  }
0x86: {  	_ =	shalt  }
0x87: {  	_ =	shalt  }
.Lfunc_end0:
.L_simem_size_0:
called_computation_lowered:
.L_overlay_start_0:
0x88: {  	s2 =	sld [smem:$0x3FD9]  }
0x89: {  	s3 =	sld [smem:$0x3FFE];
	_ =	sdelay $0x1  }
0x8a: {  	s1 =	srdreg.scid  }
0x8b: {  	s0 =	sand.u32 $0x1, s1  }
0x8c: {  	s17 =	sshll.u32 s0, $0xA;
	s2 =	sadd.s32 s3, s2  }
0x8d: {  	s2 =	sadd.s32 s2, s17  }
0x8e: {  	[smem:$0x3FC1] =	sst s2  }
0x8f: {  	_ = 	snop  }
0x90: {  	s2 =	sld [smem:$0x3FC7]  }
0x91: {  	s18 =	sld [smem:$0x3FD0];
	(tm) =	ssettm $0x1  }
0x92: {  	s4 =	sld [smem:$0x3FFB];
	_ =	sdelay $0x3  }
0x93: {  	_ =	strace s4  }
0x94: {  	s4 =	sld [smem:$0x3FFC];
	_ =	sdelay $0x3  }
0x95: {  	_ =	strace s4  }
0x96: {  	s4 =	sld [smem:$0x3FFD];
	_ =	sdelay $0x3  }
0x97: {  	_ =	strace s4  }
0x98: {  	_ =	strace $0x8FFFFFFF  }
0x99: {  	s19 =	sld [smem:$0x3FDB];
	_ =	sdelay $0x1  }
0x9a: {  	s5 =	simm.s32 $_scs_section_size  }
0x9b: {  	s6 =	simm.s32 $_size__tile_overlayer_lowered;
	s7 =	simm.s32 $_tile_overlayer_lowered  }
0x9c: {  	s22 =	simm.s32 $0x1BFF;
	s21 =	sshll.u32 s7, $0x1;
	s4 =	sadd.s32 s5, s19  }
0x9d: {  	s8 =	simm.s32 $0x0;
	s20 =	sshll.u32 s6, $0x1;
	s6 =	sadd.s32 s21, s4  }
0x9e: {  	[timem:s8], [sflag:s22] =	dma.local [hbm:s6], s20  }
0x9f: {  	_ =	swait.ge [sflag:s22], s20  }
0xa0: {  	s5 =	ssub.s32 $0x0, s20;
	[sflag:s22] =	ssyncset.done $0x0  }
0xa1: {  	[sflag:s22] =	ssyncadd.s32 s5;
	_ =	sdelay $0x1  }
0xa2: {  	s23 =	simm.s32 $0x1B8B  }
0xa3: {  	_ =	swait.ge [sflag:s23], $0x1  }
0xa4: {  	[sflag:s23] =	ssyncset.done $0x0  }
0xa5: {  	s25 =	simm.s32 $0x1B8E;
	s24 =	sld [smem:$0x3FFE];
	[sflag:s23] =	ssyncadd.s32 $0xFFFFFFFF  }
0xa6: {  	s26 =	simm.s32 $execute0_lowered;
	[smem:$0x3FD2] =	sst s25  }
0xa7: {  	s6 =	sshll.u32 s26, $0x1;
	_ =	strace $0x80000046;
	[dreg:$0x1] =	wrdreg $0xFFFFFFFF  }
0xa8: {  	s28 =	simm.s32 $_size_execute0_lowered;
	s4 =	sadd.s32 s4, s6;
	[dreg:$0x0] =	wrdreg $0x0  }
0xa9: {  	s6 =	sshll.u32 s28, $0x1;
	[dreg:$0x2] =	wrdreg s4  }
0xaa: {  	[dreg:$0x3] =	wrdreg s6  }
0xab: {  	[dreg:$0x4] =	wrdreg $0xC0  }
0xac: {  	_ =	task [dreg:s8], $0x5FFFF  }
0xad: {  	[dreg:$0x1] =	wrdreg $0xFFFFFFFF  }
0xae: {  	[dreg:$0x0] =	wrdreg $0x60  }
0xaf: {  	[dreg:$0x2] =	wrdreg s18  }
0xb0: {  	[dreg:$0x3] =	wrdreg s2  }
0xb1: {  	[dreg:$0x4] =	wrdreg s24  }
0xb2: {  	[dreg:$0x5] =	wrdreg $0x9  }
0xb3: {  	_ =	task.clear_ibuf [dreg:s8], $0x6FFFF;
	_ =	strace $0x90000046  }
0xb4: {  	s29 =	simm.s32 $0x9;
	_ =	strace $0x80000048  }
0xb5: {  	_ =	swait.ge [sflag:s29], $0x1  }
0xb6: {  	[sflag:s29] =	ssyncadd.s32 $0xFFFFFFFF  }
0xb7: {  	_ =	strace $0x90000048  }
0xb8: {  	_ =	sfence  }
0xb9: {  	s30 =	sld [smem:$0x0];
	_ =	sdelay $0x2  }
0xba: {  	s31 =	sshll.u32 s1, $0xD;
	s1 =	sshrl.u32 s1, $0x2  }
0xbb: {  	s3 =	sand.u32 $0x4000, s31;
	s1 =	sadd.s32 s1, s30  }
0xbc: {  	s0 =	sor.u32 s3, s0;
	s1 =	sshll.u32 s1, $0x11  }
0xbd: {  	s0 =	sor.u32 s1, s0  }
0xbe: {  	s0 =	sadd.s32 $0x8F2B, s0  }
0xbf: {  	[sflag:s0] =	ssyncadd.remote.s32 $0x1  }
0xc0: {  	_ =	sfence.sel $0xFFFF  }
0xc1: {  	[dreg:$0x0] =	wrdreg $0xFFFFFFFF;
	(pc) =	sbr.abs _section_cstart, $3  }
0xc2: {  	[dreg:$0x1] =	wrdreg $0xFFFFFFFF  }
0xc3: {  	_ =	task.clear_ibuf [dreg:s8], $0x2FFFF;
	_ =	strace $0x9FFFFFFF  }
0xc4: {  	(tm) =	ssettm $0x7FFFFFFF  }
0xc5: {  	_ =	shalt  }
tec
execute0_lowered:
.L_overlay_start_1:
0x0: {  	(tag) =	ssettag $0x1  }
0x1: {  	s0 =	srdreg.scid  }
0x2: {  	s2 =	stileid.u32;
	s4 =	rddreg [dreg:$0x0]  }
0x3: {  	s1 =	sand.u32 $0x1, s0;
	s9 =	sshll.u32 s2, $0x1;
	s2 =	sshrl.u32 s2, $0x2  }
0x4: {  	s3 =	rddreg [dreg:$0x1];
	s0 =	sor.u32 s1, s9;
	s6 =	smul.u32 $0x6400, s2  }
0x5: {  	s5 =	rddreg [dreg:$0x2];
	s7 =	sshll.u32 s0, $0x7;
	s10 =	smul.u32 $0x64000, s0  }
0x6: {  	s2 =	simm.s32 $0x0;
	s0 =	smul.u32 $0xC800, s0;
	s7 =	sand.u32 $0x380, s7  }
0x7: {  	s5 =	sadd.s32 $0x1400, s5;
	[smem:$0x7FF] =	sst s2;
	s6 =	sor.u32 s6, s7  }
0x8: {  	_ =	strace $0x80000047;
	s0 =	sadd.s32 s5, s0;
	s6 =	sshrl.u32 s6, $0x3  }
0x9: {  	s11 =	sshrl.u32 s10, $0x3;
	[dreg:$0x5] =	wrdreg s0;
	s4 =	sadd.s32 s4, s6  }
0xa: {  	[dreg:$0x4] =	wrdreg s4;
	s4 =	sadd.s32 s5, s11  }
0xb: {  	s12 =	sadd.s32 $0x800, s4;
	s0 =	rddreg [dreg:$0x4]  }
0xc: {  	s13 =	sadd.s32 $0x1000, s4;
	[dreg:$0x6] =	wrdreg s12  }
0xd: {  	s14 =	sadd.s32 $0x1800, s4;
	[dreg:$0x7] =	wrdreg s13  }
0xe: {  	s15 =	sadd.s32 $0x2000, s4;
	[dreg:$0x8] =	wrdreg s14  }
0xf: {  	s16 =	sadd.s32 $0x2800, s4;
	[dreg:$0x9] =	wrdreg s15  }
0x10: {  	s17 =	sadd.s32 $0x3000, s4;
	[dreg:$0xa] =	wrdreg s16  }
0x11: {  	s18 =	sadd.s32 $0x3800, s4;
	[dreg:$0xb] =	wrdreg s17  }
0x12: {  	s19 =	sadd.s32 $0x4000, s4;
	[dreg:$0xc] =	wrdreg s18  }
0x13: {  	s20 =	sadd.s32 $0x4800, s4;
	[dreg:$0xd] =	wrdreg s19  }
0x14: {  	s21 =	sadd.s32 $0x5000, s4;
	[dreg:$0xe] =	wrdreg s20  }
0x15: {  	s22 =	sadd.s32 $0x5800, s4;
	[dreg:$0xf] =	wrdreg s21  }
0x16: {  	s23 =	sadd.s32 $0x6000, s4;
	[dreg:$0x10] =	wrdreg s22  }
0x17: {  	s24 =	sadd.s32 $0x6800, s4;
	[dreg:$0x11] =	wrdreg s23  }
0x18: {  	s25 =	sadd.s32 $0x7000, s4;
	[dreg:$0x12] =	wrdreg s24  }
0x19: {  	s26 =	sadd.s32 $0x7800, s4;
	[dreg:$0x13] =	wrdreg s25  }
0x1a: {  	s5 =	sadd.s32 $0x8000, s4;
	[dreg:$0x14] =	wrdreg s26  }
0x1b: {  	s6 =	sadd.s32 $0x8800, s4;
	[dreg:$0x15] =	wrdreg s5  }
0x1c: {  	s31 =	simm.s32 $0x200;
	s7 =	sadd.s32 $0x9000, s4;
	[dreg:$0x16] =	wrdreg s6  }
0x1d: {  	s30 =	simm.s32 $0x280;
	s8 =	sadd.s32 $0x9800, s4;
	[dreg:$0x17] =	wrdreg s7  }
0x1e: {  	s29 =	simm.s32 $0x300;
	s9 =	sadd.s32 $0xA000, s4;
	[dreg:$0x18] =	wrdreg s8  }
0x1f: {  	s28 =	simm.s32 $0x380;
	s10 =	sadd.s32 $0xA800, s4;
	[dreg:$0x19] =	wrdreg s9  }
0x20: {  	p0 =	por $0x0, $0x0;
	s11 =	sadd.s32 $0xB000, s4;
	[dreg:$0x1a] =	wrdreg s10  }
0x21: {  	s1 =	ssub.s32 $0x2, s1;
	[dreg:$0x1b] =	wrdreg s11;
	s12 =	sadd.s32 $0xB800, s4  }
0x22: {  	s13 =	sshrl.u32 s1, $0x1;
	s14 =	sadd.s32 $0xC000, s4;
	s7 =	simm.s32 $0x80  }
0x23: {  	s25 =	simm.s32 $0x400;
	s4 =	simm.s32 $0x3;
	s5 =	simm.s32 $0xC80  }
0x24: {  	s24 =	simm.s32 $0x100;
	s8 =	simm.s32 $0x4C80;
	s26 =	simm.s32 $0x180  }
0x25: {  	s6 =	simm.s32 $0x1;
	s9 =	simm.s32 $0x2;
	s23 =	simm.s32 $0x580  }
0x26: {  	s22 =	simm.s32 $0x600;
	s21 =	simm.s32 $0x680;
	s1 =	ssub.s32 s1, s13  }
0x27: {  	s20 =	simm.s32 $0x700;
	s19 =	simm.s32 $0x780;
	s15 =	smax.u32 s1, $0x1  }
0x28: {  	s18 =	simm.s32 $0x800;
	[dreg:$0x1c] =	wrdreg s12;
	p1 =	sne.s32 s15, $0x1  }
.Ltmp0:
0x29: {  	s17 =	simm.s32 $0x880;
	[dreg:$0x1d] =	wrdreg s14;
	(pc) =	sbr.rel @!p1 .LBB2_3-.Ltmp0, $4  }
0x2a: {  	s16 =	simm.s32 $0x900;
	s11 =	simm.s32 $0xB80;
	[dreg:$0x1e] =	wrdreg s24  }
0x2b: {  	s10 =	simm.s32 $0xC00;
	[dreg:$0x1f] =	wrdreg s26;
	s26 =	simm.s32 $0x480  }
0x2c: {  	s24 =	simm.s32 $0x500;
	s14 =	simm.s32 $0xA00;
	s13 =	simm.s32 $0xA80  }
0x2d: {  	s12 =	simm.s32 $0xB00;
	s1 =	sadd.s32 $0xFFFFFFFF, s15;
	s15 =	simm.s32 $0x980  }
0x2e: {  	[tilespmem:s2], [sflag:$0x3] =	stream.strided.gather [hbm4b:s0+s7], $0xC80, s25, s7, $0x38;
	[tilespmem:$0x8C80] =	vst v63  }
0x2f: {  	_ =	swait.ge [sflag:s4], $0xC80  }
0x30: {  	[sflag:s4] =	ssyncset.done $0x0  }
0x31: {  	[sflag:s4] =	ssyncadd.s32 $0xFFFFF380  }
0x32: {  	[tilespmem:s5], [sflag:$0x1] =	stream.indirect.gather [hbm4b:s3+s7], $0x80, s2, s7, $0xb8;
	[tilespmem:$0x8C80] =	vst v63  }
0x33: {  	_ = 	snop  }
0x34: {  	[tilespmem:s8], [sflag:$0x2] =	stream.indirect.gather [hbm4b:s3+s7], $0x80, s7, s7, $0xb8;
	[tilespmem:$0x8C80] =	vst v63  }
0x35: {  	_ =	swait.ge [sflag:s6], $0x4000  }
0x36: {  	[sflag:s6] =	ssyncset.done $0x0  }
0x37: {  	s0 =	rddreg [dreg:$0x5];
	[sflag:s6] =	ssyncadd.s32 $0xFFFFC000  }
0x38: {  	[hbm4b:s0+s2] =	stream.linear.scatter [tilespmem:s5], [sflag:$0x3], $0x4000, $0x38;
	[tilespmem:$0x8C80] =	vst v63  }
0x39: {  	_ =	swait.ge [sflag:s4], $0x4000  }
0x3a: {  	[sflag:s4] =	ssyncset.done $0x0  }
0x3b: {  	s0 =	rddreg [dreg:$0x1e];
	[sflag:s4] =	ssyncadd.s32 $0xFFFFC000  }
0x3c: {  	[tilespmem:s5], [sflag:$0x1] =	stream.indirect.gather [hbm4b:s3+s7], $0x80, s0, s7, $0xb8;
	[tilespmem:$0x8C80] =	vst v63  }
0x3d: {  	_ =	swait.ge [sflag:s9], $0x4000  }
0x3e: {  	[sflag:s9] =	ssyncset.done $0x0  }
0x3f: {  	s0 =	rddreg [dreg:$0x6];
	[sflag:s9] =	ssyncadd.s32 $0xFFFFC000  }
0x40: {  	[hbm4b:s0+s2] =	stream.linear.scatter [tilespmem:s8], [sflag:$0x3], $0x4000, $0x38;
	[tilespmem:$0x8C80] =	vst v63  }
0x41: {  	_ =	swait.ge [sflag:s4], $0x4000  }
0x42: {  	[sflag:s4] =	ssyncset.done $0x0  }
0x43: {  	s0 =	rddreg [dreg:$0x1f];
	[sflag:s4] =	ssyncadd.s32 $0xFFFFC000  }
0x44: {  	[tilespmem:s8], [sflag:$0x2] =	stream.indirect.gather [hbm4b:s3+s7], $0x80, s0, s7, $0xb8;
	[tilespmem:$0x8C80] =	vst v63  }
0x45: {  	_ =	swait.ge [sflag:s6], $0x4000  }
0x46: {  	[sflag:s6] =	ssyncset.done $0x0  }
0x47: {  	s0 =	rddreg [dreg:$0x7];
	[sflag:s6] =	ssyncadd.s32 $0xFFFFC000  }
0x48: {  	[hbm4b:s0+s2] =	stream.linear.scatter [tilespmem:s5], [sflag:$0x3], $0x4000, $0x38;
	[tilespmem:$0x8C80] =	vst v63  }
0x49: {  	_ =	swait.ge [sflag:s4], $0x4000  }
0x4a: {  	[sflag:s4] =	ssyncset.done $0x0  }
0x4b: {  	[sflag:s4] =	ssyncadd.s32 $0xFFFFC000  }
0x4c: {  	[tilespmem:s5], [sflag:$0x1] =	stream.indirect.gather [hbm4b:s3+s7], $0x80, s31, s7, $0xb8;
	[tilespmem:$0x8C80] =	vst v63  }
0x4d: {  	_ =	swait.ge [sflag:s9], $0x4000  }
0x4e: {  	[sflag:s9] =	ssyncset.done $0x0  }
0x4f: {  	s0 =	rddreg [dreg:$0x8];
	[sflag:s9] =	ssyncadd.s32 $0xFFFFC000  }
0x50: {  	[hbm4b:s0+s2] =	stream.linear.scatter [tilespmem:s8], [sflag:$0x3], $0x4000, $0x38;
	[tilespmem:$0x8C80] =	vst v63  }
0x51: {  	_ =	swait.ge [sflag:s4], $0x4000  }
0x52: {  	[sflag:s4] =	ssyncset.done $0x0  }
0x53: {  	[sflag:s4] =	ssyncadd.s32 $0xFFFFC000  }
0x54: {  	[tilespmem:s8], [sflag:$0x2] =	stream.indirect.gather [hbm4b:s3+s7], $0x80, s30, s7, $0xb8;
	[tilespmem:$0x8C80] =	vst v63  }
0x55: {  	_ =	swait.ge [sflag:s6], $0x4000  }
0x56: {  	[sflag:s6] =	ssyncset.done $0x0  }
0x57: {  	s0 =	rddreg [dreg:$0x9];
	[sflag:s6] =	ssyncadd.s32 $0xFFFFC000  }
0x58: {  	[hbm4b:s0+s2] =	stream.linear.scatter [tilespmem:s5], [sflag:$0x3], $0x4000, $0x38;
	[tilespmem:$0x8C80] =	vst v63  }
0x59: {  	_ =	swait.ge [sflag:s4], $0x4000  }
0x5a: {  	[sflag:s4] =	ssyncset.done $0x0  }
0x5b: {  	[sflag:s4] =	ssyncadd.s32 $0xFFFFC000  }
0x5c: {  	[tilespmem:s5], [sflag:$0x1] =	stream.indirect.gather [hbm4b:s3+s7], $0x80, s29, s7, $0xb8;
	[tilespmem:$0x8C80] =	vst v63  }
0x5d: {  	_ =	swait.ge [sflag:s9], $0x4000  }
0x5e: {  	[sflag:s9] =	ssyncset.done $0x0  }
0x5f: {  	s0 =	rddreg [dreg:$0xa];
	[sflag:s9] =	ssyncadd.s32 $0xFFFFC000  }
0x60: {  	[hbm4b:s0+s2] =	stream.linear.scatter [tilespmem:s8], [sflag:$0x3], $0x4000, $0x38;
	[tilespmem:$0x8C80] =	vst v63  }
0x61: {  	_ =	swait.ge [sflag:s4], $0x4000  }
0x62: {  	[sflag:s4] =	ssyncset.done $0x0  }
0x63: {  	[sflag:s4] =	ssyncadd.s32 $0xFFFFC000  }
0x64: {  	[tilespmem:s8], [sflag:$0x2] =	stream.indirect.gather [hbm4b:s3+s7], $0x80, s28, s7, $0xb8;
	[tilespmem:$0x8C80] =	vst v63  }
0x65: {  	_ =	swait.ge [sflag:s6], $0x4000  }
0x66: {  	[sflag:s6] =	ssyncset.done $0x0  }
0x67: {  	s0 =	rddreg [dreg:$0xb];
	[sflag:s6] =	ssyncadd.s32 $0xFFFFC000  }
0x68: {  	[hbm4b:s0+s2] =	stream.linear.scatter [tilespmem:s5], [sflag:$0x3], $0x4000, $0x38;
	[tilespmem:$0x8C80] =	vst v63  }
0x69: {  	_ =	swait.ge [sflag:s4], $0x4000  }
0x6a: {  	[sflag:s4] =	ssyncset.done $0x0  }
0x6b: {  	[sflag:s4] =	ssyncadd.s32 $0xFFFFC000  }
0x6c: {  	[tilespmem:s5], [sflag:$0x1] =	stream.indirect.gather [hbm4b:s3+s7], $0x80, s25, s7, $0xb8;
	[tilespmem:$0x8C80] =	vst v63  }
0x6d: {  	_ =	swait.ge [sflag:s9], $0x4000  }
0x6e: {  	[sflag:s9] =	ssyncset.done $0x0  }
0x6f: {  	s0 =	rddreg [dreg:$0xc];
	[sflag:s9] =	ssyncadd.s32 $0xFFFFC000  }
0x70: {  	[hbm4b:s0+s2] =	stream.linear.scatter [tilespmem:s8], [sflag:$0x3], $0x4000, $0x38;
	[tilespmem:$0x8C80] =	vst v63  }
0x71: {  	_ =	swait.ge [sflag:s4], $0x4000  }
0x72: {  	[sflag:s4] =	ssyncset.done $0x0  }
0x73: {  	[sflag:s4] =	ssyncadd.s32 $0xFFFFC000  }
0x74: {  	[tilespmem:s8], [sflag:$0x2] =	stream.indirect.gather [hbm4b:s3+s7], $0x80, s26, s7, $0xb8;
	[tilespmem:$0x8C80] =	vst v63  }
0x75: {  	_ =	swait.ge [sflag:s6], $0x4000  }
0x76: {  	[sflag:s6] =	ssyncset.done $0x0  }
0x77: {  	s0 =	rddreg [dreg:$0xd];
	[sflag:s6] =	ssyncadd.s32 $0xFFFFC000  }
0x78: {  	[hbm4b:s0+s2] =	stream.linear.scatter [tilespmem:s5], [sflag:$0x3], $0x4000, $0x38;
	[tilespmem:$0x8C80] =	vst v63  }
0x79: {  	_ =	swait.ge [sflag:s4], $0x4000  }
0x7a: {  	[sflag:s4] =	ssyncset.done $0x0  }
0x7b: {  	[sflag:s4] =	ssyncadd.s32 $0xFFFFC000  }
0x7c: {  	[tilespmem:s5], [sflag:$0x1] =	stream.indirect.gather [hbm4b:s3+s7], $0x80, s24, s7, $0xb8;
	[tilespmem:$0x8C80] =	vst v63  }
0x7d: {  	_ =	swait.ge [sflag:s9], $0x4000  }
0x7e: {  	[sflag:s9] =	ssyncset.done $0x0  }
0x7f: {  	s0 =	rddreg [dreg:$0xe];
	[sflag:s9] =	ssyncadd.s32 $0xFFFFC000  }
0x80: {  	[hbm4b:s0+s2] =	stream.linear.scatter [tilespmem:s8], [sflag:$0x3], $0x4000, $0x38;
	[tilespmem:$0x8C80] =	vst v63  }
0x81: {  	_ =	swait.ge [sflag:s4], $0x4000  }
0x82: {  	[sflag:s4] =	ssyncset.done $0x0  }
0x83: {  	[sflag:s4] =	ssyncadd.s32 $0xFFFFC000  }
0x84: {  	[tilespmem:s8], [sflag:$0x2] =	stream.indirect.gather [hbm4b:s3+s7], $0x80, s23, s7, $0xb8;
	[tilespmem:$0x8C80] =	vst v63  }
0x85: {  	_ =	swait.ge [sflag:s6], $0x4000  }
0x86: {  	[sflag:s6] =	ssyncset.done $0x0  }
0x87: {  	s0 =	rddreg [dreg:$0xf];
	[sflag:s6] =	ssyncadd.s32 $0xFFFFC000  }
0x88: {  	[hbm4b:s0+s2] =	stream.linear.scatter [tilespmem:s5], [sflag:$0x3], $0x4000, $0x38;
	[tilespmem:$0x8C80] =	vst v63  }
0x89: {  	_ =	swait.ge [sflag:s4], $0x4000  }
0x8a: {  	[sflag:s4] =	ssyncset.done $0x0  }
0x8b: {  	[sflag:s4] =	ssyncadd.s32 $0xFFFFC000  }
0x8c: {  	[tilespmem:s5], [sflag:$0x1] =	stream.indirect.gather [hbm4b:s3+s7], $0x80, s22, s7, $0xb8;
	[tilespmem:$0x8C80] =	vst v63  }
0x8d: {  	_ =	swait.ge [sflag:s9], $0x4000  }
0x8e: {  	[sflag:s9] =	ssyncset.done $0x0  }
0x8f: {  	s0 =	rddreg [dreg:$0x10];
	[sflag:s9] =	ssyncadd.s32 $0xFFFFC000  }
0x90: {  	[hbm4b:s0+s2] =	stream.linear.scatter [tilespmem:s8], [sflag:$0x3], $0x4000, $0x38;
	[tilespmem:$0x8C80] =	vst v63  }
0x91: {  	_ =	swait.ge [sflag:s4], $0x4000  }
0x92: {  	[sflag:s4] =	ssyncset.done $0x0  }
0x93: {  	[sflag:s4] =	ssyncadd.s32 $0xFFFFC000  }
0x94: {  	[tilespmem:s8], [sflag:$0x2] =	stream.indirect.gather [hbm4b:s3+s7], $0x80, s21, s7, $0xb8;
	[tilespmem:$0x8C80] =	vst v63  }
0x95: {  	_ =	swait.ge [sflag:s6], $0x4000  }
0x96: {  	[sflag:s6] =	ssyncset.done $0x0  }
0x97: {  	s0 =	rddreg [dreg:$0x11];
	[sflag:s6] =	ssyncadd.s32 $0xFFFFC000  }
0x98: {  	[hbm4b:s0+s2] =	stream.linear.scatter [tilespmem:s5], [sflag:$0x3], $0x4000, $0x38;
	[tilespmem:$0x8C80] =	vst v63  }
0x99: {  	_ =	swait.ge [sflag:s4], $0x4000  }
0x9a: {  	[sflag:s4] =	ssyncset.done $0x0  }
0x9b: {  	[sflag:s4] =	ssyncadd.s32 $0xFFFFC000  }
0x9c: {  	[tilespmem:s5], [sflag:$0x1] =	stream.indirect.gather [hbm4b:s3+s7], $0x80, s20, s7, $0xb8;
	[tilespmem:$0x8C80] =	vst v63  }
0x9d: {  	_ =	swait.ge [sflag:s9], $0x4000  }
0x9e: {  	[sflag:s9] =	ssyncset.done $0x0  }
0x9f: {  	s0 =	rddreg [dreg:$0x12];
	[sflag:s9] =	ssyncadd.s32 $0xFFFFC000  }
0xa0: {  	[hbm4b:s0+s2] =	stream.linear.scatter [tilespmem:s8], [sflag:$0x3], $0x4000, $0x38;
	[tilespmem:$0x8C80] =	vst v63  }
0xa1: {  	_ =	swait.ge [sflag:s4], $0x4000  }
0xa2: {  	[sflag:s4] =	ssyncset.done $0x0  }
0xa3: {  	[sflag:s4] =	ssyncadd.s32 $0xFFFFC000  }
0xa4: {  	[tilespmem:s8], [sflag:$0x2] =	stream.indirect.gather [hbm4b:s3+s7], $0x80, s19, s7, $0xb8;
	[tilespmem:$0x8C80] =	vst v63  }
0xa5: {  	_ =	swait.ge [sflag:s6], $0x4000  }
0xa6: {  	[sflag:s6] =	ssyncset.done $0x0  }
0xa7: {  	s0 =	rddreg [dreg:$0x13];
	[sflag:s6] =	ssyncadd.s32 $0xFFFFC000  }
0xa8: {  	[hbm4b:s0+s2] =	stream.linear.scatter [tilespmem:s5], [sflag:$0x3], $0x4000, $0x38;
	[tilespmem:$0x8C80] =	vst v63  }
0xa9: {  	_ =	swait.ge [sflag:s4], $0x4000  }
0xaa: {  	[sflag:s4] =	ssyncset.done $0x0  }
0xab: {  	[sflag:s4] =	ssyncadd.s32 $0xFFFFC000  }
0xac: {  	[tilespmem:s5], [sflag:$0x1] =	stream.indirect.gather [hbm4b:s3+s7], $0x80, s18, s7, $0xb8;
	[tilespmem:$0x8C80] =	vst v63  }
0xad: {  	_ =	swait.ge [sflag:s9], $0x4000  }
0xae: {  	[sflag:s9] =	ssyncset.done $0x0  }
0xaf: {  	s0 =	rddreg [dreg:$0x14];
	[sflag:s9] =	ssyncadd.s32 $0xFFFFC000  }
0xb0: {  	[hbm4b:s0+s2] =	stream.linear.scatter [tilespmem:s8], [sflag:$0x3], $0x4000, $0x38;
	[tilespmem:$0x8C80] =	vst v63  }
0xb1: {  	_ =	swait.ge [sflag:s4], $0x4000  }
0xb2: {  	[sflag:s4] =	ssyncset.done $0x0  }
0xb3: {  	[sflag:s4] =	ssyncadd.s32 $0xFFFFC000  }
0xb4: {  	[tilespmem:s8], [sflag:$0x2] =	stream.indirect.gather [hbm4b:s3+s7], $0x80, s17, s7, $0xb8;
	[tilespmem:$0x8C80] =	vst v63  }
0xb5: {  	_ =	swait.ge [sflag:s6], $0x4000  }
0xb6: {  	[sflag:s6] =	ssyncset.done $0x0  }
0xb7: {  	s0 =	rddreg [dreg:$0x15];
	[sflag:s6] =	ssyncadd.s32 $0xFFFFC000  }
0xb8: {  	[hbm4b:s0+s2] =	stream.linear.scatter [tilespmem:s5], [sflag:$0x3], $0x4000, $0x38;
	[tilespmem:$0x8C80] =	vst v63  }
0xb9: {  	_ =	swait.ge [sflag:s4], $0x4000  }
0xba: {  	[sflag:s4] =	ssyncset.done $0x0  }
0xbb: {  	[sflag:s4] =	ssyncadd.s32 $0xFFFFC000  }
0xbc: {  	[tilespmem:s5], [sflag:$0x1] =	stream.indirect.gather [hbm4b:s3+s7], $0x80, s16, s7, $0xb8;
	[tilespmem:$0x8C80] =	vst v63  }
0xbd: {  	_ =	swait.ge [sflag:s9], $0x4000  }
0xbe: {  	[sflag:s9] =	ssyncset.done $0x0  }
0xbf: {  	s0 =	rddreg [dreg:$0x16];
	[sflag:s9] =	ssyncadd.s32 $0xFFFFC000  }
0xc0: {  	[hbm4b:s0+s2] =	stream.linear.scatter [tilespmem:s8], [sflag:$0x3], $0x4000, $0x38;
	[tilespmem:$0x8C80] =	vst v63  }
0xc1: {  	_ =	swait.ge [sflag:s4], $0x4000  }
0xc2: {  	[sflag:s4] =	ssyncset.done $0x0  }
0xc3: {  	[sflag:s4] =	ssyncadd.s32 $0xFFFFC000  }
0xc4: {  	[tilespmem:s8], [sflag:$0x2] =	stream.indirect.gather [hbm4b:s3+s7], $0x80, s15, s7, $0xb8;
	[tilespmem:$0x8C80] =	vst v63  }
0xc5: {  	_ =	swait.ge [sflag:s6], $0x4000  }
0xc6: {  	[sflag:s6] =	ssyncset.done $0x0  }
0xc7: {  	s0 =	rddreg [dreg:$0x17];
	[sflag:s6] =	ssyncadd.s32 $0xFFFFC000  }
0xc8: {  	[hbm4b:s0+s2] =	stream.linear.scatter [tilespmem:s5], [sflag:$0x3], $0x4000, $0x38;
	[tilespmem:$0x8C80] =	vst v63  }
0xc9: {  	_ =	swait.ge [sflag:s4], $0x4000  }
0xca: {  	[sflag:s4] =	ssyncset.done $0x0  }
0xcb: {  	[sflag:s4] =	ssyncadd.s32 $0xFFFFC000  }
0xcc: {  	[tilespmem:s5], [sflag:$0x1] =	stream.indirect.gather [hbm4b:s3+s7], $0x80, s14, s7, $0xb8;
	[tilespmem:$0x8C80] =	vst v63  }
0xcd: {  	_ =	swait.ge [sflag:s9], $0x4000  }
0xce: {  	[sflag:s9] =	ssyncset.done $0x0  }
0xcf: {  	s0 =	rddreg [dreg:$0x18];
	[sflag:s9] =	ssyncadd.s32 $0xFFFFC000  }
0xd0: {  	[hbm4b:s0+s2] =	stream.linear.scatter [tilespmem:s8], [sflag:$0x3], $0x4000, $0x38;
	[tilespmem:$0x8C80] =	vst v63  }
0xd1: {  	_ =	swait.ge [sflag:s4], $0x4000  }
0xd2: {  	[sflag:s4] =	ssyncset.done $0x0  }
0xd3: {  	[sflag:s4] =	ssyncadd.s32 $0xFFFFC000  }
0xd4: {  	[tilespmem:s8], [sflag:$0x2] =	stream.indirect.gather [hbm4b:s3+s7], $0x80, s13, s7, $0xb8;
	[tilespmem:$0x8C80] =	vst v63  }
0xd5: {  	_ =	swait.ge [sflag:s6], $0x4000  }
0xd6: {  	[sflag:s6] =	ssyncset.done $0x0  }
0xd7: {  	s0 =	rddreg [dreg:$0x19];
	[sflag:s6] =	ssyncadd.s32 $0xFFFFC000  }
0xd8: {  	[hbm4b:s0+s2] =	stream.linear.scatter [tilespmem:s5], [sflag:$0x3], $0x4000, $0x38;
	[tilespmem:$0x8C80] =	vst v63  }
0xd9: {  	_ =	swait.ge [sflag:s4], $0x4000  }
0xda: {  	[sflag:s4] =	ssyncset.done $0x0  }
0xdb: {  	[sflag:s4] =	ssyncadd.s32 $0xFFFFC000  }
0xdc: {  	[tilespmem:s5], [sflag:$0x1] =	stream.indirect.gather [hbm4b:s3+s7], $0x80, s12, s7, $0xb8;
	[tilespmem:$0x8C80] =	vst v63  }
0xdd: {  	_ =	swait.ge [sflag:s9], $0x4000  }
0xde: {  	[sflag:s9] =	ssyncset.done $0x0  }
0xdf: {  	s0 =	rddreg [dreg:$0x1a];
	[sflag:s9] =	ssyncadd.s32 $0xFFFFC000  }
0xe0: {  	[hbm4b:s0+s2] =	stream.linear.scatter [tilespmem:s8], [sflag:$0x3], $0x4000, $0x38;
	[tilespmem:$0x8C80] =	vst v63  }
0xe1: {  	_ =	swait.ge [sflag:s4], $0x4000  }
0xe2: {  	[sflag:s4] =	ssyncset.done $0x0  }
0xe3: {  	[sflag:s4] =	ssyncadd.s32 $0xFFFFC000  }
0xe4: {  	[tilespmem:s8], [sflag:$0x2] =	stream.indirect.gather [hbm4b:s3+s7], $0x80, s11, s7, $0xb8;
	[tilespmem:$0x8C80] =	vst v63  }
0xe5: {  	_ =	swait.ge [sflag:s6], $0x4000  }
0xe6: {  	[sflag:s6] =	ssyncset.done $0x0  }
0xe7: {  	s0 =	rddreg [dreg:$0x1b];
	[sflag:s6] =	ssyncadd.s32 $0xFFFFC000  }
0xe8: {  	[hbm4b:s0+s2] =	stream.linear.scatter [tilespmem:s5], [sflag:$0x3], $0x4000, $0x38;
	[tilespmem:$0x8C80] =	vst v63  }
0xe9: {  	_ =	swait.ge [sflag:s4], $0x4000  }
0xea: {  	[sflag:s4] =	ssyncset.done $0x0  }
0xeb: {  	[sflag:s4] =	ssyncadd.s32 $0xFFFFC000  }
0xec: {  	[tilespmem:s5], [sflag:$0x1] =	stream.indirect.gather [hbm4b:s3+s7], $0x80, s10, s7, $0xb8;
	[tilespmem:$0x8C80] =	vst v63  }
0xed: {  	_ =	swait.ge [sflag:s9], $0x4000  }
0xee: {  	[sflag:s9] =	ssyncset.done $0x0  }
0xef: {  	s0 =	rddreg [dreg:$0x1c];
	[sflag:s9] =	ssyncadd.s32 $0xFFFFC000  }
0xf0: {  	[hbm4b:s0+s2] =	stream.linear.scatter [tilespmem:s8], [sflag:$0x3], $0x4000, $0x38;
	[tilespmem:$0x8C80] =	vst v63  }
0xf1: {  	_ =	swait.ge [sflag:s4], $0x4000  }
0xf2: {  	[sflag:s4] =	ssyncset.done $0x0  }
0xf3: {  	[sflag:s4] =	ssyncadd.s32 $0xFFFFC000  }
0xf4: {  	p1 =	sne.s32 s1, $0x1;
	_ =	swait.ge [sflag:s6], $0x4000  }
.Ltmp1:
0xf5: {  	[sflag:s6] =	ssyncset.done $0x0;
	(pc) =	sbr.rel @!p1 .LBB2_3-.Ltmp1, $4  }
0xf6: {  	s0 =	rddreg [dreg:$0x1d];
	[sflag:s6] =	ssyncadd.s32 $0xFFFFC000  }
0xf7: {  	[hbm4b:s0+s2] =	stream.linear.scatter [tilespmem:s5], [sflag:$0x3], $0x4000, $0x38;
	[tilespmem:$0x8C80] =	vst v63  }
0xf8: {  	s1 =	sadd.s32 $0xFFFFFFFF, s1;
	_ =	swait.ge [sflag:s4], $0x4000  }
0xf9: {  	p0 =	por $0x1, $0x1;
	s0 =	rddreg [dreg:$0x4];
	[sflag:s4] =	ssyncset.done $0x0  }
.LBB2_2:
0xfa: {  	[sflag:s4] =	ssyncadd.s32 $0xFFFFC000  }
0xfb: {  	[tilespmem:s2], [sflag:$0x3] =	stream.strided.gather [hbm4b:s0+s7], $0xC80, s25, s7, $0x38;
	[tilespmem:$0x8C80] =	vst v63  }
0xfc: {  	_ =	swait.ge [sflag:s4], $0xC80  }
0xfd: {  	[sflag:s4] =	ssyncset.done $0x0  }
0xfe: {  	[sflag:s4] =	ssyncadd.s32 $0xFFFFF380  }
0xff: {  	[tilespmem:s5], [sflag:$0x1] =	stream.indirect.gather [hbm4b:s3+s7], $0x80, s2, s7, $0xb8;
	[tilespmem:$0x8C80] =	vst v63  }
0x100: {  	_ = 	snop  }
0x101: {  	[tilespmem:s8], [sflag:$0x2] =	stream.indirect.gather [hbm4b:s3+s7], $0x80, s7, s7, $0xb8;
	[tilespmem:$0x8C80] =	vst v63  }
0x102: {  	_ =	swait.ge [sflag:s6], $0x4000  }
0x103: {  	[sflag:s6] =	ssyncset.done $0x0  }
0x104: {  	s0 =	rddreg [dreg:$0x5];
	[sflag:s6] =	ssyncadd.s32 $0xFFFFC000  }
0x105: {  	[hbm4b:s0+s2] =	stream.linear.scatter [tilespmem:s5], [sflag:$0x3], $0x4000, $0x38;
	[tilespmem:$0x8C80] =	vst v63  }
0x106: {  	_ =	swait.ge [sflag:s4], $0x4000  }
0x107: {  	[sflag:s4] =	ssyncset.done $0x0  }
0x108: {  	s0 =	rddreg [dreg:$0x1e];
	[sflag:s4] =	ssyncadd.s32 $0xFFFFC000  }
0x109: {  	[tilespmem:s5], [sflag:$0x1] =	stream.indirect.gather [hbm4b:s3+s7], $0x80, s0, s7, $0xb8;
	[tilespmem:$0x8C80] =	vst v63  }
0x10a: {  	_ =	swait.ge [sflag:s9], $0x4000  }
0x10b: {  	[sflag:s9] =	ssyncset.done $0x0  }
0x10c: {  	s0 =	rddreg [dreg:$0x6];
	[sflag:s9] =	ssyncadd.s32 $0xFFFFC000  }
0x10d: {  	[hbm4b:s0+s2] =	stream.linear.scatter [tilespmem:s8], [sflag:$0x3], $0x4000, $0x38;
	[tilespmem:$0x8C80] =	vst v63  }
0x10e: {  	_ =	swait.ge [sflag:s4], $0x4000  }
0x10f: {  	[sflag:s4] =	ssyncset.done $0x0  }
0x110: {  	s0 =	rddreg [dreg:$0x1f];
	[sflag:s4] =	ssyncadd.s32 $0xFFFFC000  }
0x111: {  	[tilespmem:s8], [sflag:$0x2] =	stream.indirect.gather [hbm4b:s3+s7], $0x80, s0, s7, $0xb8;
	[tilespmem:$0x8C80] =	vst v63  }
0x112: {  	_ =	swait.ge [sflag:s6], $0x4000  }
0x113: {  	[sflag:s6] =	ssyncset.done $0x0  }
0x114: {  	s0 =	rddreg [dreg:$0x7];
	[sflag:s6] =	ssyncadd.s32 $0xFFFFC000  }
0x115: {  	[hbm4b:s0+s2] =	stream.linear.scatter [tilespmem:s5], [sflag:$0x3], $0x4000, $0x38;
	[tilespmem:$0x8C80] =	vst v63  }
0x116: {  	_ =	swait.ge [sflag:s4], $0x4000  }
0x117: {  	[sflag:s4] =	ssyncset.done $0x0  }
0x118: {  	[sflag:s4] =	ssyncadd.s32 $0xFFFFC000  }
0x119: {  	[tilespmem:s5], [sflag:$0x1] =	stream.indirect.gather [hbm4b:s3+s7], $0x80, s31, s7, $0xb8;
	[tilespmem:$0x8C80] =	vst v63  }
0x11a: {  	_ =	swait.ge [sflag:s9], $0x4000  }
0x11b: {  	[sflag:s9] =	ssyncset.done $0x0  }
0x11c: {  	s0 =	rddreg [dreg:$0x8];
	[sflag:s9] =	ssyncadd.s32 $0xFFFFC000  }
0x11d: {  	[hbm4b:s0+s2] =	stream.linear.scatter [tilespmem:s8], [sflag:$0x3], $0x4000, $0x38;
	[tilespmem:$0x8C80] =	vst v63  }
0x11e: {  	_ =	swait.ge [sflag:s4], $0x4000  }
0x11f: {  	[sflag:s4] =	ssyncset.done $0x0  }
0x120: {  	[sflag:s4] =	ssyncadd.s32 $0xFFFFC000  }
0x121: {  	[tilespmem:s8], [sflag:$0x2] =	stream.indirect.gather [hbm4b:s3+s7], $0x80, s30, s7, $0xb8;
	[tilespmem:$0x8C80] =	vst v63  }
0x122: {  	_ =	swait.ge [sflag:s6], $0x4000  }
0x123: {  	[sflag:s6] =	ssyncset.done $0x0  }
0x124: {  	s0 =	rddreg [dreg:$0x9];
	[sflag:s6] =	ssyncadd.s32 $0xFFFFC000  }
0x125: {  	[hbm4b:s0+s2] =	stream.linear.scatter [tilespmem:s5], [sflag:$0x3], $0x4000, $0x38;
	[tilespmem:$0x8C80] =	vst v63  }
0x126: {  	_ =	swait.ge [sflag:s4], $0x4000  }
0x127: {  	[sflag:s4] =	ssyncset.done $0x0  }
0x128: {  	[sflag:s4] =	ssyncadd.s32 $0xFFFFC000  }
0x129: {  	[tilespmem:s5], [sflag:$0x1] =	stream.indirect.gather [hbm4b:s3+s7], $0x80, s29, s7, $0xb8;
	[tilespmem:$0x8C80] =	vst v63  }
0x12a: {  	_ =	swait.ge [sflag:s9], $0x4000  }
0x12b: {  	[sflag:s9] =	ssyncset.done $0x0  }
0x12c: {  	s0 =	rddreg [dreg:$0xa];
	[sflag:s9] =	ssyncadd.s32 $0xFFFFC000  }
0x12d: {  	[hbm4b:s0+s2] =	stream.linear.scatter [tilespmem:s8], [sflag:$0x3], $0x4000, $0x38;
	[tilespmem:$0x8C80] =	vst v63  }
0x12e: {  	_ =	swait.ge [sflag:s4], $0x4000  }
0x12f: {  	[sflag:s4] =	ssyncset.done $0x0  }
0x130: {  	[sflag:s4] =	ssyncadd.s32 $0xFFFFC000  }
0x131: {  	[tilespmem:s8], [sflag:$0x2] =	stream.indirect.gather [hbm4b:s3+s7], $0x80, s28, s7, $0xb8;
	[tilespmem:$0x8C80] =	vst v63  }
0x132: {  	_ =	swait.ge [sflag:s6], $0x4000  }
0x133: {  	[sflag:s6] =	ssyncset.done $0x0  }
0x134: {  	s0 =	rddreg [dreg:$0xb];
	[sflag:s6] =	ssyncadd.s32 $0xFFFFC000  }
0x135: {  	[hbm4b:s0+s2] =	stream.linear.scatter [tilespmem:s5], [sflag:$0x3], $0x4000, $0x38;
	[tilespmem:$0x8C80] =	vst v63  }
0x136: {  	_ =	swait.ge [sflag:s4], $0x4000  }
0x137: {  	[sflag:s4] =	ssyncset.done $0x0  }
0x138: {  	[sflag:s4] =	ssyncadd.s32 $0xFFFFC000  }
0x139: {  	[tilespmem:s5], [sflag:$0x1] =	stream.indirect.gather [hbm4b:s3+s7], $0x80, s25, s7, $0xb8;
	[tilespmem:$0x8C80] =	vst v63  }
0x13a: {  	_ =	swait.ge [sflag:s9], $0x4000  }
0x13b: {  	[sflag:s9] =	ssyncset.done $0x0  }
0x13c: {  	s0 =	rddreg [dreg:$0xc];
	[sflag:s9] =	ssyncadd.s32 $0xFFFFC000  }
0x13d: {  	[hbm4b:s0+s2] =	stream.linear.scatter [tilespmem:s8], [sflag:$0x3], $0x4000, $0x38;
	[tilespmem:$0x8C80] =	vst v63  }
0x13e: {  	_ =	swait.ge [sflag:s4], $0x4000  }
0x13f: {  	[sflag:s4] =	ssyncset.done $0x0  }
0x140: {  	[sflag:s4] =	ssyncadd.s32 $0xFFFFC000  }
0x141: {  	[tilespmem:s8], [sflag:$0x2] =	stream.indirect.gather [hbm4b:s3+s7], $0x80, s26, s7, $0xb8;
	[tilespmem:$0x8C80] =	vst v63  }
0x142: {  	_ =	swait.ge [sflag:s6], $0x4000  }
0x143: {  	[sflag:s6] =	ssyncset.done $0x0  }
0x144: {  	s0 =	rddreg [dreg:$0xd];
	[sflag:s6] =	ssyncadd.s32 $0xFFFFC000  }
0x145: {  	[hbm4b:s0+s2] =	stream.linear.scatter [tilespmem:s5], [sflag:$0x3], $0x4000, $0x38;
	[tilespmem:$0x8C80] =	vst v63  }
0x146: {  	_ =	swait.ge [sflag:s4], $0x4000  }
0x147: {  	[sflag:s4] =	ssyncset.done $0x0  }
0x148: {  	[sflag:s4] =	ssyncadd.s32 $0xFFFFC000  }
0x149: {  	[tilespmem:s5], [sflag:$0x1] =	stream.indirect.gather [hbm4b:s3+s7], $0x80, s24, s7, $0xb8;
	[tilespmem:$0x8C80] =	vst v63  }
0x14a: {  	_ =	swait.ge [sflag:s9], $0x4000  }
0x14b: {  	[sflag:s9] =	ssyncset.done $0x0  }
0x14c: {  	s0 =	rddreg [dreg:$0xe];
	[sflag:s9] =	ssyncadd.s32 $0xFFFFC000  }
0x14d: {  	[hbm4b:s0+s2] =	stream.linear.scatter [tilespmem:s8], [sflag:$0x3], $0x4000, $0x38;
	[tilespmem:$0x8C80] =	vst v63  }
0x14e: {  	_ =	swait.ge [sflag:s4], $0x4000  }
0x14f: {  	[sflag:s4] =	ssyncset.done $0x0  }
0x150: {  	[sflag:s4] =	ssyncadd.s32 $0xFFFFC000  }
0x151: {  	[tilespmem:s8], [sflag:$0x2] =	stream.indirect.gather [hbm4b:s3+s7], $0x80, s23, s7, $0xb8;
	[tilespmem:$0x8C80] =	vst v63  }
0x152: {  	_ =	swait.ge [sflag:s6], $0x4000  }
0x153: {  	[sflag:s6] =	ssyncset.done $0x0  }
0x154: {  	s0 =	rddreg [dreg:$0xf];
	[sflag:s6] =	ssyncadd.s32 $0xFFFFC000  }
0x155: {  	[hbm4b:s0+s2] =	stream.linear.scatter [tilespmem:s5], [sflag:$0x3], $0x4000, $0x38;
	[tilespmem:$0x8C80] =	vst v63  }
0x156: {  	_ =	swait.ge [sflag:s4], $0x4000  }
0x157: {  	[sflag:s4] =	ssyncset.done $0x0  }
0x158: {  	[sflag:s4] =	ssyncadd.s32 $0xFFFFC000  }
0x159: {  	[tilespmem:s5], [sflag:$0x1] =	stream.indirect.gather [hbm4b:s3+s7], $0x80, s22, s7, $0xb8;
	[tilespmem:$0x8C80] =	vst v63  }
0x15a: {  	_ =	swait.ge [sflag:s9], $0x4000  }
0x15b: {  	[sflag:s9] =	ssyncset.done $0x0  }
0x15c: {  	s0 =	rddreg [dreg:$0x10];
	[sflag:s9] =	ssyncadd.s32 $0xFFFFC000  }
0x15d: {  	[hbm4b:s0+s2] =	stream.linear.scatter [tilespmem:s8], [sflag:$0x3], $0x4000, $0x38;
	[tilespmem:$0x8C80] =	vst v63  }
0x15e: {  	_ =	swait.ge [sflag:s4], $0x4000  }
0x15f: {  	[sflag:s4] =	ssyncset.done $0x0  }
0x160: {  	[sflag:s4] =	ssyncadd.s32 $0xFFFFC000  }
0x161: {  	[tilespmem:s8], [sflag:$0x2] =	stream.indirect.gather [hbm4b:s3+s7], $0x80, s21, s7, $0xb8;
	[tilespmem:$0x8C80] =	vst v63  }
0x162: {  	_ =	swait.ge [sflag:s6], $0x4000  }
0x163: {  	[sflag:s6] =	ssyncset.done $0x0  }
0x164: {  	s0 =	rddreg [dreg:$0x11];
	[sflag:s6] =	ssyncadd.s32 $0xFFFFC000  }
0x165: {  	[hbm4b:s0+s2] =	stream.linear.scatter [tilespmem:s5], [sflag:$0x3], $0x4000, $0x38;
	[tilespmem:$0x8C80] =	vst v63  }
0x166: {  	_ =	swait.ge [sflag:s4], $0x4000  }
0x167: {  	[sflag:s4] =	ssyncset.done $0x0  }
0x168: {  	[sflag:s4] =	ssyncadd.s32 $0xFFFFC000  }
0x169: {  	[tilespmem:s5], [sflag:$0x1] =	stream.indirect.gather [hbm4b:s3+s7], $0x80, s20, s7, $0xb8;
	[tilespmem:$0x8C80] =	vst v63  }
0x16a: {  	_ =	swait.ge [sflag:s9], $0x4000  }
0x16b: {  	[sflag:s9] =	ssyncset.done $0x0  }
0x16c: {  	s0 =	rddreg [dreg:$0x12];
	[sflag:s9] =	ssyncadd.s32 $0xFFFFC000  }
0x16d: {  	[hbm4b:s0+s2] =	stream.linear.scatter [tilespmem:s8], [sflag:$0x3], $0x4000, $0x38;
	[tilespmem:$0x8C80] =	vst v63  }
0x16e: {  	_ =	swait.ge [sflag:s4], $0x4000  }
0x16f: {  	[sflag:s4] =	ssyncset.done $0x0  }
0x170: {  	[sflag:s4] =	ssyncadd.s32 $0xFFFFC000  }
0x171: {  	[tilespmem:s8], [sflag:$0x2] =	stream.indirect.gather [hbm4b:s3+s7], $0x80, s19, s7, $0xb8;
	[tilespmem:$0x8C80] =	vst v63  }
0x172: {  	_ =	swait.ge [sflag:s6], $0x4000  }
0x173: {  	[sflag:s6] =	ssyncset.done $0x0  }
0x174: {  	s0 =	rddreg [dreg:$0x13];
	[sflag:s6] =	ssyncadd.s32 $0xFFFFC000  }
0x175: {  	[hbm4b:s0+s2] =	stream.linear.scatter [tilespmem:s5], [sflag:$0x3], $0x4000, $0x38;
	[tilespmem:$0x8C80] =	vst v63  }
0x176: {  	_ =	swait.ge [sflag:s4], $0x4000  }
0x177: {  	[sflag:s4] =	ssyncset.done $0x0  }
0x178: {  	[sflag:s4] =	ssyncadd.s32 $0xFFFFC000  }
0x179: {  	[tilespmem:s5], [sflag:$0x1] =	stream.indirect.gather [hbm4b:s3+s7], $0x80, s18, s7, $0xb8;
	[tilespmem:$0x8C80] =	vst v63  }
0x17a: {  	_ =	swait.ge [sflag:s9], $0x4000  }
0x17b: {  	[sflag:s9] =	ssyncset.done $0x0  }
0x17c: {  	s0 =	rddreg [dreg:$0x14];
	[sflag:s9] =	ssyncadd.s32 $0xFFFFC000  }
0x17d: {  	[hbm4b:s0+s2] =	stream.linear.scatter [tilespmem:s8], [sflag:$0x3], $0x4000, $0x38;
	[tilespmem:$0x8C80] =	vst v63  }
0x17e: {  	_ =	swait.ge [sflag:s4], $0x4000  }
0x17f: {  	[sflag:s4] =	ssyncset.done $0x0  }
0x180: {  	[sflag:s4] =	ssyncadd.s32 $0xFFFFC000  }
0x181: {  	[tilespmem:s8], [sflag:$0x2] =	stream.indirect.gather [hbm4b:s3+s7], $0x80, s17, s7, $0xb8;
	[tilespmem:$0x8C80] =	vst v63  }
0x182: {  	_ =	swait.ge [sflag:s6], $0x4000  }
0x183: {  	[sflag:s6] =	ssyncset.done $0x0  }
0x184: {  	s0 =	rddreg [dreg:$0x15];
	[sflag:s6] =	ssyncadd.s32 $0xFFFFC000  }
0x185: {  	[hbm4b:s0+s2] =	stream.linear.scatter [tilespmem:s5], [sflag:$0x3], $0x4000, $0x38;
	[tilespmem:$0x8C80] =	vst v63  }
0x186: {  	_ =	swait.ge [sflag:s4], $0x4000  }
0x187: {  	[sflag:s4] =	ssyncset.done $0x0  }
0x188: {  	[sflag:s4] =	ssyncadd.s32 $0xFFFFC000  }
0x189: {  	[tilespmem:s5], [sflag:$0x1] =	stream.indirect.gather [hbm4b:s3+s7], $0x80, s16, s7, $0xb8;
	[tilespmem:$0x8C80] =	vst v63  }
0x18a: {  	_ =	swait.ge [sflag:s9], $0x4000  }
0x18b: {  	[sflag:s9] =	ssyncset.done $0x0  }
0x18c: {  	s0 =	rddreg [dreg:$0x16];
	[sflag:s9] =	ssyncadd.s32 $0xFFFFC000  }
0x18d: {  	[hbm4b:s0+s2] =	stream.linear.scatter [tilespmem:s8], [sflag:$0x3], $0x4000, $0x38;
	[tilespmem:$0x8C80] =	vst v63  }
0x18e: {  	_ =	swait.ge [sflag:s4], $0x4000  }
0x18f: {  	[sflag:s4] =	ssyncset.done $0x0  }
0x190: {  	[sflag:s4] =	ssyncadd.s32 $0xFFFFC000  }
0x191: {  	[tilespmem:s8], [sflag:$0x2] =	stream.indirect.gather [hbm4b:s3+s7], $0x80, s15, s7, $0xb8;
	[tilespmem:$0x8C80] =	vst v63  }
0x192: {  	_ =	swait.ge [sflag:s6], $0x4000  }
0x193: {  	[sflag:s6] =	ssyncset.done $0x0  }
0x194: {  	s0 =	rddreg [dreg:$0x17];
	[sflag:s6] =	ssyncadd.s32 $0xFFFFC000  }
0x195: {  	[hbm4b:s0+s2] =	stream.linear.scatter [tilespmem:s5], [sflag:$0x3], $0x4000, $0x38;
	[tilespmem:$0x8C80] =	vst v63  }
0x196: {  	_ =	swait.ge [sflag:s4], $0x4000  }
0x197: {  	[sflag:s4] =	ssyncset.done $0x0  }
0x198: {  	[sflag:s4] =	ssyncadd.s32 $0xFFFFC000  }
0x199: {  	[tilespmem:s5], [sflag:$0x1] =	stream.indirect.gather [hbm4b:s3+s7], $0x80, s14, s7, $0xb8;
	[tilespmem:$0x8C80] =	vst v63  }
0x19a: {  	_ =	swait.ge [sflag:s9], $0x4000  }
0x19b: {  	[sflag:s9] =	ssyncset.done $0x0  }
0x19c: {  	s0 =	rddreg [dreg:$0x18];
	[sflag:s9] =	ssyncadd.s32 $0xFFFFC000  }
0x19d: {  	[hbm4b:s0+s2] =	stream.linear.scatter [tilespmem:s8], [sflag:$0x3], $0x4000, $0x38;
	[tilespmem:$0x8C80] =	vst v63  }
0x19e: {  	_ =	swait.ge [sflag:s4], $0x4000  }
0x19f: {  	[sflag:s4] =	ssyncset.done $0x0  }
0x1a0: {  	[sflag:s4] =	ssyncadd.s32 $0xFFFFC000  }
0x1a1: {  	[tilespmem:s8], [sflag:$0x2] =	stream.indirect.gather [hbm4b:s3+s7], $0x80, s13, s7, $0xb8;
	[tilespmem:$0x8C80] =	vst v63  }
0x1a2: {  	_ =	swait.ge [sflag:s6], $0x4000  }
0x1a3: {  	[sflag:s6] =	ssyncset.done $0x0  }
0x1a4: {  	s0 =	rddreg [dreg:$0x19];
	[sflag:s6] =	ssyncadd.s32 $0xFFFFC000  }
0x1a5: {  	[hbm4b:s0+s2] =	stream.linear.scatter [tilespmem:s5], [sflag:$0x3], $0x4000, $0x38;
	[tilespmem:$0x8C80] =	vst v63  }
0x1a6: {  	_ =	swait.ge [sflag:s4], $0x4000  }
0x1a7: {  	[sflag:s4] =	ssyncset.done $0x0  }
0x1a8: {  	[sflag:s4] =	ssyncadd.s32 $0xFFFFC000  }
0x1a9: {  	[tilespmem:s5], [sflag:$0x1] =	stream.indirect.gather [hbm4b:s3+s7], $0x80, s12, s7, $0xb8;
	[tilespmem:$0x8C80] =	vst v63  }
0x1aa: {  	_ =	swait.ge [sflag:s9], $0x4000  }
0x1ab: {  	[sflag:s9] =	ssyncset.done $0x0  }
0x1ac: {  	s0 =	rddreg [dreg:$0x1a];
	[sflag:s9] =	ssyncadd.s32 $0xFFFFC000  }
0x1ad: {  	[hbm4b:s0+s2] =	stream.linear.scatter [tilespmem:s8], [sflag:$0x3], $0x4000, $0x38;
	[tilespmem:$0x8C80] =	vst v63  }
0x1ae: {  	_ =	swait.ge [sflag:s4], $0x4000  }
0x1af: {  	[sflag:s4] =	ssyncset.done $0x0  }
0x1b0: {  	[sflag:s4] =	ssyncadd.s32 $0xFFFFC000  }
0x1b1: {  	[tilespmem:s8], [sflag:$0x2] =	stream.indirect.gather [hbm4b:s3+s7], $0x80, s11, s7, $0xb8;
	[tilespmem:$0x8C80] =	vst v63  }
0x1b2: {  	_ =	swait.ge [sflag:s6], $0x4000  }
0x1b3: {  	[sflag:s6] =	ssyncset.done $0x0  }
0x1b4: {  	s0 =	rddreg [dreg:$0x1b];
	[sflag:s6] =	ssyncadd.s32 $0xFFFFC000  }
0x1b5: {  	[hbm4b:s0+s2] =	stream.linear.scatter [tilespmem:s5], [sflag:$0x3], $0x4000, $0x38;
	[tilespmem:$0x8C80] =	vst v63  }
0x1b6: {  	_ =	swait.ge [sflag:s4], $0x4000  }
0x1b7: {  	[sflag:s4] =	ssyncset.done $0x0  }
0x1b8: {  	[sflag:s4] =	ssyncadd.s32 $0xFFFFC000  }
0x1b9: {  	[tilespmem:s5], [sflag:$0x1] =	stream.indirect.gather [hbm4b:s3+s7], $0x80, s10, s7, $0xb8;
	[tilespmem:$0x8C80] =	vst v63  }
0x1ba: {  	_ =	swait.ge [sflag:s9], $0x4000  }
0x1bb: {  	[sflag:s9] =	ssyncset.done $0x0  }
0x1bc: {  	s0 =	rddreg [dreg:$0x1c];
	[sflag:s9] =	ssyncadd.s32 $0xFFFFC000  }
0x1bd: {  	[hbm4b:s0+s2] =	stream.linear.scatter [tilespmem:s8], [sflag:$0x3], $0x4000, $0x38;
	[tilespmem:$0x8C80] =	vst v63  }
0x1be: {  	_ =	swait.ge [sflag:s4], $0x4000  }
0x1bf: {  	[sflag:s4] =	ssyncset.done $0x0  }
0x1c0: {  	[sflag:s4] =	ssyncadd.s32 $0xFFFFC000  }
0x1c1: {  	p1 =	sne.s32 s1, $0x1;
	_ =	swait.ge [sflag:s6], $0x4000  }
.Ltmp2:
0x1c2: {  	[sflag:s6] =	ssyncset.done $0x0;
	(pc) =	sbr.rel @p1 .LBB2_2-.Ltmp2, $4  }
0x1c3: {  	s0 =	rddreg [dreg:$0x1d];
	[sflag:s6] =	ssyncadd.s32 $0xFFFFC000  }
0x1c4: {  	[hbm4b:s0+s2] =	stream.linear.scatter [tilespmem:s5], [sflag:$0x3], $0x4000, $0x38;
	[tilespmem:$0x8C80] =	vst v63  }
0x1c5: {  	_ =	swait.ge [sflag:s4], $0x4000  }
0x1c6: {  	s1 =	sadd.s32 $0xFFFFFFFF, s1;
	s0 =	rddreg [dreg:$0x4];
	[sflag:s4] =	ssyncset.done $0x0  }
.LBB2_3:
0x1c7: {  	[sflag:s4] =	ssyncadd.s32 @p0 $0xFFFFC000  }
0x1c8: {  	[tilespmem:s2], [sflag:$0x3] =	stream.strided.gather [hbm4b:s0+s7], $0xC80, s25, s7, $0x38;
	[tilespmem:$0x8C80] =	vst v63  }
0x1c9: {  	_ =	swait.ge [sflag:s4], $0xC80  }
0x1ca: {  	[sflag:s4] =	ssyncset.done $0x0  }
0x1cb: {  	[sflag:s4] =	ssyncadd.s32 $0xFFFFF380  }
0x1cc: {  	[tilespmem:s5], [sflag:$0x1] =	stream.indirect.gather [hbm4b:s3+s7], $0x80, s2, s7, $0xb8;
	[tilespmem:$0x8C80] =	vst v63  }
0x1cd: {  	_ = 	snop  }
0x1ce: {  	[tilespmem:s8], [sflag:$0x2] =	stream.indirect.gather [hbm4b:s3+s7], $0x80, s7, s7, $0xb8;
	[tilespmem:$0x8C80] =	vst v63  }
0x1cf: {  	_ =	swait.ge [sflag:s6], $0x4000  }
0x1d0: {  	[sflag:s6] =	ssyncset.done $0x0  }
0x1d1: {  	s1 =	rddreg [dreg:$0x5];
	[sflag:s6] =	ssyncadd.s32 $0xFFFFC000  }
0x1d2: {  	[hbm4b:s1+s2] =	stream.linear.scatter [tilespmem:s5], [sflag:$0x3], $0x4000, $0x38;
	[tilespmem:$0x8C80] =	vst v63  }
0x1d3: {  	_ =	swait.ge [sflag:s4], $0x4000  }
0x1d4: {  	[sflag:s4] =	ssyncset.done $0x0  }
0x1d5: {  	s1 =	rddreg [dreg:$0x1e];
	[sflag:s4] =	ssyncadd.s32 $0xFFFFC000  }
0x1d6: {  	[tilespmem:s5], [sflag:$0x1] =	stream.indirect.gather [hbm4b:s3+s7], $0x80, s1, s7, $0xb8;
	[tilespmem:$0x8C80] =	vst v63  }
0x1d7: {  	_ =	swait.ge [sflag:s9], $0x4000  }
0x1d8: {  	[sflag:s9] =	ssyncset.done $0x0  }
0x1d9: {  	s1 =	rddreg [dreg:$0x6];
	[sflag:s9] =	ssyncadd.s32 $0xFFFFC000  }
0x1da: {  	[hbm4b:s1+s2] =	stream.linear.scatter [tilespmem:s8], [sflag:$0x3], $0x4000, $0x38;
	[tilespmem:$0x8C80] =	vst v63  }
0x1db: {  	_ =	swait.ge [sflag:s4], $0x4000  }
0x1dc: {  	[sflag:s4] =	ssyncset.done $0x0  }
0x1dd: {  	s1 =	rddreg [dreg:$0x1f];
	[sflag:s4] =	ssyncadd.s32 $0xFFFFC000  }
0x1de: {  	[tilespmem:s8], [sflag:$0x2] =	stream.indirect.gather [hbm4b:s3+s7], $0x80, s1, s7, $0xb8;
	[tilespmem:$0x8C80] =	vst v63  }
0x1df: {  	_ =	swait.ge [sflag:s6], $0x4000  }
0x1e0: {  	[sflag:s6] =	ssyncset.done $0x0  }
0x1e1: {  	s1 =	rddreg [dreg:$0x7];
	[sflag:s6] =	ssyncadd.s32 $0xFFFFC000  }
0x1e2: {  	[hbm4b:s1+s2] =	stream.linear.scatter [tilespmem:s5], [sflag:$0x3], $0x4000, $0x38;
	[tilespmem:$0x8C80] =	vst v63  }
0x1e3: {  	_ =	swait.ge [sflag:s4], $0x4000  }
0x1e4: {  	[sflag:s4] =	ssyncset.done $0x0  }
0x1e5: {  	[sflag:s4] =	ssyncadd.s32 $0xFFFFC000  }
0x1e6: {  	[tilespmem:s5], [sflag:$0x1] =	stream.indirect.gather [hbm4b:s3+s7], $0x80, s31, s7, $0xb8;
	[tilespmem:$0x8C80] =	vst v63  }
0x1e7: {  	_ =	swait.ge [sflag:s9], $0x4000  }
0x1e8: {  	[sflag:s9] =	ssyncset.done $0x0  }
0x1e9: {  	s1 =	rddreg [dreg:$0x8];
	[sflag:s9] =	ssyncadd.s32 $0xFFFFC000  }
0x1ea: {  	[hbm4b:s1+s2] =	stream.linear.scatter [tilespmem:s8], [sflag:$0x3], $0x4000, $0x38;
	[tilespmem:$0x8C80] =	vst v63  }
0x1eb: {  	_ =	swait.ge [sflag:s4], $0x4000  }
0x1ec: {  	[sflag:s4] =	ssyncset.done $0x0  }
0x1ed: {  	[sflag:s4] =	ssyncadd.s32 $0xFFFFC000  }
0x1ee: {  	[tilespmem:s8], [sflag:$0x2] =	stream.indirect.gather [hbm4b:s3+s7], $0x80, s30, s7, $0xb8;
	[tilespmem:$0x8C80] =	vst v63  }
0x1ef: {  	_ =	swait.ge [sflag:s6], $0x4000  }
0x1f0: {  	[sflag:s6] =	ssyncset.done $0x0  }
0x1f1: {  	s30 =	rddreg [dreg:$0x9];
	[sflag:s6] =	ssyncadd.s32 $0xFFFFC000  }
0x1f2: {  	[hbm4b:s30+s2] =	stream.linear.scatter [tilespmem:s5], [sflag:$0x3], $0x4000, $0x38;
	[tilespmem:$0x8C80] =	vst v63  }
0x1f3: {  	_ =	swait.ge [sflag:s4], $0x4000  }
0x1f4: {  	[sflag:s4] =	ssyncset.done $0x0  }
0x1f5: {  	[sflag:s4] =	ssyncadd.s32 $0xFFFFC000  }
0x1f6: {  	[tilespmem:s5], [sflag:$0x1] =	stream.indirect.gather [hbm4b:s3+s7], $0x80, s29, s7, $0xb8;
	[tilespmem:$0x8C80] =	vst v63  }
0x1f7: {  	_ =	swait.ge [sflag:s9], $0x4000  }
0x1f8: {  	[sflag:s9] =	ssyncset.done $0x0  }
0x1f9: {  	s31 =	rddreg [dreg:$0xa];
	[sflag:s9] =	ssyncadd.s32 $0xFFFFC000  }
0x1fa: {  	[hbm4b:s31+s2] =	stream.linear.scatter [tilespmem:s8], [sflag:$0x3], $0x4000, $0x38;
	[tilespmem:$0x8C80] =	vst v63  }
0x1fb: {  	_ =	swait.ge [sflag:s4], $0x4000  }
0x1fc: {  	[sflag:s4] =	ssyncset.done $0x0  }
0x1fd: {  	[sflag:s4] =	ssyncadd.s32 $0xFFFFC000  }
0x1fe: {  	[tilespmem:s8], [sflag:$0x2] =	stream.indirect.gather [hbm4b:s3+s7], $0x80, s28, s7, $0xb8;
	[tilespmem:$0x8C80] =	vst v63  }
0x1ff: {  	_ =	swait.ge [sflag:s6], $0x4000  }
0x200: {  	[sflag:s6] =	ssyncset.done $0x0  }
0x201: {  	s1 =	rddreg [dreg:$0xb];
	[sflag:s6] =	ssyncadd.s32 $0xFFFFC000  }
0x202: {  	[hbm4b:s1+s2] =	stream.linear.scatter [tilespmem:s5], [sflag:$0x3], $0x4000, $0x38;
	[tilespmem:$0x8C80] =	vst v63  }
0x203: {  	_ =	swait.ge [sflag:s4], $0x4000  }
0x204: {  	[sflag:s4] =	ssyncset.done $0x0  }
0x205: {  	[sflag:s4] =	ssyncadd.s32 $0xFFFFC000  }
0x206: {  	[tilespmem:s5], [sflag:$0x1] =	stream.indirect.gather [hbm4b:s3+s7], $0x80, s25, s7, $0xb8;
	[tilespmem:$0x8C80] =	vst v63  }
0x207: {  	_ =	swait.ge [sflag:s9], $0x4000  }
0x208: {  	[sflag:s9] =	ssyncset.done $0x0  }
0x209: {  	s25 =	rddreg [dreg:$0xc];
	[sflag:s9] =	ssyncadd.s32 $0xFFFFC000  }
0x20a: {  	[hbm4b:s25+s2] =	stream.linear.scatter [tilespmem:s8], [sflag:$0x3], $0x4000, $0x38;
	[tilespmem:$0x8C80] =	vst v63  }
0x20b: {  	_ =	swait.ge [sflag:s4], $0x4000  }
0x20c: {  	[sflag:s4] =	ssyncset.done $0x0  }
0x20d: {  	[sflag:s4] =	ssyncadd.s32 $0xFFFFC000  }
0x20e: {  	[tilespmem:s8], [sflag:$0x2] =	stream.indirect.gather [hbm4b:s3+s7], $0x80, s26, s7, $0xb8;
	[tilespmem:$0x8C80] =	vst v63  }
0x20f: {  	_ =	swait.ge [sflag:s6], $0x4000  }
0x210: {  	[sflag:s6] =	ssyncset.done $0x0  }
0x211: {  	s26 =	rddreg [dreg:$0xd];
	[sflag:s6] =	ssyncadd.s32 $0xFFFFC000  }
0x212: {  	[hbm4b:s26+s2] =	stream.linear.scatter [tilespmem:s5], [sflag:$0x3], $0x4000, $0x38;
	[tilespmem:$0x8C80] =	vst v63  }
0x213: {  	_ =	swait.ge [sflag:s4], $0x4000  }
0x214: {  	[sflag:s4] =	ssyncset.done $0x0  }
0x215: {  	[sflag:s4] =	ssyncadd.s32 $0xFFFFC000  }
0x216: {  	[tilespmem:s5], [sflag:$0x1] =	stream.indirect.gather [hbm4b:s3+s7], $0x80, s24, s7, $0xb8;
	[tilespmem:$0x8C80] =	vst v63  }
0x217: {  	_ =	swait.ge [sflag:s9], $0x4000  }
0x218: {  	[sflag:s9] =	ssyncset.done $0x0  }
0x219: {  	s28 =	rddreg [dreg:$0xe];
	[sflag:s9] =	ssyncadd.s32 $0xFFFFC000  }
0x21a: {  	[hbm4b:s28+s2] =	stream.linear.scatter [tilespmem:s8], [sflag:$0x3], $0x4000, $0x38;
	[tilespmem:$0x8C80] =	vst v63  }
0x21b: {  	_ =	swait.ge [sflag:s4], $0x4000  }
0x21c: {  	[sflag:s4] =	ssyncset.done $0x0  }
0x21d: {  	[sflag:s4] =	ssyncadd.s32 $0xFFFFC000  }
0x21e: {  	[tilespmem:s8], [sflag:$0x2] =	stream.indirect.gather [hbm4b:s3+s7], $0x80, s23, s7, $0xb8;
	[tilespmem:$0x8C80] =	vst v63  }
0x21f: {  	_ =	swait.ge [sflag:s6], $0x4000  }
0x220: {  	[sflag:s6] =	ssyncset.done $0x0  }
0x221: {  	s29 =	rddreg [dreg:$0xf];
	[sflag:s6] =	ssyncadd.s32 $0xFFFFC000  }
0x222: {  	[hbm4b:s29+s2] =	stream.linear.scatter [tilespmem:s5], [sflag:$0x3], $0x4000, $0x38;
	[tilespmem:$0x8C80] =	vst v63  }
0x223: {  	_ =	swait.ge [sflag:s4], $0x4000  }
0x224: {  	[sflag:s4] =	ssyncset.done $0x0  }
0x225: {  	[sflag:s4] =	ssyncadd.s32 $0xFFFFC000  }
0x226: {  	[tilespmem:s5], [sflag:$0x1] =	stream.indirect.gather [hbm4b:s3+s7], $0x80, s22, s7, $0xb8;
	[tilespmem:$0x8C80] =	vst v63  }
0x227: {  	_ =	swait.ge [sflag:s9], $0x4000  }
0x228: {  	[sflag:s9] =	ssyncset.done $0x0  }
0x229: {  	s30 =	rddreg [dreg:$0x10];
	[sflag:s9] =	ssyncadd.s32 $0xFFFFC000  }
0x22a: {  	[hbm4b:s30+s2] =	stream.linear.scatter [tilespmem:s8], [sflag:$0x3], $0x4000, $0x38;
	[tilespmem:$0x8C80] =	vst v63  }
0x22b: {  	_ =	swait.ge [sflag:s4], $0x4000  }
0x22c: {  	[sflag:s4] =	ssyncset.done $0x0  }
0x22d: {  	[sflag:s4] =	ssyncadd.s32 $0xFFFFC000  }
0x22e: {  	[tilespmem:s8], [sflag:$0x2] =	stream.indirect.gather [hbm4b:s3+s7], $0x80, s21, s7, $0xb8;
	[tilespmem:$0x8C80] =	vst v63  }
0x22f: {  	_ =	swait.ge [sflag:s6], $0x4000  }
0x230: {  	[sflag:s6] =	ssyncset.done $0x0  }
0x231: {  	s31 =	rddreg [dreg:$0x11];
	[sflag:s6] =	ssyncadd.s32 $0xFFFFC000  }
0x232: {  	[hbm4b:s31+s2] =	stream.linear.scatter [tilespmem:s5], [sflag:$0x3], $0x4000, $0x38;
	[tilespmem:$0x8C80] =	vst v63  }
0x233: {  	_ =	swait.ge [sflag:s4], $0x4000  }
0x234: {  	[sflag:s4] =	ssyncset.done $0x0  }
0x235: {  	[sflag:s4] =	ssyncadd.s32 $0xFFFFC000  }
0x236: {  	[tilespmem:s5], [sflag:$0x1] =	stream.indirect.gather [hbm4b:s3+s7], $0x80, s20, s7, $0xb8;
	[tilespmem:$0x8C80] =	vst v63  }
0x237: {  	_ =	swait.ge [sflag:s9], $0x4000  }
0x238: {  	[sflag:s9] =	ssyncset.done $0x0  }
0x239: {  	s1 =	rddreg [dreg:$0x12];
	[sflag:s9] =	ssyncadd.s32 $0xFFFFC000  }
0x23a: {  	[hbm4b:s1+s2] =	stream.linear.scatter [tilespmem:s8], [sflag:$0x3], $0x4000, $0x38;
	[tilespmem:$0x8C80] =	vst v63  }
0x23b: {  	_ =	swait.ge [sflag:s4], $0x4000  }
0x23c: {  	[sflag:s4] =	ssyncset.done $0x0  }
0x23d: {  	[sflag:s4] =	ssyncadd.s32 $0xFFFFC000  }
0x23e: {  	[tilespmem:s8], [sflag:$0x2] =	stream.indirect.gather [hbm4b:s3+s7], $0x80, s19, s7, $0xb8;
	[tilespmem:$0x8C80] =	vst v63  }
0x23f: {  	_ =	swait.ge [sflag:s6], $0x4000  }
0x240: {  	[sflag:s6] =	ssyncset.done $0x0  }
0x241: {  	s19 =	rddreg [dreg:$0x13];
	[sflag:s6] =	ssyncadd.s32 $0xFFFFC000  }
0x242: {  	[hbm4b:s19+s2] =	stream.linear.scatter [tilespmem:s5], [sflag:$0x3], $0x4000, $0x38;
	[tilespmem:$0x8C80] =	vst v63  }
0x243: {  	_ =	swait.ge [sflag:s4], $0x4000  }
0x244: {  	[sflag:s4] =	ssyncset.done $0x0  }
0x245: {  	[sflag:s4] =	ssyncadd.s32 $0xFFFFC000  }
0x246: {  	[tilespmem:s5], [sflag:$0x1] =	stream.indirect.gather [hbm4b:s3+s7], $0x80, s18, s7, $0xb8;
	[tilespmem:$0x8C80] =	vst v63  }
0x247: {  	_ =	swait.ge [sflag:s9], $0x4000  }
0x248: {  	[sflag:s9] =	ssyncset.done $0x0  }
0x249: {  	s20 =	rddreg [dreg:$0x14];
	[sflag:s9] =	ssyncadd.s32 $0xFFFFC000  }
0x24a: {  	[hbm4b:s20+s2] =	stream.linear.scatter [tilespmem:s8], [sflag:$0x3], $0x4000, $0x38;
	[tilespmem:$0x8C80] =	vst v63  }
0x24b: {  	_ =	swait.ge [sflag:s4], $0x4000  }
0x24c: {  	[sflag:s4] =	ssyncset.done $0x0  }
0x24d: {  	[sflag:s4] =	ssyncadd.s32 $0xFFFFC000  }
0x24e: {  	[tilespmem:s8], [sflag:$0x2] =	stream.indirect.gather [hbm4b:s3+s7], $0x80, s17, s7, $0xb8;
	[tilespmem:$0x8C80] =	vst v63  }
0x24f: {  	_ =	swait.ge [sflag:s6], $0x4000  }
0x250: {  	[sflag:s6] =	ssyncset.done $0x0  }
0x251: {  	s21 =	rddreg [dreg:$0x15];
	[sflag:s6] =	ssyncadd.s32 $0xFFFFC000  }
0x252: {  	[hbm4b:s21+s2] =	stream.linear.scatter [tilespmem:s5], [sflag:$0x3], $0x4000, $0x38;
	[tilespmem:$0x8C80] =	vst v63  }
0x253: {  	_ =	swait.ge [sflag:s4], $0x4000  }
0x254: {  	[sflag:s4] =	ssyncset.done $0x0  }
0x255: {  	[sflag:s4] =	ssyncadd.s32 $0xFFFFC000  }
0x256: {  	[tilespmem:s5], [sflag:$0x1] =	stream.indirect.gather [hbm4b:s3+s7], $0x80, s16, s7, $0xb8;
	[tilespmem:$0x8C80] =	vst v63  }
0x257: {  	_ =	swait.ge [sflag:s9], $0x4000  }
0x258: {  	[sflag:s9] =	ssyncset.done $0x0  }
0x259: {  	s22 =	rddreg [dreg:$0x16];
	[sflag:s9] =	ssyncadd.s32 $0xFFFFC000  }
0x25a: {  	[hbm4b:s22+s2] =	stream.linear.scatter [tilespmem:s8], [sflag:$0x3], $0x4000, $0x38;
	[tilespmem:$0x8C80] =	vst v63  }
0x25b: {  	_ =	swait.ge [sflag:s4], $0x4000  }
0x25c: {  	[sflag:s4] =	ssyncset.done $0x0  }
0x25d: {  	[sflag:s4] =	ssyncadd.s32 $0xFFFFC000  }
0x25e: {  	[tilespmem:s8], [sflag:$0x2] =	stream.indirect.gather [hbm4b:s3+s7], $0x80, s15, s7, $0xb8;
	[tilespmem:$0x8C80] =	vst v63  }
0x25f: {  	_ =	swait.ge [sflag:s6], $0x4000  }
0x260: {  	[sflag:s6] =	ssyncset.done $0x0  }
0x261: {  	s23 =	rddreg [dreg:$0x17];
	[sflag:s6] =	ssyncadd.s32 $0xFFFFC000  }
0x262: {  	[hbm4b:s23+s2] =	stream.linear.scatter [tilespmem:s5], [sflag:$0x3], $0x4000, $0x38;
	[tilespmem:$0x8C80] =	vst v63  }
0x263: {  	_ =	swait.ge [sflag:s4], $0x4000  }
0x264: {  	[sflag:s4] =	ssyncset.done $0x0  }
0x265: {  	[sflag:s4] =	ssyncadd.s32 $0xFFFFC000  }
0x266: {  	[tilespmem:s5], [sflag:$0x1] =	stream.indirect.gather [hbm4b:s3+s7], $0x80, s14, s7, $0xb8;
	[tilespmem:$0x8C80] =	vst v63  }
0x267: {  	_ =	swait.ge [sflag:s9], $0x4000  }
0x268: {  	[sflag:s9] =	ssyncset.done $0x0  }
0x269: {  	s24 =	rddreg [dreg:$0x18];
	[sflag:s9] =	ssyncadd.s32 $0xFFFFC000  }
0x26a: {  	[hbm4b:s24+s2] =	stream.linear.scatter [tilespmem:s8], [sflag:$0x3], $0x4000, $0x38;
	[tilespmem:$0x8C80] =	vst v63  }
0x26b: {  	_ =	swait.ge [sflag:s4], $0x4000  }
0x26c: {  	[sflag:s4] =	ssyncset.done $0x0  }
0x26d: {  	[sflag:s4] =	ssyncadd.s32 $0xFFFFC000  }
0x26e: {  	[tilespmem:s8], [sflag:$0x2] =	stream.indirect.gather [hbm4b:s3+s7], $0x80, s13, s7, $0xb8;
	[tilespmem:$0x8C80] =	vst v63  }
0x26f: {  	_ =	swait.ge [sflag:s6], $0x4000  }
0x270: {  	[sflag:s6] =	ssyncset.done $0x0  }
0x271: {  	s25 =	rddreg [dreg:$0x19];
	[sflag:s6] =	ssyncadd.s32 $0xFFFFC000  }
0x272: {  	[hbm4b:s25+s2] =	stream.linear.scatter [tilespmem:s5], [sflag:$0x3], $0x4000, $0x38;
	[tilespmem:$0x8C80] =	vst v63  }
0x273: {  	_ =	swait.ge [sflag:s4], $0x4000  }
0x274: {  	[sflag:s4] =	ssyncset.done $0x0  }
0x275: {  	[sflag:s4] =	ssyncadd.s32 $0xFFFFC000  }
0x276: {  	[tilespmem:s5], [sflag:$0x1] =	stream.indirect.gather [hbm4b:s3+s7], $0x80, s12, s7, $0xb8;
	[tilespmem:$0x8C80] =	vst v63  }
0x277: {  	_ =	swait.ge [sflag:s9], $0x4000  }
0x278: {  	[sflag:s9] =	ssyncset.done $0x0  }
0x279: {  	s26 =	rddreg [dreg:$0x1a];
	[sflag:s9] =	ssyncadd.s32 $0xFFFFC000  }
0x27a: {  	[hbm4b:s26+s2] =	stream.linear.scatter [tilespmem:s8], [sflag:$0x3], $0x4000, $0x38;
	[tilespmem:$0x8C80] =	vst v63  }
0x27b: {  	_ =	swait.ge [sflag:s4], $0x4000  }
0x27c: {  	[sflag:s4] =	ssyncset.done $0x0  }
0x27d: {  	[sflag:s4] =	ssyncadd.s32 $0xFFFFC000  }
0x27e: {  	[tilespmem:s8], [sflag:$0x2] =	stream.indirect.gather [hbm4b:s3+s7], $0x80, s11, s7, $0xb8;
	[tilespmem:$0x8C80] =	vst v63  }
0x27f: {  	_ =	swait.ge [sflag:s6], $0x4000  }
0x280: {  	[sflag:s6] =	ssyncset.done $0x0  }
0x281: {  	s28 =	rddreg [dreg:$0x1b];
	[sflag:s6] =	ssyncadd.s32 $0xFFFFC000  }
0x282: {  	[hbm4b:s28+s2] =	stream.linear.scatter [tilespmem:s5], [sflag:$0x3], $0x4000, $0x38;
	[tilespmem:$0x8C80] =	vst v63  }
0x283: {  	_ =	swait.ge [sflag:s4], $0x4000  }
0x284: {  	[sflag:s4] =	ssyncset.done $0x0  }
0x285: {  	[sflag:s4] =	ssyncadd.s32 $0xFFFFC000  }
0x286: {  	[tilespmem:s5], [sflag:$0x1] =	stream.indirect.gather [hbm4b:s3+s7], $0x80, s10, s7, $0xb8;
	[tilespmem:$0x8C80] =	vst v63  }
0x287: {  	_ =	swait.ge [sflag:s9], $0x4000  }
0x288: {  	[sflag:s9] =	ssyncset.done $0x0  }
0x289: {  	s29 =	rddreg [dreg:$0x1c];
	[sflag:s9] =	ssyncadd.s32 $0xFFFFC000  }
0x28a: {  	[hbm4b:s29+s2] =	stream.linear.scatter [tilespmem:s8], [sflag:$0x3], $0x4000, $0x38;
	[tilespmem:$0x8C80] =	vst v63  }
0x28b: {  	_ =	swait.ge [sflag:s4], $0x4000  }
0x28c: {  	[sflag:s4] =	ssyncset.done $0x0  }
0x28d: {  	[sflag:s4] =	ssyncadd.s32 $0xFFFFC000  }
0x28e: {  	_ =	swait.ge [sflag:s6], $0x4000  }
0x28f: {  	[sflag:s6] =	ssyncset.done $0x0  }
0x290: {  	s30 =	rddreg [dreg:$0x1d];
	[sflag:s6] =	ssyncadd.s32 $0xFFFFC000  }
0x291: {  	[hbm4b:s30+s2] =	stream.linear.scatter [tilespmem:s5], [sflag:$0x3], $0x4000, $0x38;
	[tilespmem:$0x8C80] =	vst v63  }
0x292: {  	_ =	swait.ge [sflag:s4], $0x4000  }
0x293: {  	[sflag:s4] =	ssyncset.done $0x0  }
0x294: {  	[sflag:s4] =	ssyncadd.s32 $0xFFFFC000  }
0x295: {  	_ =	sfence.sel $0x180000  }
0x296: {  	[bflag:$0x0] =	sbarrier.arrive $0xFFFF  }
0x297: {  	_ =	strace $0x90000047  }
0x298: {  	s31 =	stileid.u32;
	[bflag:$0x2] =	sbarrier.arrive $0xFFFF  }
0x299: {  	p0 =	sne.s32 s31, $0x0;
	s0 =	rddreg [dreg:$0x3]  }
0x29a: {  	s0 =	sadd.s32 @!p0 $0x100000, s0  }
0x29b: {  	[sflag:s0] =	ssyncadd.tile.s32 @!p0 $0x1;
	_ =	shalt  }
.Lfunc_end2:
_tile_overlayer_lowered:
.L_overlay_start_2:
0x29c: {  	(tag) =	ssettag $0x2  }
0x29d: {  	s0 =	rddreg [dreg:$0x0];
	s2 =	stileid.u32  }
0x29e: {  	s1 =	rddreg [dreg:$0x1];
	p0 =	sne.s32 s2, $0x0  }
0x29f: {  	s3 =	rddreg [dreg:$0x2];
	[bflag:$0x3] =	sbarrier.arrive $0xFFFF;
	s2 =	simm.s32 @!p0 $0x1C03  }
0x2a0: {  	[timem:s3], [sflag:s2] =	dma.local @!p0 [hbm:s0], s1  }
0x2a1: {  	s0 =	simm.s32 @!p0 $0x3  }
0x2a2: {  	_ =	swait.ge @!p0 [sflag:s0], s1  }
0x2a3: {  	s1 =	ssub.s32 @!p0 $0x0, s1;
	[sflag:s0] =	ssyncset.done @!p0 $0x0  }
0x2a4: {  	[sflag:s0] =	ssyncadd.s32 @!p0 s1  }
0x2a5: {  	[bflag:$0x3] =	sbarrier.arrive $0xFFFF  }
0x2a6: {  	_ =	shalt  }

// kernel: kernel.9.cloned.1.call-start
scs
__scs_entry_jumppad:
0x0: {  	(pc) =	sbr.rel $0x88, $3  }
0x1: {  	(tag) =	ssettag $0x0;
	lr =	simm.s32 $0x1  }
0x2: {  	[smem:$0x3F9A] =	sst lr;
	_ =	strace $0xD0000000  }
0x3: {  	_ = 	snop  }
0x4: {  	_ = 	snop  }
0x5: {  	_ = 	snop  }
0x6: {  	_ = 	snop  }
0x7: {  	_ = 	snop  }
__scs_overlays_trampoline_lowered:
0x8: {  	[smem:$0x3FA9] =	sst s0  }
0x9: {  	[smem:$0x3FAA] =	sst s1  }
0xa: {  	[smem:$0x3FAB] =	sst s2  }
0xb: {  	[smem:$0x3FAC] =	sst s3  }
0xc: {  	[smem:$0x3FAD] =	sst s4  }
0xd: {  	[smem:$0x3FAE] =	sst s5  }
0xe: {  	[smem:$0x3FAF] =	sst s6  }
0xf: {  	[smem:$0x3FB0] =	sst s7  }
0x10: {  	[smem:$0x3FB1] =	sst s8  }
0x11: {  	[smem:$0x3FB2] =	sst s9;
	s0 =	simm.s32 @!p0 $0x0  }
0x12: {  	s1 =	sld [smem:$0x3F98];
	s0 =	simm.s32 @p0 $0x1  }
0x13: {  	[smem:$0x3FB3] =	sst s0;
	s0 =	simm.s32 @!p1 $0x0  }
0x14: {  	s2 =	sld [smem:$0x3F97];
	s0 =	simm.s32 @p1 $0x1  }
0x15: {  	[smem:$0x3FB4] =	sst s0;
	s0 =	simm.s32 @!p2 $0x0  }
0x16: {  	s3 =	sld [smem:$0x3FDB];
	s0 =	simm.s32 @p2 $0x1  }
0x17: {  	s4 =	simm.s32 $0x1BF5;
	[smem:$0x3FB6] =	sst s0  }
0x18: {  	s0 =	sld [smem:$0x3F99];
	_ =	swait.ge [sflag:s4], $0x0  }
0x19: {  	s7 =	sld [smem:$0x3F9A]  }
0x1a: {  	s8 =	sadd.s32 $0xFFFFE003, lr  }
0x1b: {  	s9 =	sadd.s32 $0xFFFFFEF7, lr;
	s5 =	simm.s32 $0xFFFFFFFF;
	p2 =	slt.u32 s8, $0xFFFFF086  }
0x1c: {  	p1 =	slt.u32 s9, $0xF7A;
	s5 =	simm.s32 @!p2 $0x0  }
0x1d: {  	s5 =	simm.s32 @p1 $0x1;
	p0 =	seq.s32 s7, s2  }
0x1e: {  	s7 =	smul.u32 @!p0 $0xF7A, s2;
	p2 =	seq.s32 @!p0 s5, $0x0  }
0x1f: {  	s9 =	smul.u32 $0xF7A, s1;
	s8 =	simm.s32 @!p0 $0x1BF5;
	p2 =	por !p2, p0  }
0x20: {  	[sflag:s8] =	ssyncset.s32 @!p0 $0xFFFFF086;
	s6 =	sadd.s32 @!p0 s3, s7;
	s7 =	simm.s32 @!p0 $0x108  }
0x21: {  	s3 =	sadd.s32 s3, s9;
	s6 =	sadd.s32 @!p0 $0x88, s6;
	s7 =	simm.s32 @p2 $0x1082  }
0x22: {  	[simem:s7], [sflag:s8] =	dma.local @!p0 [hbm:s6], $0xF7A  }
0x23: {  	s9 =	sor.u32 $0xD0000000, s2;
	s6 =	simm.s32 $0x108;
	_ =	swait.ge @!p0 [sflag:s8], $0x0  }
0x24: {  	s3 =	sadd.s32 $0x88, s3;
	s6 =	simm.s32 @!p1 $0x1082;
	[sflag:s4] =	ssyncset.s32 $0xFFFFF086  }
0x25: {  	[simem:s6], [sflag:s4] =	dma.local [hbm:s3], $0xF7A  }
0x26: {  	[smem:$0x3F9A] =	sst s1;
	(tag) =	ssettag s2;
	_ =	strace s9  }
0x27: {  	s1 =	sld [smem:$0x3FAA]  }
0x28: {  	s2 =	sld [smem:$0x3FAB]  }
0x29: {  	s4 =	sld [smem:$0x3FAD]  }
0x2a: {  	p0 =	seq.s32 s5, $0x0;
	s5 =	sld [smem:$0x3FAE]  }
0x2b: {  	s6 =	sld [smem:$0x3FAF]  }
0x2c: {  	s7 =	sld [smem:$0x3FB0]  }
0x2d: {  	s3 =	simm.s32 $0x108;
	s8 =	sld [smem:$0x3FB1]  }
0x2e: {  	s3 =	simm.s32 @!p0 $0x1082;
	s9 =	sld [smem:$0x3FB2]  }
0x2f: {  	lr =	sadd.s32 s0, s3;
	s0 =	sld [smem:$0x3FA9]  }
0x30: {  	s3 =	sld [smem:$0x3FAC]  }
0x31: {  	[smem:$0x3FB5] =	sst s10  }
0x32: {  	s10 =	sld [smem:$0x3FB3];
	_ =	sdelay $0x3  }
0x33: {  	p0 =	seq.s32 s10, $0x1;
	s10 =	sld [smem:$0x3FB5];
	_ =	sdelay $0x3  }
0x34: {  	[smem:$0x3FB5] =	sst s10  }
0x35: {  	s10 =	sld [smem:$0x3FB4];
	_ =	sdelay $0x3  }
0x36: {  	p1 =	seq.s32 s10, $0x1;
	s10 =	sld [smem:$0x3FB5];
	_ =	sdelay $0x3  }
0x37: {  	[smem:$0x3FB5] =	sst s10  }
0x38: {  	s10 =	sld [smem:$0x3FB6]  }
0x39: {  	_ = 	snop;
	(pc) =	sbr.ind lr, $3  }
0x3a: {  	_ = 	snop  }
0x3b: {  	_ = 	snop  }
0x3c: {  	p2 =	seq.s32 s10, $0x1;
	s10 =	sld [smem:$0x3FB5]  }
0x3d: {  	_ =	shalt  }
0x3e: {  	_ =	shalt  }
0x3f: {  	_ =	shalt  }
0x40: {  	_ =	shalt  }
0x41: {  	_ =	shalt  }
0x42: {  	_ =	shalt  }
0x43: {  	_ =	shalt  }
0x44: {  	_ =	shalt  }
0x45: {  	_ =	shalt  }
0x46: {  	_ =	shalt  }
0x47: {  	_ =	shalt  }
0x48: {  	_ =	shalt  }
0x49: {  	_ =	shalt  }
0x4a: {  	_ =	shalt  }
0x4b: {  	_ =	shalt  }
0x4c: {  	_ =	shalt  }
0x4d: {  	_ =	shalt  }
0x4e: {  	_ =	shalt  }
0x4f: {  	_ =	shalt  }
0x50: {  	_ =	shalt  }
0x51: {  	_ =	shalt  }
0x52: {  	_ =	shalt  }
0x53: {  	_ =	shalt  }
0x54: {  	_ =	shalt  }
0x55: {  	_ =	shalt  }
0x56: {  	_ =	shalt  }
0x57: {  	_ =	shalt  }
0x58: {  	_ =	shalt  }
0x59: {  	_ =	shalt  }
0x5a: {  	_ =	shalt  }
0x5b: {  	_ =	shalt  }
0x5c: {  	_ =	shalt  }
0x5d: {  	_ =	shalt  }
0x5e: {  	_ =	shalt  }
0x5f: {  	_ =	shalt  }
0x60: {  	_ =	shalt  }
0x61: {  	_ =	shalt  }
0x62: {  	_ =	shalt  }
0x63: {  	_ =	shalt  }
0x64: {  	_ =	shalt  }
0x65: {  	_ =	shalt  }
0x66: {  	_ =	shalt  }
0x67: {  	_ =	shalt  }
0x68: {  	_ =	shalt  }
0x69: {  	_ =	shalt  }
0x6a: {  	_ =	shalt  }
0x6b: {  	_ =	shalt  }
0x6c: {  	_ =	shalt  }
0x6d: {  	_ =	shalt  }
0x6e: {  	_ =	shalt  }
0x6f: {  	_ =	shalt  }
0x70: {  	_ =	shalt  }
0x71: {  	_ =	shalt  }
0x72: {  	_ =	shalt  }
0x73: {  	_ =	shalt  }
0x74: {  	_ =	shalt  }
0x75: {  	_ =	shalt  }
0x76: {  	_ =	shalt  }
0x77: {  	_ =	shalt  }
0x78: {  	_ =	shalt  }
0x79: {  	_ =	shalt  }
0x7a: {  	_ =	shalt  }
0x7b: {  	_ =	shalt  }
0x7c: {  	_ =	shalt  }
0x7d: {  	_ =	shalt  }
0x7e: {  	_ =	shalt  }
0x7f: {  	_ =	shalt  }
0x80: {  	_ =	shalt  }
0x81: {  	_ =	shalt  }
0x82: {  	_ =	shalt  }
0x83: {  	_ =	shalt  }
0x84: {  	_ =	shalt  }
0x85: {  	_ =	shalt  }
0x86: {  	_ =	shalt  }
0x87: {  	_ =	shalt  }
.Lfunc_end0:
.L_simem_size_0:
called_computation.1_lowered:
.L_overlay_start_0:
0x88: {  	s2 =	sld [smem:$0x3FD9]  }
0x89: {  	s3 =	sld [smem:$0x3FFE];
	_ =	sdelay $0x1  }
0x8a: {  	s1 =	srdreg.scid  }
0x8b: {  	s0 =	sand.u32 $0x1, s1  }
0x8c: {  	s17 =	sshll.u32 s0, $0xA;
	s2 =	sadd.s32 s3, s2  }
0x8d: {  	s2 =	sadd.s32 s2, s17  }
0x8e: {  	[smem:$0x3FC1] =	sst s2  }
0x8f: {  	_ = 	snop  }
0x90: {  	s18 =	sld [smem:$0x3FC7];
	(tm) =	ssettm $0x1  }
0x91: {  	s19 =	sld [smem:$0x3FFB];
	_ =	sdelay $0x3  }
0x92: {  	_ =	strace s19  }
0x93: {  	s2 =	sld [smem:$0x3FFC];
	_ =	sdelay $0x3  }
0x94: {  	_ =	strace s2  }
0x95: {  	s2 =	sld [smem:$0x3FFD];
	_ =	sdelay $0x3  }
0x96: {  	_ =	strace s2  }
0x97: {  	_ =	strace $0x8FFFFFFF  }
0x98: {  	s20 =	sld [smem:$0x3FDB];
	_ =	sdelay $0x1  }
0x99: {  	s4 =	simm.s32 $_scs_section_size  }
0x9a: {  	s5 =	simm.s32 $_size__tile_overlayer_lowered;
	s6 =	simm.s32 $_tile_overlayer_lowered  }
0x9b: {  	s7 =	simm.s32 $0x1BFF;
	s21 =	sshll.u32 s6, $0x1;
	s4 =	sadd.s32 s4, s20  }
0x9c: {  	s22 =	simm.s32 $0x0;
	s5 =	sshll.u32 s5, $0x1;
	s6 =	sadd.s32 s21, s4  }
0x9d: {  	[timem:s22], [sflag:s7] =	dma.local [hbm:s6], s5  }
0x9e: {  	_ =	swait.ge [sflag:s7], s5  }
0x9f: {  	s5 =	ssub.s32 $0x0, s5;
	[sflag:s7] =	ssyncset.done $0x0  }
0xa0: {  	[sflag:s7] =	ssyncadd.s32 s5;
	_ =	sdelay $0x1  }
0xa1: {  	s23 =	simm.s32 $0x1B8B  }
0xa2: {  	_ =	swait.ge [sflag:s23], $0x1  }
0xa3: {  	[sflag:s23] =	ssyncset.done $0x0  }
0xa4: {  	[sflag:s23] =	ssyncadd.s32 $0xFFFFFFFF  }
0xa5: {  	s5 =	sld [smem:$0x0]  }
0xa6: {  	s6 =	sand.u32 $0xFFFFFFFE, s1  }
0xa7: {  	p0 =	sne.s32 s1, s6  }
0xa8: {  	s6 =	sshll.u32 @p0 s6, $0xE  }
0xa9: {  	s6 =	sadd.s32 @p0 $0x11B8D, s6;
	s7 =	sshll.u32 @p0 s5, $0x11  }
0xaa: {  	s6 =	sor.u32 @p0 s7, s6  }
0xab: {  	[sflag:s6] =	ssyncadd.remote.s32 @p0 $0x1;
	_ =	sdelay $0x1  }
0xac: {  	s6 =	simm.s32 @p0 $0x1B8D  }
0xad: {  	_ =	swait.eq @p0 [sflag:s6], $0x1  }
0xae: {  	[sflag:s6] =	ssyncadd.s32 @p0 $0xFFFFFFFF  }
0xaf: {  	s7 =	sshll.u32 @!p0 s1, $0xE  }
0xb0: {  	s7 =	sor.u32 @!p0 $0x4000, s7;
	s6 =	simm.s32 @!p0 $0x1B8D  }
0xb1: {  	s5 =	sshll.u32 @!p0 s5, $0x11;
	s7 =	sadd.s32 @!p0 $0x11B8D, s7;
	_ =	swait.eq @!p0 [sflag:s6], $0x1  }
0xb2: {  	s5 =	sor.u32 @!p0 s5, s7;
	[sflag:s6] =	ssyncadd.s32 @!p0 $0xFFFFFFFF  }
0xb3: {  	s25 =	simm.s32 $0x1B8E;
	s24 =	sld [smem:$0x3FFE];
	[sflag:s5] =	ssyncadd.remote.s32 @!p0 $0x1  }
0xb4: {  	s26 =	simm.s32 $execute0_lowered;
	[smem:$0x3FD2] =	sst s25  }
0xb5: {  	s6 =	sshll.u32 s26, $0x1;
	_ =	strace $0x80000049;
	[dreg:$0x1] =	wrdreg $0xFFFFFFFF  }
0xb6: {  	s28 =	simm.s32 $_size_execute0_lowered;
	s4 =	sadd.s32 s4, s6;
	[dreg:$0x0] =	wrdreg $0x0  }
0xb7: {  	s6 =	sshll.u32 s28, $0x1;
	[dreg:$0x2] =	wrdreg s4  }
0xb8: {  	[dreg:$0x3] =	wrdreg s6  }
0xb9: {  	[dreg:$0x4] =	wrdreg $0xC0  }
0xba: {  	_ =	task [dreg:s22], $0x5FFFF  }
0xbb: {  	[dreg:$0x1] =	wrdreg $0xFFFFFFFF  }
0xbc: {  	[dreg:$0x0] =	wrdreg $0x60  }
0xbd: {  	[dreg:$0x2] =	wrdreg s24  }
0xbe: {  	[dreg:$0x3] =	wrdreg s18  }
0xbf: {  	[dreg:$0x4] =	wrdreg $0xA  }
0xc0: {  	_ =	task.clear_ibuf [dreg:s22], $0x5FFFF;
	_ =	strace $0x90000049  }
0xc1: {  	s29 =	simm.s32 $0xA;
	_ =	strace $0x8000004B  }
0xc2: {  	_ =	swait.ge [sflag:s29], $0x1  }
0xc3: {  	[sflag:s29] =	ssyncadd.s32 $0xFFFFFFFF  }
0xc4: {  	_ =	strace $0x9000004B  }
0xc5: {  	_ =	sfence  }
0xc6: {  	s30 =	sld [smem:$0x0];
	_ =	sdelay $0x2  }
0xc7: {  	s31 =	sshll.u32 s1, $0xD;
	s1 =	sshrl.u32 s1, $0x2  }
0xc8: {  	s4 =	sand.u32 $0x4000, s31;
	s1 =	sadd.s32 s1, s30  }
0xc9: {  	s0 =	sor.u32 s4, s0;
	s1 =	sshll.u32 s1, $0x11  }
0xca: {  	s0 =	sor.u32 s1, s0  }
0xcb: {  	s0 =	sadd.s32 $0x8F2B, s0  }
0xcc: {  	[sflag:s0] =	ssyncadd.remote.s32 $0x1  }
0xcd: {  	_ =	sfence.sel $0xFFFF  }
0xce: {  	[dreg:$0x0] =	wrdreg $0xFFFFFFFF;
	(pc) =	sbr.abs _section_cstart, $3  }
0xcf: {  	[dreg:$0x1] =	wrdreg $0xFFFFFFFF  }
0xd0: {  	_ =	task.clear_ibuf [dreg:s22], $0x2FFFF;
	_ =	strace $0x9FFFFFFF  }
0xd1: {  	(tm) =	ssettm $0x7FFFFFFF  }
tec
execute0_lowered:
.L_overlay_start_1:
0x0: {  	(tag) =	ssettag $0x1  }
0x1: {  	s0 =	srdreg.scid;
	s2 =	stileid.u32  }
0x2: {  	s1 =	sand.u32 $0x1, s0;
	s9 =	sshll.u32 s2, $0x1  }
0x3: {  	s2 =	sshrl.u32 s2, $0x2;
	s0 =	sor.u32 s1, s9  }
0x4: {  	s5 =	smul.u32 $0x6400, s2;
	s10 =	sshll.u32 s0, $0x7  }
0x5: {  	s4 =	rddreg [dreg:$0x0];
	s6 =	sand.u32 $0x380, s10  }
0x6: {  	s3 =	rddreg [dreg:$0x1];
	s2 =	simm.s32 $0x0;
	s5 =	sor.u32 s5, s6  }
0x7: {  	[smem:$0x7FF] =	sst s2;
	s11 =	smul.u32 $0x64000, s0;
	s5 =	sshrl.u32 s5, $0x3  }
0x8: {  	s0 =	smul.u32 $0xC800, s0;
	_ =	strace $0x8000004A;
	s5 =	sadd.s32 s5, s4  }
0x9: {  	s6 =	sshrl.u32 s11, $0x3;
	s4 =	sadd.s32 $0x194600, s4;
	s5 =	sadd.s32 $0x191400, s5  }
0xa: {  	s0 =	sadd.s32 s4, s0;
	s4 =	sadd.s32 s4, s6;
	[dreg:$0x3] =	wrdreg s5  }
0xb: {  	[dreg:$0x4] =	wrdreg s0;
	s12 =	sadd.s32 $0x800, s4  }
0xc: {  	s13 =	sadd.s32 $0x1000, s4;
	[dreg:$0x5] =	wrdreg s12  }
0xd: {  	s14 =	sadd.s32 $0x1800, s4;
	[dreg:$0x6] =	wrdreg s13  }
0xe: {  	s15 =	sadd.s32 $0x2000, s4;
	[dreg:$0x7] =	wrdreg s14  }
0xf: {  	s16 =	sadd.s32 $0x2800, s4;
	[dreg:$0x8] =	wrdreg s15  }
0x10: {  	s17 =	sadd.s32 $0x3000, s4;
	[dreg:$0x9] =	wrdreg s16  }
0x11: {  	s18 =	sadd.s32 $0x3800, s4;
	[dreg:$0xa] =	wrdreg s17  }
0x12: {  	s19 =	sadd.s32 $0x4000, s4;
	[dreg:$0xb] =	wrdreg s18  }
0x13: {  	s20 =	sadd.s32 $0x4800, s4;
	[dreg:$0xc] =	wrdreg s19  }
0x14: {  	s21 =	sadd.s32 $0x5000, s4;
	[dreg:$0xd] =	wrdreg s20  }
0x15: {  	s22 =	sadd.s32 $0x5800, s4;
	[dreg:$0xe] =	wrdreg s21  }
0x16: {  	s23 =	sadd.s32 $0x6000, s4;
	[dreg:$0xf] =	wrdreg s22  }
0x17: {  	s24 =	sadd.s32 $0x6800, s4;
	[dreg:$0x10] =	wrdreg s23  }
0x18: {  	s25 =	sadd.s32 $0x7000, s4;
	[dreg:$0x11] =	wrdreg s24  }
0x19: {  	s26 =	sadd.s32 $0x7800, s4;
	[dreg:$0x12] =	wrdreg s25  }
0x1a: {  	s5 =	sadd.s32 $0x8000, s4;
	[dreg:$0x13] =	wrdreg s26  }
0x1b: {  	s31 =	simm.s32 $0x200;
	s6 =	sadd.s32 $0x8800, s4;
	[dreg:$0x14] =	wrdreg s5  }
0x1c: {  	s30 =	simm.s32 $0x280;
	s7 =	sadd.s32 $0x9000, s4;
	[dreg:$0x15] =	wrdreg s6  }
0x1d: {  	s29 =	simm.s32 $0x300;
	s8 =	sadd.s32 $0x9800, s4;
	[dreg:$0x16] =	wrdreg s7  }
0x1e: {  	s28 =	simm.s32 $0x380;
	s9 =	sadd.s32 $0xA000, s4;
	[dreg:$0x17] =	wrdreg s8  }
0x1f: {  	p0 =	por $0x0, $0x0;
	s10 =	sadd.s32 $0xA800, s4;
	[dreg:$0x18] =	wrdreg s9  }
0x20: {  	s1 =	ssub.s32 $0x2, s1;
	s11 =	sadd.s32 $0xB000, s4;
	[dreg:$0x19] =	wrdreg s10  }
0x21: {  	[dreg:$0x1a] =	wrdreg s11;
	s12 =	sadd.s32 $0xB800, s4;
	s13 =	sshrl.u32 s1, $0x1  }
0x22: {  	s14 =	sadd.s32 $0xC000, s4;
	s7 =	simm.s32 $0x80;
	s25 =	simm.s32 $0x400  }
0x23: {  	s4 =	simm.s32 $0x3;
	s5 =	simm.s32 $0xC80;
	s24 =	simm.s32 $0x100  }
0x24: {  	s8 =	simm.s32 $0x4C80;
	s26 =	simm.s32 $0x180;
	s6 =	simm.s32 $0x1  }
0x25: {  	s9 =	simm.s32 $0x2;
	s23 =	simm.s32 $0x580;
	s22 =	simm.s32 $0x600  }
0x26: {  	s21 =	simm.s32 $0x680;
	s20 =	simm.s32 $0x700;
	s1 =	ssub.s32 s1, s13  }
0x27: {  	s19 =	simm.s32 $0x780;
	s0 =	rddreg [dreg:$0x3];
	s15 =	smax.u32 s1, $0x1  }
0x28: {  	s18 =	simm.s32 $0x800;
	[dreg:$0x1b] =	wrdreg s12;
	p1 =	sne.s32 s15, $0x1  }
.Ltmp0:
0x29: {  	s17 =	simm.s32 $0x880;
	[dreg:$0x1c] =	wrdreg s14;
	(pc) =	sbr.rel @!p1 .LBB2_3-.Ltmp0, $4  }
0x2a: {  	s16 =	simm.s32 $0x900;
	s11 =	simm.s32 $0xB80;
	[dreg:$0x1d] =	wrdreg s24  }
0x2b: {  	s10 =	simm.s32 $0xC00;
	[dreg:$0x1e] =	wrdreg s26;
	s26 =	simm.s32 $0x480  }
0x2c: {  	s24 =	simm.s32 $0x500;
	s14 =	simm.s32 $0xA00;
	s13 =	simm.s32 $0xA80  }
0x2d: {  	s12 =	simm.s32 $0xB00;
	s1 =	sadd.s32 $0xFFFFFFFF, s15;
	s15 =	simm.s32 $0x980  }
0x2e: {  	[tilespmem:s2], [sflag:$0x3] =	stream.strided.gather [hbm4b:s0+s7], $0xC80, s25, s7, $0x38;
	[tilespmem:$0x8C80] =	vst v63  }
0x2f: {  	_ =	swait.ge [sflag:s4], $0xC80  }
0x30: {  	[sflag:s4] =	ssyncset.done $0x0  }
0x31: {  	[sflag:s4] =	ssyncadd.s32 $0xFFFFF380  }
0x32: {  	[tilespmem:s5], [sflag:$0x1] =	stream.indirect.gather [hbm4b:s3+s7], $0x80, s2, s7, $0xb8;
	[tilespmem:$0x8C80] =	vst v63  }
0x33: {  	_ = 	snop  }
0x34: {  	[tilespmem:s8], [sflag:$0x2] =	stream.indirect.gather [hbm4b:s3+s7], $0x80, s7, s7, $0xb8;
	[tilespmem:$0x8C80] =	vst v63  }
0x35: {  	_ =	swait.ge [sflag:s6], $0x4000  }
0x36: {  	[sflag:s6] =	ssyncset.done $0x0  }
0x37: {  	s0 =	rddreg [dreg:$0x4];
	[sflag:s6] =	ssyncadd.s32 $0xFFFFC000  }
0x38: {  	[hbm4b:s0+s2] =	stream.linear.scatter [tilespmem:s5], [sflag:$0x3], $0x4000, $0x38;
	[tilespmem:$0x8C80] =	vst v63  }
0x39: {  	_ =	swait.ge [sflag:s4], $0x4000  }
0x3a: {  	[sflag:s4] =	ssyncset.done $0x0  }
0x3b: {  	s0 =	rddreg [dreg:$0x1d];
	[sflag:s4] =	ssyncadd.s32 $0xFFFFC000  }
0x3c: {  	[tilespmem:s5], [sflag:$0x1] =	stream.indirect.gather [hbm4b:s3+s7], $0x80, s0, s7, $0xb8;
	[tilespmem:$0x8C80] =	vst v63  }
0x3d: {  	_ =	swait.ge [sflag:s9], $0x4000  }
0x3e: {  	[sflag:s9] =	ssyncset.done $0x0  }
0x3f: {  	s0 =	rddreg [dreg:$0x5];
	[sflag:s9] =	ssyncadd.s32 $0xFFFFC000  }
0x40: {  	[hbm4b:s0+s2] =	stream.linear.scatter [tilespmem:s8], [sflag:$0x3], $0x4000, $0x38;
	[tilespmem:$0x8C80] =	vst v63  }
0x41: {  	_ =	swait.ge [sflag:s4], $0x4000  }
0x42: {  	[sflag:s4] =	ssyncset.done $0x0  }
0x43: {  	s0 =	rddreg [dreg:$0x1e];
	[sflag:s4] =	ssyncadd.s32 $0xFFFFC000  }
0x44: {  	[tilespmem:s8], [sflag:$0x2] =	stream.indirect.gather [hbm4b:s3+s7], $0x80, s0, s7, $0xb8;
	[tilespmem:$0x8C80] =	vst v63  }
0x45: {  	_ =	swait.ge [sflag:s6], $0x4000  }
0x46: {  	[sflag:s6] =	ssyncset.done $0x0  }
0x47: {  	s0 =	rddreg [dreg:$0x6];
	[sflag:s6] =	ssyncadd.s32 $0xFFFFC000  }
0x48: {  	[hbm4b:s0+s2] =	stream.linear.scatter [tilespmem:s5], [sflag:$0x3], $0x4000, $0x38;
	[tilespmem:$0x8C80] =	vst v63  }
0x49: {  	_ =	swait.ge [sflag:s4], $0x4000  }
0x4a: {  	[sflag:s4] =	ssyncset.done $0x0  }
0x4b: {  	[sflag:s4] =	ssyncadd.s32 $0xFFFFC000  }
0x4c: {  	[tilespmem:s5], [sflag:$0x1] =	stream.indirect.gather [hbm4b:s3+s7], $0x80, s31, s7, $0xb8;
	[tilespmem:$0x8C80] =	vst v63  }
0x4d: {  	_ =	swait.ge [sflag:s9], $0x4000  }
0x4e: {  	[sflag:s9] =	ssyncset.done $0x0  }
0x4f: {  	s0 =	rddreg [dreg:$0x7];
	[sflag:s9] =	ssyncadd.s32 $0xFFFFC000  }
0x50: {  	[hbm4b:s0+s2] =	stream.linear.scatter [tilespmem:s8], [sflag:$0x3], $0x4000, $0x38;
	[tilespmem:$0x8C80] =	vst v63  }
0x51: {  	_ =	swait.ge [sflag:s4], $0x4000  }
0x52: {  	[sflag:s4] =	ssyncset.done $0x0  }
0x53: {  	[sflag:s4] =	ssyncadd.s32 $0xFFFFC000  }
0x54: {  	[tilespmem:s8], [sflag:$0x2] =	stream.indirect.gather [hbm4b:s3+s7], $0x80, s30, s7, $0xb8;
	[tilespmem:$0x8C80] =	vst v63  }
0x55: {  	_ =	swait.ge [sflag:s6], $0x4000  }
0x56: {  	[sflag:s6] =	ssyncset.done $0x0  }
0x57: {  	s0 =	rddreg [dreg:$0x8];
	[sflag:s6] =	ssyncadd.s32 $0xFFFFC000  }
0x58: {  	[hbm4b:s0+s2] =	stream.linear.scatter [tilespmem:s5], [sflag:$0x3], $0x4000, $0x38;
	[tilespmem:$0x8C80] =	vst v63  }
0x59: {  	_ =	swait.ge [sflag:s4], $0x4000  }
0x5a: {  	[sflag:s4] =	ssyncset.done $0x0  }
0x5b: {  	[sflag:s4] =	ssyncadd.s32 $0xFFFFC000  }
0x5c: {  	[tilespmem:s5], [sflag:$0x1] =	stream.indirect.gather [hbm4b:s3+s7], $0x80, s29, s7, $0xb8;
	[tilespmem:$0x8C80] =	vst v63  }
0x5d: {  	_ =	swait.ge [sflag:s9], $0x4000  }
0x5e: {  	[sflag:s9] =	ssyncset.done $0x0  }
0x5f: {  	s0 =	rddreg [dreg:$0x9];
	[sflag:s9] =	ssyncadd.s32 $0xFFFFC000  }
0x60: {  	[hbm4b:s0+s2] =	stream.linear.scatter [tilespmem:s8], [sflag:$0x3], $0x4000, $0x38;
	[tilespmem:$0x8C80] =	vst v63  }
0x61: {  	_ =	swait.ge [sflag:s4], $0x4000  }
0x62: {  	[sflag:s4] =	ssyncset.done $0x0  }
0x63: {  	[sflag:s4] =	ssyncadd.s32 $0xFFFFC000  }
0x64: {  	[tilespmem:s8], [sflag:$0x2] =	stream.indirect.gather [hbm4b:s3+s7], $0x80, s28, s7, $0xb8;
	[tilespmem:$0x8C80] =	vst v63  }
0x65: {  	_ =	swait.ge [sflag:s6], $0x4000  }
0x66: {  	[sflag:s6] =	ssyncset.done $0x0  }
0x67: {  	s0 =	rddreg [dreg:$0xa];
	[sflag:s6] =	ssyncadd.s32 $0xFFFFC000  }
0x68: {  	[hbm4b:s0+s2] =	stream.linear.scatter [tilespmem:s5], [sflag:$0x3], $0x4000, $0x38;
	[tilespmem:$0x8C80] =	vst v63  }
0x69: {  	_ =	swait.ge [sflag:s4], $0x4000  }
0x6a: {  	[sflag:s4] =	ssyncset.done $0x0  }
0x6b: {  	[sflag:s4] =	ssyncadd.s32 $0xFFFFC000  }
0x6c: {  	[tilespmem:s5], [sflag:$0x1] =	stream.indirect.gather [hbm4b:s3+s7], $0x80, s25, s7, $0xb8;
	[tilespmem:$0x8C80] =	vst v63  }
0x6d: {  	_ =	swait.ge [sflag:s9], $0x4000  }
0x6e: {  	[sflag:s9] =	ssyncset.done $0x0  }
0x6f: {  	s0 =	rddreg [dreg:$0xb];
	[sflag:s9] =	ssyncadd.s32 $0xFFFFC000  }
0x70: {  	[hbm4b:s0+s2] =	stream.linear.scatter [tilespmem:s8], [sflag:$0x3], $0x4000, $0x38;
	[tilespmem:$0x8C80] =	vst v63  }
0x71: {  	_ =	swait.ge [sflag:s4], $0x4000  }
0x72: {  	[sflag:s4] =	ssyncset.done $0x0  }
0x73: {  	[sflag:s4] =	ssyncadd.s32 $0xFFFFC000  }
0x74: {  	[tilespmem:s8], [sflag:$0x2] =	stream.indirect.gather [hbm4b:s3+s7], $0x80, s26, s7, $0xb8;
	[tilespmem:$0x8C80] =	vst v63  }
0x75: {  	_ =	swait.ge [sflag:s6], $0x4000  }
0x76: {  	[sflag:s6] =	ssyncset.done $0x0  }
0x77: {  	s0 =	rddreg [dreg:$0xc];
	[sflag:s6] =	ssyncadd.s32 $0xFFFFC000  }
0x78: {  	[hbm4b:s0+s2] =	stream.linear.scatter [tilespmem:s5], [sflag:$0x3], $0x4000, $0x38;
	[tilespmem:$0x8C80] =	vst v63  }
0x79: {  	_ =	swait.ge [sflag:s4], $0x4000  }
0x7a: {  	[sflag:s4] =	ssyncset.done $0x0  }
0x7b: {  	[sflag:s4] =	ssyncadd.s32 $0xFFFFC000  }
0x7c: {  	[tilespmem:s5], [sflag:$0x1] =	stream.indirect.gather [hbm4b:s3+s7], $0x80, s24, s7, $0xb8;
	[tilespmem:$0x8C80] =	vst v63  }
0x7d: {  	_ =	swait.ge [sflag:s9], $0x4000  }
0x7e: {  	[sflag:s9] =	ssyncset.done $0x0  }
0x7f: {  	s0 =	rddreg [dreg:$0xd];
	[sflag:s9] =	ssyncadd.s32 $0xFFFFC000  }
0x80: {  	[hbm4b:s0+s2] =	stream.linear.scatter [tilespmem:s8], [sflag:$0x3], $0x4000, $0x38;
	[tilespmem:$0x8C80] =	vst v63  }
0x81: {  	_ =	swait.ge [sflag:s4], $0x4000  }
0x82: {  	[sflag:s4] =	ssyncset.done $0x0  }
0x83: {  	[sflag:s4] =	ssyncadd.s32 $0xFFFFC000  }
0x84: {  	[tilespmem:s8], [sflag:$0x2] =	stream.indirect.gather [hbm4b:s3+s7], $0x80, s23, s7, $0xb8;
	[tilespmem:$0x8C80] =	vst v63  }
0x85: {  	_ =	swait.ge [sflag:s6], $0x4000  }
0x86: {  	[sflag:s6] =	ssyncset.done $0x0  }
0x87: {  	s0 =	rddreg [dreg:$0xe];
	[sflag:s6] =	ssyncadd.s32 $0xFFFFC000  }
0x88: {  	[hbm4b:s0+s2] =	stream.linear.scatter [tilespmem:s5], [sflag:$0x3], $0x4000, $0x38;
	[tilespmem:$0x8C80] =	vst v63  }
0x89: {  	_ =	swait.ge [sflag:s4], $0x4000  }
0x8a: {  	[sflag:s4] =	ssyncset.done $0x0  }
0x8b: {  	[sflag:s4] =	ssyncadd.s32 $0xFFFFC000  }
0x8c: {  	[tilespmem:s5], [sflag:$0x1] =	stream.indirect.gather [hbm4b:s3+s7], $0x80, s22, s7, $0xb8;
	[tilespmem:$0x8C80] =	vst v63  }
0x8d: {  	_ =	swait.ge [sflag:s9], $0x4000  }
0x8e: {  	[sflag:s9] =	ssyncset.done $0x0  }
0x8f: {  	s0 =	rddreg [dreg:$0xf];
	[sflag:s9] =	ssyncadd.s32 $0xFFFFC000  }
0x90: {  	[hbm4b:s0+s2] =	stream.linear.scatter [tilespmem:s8], [sflag:$0x3], $0x4000, $0x38;
	[tilespmem:$0x8C80] =	vst v63  }
0x91: {  	_ =	swait.ge [sflag:s4], $0x4000  }
0x92: {  	[sflag:s4] =	ssyncset.done $0x0  }
0x93: {  	[sflag:s4] =	ssyncadd.s32 $0xFFFFC000  }
0x94: {  	[tilespmem:s8], [sflag:$0x2] =	stream.indirect.gather [hbm4b:s3+s7], $0x80, s21, s7, $0xb8;
	[tilespmem:$0x8C80] =	vst v63  }
0x95: {  	_ =	swait.ge [sflag:s6], $0x4000  }
0x96: {  	[sflag:s6] =	ssyncset.done $0x0  }
0x97: {  	s0 =	rddreg [dreg:$0x10];
	[sflag:s6] =	ssyncadd.s32 $0xFFFFC000  }
0x98: {  	[hbm4b:s0+s2] =	stream.linear.scatter [tilespmem:s5], [sflag:$0x3], $0x4000, $0x38;
	[tilespmem:$0x8C80] =	vst v63  }
0x99: {  	_ =	swait.ge [sflag:s4], $0x4000  }
0x9a: {  	[sflag:s4] =	ssyncset.done $0x0  }
0x9b: {  	[sflag:s4] =	ssyncadd.s32 $0xFFFFC000  }
0x9c: {  	[tilespmem:s5], [sflag:$0x1] =	stream.indirect.gather [hbm4b:s3+s7], $0x80, s20, s7, $0xb8;
	[tilespmem:$0x8C80] =	vst v63  }
0x9d: {  	_ =	swait.ge [sflag:s9], $0x4000  }
0x9e: {  	[sflag:s9] =	ssyncset.done $0x0  }
0x9f: {  	s0 =	rddreg [dreg:$0x11];
	[sflag:s9] =	ssyncadd.s32 $0xFFFFC000  }
0xa0: {  	[hbm4b:s0+s2] =	stream.linear.scatter [tilespmem:s8], [sflag:$0x3], $0x4000, $0x38;
	[tilespmem:$0x8C80] =	vst v63  }
0xa1: {  	_ =	swait.ge [sflag:s4], $0x4000  }
0xa2: {  	[sflag:s4] =	ssyncset.done $0x0  }
0xa3: {  	[sflag:s4] =	ssyncadd.s32 $0xFFFFC000  }
0xa4: {  	[tilespmem:s8], [sflag:$0x2] =	stream.indirect.gather [hbm4b:s3+s7], $0x80, s19, s7, $0xb8;
	[tilespmem:$0x8C80] =	vst v63  }
0xa5: {  	_ =	swait.ge [sflag:s6], $0x4000  }
0xa6: {  	[sflag:s6] =	ssyncset.done $0x0  }
0xa7: {  	s0 =	rddreg [dreg:$0x12];
	[sflag:s6] =	ssyncadd.s32 $0xFFFFC000  }
0xa8: {  	[hbm4b:s0+s2] =	stream.linear.scatter [tilespmem:s5], [sflag:$0x3], $0x4000, $0x38;
	[tilespmem:$0x8C80] =	vst v63  }
0xa9: {  	_ =	swait.ge [sflag:s4], $0x4000  }
0xaa: {  	[sflag:s4] =	ssyncset.done $0x0  }
0xab: {  	[sflag:s4] =	ssyncadd.s32 $0xFFFFC000  }
0xac: {  	[tilespmem:s5], [sflag:$0x1] =	stream.indirect.gather [hbm4b:s3+s7], $0x80, s18, s7, $0xb8;
	[tilespmem:$0x8C80] =	vst v63  }
0xad: {  	_ =	swait.ge [sflag:s9], $0x4000  }
0xae: {  	[sflag:s9] =	ssyncset.done $0x0  }
0xaf: {  	s0 =	rddreg [dreg:$0x13];
	[sflag:s9] =	ssyncadd.s32 $0xFFFFC000  }
0xb0: {  	[hbm4b:s0+s2] =	stream.linear.scatter [tilespmem:s8], [sflag:$0x3], $0x4000, $0x38;
	[tilespmem:$0x8C80] =	vst v63  }
0xb1: {  	_ =	swait.ge [sflag:s4], $0x4000  }
0xb2: {  	[sflag:s4] =	ssyncset.done $0x0  }
0xb3: {  	[sflag:s4] =	ssyncadd.s32 $0xFFFFC000  }
0xb4: {  	[tilespmem:s8], [sflag:$0x2] =	stream.indirect.gather [hbm4b:s3+s7], $0x80, s17, s7, $0xb8;
	[tilespmem:$0x8C80] =	vst v63  }
0xb5: {  	_ =	swait.ge [sflag:s6], $0x4000  }
0xb6: {  	[sflag:s6] =	ssyncset.done $0x0  }
0xb7: {  	s0 =	rddreg [dreg:$0x14];
	[sflag:s6] =	ssyncadd.s32 $0xFFFFC000  }
0xb8: {  	[hbm4b:s0+s2] =	stream.linear.scatter [tilespmem:s5], [sflag:$0x3], $0x4000, $0x38;
	[tilespmem:$0x8C80] =	vst v63  }
0xb9: {  	_ =	swait.ge [sflag:s4], $0x4000  }
0xba: {  	[sflag:s4] =	ssyncset.done $0x0  }
0xbb: {  	[sflag:s4] =	ssyncadd.s32 $0xFFFFC000  }
0xbc: {  	[tilespmem:s5], [sflag:$0x1] =	stream.indirect.gather [hbm4b:s3+s7], $0x80, s16, s7, $0xb8;
	[tilespmem:$0x8C80] =	vst v63  }
0xbd: {  	_ =	swait.ge [sflag:s9], $0x4000  }
0xbe: {  	[sflag:s9] =	ssyncset.done $0x0  }
0xbf: {  	s0 =	rddreg [dreg:$0x15];
	[sflag:s9] =	ssyncadd.s32 $0xFFFFC000  }
0xc0: {  	[hbm4b:s0+s2] =	stream.linear.scatter [tilespmem:s8], [sflag:$0x3], $0x4000, $0x38;
	[tilespmem:$0x8C80] =	vst v63  }
0xc1: {  	_ =	swait.ge [sflag:s4], $0x4000  }
0xc2: {  	[sflag:s4] =	ssyncset.done $0x0  }
0xc3: {  	[sflag:s4] =	ssyncadd.s32 $0xFFFFC000  }
0xc4: {  	[tilespmem:s8], [sflag:$0x2] =	stream.indirect.gather [hbm4b:s3+s7], $0x80, s15, s7, $0xb8;
	[tilespmem:$0x8C80] =	vst v63  }
0xc5: {  	_ =	swait.ge [sflag:s6], $0x4000  }
0xc6: {  	[sflag:s6] =	ssyncset.done $0x0  }
0xc7: {  	s0 =	rddreg [dreg:$0x16];
	[sflag:s6] =	ssyncadd.s32 $0xFFFFC000  }
0xc8: {  	[hbm4b:s0+s2] =	stream.linear.scatter [tilespmem:s5], [sflag:$0x3], $0x4000, $0x38;
	[tilespmem:$0x8C80] =	vst v63  }
0xc9: {  	_ =	swait.ge [sflag:s4], $0x4000  }
0xca: {  	[sflag:s4] =	ssyncset.done $0x0  }
0xcb: {  	[sflag:s4] =	ssyncadd.s32 $0xFFFFC000  }
0xcc: {  	[tilespmem:s5], [sflag:$0x1] =	stream.indirect.gather [hbm4b:s3+s7], $0x80, s14, s7, $0xb8;
	[tilespmem:$0x8C80] =	vst v63  }
0xcd: {  	_ =	swait.ge [sflag:s9], $0x4000  }
0xce: {  	[sflag:s9] =	ssyncset.done $0x0  }
0xcf: {  	s0 =	rddreg [dreg:$0x17];
	[sflag:s9] =	ssyncadd.s32 $0xFFFFC000  }
0xd0: {  	[hbm4b:s0+s2] =	stream.linear.scatter [tilespmem:s8], [sflag:$0x3], $0x4000, $0x38;
	[tilespmem:$0x8C80] =	vst v63  }
0xd1: {  	_ =	swait.ge [sflag:s4], $0x4000  }
0xd2: {  	[sflag:s4] =	ssyncset.done $0x0  }
0xd3: {  	[sflag:s4] =	ssyncadd.s32 $0xFFFFC000  }
0xd4: {  	[tilespmem:s8], [sflag:$0x2] =	stream.indirect.gather [hbm4b:s3+s7], $0x80, s13, s7, $0xb8;
	[tilespmem:$0x8C80] =	vst v63  }
0xd5: {  	_ =	swait.ge [sflag:s6], $0x4000  }
0xd6: {  	[sflag:s6] =	ssyncset.done $0x0  }
0xd7: {  	s0 =	rddreg [dreg:$0x18];
	[sflag:s6] =	ssyncadd.s32 $0xFFFFC000  }
0xd8: {  	[hbm4b:s0+s2] =	stream.linear.scatter [tilespmem:s5], [sflag:$0x3], $0x4000, $0x38;
	[tilespmem:$0x8C80] =	vst v63  }
0xd9: {  	_ =	swait.ge [sflag:s4], $0x4000  }
0xda: {  	[sflag:s4] =	ssyncset.done $0x0  }
0xdb: {  	[sflag:s4] =	ssyncadd.s32 $0xFFFFC000  }
0xdc: {  	[tilespmem:s5], [sflag:$0x1] =	stream.indirect.gather [hbm4b:s3+s7], $0x80, s12, s7, $0xb8;
	[tilespmem:$0x8C80] =	vst v63  }
0xdd: {  	_ =	swait.ge [sflag:s9], $0x4000  }
0xde: {  	[sflag:s9] =	ssyncset.done $0x0  }
0xdf: {  	s0 =	rddreg [dreg:$0x19];
	[sflag:s9] =	ssyncadd.s32 $0xFFFFC000  }
0xe0: {  	[hbm4b:s0+s2] =	stream.linear.scatter [tilespmem:s8], [sflag:$0x3], $0x4000, $0x38;
	[tilespmem:$0x8C80] =	vst v63  }
0xe1: {  	_ =	swait.ge [sflag:s4], $0x4000  }
0xe2: {  	[sflag:s4] =	ssyncset.done $0x0  }
0xe3: {  	[sflag:s4] =	ssyncadd.s32 $0xFFFFC000  }
0xe4: {  	[tilespmem:s8], [sflag:$0x2] =	stream.indirect.gather [hbm4b:s3+s7], $0x80, s11, s7, $0xb8;
	[tilespmem:$0x8C80] =	vst v63  }
0xe5: {  	_ =	swait.ge [sflag:s6], $0x4000  }
0xe6: {  	[sflag:s6] =	ssyncset.done $0x0  }
0xe7: {  	s0 =	rddreg [dreg:$0x1a];
	[sflag:s6] =	ssyncadd.s32 $0xFFFFC000  }
0xe8: {  	[hbm4b:s0+s2] =	stream.linear.scatter [tilespmem:s5], [sflag:$0x3], $0x4000, $0x38;
	[tilespmem:$0x8C80] =	vst v63  }
0xe9: {  	_ =	swait.ge [sflag:s4], $0x4000  }
0xea: {  	[sflag:s4] =	ssyncset.done $0x0  }
0xeb: {  	[sflag:s4] =	ssyncadd.s32 $0xFFFFC000  }
0xec: {  	[tilespmem:s5], [sflag:$0x1] =	stream.indirect.gather [hbm4b:s3+s7], $0x80, s10, s7, $0xb8;
	[tilespmem:$0x8C80] =	vst v63  }
0xed: {  	_ =	swait.ge [sflag:s9], $0x4000  }
0xee: {  	[sflag:s9] =	ssyncset.done $0x0  }
0xef: {  	s0 =	rddreg [dreg:$0x1b];
	[sflag:s9] =	ssyncadd.s32 $0xFFFFC000  }
0xf0: {  	[hbm4b:s0+s2] =	stream.linear.scatter [tilespmem:s8], [sflag:$0x3], $0x4000, $0x38;
	[tilespmem:$0x8C80] =	vst v63  }
0xf1: {  	_ =	swait.ge [sflag:s4], $0x4000  }
0xf2: {  	[sflag:s4] =	ssyncset.done $0x0  }
0xf3: {  	[sflag:s4] =	ssyncadd.s32 $0xFFFFC000  }
0xf4: {  	p1 =	sne.s32 s1, $0x1;
	_ =	swait.ge [sflag:s6], $0x4000  }
.Ltmp1:
0xf5: {  	[sflag:s6] =	ssyncset.done $0x0;
	(pc) =	sbr.rel @!p1 .LBB2_3-.Ltmp1, $4  }
0xf6: {  	s0 =	rddreg [dreg:$0x1c];
	[sflag:s6] =	ssyncadd.s32 $0xFFFFC000  }
0xf7: {  	[hbm4b:s0+s2] =	stream.linear.scatter [tilespmem:s5], [sflag:$0x3], $0x4000, $0x38;
	[tilespmem:$0x8C80] =	vst v63  }
0xf8: {  	s1 =	sadd.s32 $0xFFFFFFFF, s1;
	_ =	swait.ge [sflag:s4], $0x4000  }
0xf9: {  	p0 =	por $0x1, $0x1;
	s0 =	rddreg [dreg:$0x3];
	[sflag:s4] =	ssyncset.done $0x0  }
.LBB2_2:
0xfa: {  	[sflag:s4] =	ssyncadd.s32 $0xFFFFC000  }
0xfb: {  	[tilespmem:s2], [sflag:$0x3] =	stream.strided.gather [hbm4b:s0+s7], $0xC80, s25, s7, $0x38;
	[tilespmem:$0x8C80] =	vst v63  }
0xfc: {  	_ =	swait.ge [sflag:s4], $0xC80  }
0xfd: {  	[sflag:s4] =	ssyncset.done $0x0  }
0xfe: {  	[sflag:s4] =	ssyncadd.s32 $0xFFFFF380  }
0xff: {  	[tilespmem:s5], [sflag:$0x1] =	stream.indirect.gather [hbm4b:s3+s7], $0x80, s2, s7, $0xb8;
	[tilespmem:$0x8C80] =	vst v63  }
0x100: {  	_ = 	snop  }
0x101: {  	[tilespmem:s8], [sflag:$0x2] =	stream.indirect.gather [hbm4b:s3+s7], $0x80, s7, s7, $0xb8;
	[tilespmem:$0x8C80] =	vst v63  }
0x102: {  	_ =	swait.ge [sflag:s6], $0x4000  }
0x103: {  	[sflag:s6] =	ssyncset.done $0x0  }
0x104: {  	s0 =	rddreg [dreg:$0x4];
	[sflag:s6] =	ssyncadd.s32 $0xFFFFC000  }
0x105: {  	[hbm4b:s0+s2] =	stream.linear.scatter [tilespmem:s5], [sflag:$0x3], $0x4000, $0x38;
	[tilespmem:$0x8C80] =	vst v63  }
0x106: {  	_ =	swait.ge [sflag:s4], $0x4000  }
0x107: {  	[sflag:s4] =	ssyncset.done $0x0  }
0x108: {  	s0 =	rddreg [dreg:$0x1d];
	[sflag:s4] =	ssyncadd.s32 $0xFFFFC000  }
0x109: {  	[tilespmem:s5], [sflag:$0x1] =	stream.indirect.gather [hbm4b:s3+s7], $0x80, s0, s7, $0xb8;
	[tilespmem:$0x8C80] =	vst v63  }
0x10a: {  	_ =	swait.ge [sflag:s9], $0x4000  }
0x10b: {  	[sflag:s9] =	ssyncset.done $0x0  }
0x10c: {  	s0 =	rddreg [dreg:$0x5];
	[sflag:s9] =	ssyncadd.s32 $0xFFFFC000  }
0x10d: {  	[hbm4b:s0+s2] =	stream.linear.scatter [tilespmem:s8], [sflag:$0x3], $0x4000, $0x38;
	[tilespmem:$0x8C80] =	vst v63  }
0x10e: {  	_ =	swait.ge [sflag:s4], $0x4000  }
0x10f: {  	[sflag:s4] =	ssyncset.done $0x0  }
0x110: {  	s0 =	rddreg [dreg:$0x1e];
	[sflag:s4] =	ssyncadd.s32 $0xFFFFC000  }
0x111: {  	[tilespmem:s8], [sflag:$0x2] =	stream.indirect.gather [hbm4b:s3+s7], $0x80, s0, s7, $0xb8;
	[tilespmem:$0x8C80] =	vst v63  }
0x112: {  	_ =	swait.ge [sflag:s6], $0x4000  }
0x113: {  	[sflag:s6] =	ssyncset.done $0x0  }
0x114: {  	s0 =	rddreg [dreg:$0x6];
	[sflag:s6] =	ssyncadd.s32 $0xFFFFC000  }
0x115: {  	[hbm4b:s0+s2] =	stream.linear.scatter [tilespmem:s5], [sflag:$0x3], $0x4000, $0x38;
	[tilespmem:$0x8C80] =	vst v63  }
0x116: {  	_ =	swait.ge [sflag:s4], $0x4000  }
0x117: {  	[sflag:s4] =	ssyncset.done $0x0  }
0x118: {  	[sflag:s4] =	ssyncadd.s32 $0xFFFFC000  }
0x119: {  	[tilespmem:s5], [sflag:$0x1] =	stream.indirect.gather [hbm4b:s3+s7], $0x80, s31, s7, $0xb8;
	[tilespmem:$0x8C80] =	vst v63  }
0x11a: {  	_ =	swait.ge [sflag:s9], $0x4000  }
0x11b: {  	[sflag:s9] =	ssyncset.done $0x0  }
0x11c: {  	s0 =	rddreg [dreg:$0x7];
	[sflag:s9] =	ssyncadd.s32 $0xFFFFC000  }
0x11d: {  	[hbm4b:s0+s2] =	stream.linear.scatter [tilespmem:s8], [sflag:$0x3], $0x4000, $0x38;
	[tilespmem:$0x8C80] =	vst v63  }
0x11e: {  	_ =	swait.ge [sflag:s4], $0x4000  }
0x11f: {  	[sflag:s4] =	ssyncset.done $0x0  }
0x120: {  	[sflag:s4] =	ssyncadd.s32 $0xFFFFC000  }
0x121: {  	[tilespmem:s8], [sflag:$0x2] =	stream.indirect.gather [hbm4b:s3+s7], $0x80, s30, s7, $0xb8;
	[tilespmem:$0x8C80] =	vst v63  }
0x122: {  	_ =	swait.ge [sflag:s6], $0x4000  }
0x123: {  	[sflag:s6] =	ssyncset.done $0x0  }
0x124: {  	s0 =	rddreg [dreg:$0x8];
	[sflag:s6] =	ssyncadd.s32 $0xFFFFC000  }
0x125: {  	[hbm4b:s0+s2] =	stream.linear.scatter [tilespmem:s5], [sflag:$0x3], $0x4000, $0x38;
	[tilespmem:$0x8C80] =	vst v63  }
0x126: {  	_ =	swait.ge [sflag:s4], $0x4000  }
0x127: {  	[sflag:s4] =	ssyncset.done $0x0  }
0x128: {  	[sflag:s4] =	ssyncadd.s32 $0xFFFFC000  }
0x129: {  	[tilespmem:s5], [sflag:$0x1] =	stream.indirect.gather [hbm4b:s3+s7], $0x80, s29, s7, $0xb8;
	[tilespmem:$0x8C80] =	vst v63  }
0x12a: {  	_ =	swait.ge [sflag:s9], $0x4000  }
0x12b: {  	[sflag:s9] =	ssyncset.done $0x0  }
0x12c: {  	s0 =	rddreg [dreg:$0x9];
	[sflag:s9] =	ssyncadd.s32 $0xFFFFC000  }
0x12d: {  	[hbm4b:s0+s2] =	stream.linear.scatter [tilespmem:s8], [sflag:$0x3], $0x4000, $0x38;
	[tilespmem:$0x8C80] =	vst v63  }
0x12e: {  	_ =	swait.ge [sflag:s4], $0x4000  }
0x12f: {  	[sflag:s4] =	ssyncset.done $0x0  }
0x130: {  	[sflag:s4] =	ssyncadd.s32 $0xFFFFC000  }
0x131: {  	[tilespmem:s8], [sflag:$0x2] =	stream.indirect.gather [hbm4b:s3+s7], $0x80, s28, s7, $0xb8;
	[tilespmem:$0x8C80] =	vst v63  }
0x132: {  	_ =	swait.ge [sflag:s6], $0x4000  }
0x133: {  	[sflag:s6] =	ssyncset.done $0x0  }
0x134: {  	s0 =	rddreg [dreg:$0xa];
	[sflag:s6] =	ssyncadd.s32 $0xFFFFC000  }
0x135: {  	[hbm4b:s0+s2] =	stream.linear.scatter [tilespmem:s5], [sflag:$0x3], $0x4000, $0x38;
	[tilespmem:$0x8C80] =	vst v63  }
0x136: {  	_ =	swait.ge [sflag:s4], $0x4000  }
0x137: {  	[sflag:s4] =	ssyncset.done $0x0  }
0x138: {  	[sflag:s4] =	ssyncadd.s32 $0xFFFFC000  }
0x139: {  	[tilespmem:s5], [sflag:$0x1] =	stream.indirect.gather [hbm4b:s3+s7], $0x80, s25, s7, $0xb8;
	[tilespmem:$0x8C80] =	vst v63  }
0x13a: {  	_ =	swait.ge [sflag:s9], $0x4000  }
0x13b: {  	[sflag:s9] =	ssyncset.done $0x0  }
0x13c: {  	s0 =	rddreg [dreg:$0xb];
	[sflag:s9] =	ssyncadd.s32 $0xFFFFC000  }
0x13d: {  	[hbm4b:s0+s2] =	stream.linear.scatter [tilespmem:s8], [sflag:$0x3], $0x4000, $0x38;
	[tilespmem:$0x8C80] =	vst v63  }
0x13e: {  	_ =	swait.ge [sflag:s4], $0x4000  }
0x13f: {  	[sflag:s4] =	ssyncset.done $0x0  }
0x140: {  	[sflag:s4] =	ssyncadd.s32 $0xFFFFC000  }
0x141: {  	[tilespmem:s8], [sflag:$0x2] =	stream.indirect.gather [hbm4b:s3+s7], $0x80, s26, s7, $0xb8;
	[tilespmem:$0x8C80] =	vst v63  }
0x142: {  	_ =	swait.ge [sflag:s6], $0x4000  }
0x143: {  	[sflag:s6] =	ssyncset.done $0x0  }
0x144: {  	s0 =	rddreg [dreg:$0xc];
	[sflag:s6] =	ssyncadd.s32 $0xFFFFC000  }
0x145: {  	[hbm4b:s0+s2] =	stream.linear.scatter [tilespmem:s5], [sflag:$0x3], $0x4000, $0x38;
	[tilespmem:$0x8C80] =	vst v63  }
0x146: {  	_ =	swait.ge [sflag:s4], $0x4000  }
0x147: {  	[sflag:s4] =	ssyncset.done $0x0  }
0x148: {  	[sflag:s4] =	ssyncadd.s32 $0xFFFFC000  }
0x149: {  	[tilespmem:s5], [sflag:$0x1] =	stream.indirect.gather [hbm4b:s3+s7], $0x80, s24, s7, $0xb8;
	[tilespmem:$0x8C80] =	vst v63  }
0x14a: {  	_ =	swait.ge [sflag:s9], $0x4000  }
0x14b: {  	[sflag:s9] =	ssyncset.done $0x0  }
0x14c: {  	s0 =	rddreg [dreg:$0xd];
	[sflag:s9] =	ssyncadd.s32 $0xFFFFC000  }
0x14d: {  	[hbm4b:s0+s2] =	stream.linear.scatter [tilespmem:s8], [sflag:$0x3], $0x4000, $0x38;
	[tilespmem:$0x8C80] =	vst v63  }
0x14e: {  	_ =	swait.ge [sflag:s4], $0x4000  }
0x14f: {  	[sflag:s4] =	ssyncset.done $0x0  }
0x150: {  	[sflag:s4] =	ssyncadd.s32 $0xFFFFC000  }
0x151: {  	[tilespmem:s8], [sflag:$0x2] =	stream.indirect.gather [hbm4b:s3+s7], $0x80, s23, s7, $0xb8;
	[tilespmem:$0x8C80] =	vst v63  }
0x152: {  	_ =	swait.ge [sflag:s6], $0x4000  }
0x153: {  	[sflag:s6] =	ssyncset.done $0x0  }
0x154: {  	s0 =	rddreg [dreg:$0xe];
	[sflag:s6] =	ssyncadd.s32 $0xFFFFC000  }
0x155: {  	[hbm4b:s0+s2] =	stream.linear.scatter [tilespmem:s5], [sflag:$0x3], $0x4000, $0x38;
	[tilespmem:$0x8C80] =	vst v63  }
0x156: {  	_ =	swait.ge [sflag:s4], $0x4000  }
0x157: {  	[sflag:s4] =	ssyncset.done $0x0  }
0x158: {  	[sflag:s4] =	ssyncadd.s32 $0xFFFFC000  }
0x159: {  	[tilespmem:s5], [sflag:$0x1] =	stream.indirect.gather [hbm4b:s3+s7], $0x80, s22, s7, $0xb8;
	[tilespmem:$0x8C80] =	vst v63  }
0x15a: {  	_ =	swait.ge [sflag:s9], $0x4000  }
0x15b: {  	[sflag:s9] =	ssyncset.done $0x0  }
0x15c: {  	s0 =	rddreg [dreg:$0xf];
	[sflag:s9] =	ssyncadd.s32 $0xFFFFC000  }
0x15d: {  	[hbm4b:s0+s2] =	stream.linear.scatter [tilespmem:s8], [sflag:$0x3], $0x4000, $0x38;
	[tilespmem:$0x8C80] =	vst v63  }
0x15e: {  	_ =	swait.ge [sflag:s4], $0x4000  }
0x15f: {  	[sflag:s4] =	ssyncset.done $0x0  }
0x160: {  	[sflag:s4] =	ssyncadd.s32 $0xFFFFC000  }
0x161: {  	[tilespmem:s8], [sflag:$0x2] =	stream.indirect.gather [hbm4b:s3+s7], $0x80, s21, s7, $0xb8;
	[tilespmem:$0x8C80] =	vst v63  }
0x162: {  	_ =	swait.ge [sflag:s6], $0x4000  }
0x163: {  	[sflag:s6] =	ssyncset.done $0x0  }
0x164: {  	s0 =	rddreg [dreg:$0x10];
	[sflag:s6] =	ssyncadd.s32 $0xFFFFC000  }
0x165: {  	[hbm4b:s0+s2] =	stream.linear.scatter [tilespmem:s5], [sflag:$0x3], $0x4000, $0x38;
	[tilespmem:$0x8C80] =	vst v63  }
0x166: {  	_ =	swait.ge [sflag:s4], $0x4000  }
0x167: {  	[sflag:s4] =	ssyncset.done $0x0  }
0x168: {  	[sflag:s4] =	ssyncadd.s32 $0xFFFFC000  }
0x169: {  	[tilespmem:s5], [sflag:$0x1] =	stream.indirect.gather [hbm4b:s3+s7], $0x80, s20, s7, $0xb8;
	[tilespmem:$0x8C80] =	vst v63  }
0x16a: {  	_ =	swait.ge [sflag:s9], $0x4000  }
0x16b: {  	[sflag:s9] =	ssyncset.done $0x0  }
0x16c: {  	s0 =	rddreg [dreg:$0x11];
	[sflag:s9] =	ssyncadd.s32 $0xFFFFC000  }
0x16d: {  	[hbm4b:s0+s2] =	stream.linear.scatter [tilespmem:s8], [sflag:$0x3], $0x4000, $0x38;
	[tilespmem:$0x8C80] =	vst v63  }
0x16e: {  	_ =	swait.ge [sflag:s4], $0x4000  }
0x16f: {  	[sflag:s4] =	ssyncset.done $0x0  }
0x170: {  	[sflag:s4] =	ssyncadd.s32 $0xFFFFC000  }
0x171: {  	[tilespmem:s8], [sflag:$0x2] =	stream.indirect.gather [hbm4b:s3+s7], $0x80, s19, s7, $0xb8;
	[tilespmem:$0x8C80] =	vst v63  }
0x172: {  	_ =	swait.ge [sflag:s6], $0x4000  }
0x173: {  	[sflag:s6] =	ssyncset.done $0x0  }
0x174: {  	s0 =	rddreg [dreg:$0x12];
	[sflag:s6] =	ssyncadd.s32 $0xFFFFC000  }
0x175: {  	[hbm4b:s0+s2] =	stream.linear.scatter [tilespmem:s5], [sflag:$0x3], $0x4000, $0x38;
	[tilespmem:$0x8C80] =	vst v63  }
0x176: {  	_ =	swait.ge [sflag:s4], $0x4000  }
0x177: {  	[sflag:s4] =	ssyncset.done $0x0  }
0x178: {  	[sflag:s4] =	ssyncadd.s32 $0xFFFFC000  }
0x179: {  	[tilespmem:s5], [sflag:$0x1] =	stream.indirect.gather [hbm4b:s3+s7], $0x80, s18, s7, $0xb8;
	[tilespmem:$0x8C80] =	vst v63  }
0x17a: {  	_ =	swait.ge [sflag:s9], $0x4000  }
0x17b: {  	[sflag:s9] =	ssyncset.done $0x0  }
0x17c: {  	s0 =	rddreg [dreg:$0x13];
	[sflag:s9] =	ssyncadd.s32 $0xFFFFC000  }
0x17d: {  	[hbm4b:s0+s2] =	stream.linear.scatter [tilespmem:s8], [sflag:$0x3], $0x4000, $0x38;
	[tilespmem:$0x8C80] =	vst v63  }
0x17e: {  	_ =	swait.ge [sflag:s4], $0x4000  }
0x17f: {  	[sflag:s4] =	ssyncset.done $0x0  }
0x180: {  	[sflag:s4] =	ssyncadd.s32 $0xFFFFC000  }
0x181: {  	[tilespmem:s8], [sflag:$0x2] =	stream.indirect.gather [hbm4b:s3+s7], $0x80, s17, s7, $0xb8;
	[tilespmem:$0x8C80] =	vst v63  }
0x182: {  	_ =	swait.ge [sflag:s6], $0x4000  }
0x183: {  	[sflag:s6] =	ssyncset.done $0x0  }
0x184: {  	s0 =	rddreg [dreg:$0x14];
	[sflag:s6] =	ssyncadd.s32 $0xFFFFC000  }
0x185: {  	[hbm4b:s0+s2] =	stream.linear.scatter [tilespmem:s5], [sflag:$0x3], $0x4000, $0x38;
	[tilespmem:$0x8C80] =	vst v63  }
0x186: {  	_ =	swait.ge [sflag:s4], $0x4000  }
0x187: {  	[sflag:s4] =	ssyncset.done $0x0  }
0x188: {  	[sflag:s4] =	ssyncadd.s32 $0xFFFFC000  }
0x189: {  	[tilespmem:s5], [sflag:$0x1] =	stream.indirect.gather [hbm4b:s3+s7], $0x80, s16, s7, $0xb8;
	[tilespmem:$0x8C80] =	vst v63  }
0x18a: {  	_ =	swait.ge [sflag:s9], $0x4000  }
0x18b: {  	[sflag:s9] =	ssyncset.done $0x0  }
0x18c: {  	s0 =	rddreg [dreg:$0x15];
	[sflag:s9] =	ssyncadd.s32 $0xFFFFC000  }
0x18d: {  	[hbm4b:s0+s2] =	stream.linear.scatter [tilespmem:s8], [sflag:$0x3], $0x4000, $0x38;
	[tilespmem:$0x8C80] =	vst v63  }
0x18e: {  	_ =	swait.ge [sflag:s4], $0x4000  }
0x18f: {  	[sflag:s4] =	ssyncset.done $0x0  }
0x190: {  	[sflag:s4] =	ssyncadd.s32 $0xFFFFC000  }
0x191: {  	[tilespmem:s8], [sflag:$0x2] =	stream.indirect.gather [hbm4b:s3+s7], $0x80, s15, s7, $0xb8;
	[tilespmem:$0x8C80] =	vst v63  }
0x192: {  	_ =	swait.ge [sflag:s6], $0x4000  }
0x193: {  	[sflag:s6] =	ssyncset.done $0x0  }
0x194: {  	s0 =	rddreg [dreg:$0x16];
	[sflag:s6] =	ssyncadd.s32 $0xFFFFC000  }
0x195: {  	[hbm4b:s0+s2] =	stream.linear.scatter [tilespmem:s5], [sflag:$0x3], $0x4000, $0x38;
	[tilespmem:$0x8C80] =	vst v63  }
0x196: {  	_ =	swait.ge [sflag:s4], $0x4000  }
0x197: {  	[sflag:s4] =	ssyncset.done $0x0  }
0x198: {  	[sflag:s4] =	ssyncadd.s32 $0xFFFFC000  }
0x199: {  	[tilespmem:s5], [sflag:$0x1] =	stream.indirect.gather [hbm4b:s3+s7], $0x80, s14, s7, $0xb8;
	[tilespmem:$0x8C80] =	vst v63  }
0x19a: {  	_ =	swait.ge [sflag:s9], $0x4000  }
0x19b: {  	[sflag:s9] =	ssyncset.done $0x0  }
0x19c: {  	s0 =	rddreg [dreg:$0x17];
	[sflag:s9] =	ssyncadd.s32 $0xFFFFC000  }
0x19d: {  	[hbm4b:s0+s2] =	stream.linear.scatter [tilespmem:s8], [sflag:$0x3], $0x4000, $0x38;
	[tilespmem:$0x8C80] =	vst v63  }
0x19e: {  	_ =	swait.ge [sflag:s4], $0x4000  }
0x19f: {  	[sflag:s4] =	ssyncset.done $0x0  }
0x1a0: {  	[sflag:s4] =	ssyncadd.s32 $0xFFFFC000  }
0x1a1: {  	[tilespmem:s8], [sflag:$0x2] =	stream.indirect.gather [hbm4b:s3+s7], $0x80, s13, s7, $0xb8;
	[tilespmem:$0x8C80] =	vst v63  }
0x1a2: {  	_ =	swait.ge [sflag:s6], $0x4000  }
0x1a3: {  	[sflag:s6] =	ssyncset.done $0x0  }
0x1a4: {  	s0 =	rddreg [dreg:$0x18];
	[sflag:s6] =	ssyncadd.s32 $0xFFFFC000  }
0x1a5: {  	[hbm4b:s0+s2] =	stream.linear.scatter [tilespmem:s5], [sflag:$0x3], $0x4000, $0x38;
	[tilespmem:$0x8C80] =	vst v63  }
0x1a6: {  	_ =	swait.ge [sflag:s4], $0x4000  }
0x1a7: {  	[sflag:s4] =	ssyncset.done $0x0  }
0x1a8: {  	[sflag:s4] =	ssyncadd.s32 $0xFFFFC000  }
0x1a9: {  	[tilespmem:s5], [sflag:$0x1] =	stream.indirect.gather [hbm4b:s3+s7], $0x80, s12, s7, $0xb8;
	[tilespmem:$0x8C80] =	vst v63  }
0x1aa: {  	_ =	swait.ge [sflag:s9], $0x4000  }
0x1ab: {  	[sflag:s9] =	ssyncset.done $0x0  }
0x1ac: {  	s0 =	rddreg [dreg:$0x19];
	[sflag:s9] =	ssyncadd.s32 $0xFFFFC000  }
0x1ad: {  	[hbm4b:s0+s2] =	stream.linear.scatter [tilespmem:s8], [sflag:$0x3], $0x4000, $0x38;
	[tilespmem:$0x8C80] =	vst v63  }
0x1ae: {  	_ =	swait.ge [sflag:s4], $0x4000  }
0x1af: {  	[sflag:s4] =	ssyncset.done $0x0  }
0x1b0: {  	[sflag:s4] =	ssyncadd.s32 $0xFFFFC000  }
0x1b1: {  	[tilespmem:s8], [sflag:$0x2] =	stream.indirect.gather [hbm4b:s3+s7], $0x80, s11, s7, $0xb8;
	[tilespmem:$0x8C80] =	vst v63  }
0x1b2: {  	_ =	swait.ge [sflag:s6], $0x4000  }
0x1b3: {  	[sflag:s6] =	ssyncset.done $0x0  }
0x1b4: {  	s0 =	rddreg [dreg:$0x1a];
	[sflag:s6] =	ssyncadd.s32 $0xFFFFC000  }
0x1b5: {  	[hbm4b:s0+s2] =	stream.linear.scatter [tilespmem:s5], [sflag:$0x3], $0x4000, $0x38;
	[tilespmem:$0x8C80] =	vst v63  }
0x1b6: {  	_ =	swait.ge [sflag:s4], $0x4000  }
0x1b7: {  	[sflag:s4] =	ssyncset.done $0x0  }
0x1b8: {  	[sflag:s4] =	ssyncadd.s32 $0xFFFFC000  }
0x1b9: {  	[tilespmem:s5], [sflag:$0x1] =	stream.indirect.gather [hbm4b:s3+s7], $0x80, s10, s7, $0xb8;
	[tilespmem:$0x8C80] =	vst v63  }
0x1ba: {  	_ =	swait.ge [sflag:s9], $0x4000  }
0x1bb: {  	[sflag:s9] =	ssyncset.done $0x0  }
0x1bc: {  	s0 =	rddreg [dreg:$0x1b];
	[sflag:s9] =	ssyncadd.s32 $0xFFFFC000  }
0x1bd: {  	[hbm4b:s0+s2] =	stream.linear.scatter [tilespmem:s8], [sflag:$0x3], $0x4000, $0x38;
	[tilespmem:$0x8C80] =	vst v63  }
0x1be: {  	_ =	swait.ge [sflag:s4], $0x4000  }
0x1bf: {  	[sflag:s4] =	ssyncset.done $0x0  }
0x1c0: {  	[sflag:s4] =	ssyncadd.s32 $0xFFFFC000  }
0x1c1: {  	p1 =	sne.s32 s1, $0x1;
	_ =	swait.ge [sflag:s6], $0x4000  }
.Ltmp2:
0x1c2: {  	[sflag:s6] =	ssyncset.done $0x0;
	(pc) =	sbr.rel @p1 .LBB2_2-.Ltmp2, $4  }
0x1c3: {  	s0 =	rddreg [dreg:$0x1c];
	[sflag:s6] =	ssyncadd.s32 $0xFFFFC000  }
0x1c4: {  	[hbm4b:s0+s2] =	stream.linear.scatter [tilespmem:s5], [sflag:$0x3], $0x4000, $0x38;
	[tilespmem:$0x8C80] =	vst v63  }
0x1c5: {  	_ =	swait.ge [sflag:s4], $0x4000  }
0x1c6: {  	s1 =	sadd.s32 $0xFFFFFFFF, s1;
	s0 =	rddreg [dreg:$0x3];
	[sflag:s4] =	ssyncset.done $0x0  }
.LBB2_3:
0x1c7: {  	[sflag:s4] =	ssyncadd.s32 @p0 $0xFFFFC000  }
0x1c8: {  	[tilespmem:s2], [sflag:$0x3] =	stream.strided.gather [hbm4b:s0+s7], $0xC80, s25, s7, $0x38;
	[tilespmem:$0x8C80] =	vst v63  }
0x1c9: {  	_ =	swait.ge [sflag:s4], $0xC80  }
0x1ca: {  	[sflag:s4] =	ssyncset.done $0x0  }
0x1cb: {  	[sflag:s4] =	ssyncadd.s32 $0xFFFFF380  }
0x1cc: {  	[tilespmem:s5], [sflag:$0x1] =	stream.indirect.gather [hbm4b:s3+s7], $0x80, s2, s7, $0xb8;
	[tilespmem:$0x8C80] =	vst v63  }
0x1cd: {  	_ = 	snop  }
0x1ce: {  	[tilespmem:s8], [sflag:$0x2] =	stream.indirect.gather [hbm4b:s3+s7], $0x80, s7, s7, $0xb8;
	[tilespmem:$0x8C80] =	vst v63  }
0x1cf: {  	_ =	swait.ge [sflag:s6], $0x4000  }
0x1d0: {  	[sflag:s6] =	ssyncset.done $0x0  }
0x1d1: {  	s1 =	rddreg [dreg:$0x4];
	[sflag:s6] =	ssyncadd.s32 $0xFFFFC000  }
0x1d2: {  	[hbm4b:s1+s2] =	stream.linear.scatter [tilespmem:s5], [sflag:$0x3], $0x4000, $0x38;
	[tilespmem:$0x8C80] =	vst v63  }
0x1d3: {  	_ =	swait.ge [sflag:s4], $0x4000  }
0x1d4: {  	[sflag:s4] =	ssyncset.done $0x0  }
0x1d5: {  	s1 =	rddreg [dreg:$0x1d];
	[sflag:s4] =	ssyncadd.s32 $0xFFFFC000  }
0x1d6: {  	[tilespmem:s5], [sflag:$0x1] =	stream.indirect.gather [hbm4b:s3+s7], $0x80, s1, s7, $0xb8;
	[tilespmem:$0x8C80] =	vst v63  }
0x1d7: {  	_ =	swait.ge [sflag:s9], $0x4000  }
0x1d8: {  	[sflag:s9] =	ssyncset.done $0x0  }
0x1d9: {  	s1 =	rddreg [dreg:$0x5];
	[sflag:s9] =	ssyncadd.s32 $0xFFFFC000  }
0x1da: {  	[hbm4b:s1+s2] =	stream.linear.scatter [tilespmem:s8], [sflag:$0x3], $0x4000, $0x38;
	[tilespmem:$0x8C80] =	vst v63  }
0x1db: {  	_ =	swait.ge [sflag:s4], $0x4000  }
0x1dc: {  	[sflag:s4] =	ssyncset.done $0x0  }
0x1dd: {  	s1 =	rddreg [dreg:$0x1e];
	[sflag:s4] =	ssyncadd.s32 $0xFFFFC000  }
0x1de: {  	[tilespmem:s8], [sflag:$0x2] =	stream.indirect.gather [hbm4b:s3+s7], $0x80, s1, s7, $0xb8;
	[tilespmem:$0x8C80] =	vst v63  }
0x1df: {  	_ =	swait.ge [sflag:s6], $0x4000  }
0x1e0: {  	[sflag:s6] =	ssyncset.done $0x0  }
0x1e1: {  	s1 =	rddreg [dreg:$0x6];
	[sflag:s6] =	ssyncadd.s32 $0xFFFFC000  }
0x1e2: {  	[hbm4b:s1+s2] =	stream.linear.scatter [tilespmem:s5], [sflag:$0x3], $0x4000, $0x38;
	[tilespmem:$0x8C80] =	vst v63  }
0x1e3: {  	_ =	swait.ge [sflag:s4], $0x4000  }
0x1e4: {  	[sflag:s4] =	ssyncset.done $0x0  }
0x1e5: {  	[sflag:s4] =	ssyncadd.s32 $0xFFFFC000  }
0x1e6: {  	[tilespmem:s5], [sflag:$0x1] =	stream.indirect.gather [hbm4b:s3+s7], $0x80, s31, s7, $0xb8;
	[tilespmem:$0x8C80] =	vst v63  }
0x1e7: {  	_ =	swait.ge [sflag:s9], $0x4000  }
0x1e8: {  	[sflag:s9] =	ssyncset.done $0x0  }
0x1e9: {  	s1 =	rddreg [dreg:$0x7];
	[sflag:s9] =	ssyncadd.s32 $0xFFFFC000  }
0x1ea: {  	[hbm4b:s1+s2] =	stream.linear.scatter [tilespmem:s8], [sflag:$0x3], $0x4000, $0x38;
	[tilespmem:$0x8C80] =	vst v63  }
0x1eb: {  	_ =	swait.ge [sflag:s4], $0x4000  }
0x1ec: {  	[sflag:s4] =	ssyncset.done $0x0  }
0x1ed: {  	[sflag:s4] =	ssyncadd.s32 $0xFFFFC000  }
0x1ee: {  	[tilespmem:s8], [sflag:$0x2] =	stream.indirect.gather [hbm4b:s3+s7], $0x80, s30, s7, $0xb8;
	[tilespmem:$0x8C80] =	vst v63  }
0x1ef: {  	_ =	swait.ge [sflag:s6], $0x4000  }
0x1f0: {  	[sflag:s6] =	ssyncset.done $0x0  }
0x1f1: {  	s30 =	rddreg [dreg:$0x8];
	[sflag:s6] =	ssyncadd.s32 $0xFFFFC000  }
0x1f2: {  	[hbm4b:s30+s2] =	stream.linear.scatter [tilespmem:s5], [sflag:$0x3], $0x4000, $0x38;
	[tilespmem:$0x8C80] =	vst v63  }
0x1f3: {  	_ =	swait.ge [sflag:s4], $0x4000  }
0x1f4: {  	[sflag:s4] =	ssyncset.done $0x0  }
0x1f5: {  	[sflag:s4] =	ssyncadd.s32 $0xFFFFC000  }
0x1f6: {  	[tilespmem:s5], [sflag:$0x1] =	stream.indirect.gather [hbm4b:s3+s7], $0x80, s29, s7, $0xb8;
	[tilespmem:$0x8C80] =	vst v63  }
0x1f7: {  	_ =	swait.ge [sflag:s9], $0x4000  }
0x1f8: {  	[sflag:s9] =	ssyncset.done $0x0  }
0x1f9: {  	s31 =	rddreg [dreg:$0x9];
	[sflag:s9] =	ssyncadd.s32 $0xFFFFC000  }
0x1fa: {  	[hbm4b:s31+s2] =	stream.linear.scatter [tilespmem:s8], [sflag:$0x3], $0x4000, $0x38;
	[tilespmem:$0x8C80] =	vst v63  }
0x1fb: {  	_ =	swait.ge [sflag:s4], $0x4000  }
0x1fc: {  	[sflag:s4] =	ssyncset.done $0x0  }
0x1fd: {  	[sflag:s4] =	ssyncadd.s32 $0xFFFFC000  }
0x1fe: {  	[tilespmem:s8], [sflag:$0x2] =	stream.indirect.gather [hbm4b:s3+s7], $0x80, s28, s7, $0xb8;
	[tilespmem:$0x8C80] =	vst v63  }
0x1ff: {  	_ =	swait.ge [sflag:s6], $0x4000  }
0x200: {  	[sflag:s6] =	ssyncset.done $0x0  }
0x201: {  	s1 =	rddreg [dreg:$0xa];
	[sflag:s6] =	ssyncadd.s32 $0xFFFFC000  }
0x202: {  	[hbm4b:s1+s2] =	stream.linear.scatter [tilespmem:s5], [sflag:$0x3], $0x4000, $0x38;
	[tilespmem:$0x8C80] =	vst v63  }
0x203: {  	_ =	swait.ge [sflag:s4], $0x4000  }
0x204: {  	[sflag:s4] =	ssyncset.done $0x0  }
0x205: {  	[sflag:s4] =	ssyncadd.s32 $0xFFFFC000  }
0x206: {  	[tilespmem:s5], [sflag:$0x1] =	stream.indirect.gather [hbm4b:s3+s7], $0x80, s25, s7, $0xb8;
	[tilespmem:$0x8C80] =	vst v63  }
0x207: {  	_ =	swait.ge [sflag:s9], $0x4000  }
0x208: {  	[sflag:s9] =	ssyncset.done $0x0  }
0x209: {  	s25 =	rddreg [dreg:$0xb];
	[sflag:s9] =	ssyncadd.s32 $0xFFFFC000  }
0x20a: {  	[hbm4b:s25+s2] =	stream.linear.scatter [tilespmem:s8], [sflag:$0x3], $0x4000, $0x38;
	[tilespmem:$0x8C80] =	vst v63  }
0x20b: {  	_ =	swait.ge [sflag:s4], $0x4000  }
0x20c: {  	[sflag:s4] =	ssyncset.done $0x0  }
0x20d: {  	[sflag:s4] =	ssyncadd.s32 $0xFFFFC000  }
0x20e: {  	[tilespmem:s8], [sflag:$0x2] =	stream.indirect.gather [hbm4b:s3+s7], $0x80, s26, s7, $0xb8;
	[tilespmem:$0x8C80] =	vst v63  }
0x20f: {  	_ =	swait.ge [sflag:s6], $0x4000  }
0x210: {  	[sflag:s6] =	ssyncset.done $0x0  }
0x211: {  	s26 =	rddreg [dreg:$0xc];
	[sflag:s6] =	ssyncadd.s32 $0xFFFFC000  }
0x212: {  	[hbm4b:s26+s2] =	stream.linear.scatter [tilespmem:s5], [sflag:$0x3], $0x4000, $0x38;
	[tilespmem:$0x8C80] =	vst v63  }
0x213: {  	_ =	swait.ge [sflag:s4], $0x4000  }
0x214: {  	[sflag:s4] =	ssyncset.done $0x0  }
0x215: {  	[sflag:s4] =	ssyncadd.s32 $0xFFFFC000  }
0x216: {  	[tilespmem:s5], [sflag:$0x1] =	stream.indirect.gather [hbm4b:s3+s7], $0x80, s24, s7, $0xb8;
	[tilespmem:$0x8C80] =	vst v63  }
0x217: {  	_ =	swait.ge [sflag:s9], $0x4000  }
0x218: {  	[sflag:s9] =	ssyncset.done $0x0  }
0x219: {  	s28 =	rddreg [dreg:$0xd];
	[sflag:s9] =	ssyncadd.s32 $0xFFFFC000  }
0x21a: {  	[hbm4b:s28+s2] =	stream.linear.scatter [tilespmem:s8], [sflag:$0x3], $0x4000, $0x38;
	[tilespmem:$0x8C80] =	vst v63  }
0x21b: {  	_ =	swait.ge [sflag:s4], $0x4000  }
0x21c: {  	[sflag:s4] =	ssyncset.done $0x0  }
0x21d: {  	[sflag:s4] =	ssyncadd.s32 $0xFFFFC000  }
0x21e: {  	[tilespmem:s8], [sflag:$0x2] =	stream.indirect.gather [hbm4b:s3+s7], $0x80, s23, s7, $0xb8;
	[tilespmem:$0x8C80] =	vst v63  }
0x21f: {  	_ =	swait.ge [sflag:s6], $0x4000  }
0x220: {  	[sflag:s6] =	ssyncset.done $0x0  }
0x221: {  	s29 =	rddreg [dreg:$0xe];
	[sflag:s6] =	ssyncadd.s32 $0xFFFFC000  }
0x222: {  	[hbm4b:s29+s2] =	stream.linear.scatter [tilespmem:s5], [sflag:$0x3], $0x4000, $0x38;
	[tilespmem:$0x8C80] =	vst v63  }
0x223: {  	_ =	swait.ge [sflag:s4], $0x4000  }
0x224: {  	[sflag:s4] =	ssyncset.done $0x0  }
0x225: {  	[sflag:s4] =	ssyncadd.s32 $0xFFFFC000  }
0x226: {  	[tilespmem:s5], [sflag:$0x1] =	stream.indirect.gather [hbm4b:s3+s7], $0x80, s22, s7, $0xb8;
	[tilespmem:$0x8C80] =	vst v63  }
0x227: {  	_ =	swait.ge [sflag:s9], $0x4000  }
0x228: {  	[sflag:s9] =	ssyncset.done $0x0  }
0x229: {  	s30 =	rddreg [dreg:$0xf];
	[sflag:s9] =	ssyncadd.s32 $0xFFFFC000  }
0x22a: {  	[hbm4b:s30+s2] =	stream.linear.scatter [tilespmem:s8], [sflag:$0x3], $0x4000, $0x38;
	[tilespmem:$0x8C80] =	vst v63  }
0x22b: {  	_ =	swait.ge [sflag:s4], $0x4000  }
0x22c: {  	[sflag:s4] =	ssyncset.done $0x0  }
0x22d: {  	[sflag:s4] =	ssyncadd.s32 $0xFFFFC000  }
0x22e: {  	[tilespmem:s8], [sflag:$0x2] =	stream.indirect.gather [hbm4b:s3+s7], $0x80, s21, s7, $0xb8;
	[tilespmem:$0x8C80] =	vst v63  }
0x22f: {  	_ =	swait.ge [sflag:s6], $0x4000  }
0x230: {  	[sflag:s6] =	ssyncset.done $0x0  }
0x231: {  	s31 =	rddreg [dreg:$0x10];
	[sflag:s6] =	ssyncadd.s32 $0xFFFFC000  }
0x232: {  	[hbm4b:s31+s2] =	stream.linear.scatter [tilespmem:s5], [sflag:$0x3], $0x4000, $0x38;
	[tilespmem:$0x8C80] =	vst v63  }
0x233: {  	_ =	swait.ge [sflag:s4], $0x4000  }
0x234: {  	[sflag:s4] =	ssyncset.done $0x0  }
0x235: {  	[sflag:s4] =	ssyncadd.s32 $0xFFFFC000  }
0x236: {  	[tilespmem:s5], [sflag:$0x1] =	stream.indirect.gather [hbm4b:s3+s7], $0x80, s20, s7, $0xb8;
	[tilespmem:$0x8C80] =	vst v63  }
0x237: {  	_ =	swait.ge [sflag:s9], $0x4000  }
0x238: {  	[sflag:s9] =	ssyncset.done $0x0  }
0x239: {  	s1 =	rddreg [dreg:$0x11];
	[sflag:s9] =	ssyncadd.s32 $0xFFFFC000  }
0x23a: {  	[hbm4b:s1+s2] =	stream.linear.scatter [tilespmem:s8], [sflag:$0x3], $0x4000, $0x38;
	[tilespmem:$0x8C80] =	vst v63  }
0x23b: {  	_ =	swait.ge [sflag:s4], $0x4000  }
0x23c: {  	[sflag:s4] =	ssyncset.done $0x0  }
0x23d: {  	[sflag:s4] =	ssyncadd.s32 $0xFFFFC000  }
0x23e: {  	[tilespmem:s8], [sflag:$0x2] =	stream.indirect.gather [hbm4b:s3+s7], $0x80, s19, s7, $0xb8;
	[tilespmem:$0x8C80] =	vst v63  }
0x23f: {  	_ =	swait.ge [sflag:s6], $0x4000  }
0x240: {  	[sflag:s6] =	ssyncset.done $0x0  }
0x241: {  	s19 =	rddreg [dreg:$0x12];
	[sflag:s6] =	ssyncadd.s32 $0xFFFFC000  }
0x242: {  	[hbm4b:s19+s2] =	stream.linear.scatter [tilespmem:s5], [sflag:$0x3], $0x4000, $0x38;
	[tilespmem:$0x8C80] =	vst v63  }
0x243: {  	_ =	swait.ge [sflag:s4], $0x4000  }
0x244: {  	[sflag:s4] =	ssyncset.done $0x0  }
0x245: {  	[sflag:s4] =	ssyncadd.s32 $0xFFFFC000  }
0x246: {  	[tilespmem:s5], [sflag:$0x1] =	stream.indirect.gather [hbm4b:s3+s7], $0x80, s18, s7, $0xb8;
	[tilespmem:$0x8C80] =	vst v63  }
0x247: {  	_ =	swait.ge [sflag:s9], $0x4000  }
0x248: {  	[sflag:s9] =	ssyncset.done $0x0  }
0x249: {  	s20 =	rddreg [dreg:$0x13];
	[sflag:s9] =	ssyncadd.s32 $0xFFFFC000  }
0x24a: {  	[hbm4b:s20+s2] =	stream.linear.scatter [tilespmem:s8], [sflag:$0x3], $0x4000, $0x38;
	[tilespmem:$0x8C80] =	vst v63  }
0x24b: {  	_ =	swait.ge [sflag:s4], $0x4000  }
0x24c: {  	[sflag:s4] =	ssyncset.done $0x0  }
0x24d: {  	[sflag:s4] =	ssyncadd.s32 $0xFFFFC000  }
0x24e: {  	[tilespmem:s8], [sflag:$0x2] =	stream.indirect.gather [hbm4b:s3+s7], $0x80, s17, s7, $0xb8;
	[tilespmem:$0x8C80] =	vst v63  }
0x24f: {  	_ =	swait.ge [sflag:s6], $0x4000  }
0x250: {  	[sflag:s6] =	ssyncset.done $0x0  }
0x251: {  	s21 =	rddreg [dreg:$0x14];
	[sflag:s6] =	ssyncadd.s32 $0xFFFFC000  }
0x252: {  	[hbm4b:s21+s2] =	stream.linear.scatter [tilespmem:s5], [sflag:$0x3], $0x4000, $0x38;
	[tilespmem:$0x8C80] =	vst v63  }
0x253: {  	_ =	swait.ge [sflag:s4], $0x4000  }
0x254: {  	[sflag:s4] =	ssyncset.done $0x0  }
0x255: {  	[sflag:s4] =	ssyncadd.s32 $0xFFFFC000  }
0x256: {  	[tilespmem:s5], [sflag:$0x1] =	stream.indirect.gather [hbm4b:s3+s7], $0x80, s16, s7, $0xb8;
	[tilespmem:$0x8C80] =	vst v63  }
0x257: {  	_ =	swait.ge [sflag:s9], $0x4000  }
0x258: {  	[sflag:s9] =	ssyncset.done $0x0  }
0x259: {  	s22 =	rddreg [dreg:$0x15];
	[sflag:s9] =	ssyncadd.s32 $0xFFFFC000  }
0x25a: {  	[hbm4b:s22+s2] =	stream.linear.scatter [tilespmem:s8], [sflag:$0x3], $0x4000, $0x38;
	[tilespmem:$0x8C80] =	vst v63  }
0x25b: {  	_ =	swait.ge [sflag:s4], $0x4000  }
0x25c: {  	[sflag:s4] =	ssyncset.done $0x0  }
0x25d: {  	[sflag:s4] =	ssyncadd.s32 $0xFFFFC000  }
0x25e: {  	[tilespmem:s8], [sflag:$0x2] =	stream.indirect.gather [hbm4b:s3+s7], $0x80, s15, s7, $0xb8;
	[tilespmem:$0x8C80] =	vst v63  }
0x25f: {  	_ =	swait.ge [sflag:s6], $0x4000  }
0x260: {  	[sflag:s6] =	ssyncset.done $0x0  }
0x261: {  	s23 =	rddreg [dreg:$0x16];
	[sflag:s6] =	ssyncadd.s32 $0xFFFFC000  }
0x262: {  	[hbm4b:s23+s2] =	stream.linear.scatter [tilespmem:s5], [sflag:$0x3], $0x4000, $0x38;
	[tilespmem:$0x8C80] =	vst v63  }
0x263: {  	_ =	swait.ge [sflag:s4], $0x4000  }
0x264: {  	[sflag:s4] =	ssyncset.done $0x0  }
0x265: {  	[sflag:s4] =	ssyncadd.s32 $0xFFFFC000  }
0x266: {  	[tilespmem:s5], [sflag:$0x1] =	stream.indirect.gather [hbm4b:s3+s7], $0x80, s14, s7, $0xb8;
	[tilespmem:$0x8C80] =	vst v63  }
0x267: {  	_ =	swait.ge [sflag:s9], $0x4000  }
0x268: {  	[sflag:s9] =	ssyncset.done $0x0  }
0x269: {  	s24 =	rddreg [dreg:$0x17];
	[sflag:s9] =	ssyncadd.s32 $0xFFFFC000  }
0x26a: {  	[hbm4b:s24+s2] =	stream.linear.scatter [tilespmem:s8], [sflag:$0x3], $0x4000, $0x38;
	[tilespmem:$0x8C80] =	vst v63  }
0x26b: {  	_ =	swait.ge [sflag:s4], $0x4000  }
0x26c: {  	[sflag:s4] =	ssyncset.done $0x0  }
0x26d: {  	[sflag:s4] =	ssyncadd.s32 $0xFFFFC000  }
0x26e: {  	[tilespmem:s8], [sflag:$0x2] =	stream.indirect.gather [hbm4b:s3+s7], $0x80, s13, s7, $0xb8;
	[tilespmem:$0x8C80] =	vst v63  }
0x26f: {  	_ =	swait.ge [sflag:s6], $0x4000  }
0x270: {  	[sflag:s6] =	ssyncset.done $0x0  }
0x271: {  	s25 =	rddreg [dreg:$0x18];
	[sflag:s6] =	ssyncadd.s32 $0xFFFFC000  }
0x272: {  	[hbm4b:s25+s2] =	stream.linear.scatter [tilespmem:s5], [sflag:$0x3], $0x4000, $0x38;
	[tilespmem:$0x8C80] =	vst v63  }
0x273: {  	_ =	swait.ge [sflag:s4], $0x4000  }
0x274: {  	[sflag:s4] =	ssyncset.done $0x0  }
0x275: {  	[sflag:s4] =	ssyncadd.s32 $0xFFFFC000  }
0x276: {  	[tilespmem:s5], [sflag:$0x1] =	stream.indirect.gather [hbm4b:s3+s7], $0x80, s12, s7, $0xb8;
	[tilespmem:$0x8C80] =	vst v63  }
0x277: {  	_ =	swait.ge [sflag:s9], $0x4000  }
0x278: {  	[sflag:s9] =	ssyncset.done $0x0  }
0x279: {  	s26 =	rddreg [dreg:$0x19];
	[sflag:s9] =	ssyncadd.s32 $0xFFFFC000  }
0x27a: {  	[hbm4b:s26+s2] =	stream.linear.scatter [tilespmem:s8], [sflag:$0x3], $0x4000, $0x38;
	[tilespmem:$0x8C80] =	vst v63  }
0x27b: {  	_ =	swait.ge [sflag:s4], $0x4000  }
0x27c: {  	[sflag:s4] =	ssyncset.done $0x0  }
0x27d: {  	[sflag:s4] =	ssyncadd.s32 $0xFFFFC000  }
0x27e: {  	[tilespmem:s8], [sflag:$0x2] =	stream.indirect.gather [hbm4b:s3+s7], $0x80, s11, s7, $0xb8;
	[tilespmem:$0x8C80] =	vst v63  }
0x27f: {  	_ =	swait.ge [sflag:s6], $0x4000  }
0x280: {  	[sflag:s6] =	ssyncset.done $0x0  }
0x281: {  	s28 =	rddreg [dreg:$0x1a];
	[sflag:s6] =	ssyncadd.s32 $0xFFFFC000  }
0x282: {  	[hbm4b:s28+s2] =	stream.linear.scatter [tilespmem:s5], [sflag:$0x3], $0x4000, $0x38;
	[tilespmem:$0x8C80] =	vst v63  }
0x283: {  	_ =	swait.ge [sflag:s4], $0x4000  }
0x284: {  	[sflag:s4] =	ssyncset.done $0x0  }
0x285: {  	[sflag:s4] =	ssyncadd.s32 $0xFFFFC000  }
0x286: {  	[tilespmem:s5], [sflag:$0x1] =	stream.indirect.gather [hbm4b:s3+s7], $0x80, s10, s7, $0xb8;
	[tilespmem:$0x8C80] =	vst v63  }
0x287: {  	_ =	swait.ge [sflag:s9], $0x4000  }
0x288: {  	[sflag:s9] =	ssyncset.done $0x0  }
0x289: {  	s29 =	rddreg [dreg:$0x1b];
	[sflag:s9] =	ssyncadd.s32 $0xFFFFC000  }
0x28a: {  	[hbm4b:s29+s2] =	stream.linear.scatter [tilespmem:s8], [sflag:$0x3], $0x4000, $0x38;
	[tilespmem:$0x8C80] =	vst v63  }
0x28b: {  	_ =	swait.ge [sflag:s4], $0x4000  }
0x28c: {  	[sflag:s4] =	ssyncset.done $0x0  }
0x28d: {  	[sflag:s4] =	ssyncadd.s32 $0xFFFFC000  }
0x28e: {  	_ =	swait.ge [sflag:s6], $0x4000  }
0x28f: {  	[sflag:s6] =	ssyncset.done $0x0  }
0x290: {  	s30 =	rddreg [dreg:$0x1c];
	[sflag:s6] =	ssyncadd.s32 $0xFFFFC000  }
0x291: {  	[hbm4b:s30+s2] =	stream.linear.scatter [tilespmem:s5], [sflag:$0x3], $0x4000, $0x38;
	[tilespmem:$0x8C80] =	vst v63  }
0x292: {  	_ =	swait.ge [sflag:s4], $0x4000  }
0x293: {  	[sflag:s4] =	ssyncset.done $0x0  }
0x294: {  	[sflag:s4] =	ssyncadd.s32 $0xFFFFC000  }
0x295: {  	_ =	sfence.sel $0x180000  }
0x296: {  	[bflag:$0x0] =	sbarrier.arrive $0xFFFF  }
0x297: {  	_ =	strace $0x9000004A  }
0x298: {  	s31 =	stileid.u32;
	[bflag:$0x2] =	sbarrier.arrive $0xFFFF  }
0x299: {  	p0 =	sne.s32 s31, $0x0;
	s0 =	rddreg [dreg:$0x2]  }
0x29a: {  	s0 =	sadd.s32 @!p0 $0x100000, s0  }
0x29b: {  	[sflag:s0] =	ssyncadd.tile.s32 @!p0 $0x1;
	_ =	shalt  }
.Lfunc_end2:
_tile_overlayer_lowered:
.L_overlay_start_2:
0x29c: {  	(tag) =	ssettag $0x2  }
0x29d: {  	s0 =	rddreg [dreg:$0x0];
	s2 =	stileid.u32  }
0x29e: {  	s1 =	rddreg [dreg:$0x1];
	p0 =	sne.s32 s2, $0x0  }
0x29f: {  	s3 =	rddreg [dreg:$0x2];
	[bflag:$0x3] =	sbarrier.arrive $0xFFFF;
	s2 =	simm.s32 @!p0 $0x1C03  }
0x2a0: {  	[timem:s3], [sflag:s2] =	dma.local @!p0 [hbm:s0], s1  }
0x2a1: {  	s0 =	simm.s32 @!p0 $0x3  }
0x2a2: {  	_ =	swait.ge @!p0 [sflag:s0], s1  }
0x2a3: {  	s1 =	ssub.s32 @!p0 $0x0, s1;
	[sflag:s0] =	ssyncset.done @!p0 $0x0  }
0x2a4: {  	[sflag:s0] =	ssyncadd.s32 @!p0 s1  }
0x2a5: {  	[bflag:$0x3] =	sbarrier.arrive $0xFFFF  }
0x2a6: {  	_ =	shalt  }

</sc_bundles>
